<compile_context>
chip_gen: v7x
topology: tpu7x:2x2x1
jax: 0.10.2.dev20260603
libtpu: 0.0.44.dev20260713+nightly
codegen_flags: <defaults>
</compile_context>

<pallas_src>
import functools

import jax
import jax.numpy as jnp
from jax import lax
from jax.experimental import pallas as pl
from jax.experimental.pallas import tpu as pltpu
from jax.experimental.pallas import tpu_sc as plsc

_B = 512
_G = 28
_NB = 2
_CL = 80
_CH = _NB * 5 + _CL
_CHP = 96
_T = 16384
_BQ = _B // 128
_PW = _CHP // 2
_NGRAN = _G * _G * _BQ * _PW * 128 // 16

_NW = 32
_TPW = _T // _NW
_GCHUNK = 128
_NCHUNK = _TPW // _GCHUNK
_NSLOT = 12


def _ssqrt(v):
    a = jnp.abs(v) + 1e-6
    bits = plsc.bitcast(a, jnp.int32)
    bits = jnp.int32(0x5F3759DF) - lax.shift_right_arithmetic(bits, 1)
    y = plsc.bitcast(bits, jnp.float32)
    y = y * (1.5 - 0.5 * a * y * y)
    y = y * (1.5 - 0.5 * a * y * y)
    y = y * (1.5 - 0.5 * a * y * y)
    return jnp.sign(v) * (a * y)


_mesh = plsc.VectorSubcoreMesh(core_axis_name="c", subcore_axis_name="s")


@functools.partial(
    pl.kernel,
    mesh=_mesh,
    compiler_params=pltpu.CompilerParams(
        needs_layout_passes=False, use_tc_tiling_on_sc=False
    ),
    out_type=jax.ShapeDtypeStruct((_NW, 16), jnp.float32),
    scratch_types=[
        pltpu.VMEM((_TPW, 8), jnp.float32),
        pltpu.VMEM((_NCHUNK, _NSLOT, _GCHUNK), jnp.int32),
        pltpu.VMEM((_TPW,), jnp.int32),
        pltpu.VMEM((_TPW,), jnp.int32),
        pltpu.VMEM((_NSLOT, _TPW, 16), jnp.int32),
        pltpu.VMEM((16,), jnp.float32),
        pltpu.SemaphoreType.DMA,
    ],
)
def _sc_loss(gran_hbm, tgt_hbm, part_hbm, tgt_v, idx_v, lane_v, half_v,
             rows_v, acc_v, sem):
    wid = lax.axis_index("s") * 2 + lax.axis_index("c")
    base = wid * _TPW
    pltpu.sync_copy(tgt_hbm.at[pl.ds(base, _TPW)], tgt_v)

    lanes = lax.iota(jnp.int32, 16)

    def colv(c):
        return jnp.full((16,), c, jnp.int32)

    def tcol(rid, c):
        return plsc.load_gather(tgt_v, [rid, colv(c)])

    def idx_body(i, carry):
        rid = i * 16 + lanes
        bid = tcol(rid, 7).astype(jnp.int32)
        gx = tcol(rid, 4).astype(jnp.int32)
        gy = tcol(rid, 5).astype(jnp.int32)
        cls = tcol(rid, 6).astype(jnp.int32)
        cell = gx * _G + gy
        bhi = lax.shift_right_logical(bid, 4)
        lane_v[pl.ds(i * 16, 16)] = bid - lax.shift_left(bhi, 4)
        cslot = cls + 10
        chigh = (cslot >= _PW).astype(jnp.int32)
        half_v[pl.ds(i * 16, 16)] = chigh
        cword = cslot - chigh * _PW
        gbase = (
            (cell * _BQ + lax.shift_right_logical(bid, 7)) * (_PW * 8)
            + (bhi - lax.shift_left(lax.shift_right_logical(bid, 7), 3))
        )
        for s in range(10):
            idx_v[i // 8, s, pl.ds((i % 8) * 16, 16)] = gbase + s * 8
        idx_v[i // 8, 10, pl.ds((i % 8) * 16, 16)] = gbase + (90 - _PW) * 8
        idx_v[i // 8, 11, pl.ds((i % 8) * 16, 16)] = gbase + cword * 8
        return carry

    lax.fori_loop(0, _TPW // 16, idx_body, 0)

    copies = [
        pltpu.async_copy(
            gran_hbm.at[idx_v.at[j, s]],
            rows_v.at[s, pl.ds(j * _GCHUNK, _GCHUNK)],
            sem,
        )
        for j in range(_NCHUNK)
        for s in range(_NSLOT)
    ]
    for c in copies:
        c.wait()

    def body(i, acc):
        rid = i * 16 + lanes
        lanev = lane_v[pl.ds(i * 16, 16)]
        halfv = half_v[pl.ds(i * 16, 16)]
        hi_mask = jnp.full((16,), jnp.int32(-65536))

        def chan(s, half):
            v32 = plsc.load_gather(rows_v, [colv(s), rid, lanev])
            if half is None:
                bits = jnp.where(
                    halfv == 1,
                    jnp.bitwise_and(v32, hi_mask),
                    lax.shift_left(v32, 16),
                )
            elif half:
                bits = jnp.bitwise_and(v32, hi_mask)
            else:
                bits = lax.shift_left(v32, 16)
            return plsc.bitcast(bits, jnp.float32)

        xt = tcol(rid, 0)
        yt = tcol(rid, 1)
        wt = tcol(rid, 2)
        ht = tcol(rid, 3)

        tt = yt - 3.5 * ht
        bt = yt + 3.5 * ht
        lt = xt - 3.5 * wt
        rt = xt + 3.5 * wt
        at = wt * ht * 49.0

        ious = []
        boxes = []
        for nb in range(_NB):
            xg = chan(nb * 5 + 0, False)
            yg = chan(nb * 5 + 1, False)
            wg = chan(nb * 5 + 2, False)
            hg = chan(nb * 5 + 3, False)
            cg = chan(nb * 5 + 4, False)
            tg = yg - 3.5 * hg
            bg = yg + 3.5 * hg
            lg = xg - 3.5 * wg
            rg = xg + 3.5 * wg
            wi = jnp.maximum(jnp.minimum(rg, rt) - jnp.maximum(lg, lt), 0.0)
            hi = jnp.maximum(jnp.minimum(bg, bt) - jnp.maximum(tg, tt), 0.0)
            ai = wi * hi
            ag = wg * hg * 49.0
            tot = at + ag - ai
            safe = jnp.where(tot > 1e-6, tot, 1.0)
            ious.append(jnp.where(tot > 1e-6, ai / safe, 0.0))
            boxes.append((xg, yg, wg, hg, cg))

        sel = ious[1] > ious[0]
        xr, yr, wr, hr, cr = (
            jnp.where(sel, b1, b0) for b0, b1 in zip(boxes[0], boxes[1])
        )

        dx = xt - xr
        dy = yt - yr
        dw = _ssqrt(wt) - _ssqrt(wr)
        dh = _ssqrt(ht) - _ssqrt(hr)
        cm1 = cr - 1.0
        acc = acc + 5.0 * (dx * dx + dy * dy)
        acc = acc + 5.0 * (dw * dw + dh * dh)
        acc = acc + cm1 * cm1 - 0.5 * cr * cr
        acc = acc + chan(10, True)
        acc = acc + 1.0 - 2.0 * chan(11, None)
        return acc

    acc = lax.fori_loop(0, _TPW // 16, body, jnp.zeros((16,), jnp.float32))
    acc_v[...] = acc
    pltpu.sync_copy(acc_v, part_hbm.at[wid])


def _bf16_bits(x):
    b = lax.bitcast_convert_type(x, jnp.int32)
    r = b + 0x7FFF + jnp.bitwise_and(lax.shift_right_logical(b, 16), 1)
    return lax.shift_right_logical(r, 16)


def _tc_body(x_ref, img_ref, o_ref):
    step = pl.program_id(0)

    @pl.when(step == 0)
    def _init():
        o_ref[...] = jnp.zeros((1, 1), jnp.float32)

    blk = x_ref[0]
    cls = blk[:, 10:_CH, :]
    u = jnp.sum(cls * cls, axis=1, keepdims=True)
    lo = blk[:, 0:_PW, :]
    hi = jnp.concatenate(
        [blk[:, _PW:_CH, :], u, jnp.zeros((_G, _CHP - _CH - 1, _B), jnp.float32)],
        axis=1,
    )
    packed = jnp.bitwise_or(
        _bf16_bits(lo), lax.shift_left(_bf16_bits(hi), 16)
    )
    for q in range(_BQ):
        img_ref[0, :, q, :, :] = packed[:, :, q * 128:(q + 1) * 128]
    c4 = blk[:, 4:5, :]
    c9 = blk[:, 9:10, :]
    noobj = jnp.sum(c4 * c4) + jnp.sum(c9 * c9)
    o_ref[...] = o_ref[...] + (0.5 * noobj).reshape(1, 1)


_tc_extract = pl.pallas_call(
    _tc_body,
    grid=(_G,),
    in_specs=[pl.BlockSpec((1, _G, _CH, _B), lambda i: (i, 0, 0, 0))],
    out_specs=[
        pl.BlockSpec((1, _G, _BQ, _PW, 128), lambda i: (i, 0, 0, 0, 0)),
        pl.BlockSpec((1, 1), lambda i: (0, 0)),
    ],
    out_shape=[
        jax.ShapeDtypeStruct((_G, _G, _BQ, _PW, 128), jnp.int32),
        jax.ShapeDtypeStruct((1, 1), jnp.float32),
    ],
)


def kernel(output, target):
    xt = jnp.transpose(output, (1, 2, 3, 0))
    img, noobj = _tc_extract(xt)
    part = _sc_loss(img.reshape(_NGRAN, 16), target)
    return jnp.sum(part) + noobj[0, 0]

# --- scband reference (transcript-rebuilt; emitter-appended) ---
"""Pipeline reference for scband-loss-90142773608781 (READ-ONLY COPY).

The authoritative reference and input builder live on the scoring server;
editing this copy changes nothing except your own understanding.
"""

import jax, jax.numpy as jnp
import numpy as np

B = 512
G = 28
NB = 2
CL = 80
CH = NB * 5 + CL
T = 16384

LAMDA_COORD = 5.0
LAMDA_NOOBJ = 0.5
LAMDA_OBJ = 1.0
LAMDA_SIZE = 5.0


def setup_inputs(seed: int = 0) -> dict:
    key = jax.random.key(seed)
    k1, k2, k3, k4, k5, k6, k7 = jax.random.split(key, 7)
    output = jax.random.normal(k1, (B, G, G, CH), dtype=jnp.float32) * 0.1
    xy = jax.random.uniform(k2, (T, 2), dtype=jnp.float32)
    wh = jax.random.uniform(k3, (T, 2), dtype=jnp.float32, minval=0.05, maxval=0.5)
    gx = jax.random.randint(k4, (T,), 0, G).astype(jnp.float32)
    gy = jax.random.randint(k5, (T,), 0, G).astype(jnp.float32)
    cls = jax.random.randint(k6, (T,), 0, CL).astype(jnp.float32)
    bid = jax.random.randint(k7, (T,), 0, B).astype(jnp.float32)
    target = jnp.concatenate([xy, wh, gx[:, None], gy[:, None], cls[:, None], bid[:, None]], axis=1)
    return {"output": output, "target": target}


def reference(output, target):
    bounding_boxes = NB
    target_size = target.shape[0]
    target_id = jnp.arange(target_size)
    batch_id = target[:, -1].astype(jnp.int32)
    gx = target[:, 4].astype(jnp.int32)
    gy = target[:, 5].astype(jnp.int32)
    grid = output[batch_id, gx, gy]
    x_grid = grid[:, 0:bounding_boxes * 5:5]
    y_grid = grid[:, 1:bounding_boxes * 5:5]
    w_grid = grid[:, 2:bounding_boxes * 5:5]
    h_grid = grid[:, 3:bounding_boxes * 5:5]
    c_grid = grid[:, 4:bounding_boxes * 5:5]
    top_grid = y_grid - 3.5 * h_grid
    bottom_grid = y_grid + 3.5 * h_grid
    left_grid = x_grid - 3.5 * w_grid
    right_grid = x_grid + 3.5 * w_grid
    x_target = target[:, 0]
    y_target = target[:, 1]
    w_target = target[:, 2]
    h_target = target[:, 3]
    top_target = jnp.repeat((y_target - 3.5 * h_target)[:, None], bounding_boxes, axis=1)
    bottom_target = jnp.repeat((y_target + 3.5 * h_target)[:, None], bounding_boxes, axis=1)
    left_target = jnp.repeat((x_target - 3.5 * w_target)[:, None], bounding_boxes, axis=1)
    right_target = jnp.repeat((x_target + 3.5 * w_target)[:, None], bounding_boxes, axis=1)
    top_inter = jnp.maximum(top_grid, top_target)
    bottom_inter = jnp.minimum(bottom_grid, bottom_target)
    left_inter = jnp.maximum(left_grid, left_target)
    right_inter = jnp.minimum(right_grid, right_target)
    w_inter = right_inter - left_inter
    w_inter = jnp.where(w_inter > 0, w_inter, 0.0)
    h_inter = bottom_inter - top_inter
    h_inter = jnp.where(h_inter > 0, h_inter, 0.0)
    area_inter = w_inter * h_inter
    area_target = jnp.repeat((w_target * h_target * 49)[:, None], bounding_boxes, axis=1)
    area_grid = w_grid * h_grid * 49
    area_total = area_target + area_grid - area_inter
    safe_total = jnp.where(area_total > 1e-06, area_total, 1.0)
    iou = jnp.where(area_total > 1e-06, area_inter / safe_total, 0.0)
    argmax_iou = jnp.argmax(iou, axis=1)
    x_responsible = x_grid[target_id, argmax_iou]
    y_responsible = y_grid[target_id, argmax_iou]
    w_responsible = w_grid[target_id, argmax_iou]
    h_responsible = h_grid[target_id, argmax_iou]
    c_responsible = c_grid[target_id, argmax_iou]
    loss = LAMDA_COORD * (jnp.sum((x_target - x_responsible) ** 2) + jnp.sum((y_target - y_responsible) ** 2))
    w_sqrt_target = jnp.sqrt(jnp.abs(w_target) + 1e-06) * jnp.sign(w_target)
    h_sqrt_target = jnp.sqrt(jnp.abs(h_target) + 1e-06) * jnp.sign(h_target)
    w_sqrt_responsible = jnp.sqrt(jnp.abs(w_responsible) + 1e-06) * jnp.sign(w_responsible)
    h_sqrt_responsible = jnp.sqrt(jnp.abs(h_responsible) + 1e-06) * jnp.sign(h_responsible)
    loss = loss + LAMDA_SIZE * (jnp.sum((w_sqrt_target - w_sqrt_responsible) ** 2) + jnp.sum((h_sqrt_target - h_sqrt_responsible) ** 2))
    loss = loss + LAMDA_OBJ * jnp.sum((c_responsible - 1) ** 2) - LAMDA_NOOBJ * jnp.sum(c_responsible ** 2)
    c = output[..., 4:5 * bounding_boxes:5]
    loss = loss + LAMDA_NOOBJ * jnp.sum(c ** 2)
    classification_grid = grid[:, 5 * bounding_boxes:]
    classification_target = target[:, 6].astype(jnp.int32)
    classification_responsible = classification_grid[target_id, classification_target]
    loss = loss + jnp.sum(classification_grid ** 2)
    loss = loss + jnp.sum((classification_responsible - 1) ** 2 - classification_responsible ** 2)
    return loss

if __name__ == "__main__":
    import jax
    _d = setup_inputs()
    print(jax.jit(kernel)(*tuple(_d.values())))

</pallas_src>

<mosaic_0001>
#map = affine_map<(d0, d1) -> (0, 0)>
module attributes {stable_mosaic.version = 14 : i64} {
  func.func @_sc_loss(%arg0: i32, %arg1: i32, %arg2: memref<1204224x16xi32, #tpu.memory_space<hbm>>, %arg3: memref<16384x8xf32, #tpu.memory_space<hbm>>, %arg4: memref<32x16xf32, #tpu.memory_space<hbm>>, %arg5: memref<512x8xf32, #tpu.memory_space<vmem>>, %arg6: memref<4x12x128xi32, #tpu.memory_space<vmem>>, %arg7: memref<512xi32, #tpu.memory_space<vmem>>, %arg8: memref<512xi32, #tpu.memory_space<vmem>>, %arg9: memref<12x512x16xi32, #tpu.memory_space<vmem>>, %arg10: memref<16xf32, #tpu.memory_space<vmem>>, %arg11: memref<!tpu.dma_semaphore, #tpu.memory_space<semaphore_mem>>) attributes {dimension_semantics = [#tpu.dimension_semantics<core_parallel>, #tpu.dimension_semantics<subcore_parallel>], iteration_bounds = array<i64: 2, 16>, scalar_prefetch = 0 : i64, scratch_operands = 7 : i64, tpu.core_type = #tpu.core_type<sc_vector_subcore>, window_params = [{transform_indices = #map}, {transform_indices = #map}, {transform_indices = #map}]} {
    %mul3A = arith.constant 2 : i32
    %mul3A_0 = arith.muli %arg1, %mul3A : i32
    %add3A = arith.addi %mul3A_0, %arg0 : i32
    %mul3A_1 = arith.constant 512 : i32
    %mul3A_2 = arith.muli %add3A, %mul3A_1 : i32
    "tpu.region"() ({
      %run_scoped3A = tpu.sem_alloc : memref<!tpu.dma_semaphore, #tpu.memory_space<semaphore_mem>>
      %dma_start3A_1262 = arith.constant 0 : i32
      %dma_start3A_1263 = tpu.memref_slice %arg3[%mul3A_2, %dma_start3A_1262] : memref<16384x8xf32, #tpu.memory_space<hbm>> -> memref<512x8xf32, #tpu.memory_space<hbm>>
      %dma_start3A_1264 = arith.constant 0 : i32
      %dma_start3A_1265 = tpu.memref_slice %arg3[%mul3A_2, %dma_start3A_1264] : memref<16384x8xf32, #tpu.memory_space<hbm>> -> memref<512x8xf32, #tpu.memory_space<hbm>>
      tpu.enqueue_dma source(%dma_start3A_1265 : memref<512x8xf32, #tpu.memory_space<hbm>>) target(%arg5 : memref<512x8xf32, #tpu.memory_space<vmem>>) target_semaphore(%run_scoped3A : memref<!tpu.dma_semaphore, #tpu.memory_space<semaphore_mem>>)
      %dma_wait3A_1266 = arith.constant 0 : i32
      %dma_wait3A_1267 = tpu.memref_slice %arg3[%mul3A_2, %dma_wait3A_1266] : memref<16384x8xf32, #tpu.memory_space<hbm>> -> memref<512x8xf32, #tpu.memory_space<hbm>>
      %dma_wait3A_1268 = arith.constant 0 : i32
      %dma_wait3A_1269 = tpu.memref_slice %arg3[%mul3A_2, %dma_wait3A_1268] : memref<16384x8xf32, #tpu.memory_space<hbm>> -> memref<512x8xf32, #tpu.memory_space<hbm>>
      tpu.wait_dma2 semaphore(%run_scoped3A : memref<!tpu.dma_semaphore, #tpu.memory_space<semaphore_mem>>) src(%dma_wait3A_1269 : memref<512x8xf32, #tpu.memory_space<hbm>>) dst(%arg5 : memref<512x8xf32, #tpu.memory_space<vmem>>)
      tpu.yield
    }) : () -> ()
    %iota3A = tpu.iota {dimensions = array<i32: 0>} : vector<16xi32>
    %scan3A = arith.constant 0 : i32
    %scan3A_3 = arith.constant 0 : i32
    %scan3A_4 = arith.constant 32 : i32
    %scan3A_5 = arith.addi %scan3A_3, %scan3A_4 : i32
    %scan3A_6 = arith.constant 1 : i32
    scf.for %scan3A_1262 = %scan3A_3 to %scan3A_5 step %scan3A_6  : i32 {
      %mul3A_1263 = arith.constant 16 : i32
      %mul3A_1264 = arith.muli %scan3A_1262, %mul3A_1263 : i32
      %add3A_1265 = vector.broadcast %mul3A_1264 : i32 to vector<16xi32>
      %add3A_1266 = arith.addi %add3A_1265, %iota3A : vector<16xi32>
      %broadcast_in_dim3A_1267 = arith.constant 7 : i32
      %broadcast_in_dim3A_1268 = vector.broadcast %broadcast_in_dim3A_1267 : i32 to vector<16xi32>
      %gather3A = tpu.vector_load_idx %arg5[%add3A_1266, %broadcast_in_dim3A_1268] : memref<512x8xf32, #tpu.memory_space<vmem>>[vector<16xi32>, vector<16xi32>], vector<16xf32>,
      %convert_element_type3A = arith.fptosi %gather3A : vector<16xf32> to vector<16xi32>
      %broadcast_in_dim3A_1269 = arith.constant 4 : i32
      %broadcast_in_dim3A_1270 = vector.broadcast %broadcast_in_dim3A_1269 : i32 to vector<16xi32>
      %gather3A_1271 = tpu.vector_load_idx %arg5[%add3A_1266, %broadcast_in_dim3A_1270] : memref<512x8xf32, #tpu.memory_space<vmem>>[vector<16xi32>, vector<16xi32>], vector<16xf32>,
      %convert_element_type3A_1272 = arith.fptosi %gather3A_1271 : vector<16xf32> to vector<16xi32>
      %broadcast_in_dim3A_1273 = arith.constant 5 : i32
      %broadcast_in_dim3A_1274 = vector.broadcast %broadcast_in_dim3A_1273 : i32 to vector<16xi32>
      %gather3A_1275 = tpu.vector_load_idx %arg5[%add3A_1266, %broadcast_in_dim3A_1274] : memref<512x8xf32, #tpu.memory_space<vmem>>[vector<16xi32>, vector<16xi32>], vector<16xf32>,
      %convert_element_type3A_1276 = arith.fptosi %gather3A_1275 : vector<16xf32> to vector<16xi32>
      %broadcast_in_dim3A_1277 = arith.constant 6 : i32
      %broadcast_in_dim3A_1278 = vector.broadcast %broadcast_in_dim3A_1277 : i32 to vector<16xi32>
      %gather3A_1279 = tpu.vector_load_idx %arg5[%add3A_1266, %broadcast_in_dim3A_1278] : memref<512x8xf32, #tpu.memory_space<vmem>>[vector<16xi32>, vector<16xi32>], vector<16xf32>,
      %convert_element_type3A_1280 = arith.fptosi %gather3A_1279 : vector<16xf32> to vector<16xi32>
      %mul3A_1281 = arith.constant 28 : i32
      %mul3A_1282 = vector.broadcast %mul3A_1281 : i32 to vector<16xi32>
      %mul3A_1283 = arith.muli %convert_element_type3A_1272, %mul3A_1282 : vector<16xi32>
      %add3A_1284 = arith.addi %mul3A_1283, %convert_element_type3A_1276 : vector<16xi32>
      %shift_right_logical3A = arith.constant 4 : i32
      %shift_right_logical3A_1285 = vector.broadcast %shift_right_logical3A : i32 to vector<16xi32>
      %shift_right_logical3A_1286 = arith.shrui %convert_element_type3A, %shift_right_logical3A_1285 : vector<16xi32>
      %shift_left3A = arith.constant 4 : i32
      %shift_left3A_1287 = vector.broadcast %shift_left3A : i32 to vector<16xi32>
      %shift_left3A_1288 = arith.shli %shift_right_logical3A_1286, %shift_left3A_1287 : vector<16xi32>
      %sub3A = arith.subi %convert_element_type3A, %shift_left3A_1288 : vector<16xi32>
      %mul3A_1289 = arith.constant 16 : i32
      %mul3A_1290 = arith.muli %scan3A_1262, %mul3A_1289 : i32
      %swap3A_1291 = arith.index_cast %mul3A_1290 : i32 to index
      %swap3A_1292 = tpu.vector_load %arg7[%swap3A_1291] {strides = array<i32>} : memref<512xi32, #tpu.memory_space<vmem>>, vector<16xi32>,
      tpu.vector_store %arg7[%swap3A_1291], %sub3A {strides = array<i32>} : memref<512xi32, #tpu.memory_space<vmem>>, vector<16xi32>,
      %add3A_1293 = arith.constant 10 : i32
      %add3A_1294 = vector.broadcast %add3A_1293 : i32 to vector<16xi32>
      %add3A_1295 = arith.addi %convert_element_type3A_1280, %add3A_1294 : vector<16xi32>
      %ge3A = arith.constant 48 : i32
      %ge3A_1296 = vector.broadcast %ge3A : i32 to vector<16xi32>
      %ge3A_1297 = arith.cmpi sge, %add3A_1295, %ge3A_1296 : vector<16xi32>
      %convert_element_type3A_1298 = arith.extui %ge3A_1297 : vector<16xi1> to vector<16xi32>
      %mul3A_1299 = arith.constant 16 : i32
      %mul3A_1300 = arith.muli %scan3A_1262, %mul3A_1299 : i32
      %swap3A_1301 = arith.index_cast %mul3A_1300 : i32 to index
      %swap3A_1302 = tpu.vector_load %arg8[%swap3A_1301] {strides = array<i32>} : memref<512xi32, #tpu.memory_space<vmem>>, vector<16xi32>,
      tpu.vector_store %arg8[%swap3A_1301], %convert_element_type3A_1298 {strides = array<i32>} : memref<512xi32, #tpu.memory_space<vmem>>, vector<16xi32>,
      %mul3A_1303 = arith.constant 48 : i32
      %mul3A_1304 = vector.broadcast %mul3A_1303 : i32 to vector<16xi32>
      %mul3A_1305 = arith.muli %convert_element_type3A_1298, %mul3A_1304 : vector<16xi32>
      %sub3A_1306 = arith.subi %add3A_1295, %mul3A_1305 : vector<16xi32>
      %mul3A_1307 = arith.constant 4 : i32
      %mul3A_1308 = vector.broadcast %mul3A_1307 : i32 to vector<16xi32>
      %mul3A_1309 = arith.muli %add3A_1284, %mul3A_1308 : vector<16xi32>
      %shift_right_logical3A_1310 = arith.constant 7 : i32
      %shift_right_logical3A_1311 = vector.broadcast %shift_right_logical3A_1310 : i32 to vector<16xi32>
      %shift_right_logical3A_1312 = arith.shrui %convert_element_type3A, %shift_right_logical3A_1311 : vector<16xi32>
      %add3A_1313 = arith.addi %mul3A_1309, %shift_right_logical3A_1312 : vector<16xi32>
      %mul3A_1314 = arith.constant 384 : i32
      %mul3A_1315 = vector.broadcast %mul3A_1314 : i32 to vector<16xi32>
      %mul3A_1316 = arith.muli %add3A_1313, %mul3A_1315 : vector<16xi32>
      %shift_right_logical3A_1317 = arith.constant 7 : i32
      %shift_right_logical3A_1318 = vector.broadcast %shift_right_logical3A_1317 : i32 to vector<16xi32>
      %shift_right_logical3A_1319 = arith.shrui %convert_element_type3A, %shift_right_logical3A_1318 : vector<16xi32>
      %shift_left3A_1320 = arith.constant 3 : i32
      %shift_left3A_1321 = vector.broadcast %shift_left3A_1320 : i32 to vector<16xi32>
      %shift_left3A_1322 = arith.shli %shift_right_logical3A_1319, %shift_left3A_1321 : vector<16xi32>
      %sub3A_1323 = arith.subi %shift_right_logical3A_1286, %shift_left3A_1322 : vector<16xi32>
      %add3A_1324 = arith.addi %mul3A_1316, %sub3A_1323 : vector<16xi32>
      %add3A_1325 = arith.constant 0 : i32
      %add3A_1326 = vector.broadcast %add3A_1325 : i32 to vector<16xi32>
      %add3A_1327 = arith.addi %add3A_1324, %add3A_1326 : vector<16xi32>
      %jit3A = arith.constant 8 : i32
      %div3A = arith.divsi %scan3A_1262, %jit3A : i32
      %sign3A = arith.constant 0 : i32
      %sign3A_1328 = arith.cmpi sgt, %scan3A_1262, %sign3A : i32
      %sign3A_1329 = arith.extui %sign3A_1328 : i1 to i32
      %sign3A_1330 = arith.constant 0 : i32
      %sign3A_1331 = arith.cmpi slt, %scan3A_1262, %sign3A_1330 : i32
      %sign3A_1332 = arith.extui %sign3A_1331 : i1 to i32
      %sign3A_1333 = arith.subi %sign3A_1329, %sign3A_1332 : i32
      %sign3A_1334 = arith.constant 0 : i32
      %sign3A_1335 = arith.cmpi sgt, %jit3A, %sign3A_1334 : i32
      %sign3A_1336 = arith.extui %sign3A_1335 : i1 to i32
      %sign3A_1337 = arith.constant 0 : i32
      %sign3A_1338 = arith.cmpi slt, %jit3A, %sign3A_1337 : i32
      %sign3A_1339 = arith.extui %sign3A_1338 : i1 to i32
      %sign3A_1340 = arith.subi %sign3A_1336, %sign3A_1339 : i32
      %ne3A = arith.cmpi ne, %sign3A_1333, %sign3A_1340 : i32
      %rem3A = arith.remsi %scan3A_1262, %jit3A : i32
      %ne3A_1341 = arith.constant 0 : i32
      %ne3A_1342 = arith.cmpi ne, %rem3A, %ne3A_1341 : i32
      %and3A = arith.andi %ne3A, %ne3A_1342 : i1
      %sub3A_1343 = arith.constant 1 : i32
      %sub3A_1344 = arith.subi %div3A, %sub3A_1343 : i32
      %select_n3A = arith.select %and3A, %sub3A_1344, %div3A : i32
      %jit3A_1345 = arith.constant 8 : i32
      %eq3A = arith.constant 0 : i32
      %eq3A_1346 = arith.cmpi eq, %jit3A_1345, %eq3A : i32
      %jit3A_1347 = arith.constant 1 : i32
      %select_n3A_1348 = arith.select %eq3A_1346, %jit3A_1347, %jit3A_1345 : i32
      %rem3A_1349 = arith.remsi %scan3A_1262, %select_n3A_1348 : i32
      %ne3A_1350 = arith.constant 0 : i32
      %ne3A_1351 = arith.cmpi ne, %rem3A_1349, %ne3A_1350 : i32
      %lt3A = arith.constant 0 : i32
      %lt3A_1352 = arith.cmpi slt, %rem3A_1349, %lt3A : i32
      %lt3A_1353 = arith.constant 0 : i32
      %lt3A_1354 = arith.cmpi slt, %select_n3A_1348, %lt3A_1353 : i32
      %ne3A_1355 = arith.xori %lt3A_1352, %lt3A_1354 : i1
      %and3A_1356 = arith.andi %ne3A_1355, %ne3A_1351 : i1
      %add3A_1357 = arith.addi %rem3A_1349, %select_n3A_1348 : i32
      %select_n3A_1358 = arith.select %and3A_1356, %add3A_1357, %rem3A_1349 : i32
      %mul3A_1359 = arith.constant 16 : i32
      %mul3A_1360 = arith.muli %select_n3A_1358, %mul3A_1359 : i32
      %swap3A_1361 = arith.constant 0 : i32
      %swap3A_1362 = arith.index_cast %select_n3A : i32 to index
      %swap3A_1363 = arith.index_cast %swap3A_1361 : i32 to index
      %swap3A_1364 = arith.index_cast %mul3A_1360 : i32 to index
      %swap3A_1365 = tpu.vector_load %arg6[%swap3A_1362, %swap3A_1363, %swap3A_1364] {strides = array<i32>} : memref<4x12x128xi32, #tpu.memory_space<vmem>>, vector<16xi32>,
      tpu.vector_store %arg6[%swap3A_1362, %swap3A_1363, %swap3A_1364], %add3A_1327 {strides = array<i32>} : memref<4x12x128xi32, #tpu.memory_space<vmem>>, vector<16xi32>,
      %add3A_1366 = arith.constant 8 : i32
      %add3A_1367 = vector.broadcast %add3A_1366 : i32 to vector<16xi32>
      %add3A_1368 = arith.addi %add3A_1324, %add3A_1367 : vector<16xi32>
      %jit3A_1369 = arith.constant 8 : i32
      %div3A_1370 = arith.divsi %scan3A_1262, %jit3A_1369 : i32
      %sign3A_1371 = arith.constant 0 : i32
      %sign3A_1372 = arith.cmpi sgt, %scan3A_1262, %sign3A_1371 : i32
      %sign3A_1373 = arith.extui %sign3A_1372 : i1 to i32
      %sign3A_1374 = arith.constant 0 : i32
      %sign3A_1375 = arith.cmpi slt, %scan3A_1262, %sign3A_1374 : i32
      %sign3A_1376 = arith.extui %sign3A_1375 : i1 to i32
      %sign3A_1377 = arith.subi %sign3A_1373, %sign3A_1376 : i32
      %sign3A_1378 = arith.constant 0 : i32
      %sign3A_1379 = arith.cmpi sgt, %jit3A_1369, %sign3A_1378 : i32
      %sign3A_1380 = arith.extui %sign3A_1379 : i1 to i32
      %sign3A_1381 = arith.constant 0 : i32
      %sign3A_1382 = arith.cmpi slt, %jit3A_1369, %sign3A_1381 : i32
      %sign3A_1383 = arith.extui %sign3A_1382 : i1 to i32
      %sign3A_1384 = arith.subi %sign3A_1380, %sign3A_1383 : i32
      %ne3A_1385 = arith.cmpi ne, %sign3A_1377, %sign3A_1384 : i32
      %rem3A_1386 = arith.remsi %scan3A_1262, %jit3A_1369 : i32
      %ne3A_1387 = arith.constant 0 : i32
      %ne3A_1388 = arith.cmpi ne, %rem3A_1386, %ne3A_1387 : i32
      %and3A_1389 = arith.andi %ne3A_1385, %ne3A_1388 : i1
      %sub3A_1390 = arith.constant 1 : i32
      %sub3A_1391 = arith.subi %div3A_1370, %sub3A_1390 : i32
      %select_n3A_1392 = arith.select %and3A_1389, %sub3A_1391, %div3A_1370 : i32
      %jit3A_1393 = arith.constant 8 : i32
      %eq3A_1394 = arith.constant 0 : i32
      %eq3A_1395 = arith.cmpi eq, %jit3A_1393, %eq3A_1394 : i32
      %jit3A_1396 = arith.constant 1 : i32
      %select_n3A_1397 = arith.select %eq3A_1395, %jit3A_1396, %jit3A_1393 : i32
      %rem3A_1398 = arith.remsi %scan3A_1262, %select_n3A_1397 : i32
      %ne3A_1399 = arith.constant 0 : i32
      %ne3A_1400 = arith.cmpi ne, %rem3A_1398, %ne3A_1399 : i32
      %lt3A_1401 = arith.constant 0 : i32
      %lt3A_1402 = arith.cmpi slt, %rem3A_1398, %lt3A_1401 : i32
      %lt3A_1403 = arith.constant 0 : i32
      %lt3A_1404 = arith.cmpi slt, %select_n3A_1397, %lt3A_1403 : i32
      %ne3A_1405 = arith.xori %lt3A_1402, %lt3A_1404 : i1
      %and3A_1406 = arith.andi %ne3A_1405, %ne3A_1400 : i1
      %add3A_1407 = arith.addi %rem3A_1398, %select_n3A_1397 : i32
      %select_n3A_1408 = arith.select %and3A_1406, %add3A_1407, %rem3A_1398 : i32
      %mul3A_1409 = arith.constant 16 : i32
      %mul3A_1410 = arith.muli %select_n3A_1408, %mul3A_1409 : i32
      %swap3A_1411 = arith.constant 1 : i32
      %swap3A_1412 = arith.index_cast %select_n3A_1392 : i32 to index
      %swap3A_1413 = arith.index_cast %swap3A_1411 : i32 to index
      %swap3A_1414 = arith.index_cast %mul3A_1410 : i32 to index
      %swap3A_1415 = tpu.vector_load %arg6[%swap3A_1412, %swap3A_1413, %swap3A_1414] {strides = array<i32>} : memref<4x12x128xi32, #tpu.memory_space<vmem>>, vector<16xi32>,
      tpu.vector_store %arg6[%swap3A_1412, %swap3A_1413, %swap3A_1414], %add3A_1368 {strides = array<i32>} : memref<4x12x128xi32, #tpu.memory_space<vmem>>, vector<16xi32>,
      %add3A_1416 = arith.constant 16 : i32
      %add3A_1417 = vector.broadcast %add3A_1416 : i32 to vector<16xi32>
      %add3A_1418 = arith.addi %add3A_1324, %add3A_1417 : vector<16xi32>
      %jit3A_1419 = arith.constant 8 : i32
      %div3A_1420 = arith.divsi %scan3A_1262, %jit3A_1419 : i32
      %sign3A_1421 = arith.constant 0 : i32
      %sign3A_1422 = arith.cmpi sgt, %scan3A_1262, %sign3A_1421 : i32
      %sign3A_1423 = arith.extui %sign3A_1422 : i1 to i32
      %sign3A_1424 = arith.constant 0 : i32
      %sign3A_1425 = arith.cmpi slt, %scan3A_1262, %sign3A_1424 : i32
      %sign3A_1426 = arith.extui %sign3A_1425 : i1 to i32
      %sign3A_1427 = arith.subi %sign3A_1423, %sign3A_1426 : i32
      %sign3A_1428 = arith.constant 0 : i32
      %sign3A_1429 = arith.cmpi sgt, %jit3A_1419, %sign3A_1428 : i32
      %sign3A_1430 = arith.extui %sign3A_1429 : i1 to i32
      %sign3A_1431 = arith.constant 0 : i32
      %sign3A_1432 = arith.cmpi slt, %jit3A_1419, %sign3A_1431 : i32
      %sign3A_1433 = arith.extui %sign3A_1432 : i1 to i32
      %sign3A_1434 = arith.subi %sign3A_1430, %sign3A_1433 : i32
      %ne3A_1435 = arith.cmpi ne, %sign3A_1427, %sign3A_1434 : i32
      %rem3A_1436 = arith.remsi %scan3A_1262, %jit3A_1419 : i32
      %ne3A_1437 = arith.constant 0 : i32
      %ne3A_1438 = arith.cmpi ne, %rem3A_1436, %ne3A_1437 : i32
      %and3A_1439 = arith.andi %ne3A_1435, %ne3A_1438 : i1
      %sub3A_1440 = arith.constant 1 : i32
      %sub3A_1441 = arith.subi %div3A_1420, %sub3A_1440 : i32
      %select_n3A_1442 = arith.select %and3A_1439, %sub3A_1441, %div3A_1420 : i32
      %jit3A_1443 = arith.constant 8 : i32
      %eq3A_1444 = arith.constant 0 : i32
      %eq3A_1445 = arith.cmpi eq, %jit3A_1443, %eq3A_1444 : i32
      %jit3A_1446 = arith.constant 1 : i32
      %select_n3A_1447 = arith.select %eq3A_1445, %jit3A_1446, %jit3A_1443 : i32
      %rem3A_1448 = arith.remsi %scan3A_1262, %select_n3A_1447 : i32
      %ne3A_1449 = arith.constant 0 : i32
      %ne3A_1450 = arith.cmpi ne, %rem3A_1448, %ne3A_1449 : i32
      %lt3A_1451 = arith.constant 0 : i32
      %lt3A_1452 = arith.cmpi slt, %rem3A_1448, %lt3A_1451 : i32
      %lt3A_1453 = arith.constant 0 : i32
      %lt3A_1454 = arith.cmpi slt, %select_n3A_1447, %lt3A_1453 : i32
      %ne3A_1455 = arith.xori %lt3A_1452, %lt3A_1454 : i1
      %and3A_1456 = arith.andi %ne3A_1455, %ne3A_1450 : i1
      %add3A_1457 = arith.addi %rem3A_1448, %select_n3A_1447 : i32
      %select_n3A_1458 = arith.select %and3A_1456, %add3A_1457, %rem3A_1448 : i32
      %mul3A_1459 = arith.constant 16 : i32
      %mul3A_1460 = arith.muli %select_n3A_1458, %mul3A_1459 : i32
      %swap3A_1461 = arith.constant 2 : i32
      %swap3A_1462 = arith.index_cast %select_n3A_1442 : i32 to index
      %swap3A_1463 = arith.index_cast %swap3A_1461 : i32 to index
      %swap3A_1464 = arith.index_cast %mul3A_1460 : i32 to index
      %swap3A_1465 = tpu.vector_load %arg6[%swap3A_1462, %swap3A_1463, %swap3A_1464] {strides = array<i32>} : memref<4x12x128xi32, #tpu.memory_space<vmem>>, vector<16xi32>,
      tpu.vector_store %arg6[%swap3A_1462, %swap3A_1463, %swap3A_1464], %add3A_1418 {strides = array<i32>} : memref<4x12x128xi32, #tpu.memory_space<vmem>>, vector<16xi32>,
      %add3A_1466 = arith.constant 24 : i32
      %add3A_1467 = vector.broadcast %add3A_1466 : i32 to vector<16xi32>
      %add3A_1468 = arith.addi %add3A_1324, %add3A_1467 : vector<16xi32>
      %jit3A_1469 = arith.constant 8 : i32
      %div3A_1470 = arith.divsi %scan3A_1262, %jit3A_1469 : i32
      %sign3A_1471 = arith.constant 0 : i32
      %sign3A_1472 = arith.cmpi sgt, %scan3A_1262, %sign3A_1471 : i32
      %sign3A_1473 = arith.extui %sign3A_1472 : i1 to i32
      %sign3A_1474 = arith.constant 0 : i32
      %sign3A_1475 = arith.cmpi slt, %scan3A_1262, %sign3A_1474 : i32
      %sign3A_1476 = arith.extui %sign3A_1475 : i1 to i32
      %sign3A_1477 = arith.subi %sign3A_1473, %sign3A_1476 : i32
      %sign3A_1478 = arith.constant 0 : i32
      %sign3A_1479 = arith.cmpi sgt, %jit3A_1469, %sign3A_1478 : i32
      %sign3A_1480 = arith.extui %sign3A_1479 : i1 to i32
      %sign3A_1481 = arith.constant 0 : i32
      %sign3A_1482 = arith.cmpi slt, %jit3A_1469, %sign3A_1481 : i32
      %sign3A_1483 = arith.extui %sign3A_1482 : i1 to i32
      %sign3A_1484 = arith.subi %sign3A_1480, %sign3A_1483 : i32
      %ne3A_1485 = arith.cmpi ne, %sign3A_1477, %sign3A_1484 : i32
      %rem3A_1486 = arith.remsi %scan3A_1262, %jit3A_1469 : i32
      %ne3A_1487 = arith.constant 0 : i32
      %ne3A_1488 = arith.cmpi ne, %rem3A_1486, %ne3A_1487 : i32
      %and3A_1489 = arith.andi %ne3A_1485, %ne3A_1488 : i1
      %sub3A_1490 = arith.constant 1 : i32
      %sub3A_1491 = arith.subi %div3A_1470, %sub3A_1490 : i32
      %select_n3A_1492 = arith.select %and3A_1489, %sub3A_1491, %div3A_1470 : i32
      %jit3A_1493 = arith.constant 8 : i32
      %eq3A_1494 = arith.constant 0 : i32
      %eq3A_1495 = arith.cmpi eq, %jit3A_1493, %eq3A_1494 : i32
      %jit3A_1496 = arith.constant 1 : i32
      %select_n3A_1497 = arith.select %eq3A_1495, %jit3A_1496, %jit3A_1493 : i32
      %rem3A_1498 = arith.remsi %scan3A_1262, %select_n3A_1497 : i32
      %ne3A_1499 = arith.constant 0 : i32
      %ne3A_1500 = arith.cmpi ne, %rem3A_1498, %ne3A_1499 : i32
      %lt3A_1501 = arith.constant 0 : i32
      %lt3A_1502 = arith.cmpi slt, %rem3A_1498, %lt3A_1501 : i32
      %lt3A_1503 = arith.constant 0 : i32
      %lt3A_1504 = arith.cmpi slt, %select_n3A_1497, %lt3A_1503 : i32
      %ne3A_1505 = arith.xori %lt3A_1502, %lt3A_1504 : i1
      %and3A_1506 = arith.andi %ne3A_1505, %ne3A_1500 : i1
      %add3A_1507 = arith.addi %rem3A_1498, %select_n3A_1497 : i32
      %select_n3A_1508 = arith.select %and3A_1506, %add3A_1507, %rem3A_1498 : i32
      %mul3A_1509 = arith.constant 16 : i32
      %mul3A_1510 = arith.muli %select_n3A_1508, %mul3A_1509 : i32
      %swap3A_1511 = arith.constant 3 : i32
      %swap3A_1512 = arith.index_cast %select_n3A_1492 : i32 to index
      %swap3A_1513 = arith.index_cast %swap3A_1511 : i32 to index
      %swap3A_1514 = arith.index_cast %mul3A_1510 : i32 to index
      %swap3A_1515 = tpu.vector_load %arg6[%swap3A_1512, %swap3A_1513, %swap3A_1514] {strides = array<i32>} : memref<4x12x128xi32, #tpu.memory_space<vmem>>, vector<16xi32>,
      tpu.vector_store %arg6[%swap3A_1512, %swap3A_1513, %swap3A_1514], %add3A_1468 {strides = array<i32>} : memref<4x12x128xi32, #tpu.memory_space<vmem>>, vector<16xi32>,
      %add3A_1516 = arith.constant 32 : i32
      %add3A_1517 = vector.broadcast %add3A_1516 : i32 to vector<16xi32>
      %add3A_1518 = arith.addi %add3A_1324, %add3A_1517 : vector<16xi32>
      %jit3A_1519 = arith.constant 8 : i32
      %div3A_1520 = arith.divsi %scan3A_1262, %jit3A_1519 : i32
      %sign3A_1521 = arith.constant 0 : i32
      %sign3A_1522 = arith.cmpi sgt, %scan3A_1262, %sign3A_1521 : i32
      %sign3A_1523 = arith.extui %sign3A_1522 : i1 to i32
      %sign3A_1524 = arith.constant 0 : i32
      %sign3A_1525 = arith.cmpi slt, %scan3A_1262, %sign3A_1524 : i32
      %sign3A_1526 = arith.extui %sign3A_1525 : i1 to i32
      %sign3A_1527 = arith.subi %sign3A_1523, %sign3A_1526 : i32
      %sign3A_1528 = arith.constant 0 : i32
      %sign3A_1529 = arith.cmpi sgt, %jit3A_1519, %sign3A_1528 : i32
      %sign3A_1530 = arith.extui %sign3A_1529 : i1 to i32
      %sign3A_1531 = arith.constant 0 : i32
      %sign3A_1532 = arith.cmpi slt, %jit3A_1519, %sign3A_1531 : i32
      %sign3A_1533 = arith.extui %sign3A_1532 : i1 to i32
      %sign3A_1534 = arith.subi %sign3A_1530, %sign3A_1533 : i32
      %ne3A_1535 = arith.cmpi ne, %sign3A_1527, %sign3A_1534 : i32
      %rem3A_1536 = arith.remsi %scan3A_1262, %jit3A_1519 : i32
      %ne3A_1537 = arith.constant 0 : i32
      %ne3A_1538 = arith.cmpi ne, %rem3A_1536, %ne3A_1537 : i32
      %and3A_1539 = arith.andi %ne3A_1535, %ne3A_1538 : i1
      %sub3A_1540 = arith.constant 1 : i32
      %sub3A_1541 = arith.subi %div3A_1520, %sub3A_1540 : i32
      %select_n3A_1542 = arith.select %and3A_1539, %sub3A_1541, %div3A_1520 : i32
      %jit3A_1543 = arith.constant 8 : i32
      %eq3A_1544 = arith.constant 0 : i32
      %eq3A_1545 = arith.cmpi eq, %jit3A_1543, %eq3A_1544 : i32
      %jit3A_1546 = arith.constant 1 : i32
      %select_n3A_1547 = arith.select %eq3A_1545, %jit3A_1546, %jit3A_1543 : i32
      %rem3A_1548 = arith.remsi %scan3A_1262, %select_n3A_1547 : i32
      %ne3A_1549 = arith.constant 0 : i32
      %ne3A_1550 = arith.cmpi ne, %rem3A_1548, %ne3A_1549 : i32
      %lt3A_1551 = arith.constant 0 : i32
      %lt3A_1552 = arith.cmpi slt, %rem3A_1548, %lt3A_1551 : i32
      %lt3A_1553 = arith.constant 0 : i32
      %lt3A_1554 = arith.cmpi slt, %select_n3A_1547, %lt3A_1553 : i32
      %ne3A_1555 = arith.xori %lt3A_1552, %lt3A_1554 : i1
      %and3A_1556 = arith.andi %ne3A_1555, %ne3A_1550 : i1
      %add3A_1557 = arith.addi %rem3A_1548, %select_n3A_1547 : i32
      %select_n3A_1558 = arith.select %and3A_1556, %add3A_1557, %rem3A_1548 : i32
      %mul3A_1559 = arith.constant 16 : i32
      %mul3A_1560 = arith.muli %select_n3A_1558, %mul3A_1559 : i32
      %swap3A_1561 = arith.constant 4 : i32
      %swap3A_1562 = arith.index_cast %select_n3A_1542 : i32 to index
      %swap3A_1563 = arith.index_cast %swap3A_1561 : i32 to index
      %swap3A_1564 = arith.index_cast %mul3A_1560 : i32 to index
      %swap3A_1565 = tpu.vector_load %arg6[%swap3A_1562, %swap3A_1563, %swap3A_1564] {strides = array<i32>} : memref<4x12x128xi32, #tpu.memory_space<vmem>>, vector<16xi32>,
      tpu.vector_store %arg6[%swap3A_1562, %swap3A_1563, %swap3A_1564], %add3A_1518 {strides = array<i32>} : memref<4x12x128xi32, #tpu.memory_space<vmem>>, vector<16xi32>,
      %add3A_1566 = arith.constant 40 : i32
      %add3A_1567 = vector.broadcast %add3A_1566 : i32 to vector<16xi32>
      %add3A_1568 = arith.addi %add3A_1324, %add3A_1567 : vector<16xi32>
      %jit3A_1569 = arith.constant 8 : i32
      %div3A_1570 = arith.divsi %scan3A_1262, %jit3A_1569 : i32
      %sign3A_1571 = arith.constant 0 : i32
      %sign3A_1572 = arith.cmpi sgt, %scan3A_1262, %sign3A_1571 : i32
      %sign3A_1573 = arith.extui %sign3A_1572 : i1 to i32
      %sign3A_1574 = arith.constant 0 : i32
      %sign3A_1575 = arith.cmpi slt, %scan3A_1262, %sign3A_1574 : i32
      %sign3A_1576 = arith.extui %sign3A_1575 : i1 to i32
      %sign3A_1577 = arith.subi %sign3A_1573, %sign3A_1576 : i32
      %sign3A_1578 = arith.constant 0 : i32
      %sign3A_1579 = arith.cmpi sgt, %jit3A_1569, %sign3A_1578 : i32
      %sign3A_1580 = arith.extui %sign3A_1579 : i1 to i32
      %sign3A_1581 = arith.constant 0 : i32
      %sign3A_1582 = arith.cmpi slt, %jit3A_1569, %sign3A_1581 : i32
      %sign3A_1583 = arith.extui %sign3A_1582 : i1 to i32
      %sign3A_1584 = arith.subi %sign3A_1580, %sign3A_1583 : i32
      %ne3A_1585 = arith.cmpi ne, %sign3A_1577, %sign3A_1584 : i32
      %rem3A_1586 = arith.remsi %scan3A_1262, %jit3A_1569 : i32
      %ne3A_1587 = arith.constant 0 : i32
      %ne3A_1588 = arith.cmpi ne, %rem3A_1586, %ne3A_1587 : i32
      %and3A_1589 = arith.andi %ne3A_1585, %ne3A_1588 : i1
      %sub3A_1590 = arith.constant 1 : i32
      %sub3A_1591 = arith.subi %div3A_1570, %sub3A_1590 : i32
      %select_n3A_1592 = arith.select %and3A_1589, %sub3A_1591, %div3A_1570 : i32
      %jit3A_1593 = arith.constant 8 : i32
      %eq3A_1594 = arith.constant 0 : i32
      %eq3A_1595 = arith.cmpi eq, %jit3A_1593, %eq3A_1594 : i32
      %jit3A_1596 = arith.constant 1 : i32
      %select_n3A_1597 = arith.select %eq3A_1595, %jit3A_1596, %jit3A_1593 : i32
      %rem3A_1598 = arith.remsi %scan3A_1262, %select_n3A_1597 : i32
      %ne3A_1599 = arith.constant 0 : i32
      %ne3A_1600 = arith.cmpi ne, %rem3A_1598, %ne3A_1599 : i32
      %lt3A_1601 = arith.constant 0 : i32
      %lt3A_1602 = arith.cmpi slt, %rem3A_1598, %lt3A_1601 : i32
      %lt3A_1603 = arith.constant 0 : i32
      %lt3A_1604 = arith.cmpi slt, %select_n3A_1597, %lt3A_1603 : i32
      %ne3A_1605 = arith.xori %lt3A_1602, %lt3A_1604 : i1
      %and3A_1606 = arith.andi %ne3A_1605, %ne3A_1600 : i1
      %add3A_1607 = arith.addi %rem3A_1598, %select_n3A_1597 : i32
      %select_n3A_1608 = arith.select %and3A_1606, %add3A_1607, %rem3A_1598 : i32
      %mul3A_1609 = arith.constant 16 : i32
      %mul3A_1610 = arith.muli %select_n3A_1608, %mul3A_1609 : i32
      %swap3A_1611 = arith.constant 5 : i32
      %swap3A_1612 = arith.index_cast %select_n3A_1592 : i32 to index
      %swap3A_1613 = arith.index_cast %swap3A_1611 : i32 to index
      %swap3A_1614 = arith.index_cast %mul3A_1610 : i32 to index
      %swap3A_1615 = tpu.vector_load %arg6[%swap3A_1612, %swap3A_1613, %swap3A_1614] {strides = array<i32>} : memref<4x12x128xi32, #tpu.memory_space<vmem>>, vector<16xi32>,
      tpu.vector_store %arg6[%swap3A_1612, %swap3A_1613, %swap3A_1614], %add3A_1568 {strides = array<i32>} : memref<4x12x128xi32, #tpu.memory_space<vmem>>, vector<16xi32>,
      %add3A_1616 = arith.constant 48 : i32
      %add3A_1617 = vector.broadcast %add3A_1616 : i32 to vector<16xi32>
      %add3A_1618 = arith.addi %add3A_1324, %add3A_1617 : vector<16xi32>
      %jit3A_1619 = arith.constant 8 : i32
      %div3A_1620 = arith.divsi %scan3A_1262, %jit3A_1619 : i32
      %sign3A_1621 = arith.constant 0 : i32
      %sign3A_1622 = arith.cmpi sgt, %scan3A_1262, %sign3A_1621 : i32
      %sign3A_1623 = arith.extui %sign3A_1622 : i1 to i32
      %sign3A_1624 = arith.constant 0 : i32
      %sign3A_1625 = arith.cmpi slt, %scan3A_1262, %sign3A_1624 : i32
      %sign3A_1626 = arith.extui %sign3A_1625 : i1 to i32
      %sign3A_1627 = arith.subi %sign3A_1623, %sign3A_1626 : i32
      %sign3A_1628 = arith.constant 0 : i32
      %sign3A_1629 = arith.cmpi sgt, %jit3A_1619, %sign3A_1628 : i32
      %sign3A_1630 = arith.extui %sign3A_1629 : i1 to i32
      %sign3A_1631 = arith.constant 0 : i32
      %sign3A_1632 = arith.cmpi slt, %jit3A_1619, %sign3A_1631 : i32
      %sign3A_1633 = arith.extui %sign3A_1632 : i1 to i32
      %sign3A_1634 = arith.subi %sign3A_1630, %sign3A_1633 : i32
      %ne3A_1635 = arith.cmpi ne, %sign3A_1627, %sign3A_1634 : i32
      %rem3A_1636 = arith.remsi %scan3A_1262, %jit3A_1619 : i32
      %ne3A_1637 = arith.constant 0 : i32
      %ne3A_1638 = arith.cmpi ne, %rem3A_1636, %ne3A_1637 : i32
      %and3A_1639 = arith.andi %ne3A_1635, %ne3A_1638 : i1
      %sub3A_1640 = arith.constant 1 : i32
      %sub3A_1641 = arith.subi %div3A_1620, %sub3A_1640 : i32
      %select_n3A_1642 = arith.select %and3A_1639, %sub3A_1641, %div3A_1620 : i32
      %jit3A_1643 = arith.constant 8 : i32
      %eq3A_1644 = arith.constant 0 : i32
      %eq3A_1645 = arith.cmpi eq, %jit3A_1643, %eq3A_1644 : i32
      %jit3A_1646 = arith.constant 1 : i32
      %select_n3A_1647 = arith.select %eq3A_1645, %jit3A_1646, %jit3A_1643 : i32
      %rem3A_1648 = arith.remsi %scan3A_1262, %select_n3A_1647 : i32
      %ne3A_1649 = arith.constant 0 : i32
      %ne3A_1650 = arith.cmpi ne, %rem3A_1648, %ne3A_1649 : i32
      %lt3A_1651 = arith.constant 0 : i32
      %lt3A_1652 = arith.cmpi slt, %rem3A_1648, %lt3A_1651 : i32
      %lt3A_1653 = arith.constant 0 : i32
      %lt3A_1654 = arith.cmpi slt, %select_n3A_1647, %lt3A_1653 : i32
      %ne3A_1655 = arith.xori %lt3A_1652, %lt3A_1654 : i1
      %and3A_1656 = arith.andi %ne3A_1655, %ne3A_1650 : i1
      %add3A_1657 = arith.addi %rem3A_1648, %select_n3A_1647 : i32
      %select_n3A_1658 = arith.select %and3A_1656, %add3A_1657, %rem3A_1648 : i32
      %mul3A_1659 = arith.constant 16 : i32
      %mul3A_1660 = arith.muli %select_n3A_1658, %mul3A_1659 : i32
      %swap3A_1661 = arith.constant 6 : i32
      %swap3A_1662 = arith.index_cast %select_n3A_1642 : i32 to index
      %swap3A_1663 = arith.index_cast %swap3A_1661 : i32 to index
      %swap3A_1664 = arith.index_cast %mul3A_1660 : i32 to index
      %swap3A_1665 = tpu.vector_load %arg6[%swap3A_1662, %swap3A_1663, %swap3A_1664] {strides = array<i32>} : memref<4x12x128xi32, #tpu.memory_space<vmem>>, vector<16xi32>,
      tpu.vector_store %arg6[%swap3A_1662, %swap3A_1663, %swap3A_1664], %add3A_1618 {strides = array<i32>} : memref<4x12x128xi32, #tpu.memory_space<vmem>>, vector<16xi32>,
      %add3A_1666 = arith.constant 56 : i32
      %add3A_1667 = vector.broadcast %add3A_1666 : i32 to vector<16xi32>
      %add3A_1668 = arith.addi %add3A_1324, %add3A_1667 : vector<16xi32>
      %jit3A_1669 = arith.constant 8 : i32
      %div3A_1670 = arith.divsi %scan3A_1262, %jit3A_1669 : i32
      %sign3A_1671 = arith.constant 0 : i32
      %sign3A_1672 = arith.cmpi sgt, %scan3A_1262, %sign3A_1671 : i32
      %sign3A_1673 = arith.extui %sign3A_1672 : i1 to i32
      %sign3A_1674 = arith.constant 0 : i32
      %sign3A_1675 = arith.cmpi slt, %scan3A_1262, %sign3A_1674 : i32
      %sign3A_1676 = arith.extui %sign3A_1675 : i1 to i32
      %sign3A_1677 = arith.subi %sign3A_1673, %sign3A_1676 : i32
      %sign3A_1678 = arith.constant 0 : i32
      %sign3A_1679 = arith.cmpi sgt, %jit3A_1669, %sign3A_1678 : i32
      %sign3A_1680 = arith.extui %sign3A_1679 : i1 to i32
      %sign3A_1681 = arith.constant 0 : i32
      %sign3A_1682 = arith.cmpi slt, %jit3A_1669, %sign3A_1681 : i32
      %sign3A_1683 = arith.extui %sign3A_1682 : i1 to i32
      %sign3A_1684 = arith.subi %sign3A_1680, %sign3A_1683 : i32
      %ne3A_1685 = arith.cmpi ne, %sign3A_1677, %sign3A_1684 : i32
      %rem3A_1686 = arith.remsi %scan3A_1262, %jit3A_1669 : i32
      %ne3A_1687 = arith.constant 0 : i32
      %ne3A_1688 = arith.cmpi ne, %rem3A_1686, %ne3A_1687 : i32
      %and3A_1689 = arith.andi %ne3A_1685, %ne3A_1688 : i1
      %sub3A_1690 = arith.constant 1 : i32
      %sub3A_1691 = arith.subi %div3A_1670, %sub3A_1690 : i32
      %select_n3A_1692 = arith.select %and3A_1689, %sub3A_1691, %div3A_1670 : i32
      %jit3A_1693 = arith.constant 8 : i32
      %eq3A_1694 = arith.constant 0 : i32
      %eq3A_1695 = arith.cmpi eq, %jit3A_1693, %eq3A_1694 : i32
      %jit3A_1696 = arith.constant 1 : i32
      %select_n3A_1697 = arith.select %eq3A_1695, %jit3A_1696, %jit3A_1693 : i32
      %rem3A_1698 = arith.remsi %scan3A_1262, %select_n3A_1697 : i32
      %ne3A_1699 = arith.constant 0 : i32
      %ne3A_1700 = arith.cmpi ne, %rem3A_1698, %ne3A_1699 : i32
      %lt3A_1701 = arith.constant 0 : i32
      %lt3A_1702 = arith.cmpi slt, %rem3A_1698, %lt3A_1701 : i32
      %lt3A_1703 = arith.constant 0 : i32
      %lt3A_1704 = arith.cmpi slt, %select_n3A_1697, %lt3A_1703 : i32
      %ne3A_1705 = arith.xori %lt3A_1702, %lt3A_1704 : i1
      %and3A_1706 = arith.andi %ne3A_1705, %ne3A_1700 : i1
      %add3A_1707 = arith.addi %rem3A_1698, %select_n3A_1697 : i32
      %select_n3A_1708 = arith.select %and3A_1706, %add3A_1707, %rem3A_1698 : i32
      %mul3A_1709 = arith.constant 16 : i32
      %mul3A_1710 = arith.muli %select_n3A_1708, %mul3A_1709 : i32
      %swap3A_1711 = arith.constant 7 : i32
      %swap3A_1712 = arith.index_cast %select_n3A_1692 : i32 to index
      %swap3A_1713 = arith.index_cast %swap3A_1711 : i32 to index
      %swap3A_1714 = arith.index_cast %mul3A_1710 : i32 to index
      %swap3A_1715 = tpu.vector_load %arg6[%swap3A_1712, %swap3A_1713, %swap3A_1714] {strides = array<i32>} : memref<4x12x128xi32, #tpu.memory_space<vmem>>, vector<16xi32>,
      tpu.vector_store %arg6[%swap3A_1712, %swap3A_1713, %swap3A_1714], %add3A_1668 {strides = array<i32>} : memref<4x12x128xi32, #tpu.memory_space<vmem>>, vector<16xi32>,
      %add3A_1716 = arith.constant 64 : i32
      %add3A_1717 = vector.broadcast %add3A_1716 : i32 to vector<16xi32>
      %add3A_1718 = arith.addi %add3A_1324, %add3A_1717 : vector<16xi32>
      %jit3A_1719 = arith.constant 8 : i32
      %div3A_1720 = arith.divsi %scan3A_1262, %jit3A_1719 : i32
      %sign3A_1721 = arith.constant 0 : i32
      %sign3A_1722 = arith.cmpi sgt, %scan3A_1262, %sign3A_1721 : i32
      %sign3A_1723 = arith.extui %sign3A_1722 : i1 to i32
      %sign3A_1724 = arith.constant 0 : i32
      %sign3A_1725 = arith.cmpi slt, %scan3A_1262, %sign3A_1724 : i32
      %sign3A_1726 = arith.extui %sign3A_1725 : i1 to i32
      %sign3A_1727 = arith.subi %sign3A_1723, %sign3A_1726 : i32
      %sign3A_1728 = arith.constant 0 : i32
      %sign3A_1729 = arith.cmpi sgt, %jit3A_1719, %sign3A_1728 : i32
      %sign3A_1730 = arith.extui %sign3A_1729 : i1 to i32
      %sign3A_1731 = arith.constant 0 : i32
      %sign3A_1732 = arith.cmpi slt, %jit3A_1719, %sign3A_1731 : i32
      %sign3A_1733 = arith.extui %sign3A_1732 : i1 to i32
      %sign3A_1734 = arith.subi %sign3A_1730, %sign3A_1733 : i32
      %ne3A_1735 = arith.cmpi ne, %sign3A_1727, %sign3A_1734 : i32
      %rem3A_1736 = arith.remsi %scan3A_1262, %jit3A_1719 : i32
      %ne3A_1737 = arith.constant 0 : i32
      %ne3A_1738 = arith.cmpi ne, %rem3A_1736, %ne3A_1737 : i32
      %and3A_1739 = arith.andi %ne3A_1735, %ne3A_1738 : i1
      %sub3A_1740 = arith.constant 1 : i32
      %sub3A_1741 = arith.subi %div3A_1720, %sub3A_1740 : i32
      %select_n3A_1742 = arith.select %and3A_1739, %sub3A_1741, %div3A_1720 : i32
      %jit3A_1743 = arith.constant 8 : i32
      %eq3A_1744 = arith.constant 0 : i32
      %eq3A_1745 = arith.cmpi eq, %jit3A_1743, %eq3A_1744 : i32
      %jit3A_1746 = arith.constant 1 : i32
      %select_n3A_1747 = arith.select %eq3A_1745, %jit3A_1746, %jit3A_1743 : i32
      %rem3A_1748 = arith.remsi %scan3A_1262, %select_n3A_1747 : i32
      %ne3A_1749 = arith.constant 0 : i32
      %ne3A_1750 = arith.cmpi ne, %rem3A_1748, %ne3A_1749 : i32
      %lt3A_1751 = arith.constant 0 : i32
      %lt3A_1752 = arith.cmpi slt, %rem3A_1748, %lt3A_1751 : i32
      %lt3A_1753 = arith.constant 0 : i32
      %lt3A_1754 = arith.cmpi slt, %select_n3A_1747, %lt3A_1753 : i32
      %ne3A_1755 = arith.xori %lt3A_1752, %lt3A_1754 : i1
      %and3A_1756 = arith.andi %ne3A_1755, %ne3A_1750 : i1
      %add3A_1757 = arith.addi %rem3A_1748, %select_n3A_1747 : i32
      %select_n3A_1758 = arith.select %and3A_1756, %add3A_1757, %rem3A_1748 : i32
      %mul3A_1759 = arith.constant 16 : i32
      %mul3A_1760 = arith.muli %select_n3A_1758, %mul3A_1759 : i32
      %swap3A_1761 = arith.constant 8 : i32
      %swap3A_1762 = arith.index_cast %select_n3A_1742 : i32 to index
      %swap3A_1763 = arith.index_cast %swap3A_1761 : i32 to index
      %swap3A_1764 = arith.index_cast %mul3A_1760 : i32 to index
      %swap3A_1765 = tpu.vector_load %arg6[%swap3A_1762, %swap3A_1763, %swap3A_1764] {strides = array<i32>} : memref<4x12x128xi32, #tpu.memory_space<vmem>>, vector<16xi32>,
      tpu.vector_store %arg6[%swap3A_1762, %swap3A_1763, %swap3A_1764], %add3A_1718 {strides = array<i32>} : memref<4x12x128xi32, #tpu.memory_space<vmem>>, vector<16xi32>,
      %add3A_1766 = arith.constant 72 : i32
      %add3A_1767 = vector.broadcast %add3A_1766 : i32 to vector<16xi32>
      %add3A_1768 = arith.addi %add3A_1324, %add3A_1767 : vector<16xi32>
      %jit3A_1769 = arith.constant 8 : i32
      %div3A_1770 = arith.divsi %scan3A_1262, %jit3A_1769 : i32
      %sign3A_1771 = arith.constant 0 : i32
      %sign3A_1772 = arith.cmpi sgt, %scan3A_1262, %sign3A_1771 : i32
      %sign3A_1773 = arith.extui %sign3A_1772 : i1 to i32
      %sign3A_1774 = arith.constant 0 : i32
      %sign3A_1775 = arith.cmpi slt, %scan3A_1262, %sign3A_1774 : i32
      %sign3A_1776 = arith.extui %sign3A_1775 : i1 to i32
      %sign3A_1777 = arith.subi %sign3A_1773, %sign3A_1776 : i32
      %sign3A_1778 = arith.constant 0 : i32
      %sign3A_1779 = arith.cmpi sgt, %jit3A_1769, %sign3A_1778 : i32
      %sign3A_1780 = arith.extui %sign3A_1779 : i1 to i32
      %sign3A_1781 = arith.constant 0 : i32
      %sign3A_1782 = arith.cmpi slt, %jit3A_1769, %sign3A_1781 : i32
      %sign3A_1783 = arith.extui %sign3A_1782 : i1 to i32
      %sign3A_1784 = arith.subi %sign3A_1780, %sign3A_1783 : i32
      %ne3A_1785 = arith.cmpi ne, %sign3A_1777, %sign3A_1784 : i32
      %rem3A_1786 = arith.remsi %scan3A_1262, %jit3A_1769 : i32
      %ne3A_1787 = arith.constant 0 : i32
      %ne3A_1788 = arith.cmpi ne, %rem3A_1786, %ne3A_1787 : i32
      %and3A_1789 = arith.andi %ne3A_1785, %ne3A_1788 : i1
      %sub3A_1790 = arith.constant 1 : i32
      %sub3A_1791 = arith.subi %div3A_1770, %sub3A_1790 : i32
      %select_n3A_1792 = arith.select %and3A_1789, %sub3A_1791, %div3A_1770 : i32
      %jit3A_1793 = arith.constant 8 : i32
      %eq3A_1794 = arith.constant 0 : i32
      %eq3A_1795 = arith.cmpi eq, %jit3A_1793, %eq3A_1794 : i32
      %jit3A_1796 = arith.constant 1 : i32
      %select_n3A_1797 = arith.select %eq3A_1795, %jit3A_1796, %jit3A_1793 : i32
      %rem3A_1798 = arith.remsi %scan3A_1262, %select_n3A_1797 : i32
      %ne3A_1799 = arith.constant 0 : i32
      %ne3A_1800 = arith.cmpi ne, %rem3A_1798, %ne3A_1799 : i32
      %lt3A_1801 = arith.constant 0 : i32
      %lt3A_1802 = arith.cmpi slt, %rem3A_1798, %lt3A_1801 : i32
      %lt3A_1803 = arith.constant 0 : i32
      %lt3A_1804 = arith.cmpi slt, %select_n3A_1797, %lt3A_1803 : i32
      %ne3A_1805 = arith.xori %lt3A_1802, %lt3A_1804 : i1
      %and3A_1806 = arith.andi %ne3A_1805, %ne3A_1800 : i1
      %add3A_1807 = arith.addi %rem3A_1798, %select_n3A_1797 : i32
      %select_n3A_1808 = arith.select %and3A_1806, %add3A_1807, %rem3A_1798 : i32
      %mul3A_1809 = arith.constant 16 : i32
      %mul3A_1810 = arith.muli %select_n3A_1808, %mul3A_1809 : i32
      %swap3A_1811 = arith.constant 9 : i32
      %swap3A_1812 = arith.index_cast %select_n3A_1792 : i32 to index
      %swap3A_1813 = arith.index_cast %swap3A_1811 : i32 to index
      %swap3A_1814 = arith.index_cast %mul3A_1810 : i32 to index
      %swap3A_1815 = tpu.vector_load %arg6[%swap3A_1812, %swap3A_1813, %swap3A_1814] {strides = array<i32>} : memref<4x12x128xi32, #tpu.memory_space<vmem>>, vector<16xi32>,
      tpu.vector_store %arg6[%swap3A_1812, %swap3A_1813, %swap3A_1814], %add3A_1768 {strides = array<i32>} : memref<4x12x128xi32, #tpu.memory_space<vmem>>, vector<16xi32>,
      %add3A_1816 = arith.constant 336 : i32
      %add3A_1817 = vector.broadcast %add3A_1816 : i32 to vector<16xi32>
      %add3A_1818 = arith.addi %add3A_1324, %add3A_1817 : vector<16xi32>
      %jit3A_1819 = arith.constant 8 : i32
      %div3A_1820 = arith.divsi %scan3A_1262, %jit3A_1819 : i32
      %sign3A_1821 = arith.constant 0 : i32
      %sign3A_1822 = arith.cmpi sgt, %scan3A_1262, %sign3A_1821 : i32
      %sign3A_1823 = arith.extui %sign3A_1822 : i1 to i32
      %sign3A_1824 = arith.constant 0 : i32
      %sign3A_1825 = arith.cmpi slt, %scan3A_1262, %sign3A_1824 : i32
      %sign3A_1826 = arith.extui %sign3A_1825 : i1 to i32
      %sign3A_1827 = arith.subi %sign3A_1823, %sign3A_1826 : i32
      %sign3A_1828 = arith.constant 0 : i32
      %sign3A_1829 = arith.cmpi sgt, %jit3A_1819, %sign3A_1828 : i32
      %sign3A_1830 = arith.extui %sign3A_1829 : i1 to i32
      %sign3A_1831 = arith.constant 0 : i32
      %sign3A_1832 = arith.cmpi slt, %jit3A_1819, %sign3A_1831 : i32
      %sign3A_1833 = arith.extui %sign3A_1832 : i1 to i32
      %sign3A_1834 = arith.subi %sign3A_1830, %sign3A_1833 : i32
      %ne3A_1835 = arith.cmpi ne, %sign3A_1827, %sign3A_1834 : i32
      %rem3A_1836 = arith.remsi %scan3A_1262, %jit3A_1819 : i32
      %ne3A_1837 = arith.constant 0 : i32
      %ne3A_1838 = arith.cmpi ne, %rem3A_1836, %ne3A_1837 : i32
      %and3A_1839 = arith.andi %ne3A_1835, %ne3A_1838 : i1
      %sub3A_1840 = arith.constant 1 : i32
      %sub3A_1841 = arith.subi %div3A_1820, %sub3A_1840 : i32
      %select_n3A_1842 = arith.select %and3A_1839, %sub3A_1841, %div3A_1820 : i32
      %jit3A_1843 = arith.constant 8 : i32
      %eq3A_1844 = arith.constant 0 : i32
      %eq3A_1845 = arith.cmpi eq, %jit3A_1843, %eq3A_1844 : i32
      %jit3A_1846 = arith.constant 1 : i32
      %select_n3A_1847 = arith.select %eq3A_1845, %jit3A_1846, %jit3A_1843 : i32
      %rem3A_1848 = arith.remsi %scan3A_1262, %select_n3A_1847 : i32
      %ne3A_1849 = arith.constant 0 : i32
      %ne3A_1850 = arith.cmpi ne, %rem3A_1848, %ne3A_1849 : i32
      %lt3A_1851 = arith.constant 0 : i32
      %lt3A_1852 = arith.cmpi slt, %rem3A_1848, %lt3A_1851 : i32
      %lt3A_1853 = arith.constant 0 : i32
      %lt3A_1854 = arith.cmpi slt, %select_n3A_1847, %lt3A_1853 : i32
      %ne3A_1855 = arith.xori %lt3A_1852, %lt3A_1854 : i1
      %and3A_1856 = arith.andi %ne3A_1855, %ne3A_1850 : i1
      %add3A_1857 = arith.addi %rem3A_1848, %select_n3A_1847 : i32
      %select_n3A_1858 = arith.select %and3A_1856, %add3A_1857, %rem3A_1848 : i32
      %mul3A_1859 = arith.constant 16 : i32
      %mul3A_1860 = arith.muli %select_n3A_1858, %mul3A_1859 : i32
      %swap3A_1861 = arith.constant 10 : i32
      %swap3A_1862 = arith.index_cast %select_n3A_1842 : i32 to index
      %swap3A_1863 = arith.index_cast %swap3A_1861 : i32 to index
      %swap3A_1864 = arith.index_cast %mul3A_1860 : i32 to index
      %swap3A_1865 = tpu.vector_load %arg6[%swap3A_1862, %swap3A_1863, %swap3A_1864] {strides = array<i32>} : memref<4x12x128xi32, #tpu.memory_space<vmem>>, vector<16xi32>,
      tpu.vector_store %arg6[%swap3A_1862, %swap3A_1863, %swap3A_1864], %add3A_1818 {strides = array<i32>} : memref<4x12x128xi32, #tpu.memory_space<vmem>>, vector<16xi32>,
      %mul3A_1866 = arith.constant 8 : i32
      %mul3A_1867 = vector.broadcast %mul3A_1866 : i32 to vector<16xi32>
      %mul3A_1868 = arith.muli %sub3A_1306, %mul3A_1867 : vector<16xi32>
      %add3A_1869 = arith.addi %add3A_1324, %mul3A_1868 : vector<16xi32>
      %jit3A_1870 = arith.constant 8 : i32
      %div3A_1871 = arith.divsi %scan3A_1262, %jit3A_1870 : i32
      %sign3A_1872 = arith.constant 0 : i32
      %sign3A_1873 = arith.cmpi sgt, %scan3A_1262, %sign3A_1872 : i32
      %sign3A_1874 = arith.extui %sign3A_1873 : i1 to i32
      %sign3A_1875 = arith.constant 0 : i32
      %sign3A_1876 = arith.cmpi slt, %scan3A_1262, %sign3A_1875 : i32
      %sign3A_1877 = arith.extui %sign3A_1876 : i1 to i32
      %sign3A_1878 = arith.subi %sign3A_1874, %sign3A_1877 : i32
      %sign3A_1879 = arith.constant 0 : i32
      %sign3A_1880 = arith.cmpi sgt, %jit3A_1870, %sign3A_1879 : i32
      %sign3A_1881 = arith.extui %sign3A_1880 : i1 to i32
      %sign3A_1882 = arith.constant 0 : i32
      %sign3A_1883 = arith.cmpi slt, %jit3A_1870, %sign3A_1882 : i32
      %sign3A_1884 = arith.extui %sign3A_1883 : i1 to i32
      %sign3A_1885 = arith.subi %sign3A_1881, %sign3A_1884 : i32
      %ne3A_1886 = arith.cmpi ne, %sign3A_1878, %sign3A_1885 : i32
      %rem3A_1887 = arith.remsi %scan3A_1262, %jit3A_1870 : i32
      %ne3A_1888 = arith.constant 0 : i32
      %ne3A_1889 = arith.cmpi ne, %rem3A_1887, %ne3A_1888 : i32
      %and3A_1890 = arith.andi %ne3A_1886, %ne3A_1889 : i1
      %sub3A_1891 = arith.constant 1 : i32
      %sub3A_1892 = arith.subi %div3A_1871, %sub3A_1891 : i32
      %select_n3A_1893 = arith.select %and3A_1890, %sub3A_1892, %div3A_1871 : i32
      %jit3A_1894 = arith.constant 8 : i32
      %eq3A_1895 = arith.constant 0 : i32
      %eq3A_1896 = arith.cmpi eq, %jit3A_1894, %eq3A_1895 : i32
      %jit3A_1897 = arith.constant 1 : i32
      %select_n3A_1898 = arith.select %eq3A_1896, %jit3A_1897, %jit3A_1894 : i32
      %rem3A_1899 = arith.remsi %scan3A_1262, %select_n3A_1898 : i32
      %ne3A_1900 = arith.constant 0 : i32
      %ne3A_1901 = arith.cmpi ne, %rem3A_1899, %ne3A_1900 : i32
      %lt3A_1902 = arith.constant 0 : i32
      %lt3A_1903 = arith.cmpi slt, %rem3A_1899, %lt3A_1902 : i32
      %lt3A_1904 = arith.constant 0 : i32
      %lt3A_1905 = arith.cmpi slt, %select_n3A_1898, %lt3A_1904 : i32
      %ne3A_1906 = arith.xori %lt3A_1903, %lt3A_1905 : i1
      %and3A_1907 = arith.andi %ne3A_1906, %ne3A_1901 : i1
      %add3A_1908 = arith.addi %rem3A_1899, %select_n3A_1898 : i32
      %select_n3A_1909 = arith.select %and3A_1907, %add3A_1908, %rem3A_1899 : i32
      %mul3A_1910 = arith.constant 16 : i32
      %mul3A_1911 = arith.muli %select_n3A_1909, %mul3A_1910 : i32
      %swap3A_1912 = arith.constant 11 : i32
      %swap3A_1913 = arith.index_cast %select_n3A_1893 : i32 to index
      %swap3A_1914 = arith.index_cast %swap3A_1912 : i32 to index
      %swap3A_1915 = arith.index_cast %mul3A_1911 : i32 to index
      %swap3A_1916 = tpu.vector_load %arg6[%swap3A_1913, %swap3A_1914, %swap3A_1915] {strides = array<i32>} : memref<4x12x128xi32, #tpu.memory_space<vmem>>, vector<16xi32>,
      tpu.vector_store %arg6[%swap3A_1913, %swap3A_1914, %swap3A_1915], %add3A_1869 {strides = array<i32>} : memref<4x12x128xi32, #tpu.memory_space<vmem>>, vector<16xi32>,
    }
    %scan3A_7 = arith.constant 32 : i32
    %dma_start3A = arith.constant 0 : i32
    %dma_start3A_8 = arith.constant 0 : i32
    %dma_start3A_9 = arith.constant 0 : i32
    %dma_start3A_10 = arith.constant 0 : i32
    %dma_start3A_11 = arith.constant 0 : i32
    %dma_start3A_12 = tpu.memref_slice %arg9[%dma_start3A_9, %dma_start3A_10, %dma_start3A_11] : memref<12x512x16xi32, #tpu.memory_space<vmem>> -> memref<1x128x16xi32, #tpu.memory_space<vmem>>
    %dma_start3A_13 = tpu.memref_squeeze %dma_start3A_12 : memref<1x128x16xi32, #tpu.memory_space<vmem>> -> memref<128x16xi32, #tpu.memory_space<vmem>>
    %dma_start3A_14 = arith.constant 0 : i32
    %dma_start3A_15 = tpu.memref_slice %arg6[%dma_start3A, %dma_start3A_8, %dma_start3A_14] : memref<4x12x128xi32, #tpu.memory_space<vmem>> -> memref<1x1x128xi32, #tpu.memory_space<vmem>>
    %dma_start3A_16 = tpu.memref_squeeze %dma_start3A_15 : memref<1x1x128xi32, #tpu.memory_space<vmem>> -> memref<128xi32, #tpu.memory_space<vmem>>
    %dma_start3A_17 = arith.constant 0 : i32
    %dma_start3A_18 = arith.constant 0 : i32
    %dma_start3A_19 = tpu.memref_slice %arg2[%dma_start3A_17, %dma_start3A_18] : memref<1204224x16xi32, #tpu.memory_space<hbm>> -> memref<1204224x16xi32, #tpu.memory_space<hbm>>
    tpu.enqueue_indirect_dma source(%dma_start3A_19 : memref<1204224x16xi32, #tpu.memory_space<hbm>>) target(%dma_start3A_13 : memref<128x16xi32, #tpu.memory_space<vmem>>) offsets(%dma_start3A_16 : memref<128xi32, #tpu.memory_space<vmem>>) semaphore(%arg11 : memref<!tpu.dma_semaphore, #tpu.memory_space<semaphore_mem>>)
    %dma_start3A_20 = arith.constant 0 : i32
    %dma_start3A_21 = arith.constant 1 : i32
    %dma_start3A_22 = arith.constant 1 : i32
    %dma_start3A_23 = arith.constant 0 : i32
    %dma_start3A_24 = arith.constant 0 : i32
    %dma_start3A_25 = tpu.memref_slice %arg9[%dma_start3A_22, %dma_start3A_23, %dma_start3A_24] : memref<12x512x16xi32, #tpu.memory_space<vmem>> -> memref<1x128x16xi32, #tpu.memory_space<vmem>>
    %dma_start3A_26 = tpu.memref_squeeze %dma_start3A_25 : memref<1x128x16xi32, #tpu.memory_space<vmem>> -> memref<128x16xi32, #tpu.memory_space<vmem>>
    %dma_start3A_27 = arith.constant 0 : i32
    %dma_start3A_28 = tpu.memref_slice %arg6[%dma_start3A_20, %dma_start3A_21, %dma_start3A_27] : memref<4x12x128xi32, #tpu.memory_space<vmem>> -> memref<1x1x128xi32, #tpu.memory_space<vmem>>
    %dma_start3A_29 = tpu.memref_squeeze %dma_start3A_28 : memref<1x1x128xi32, #tpu.memory_space<vmem>> -> memref<128xi32, #tpu.memory_space<vmem>>
    %dma_start3A_30 = arith.constant 0 : i32
    %dma_start3A_31 = arith.constant 0 : i32
    %dma_start3A_32 = tpu.memref_slice %arg2[%dma_start3A_30, %dma_start3A_31] : memref<1204224x16xi32, #tpu.memory_space<hbm>> -> memref<1204224x16xi32, #tpu.memory_space<hbm>>
    tpu.enqueue_indirect_dma source(%dma_start3A_32 : memref<1204224x16xi32, #tpu.memory_space<hbm>>) target(%dma_start3A_26 : memref<128x16xi32, #tpu.memory_space<vmem>>) offsets(%dma_start3A_29 : memref<128xi32, #tpu.memory_space<vmem>>) semaphore(%arg11 : memref<!tpu.dma_semaphore, #tpu.memory_space<semaphore_mem>>)
    %dma_start3A_33 = arith.constant 0 : i32
    %dma_start3A_34 = arith.constant 2 : i32
    %dma_start3A_35 = arith.constant 2 : i32
    %dma_start3A_36 = arith.constant 0 : i32
    %dma_start3A_37 = arith.constant 0 : i32
    %dma_start3A_38 = tpu.memref_slice %arg9[%dma_start3A_35, %dma_start3A_36, %dma_start3A_37] : memref<12x512x16xi32, #tpu.memory_space<vmem>> -> memref<1x128x16xi32, #tpu.memory_space<vmem>>
    %dma_start3A_39 = tpu.memref_squeeze %dma_start3A_38 : memref<1x128x16xi32, #tpu.memory_space<vmem>> -> memref<128x16xi32, #tpu.memory_space<vmem>>
    %dma_start3A_40 = arith.constant 0 : i32
    %dma_start3A_41 = tpu.memref_slice %arg6[%dma_start3A_33, %dma_start3A_34, %dma_start3A_40] : memref<4x12x128xi32, #tpu.memory_space<vmem>> -> memref<1x1x128xi32, #tpu.memory_space<vmem>>
    %dma_start3A_42 = tpu.memref_squeeze %dma_start3A_41 : memref<1x1x128xi32, #tpu.memory_space<vmem>> -> memref<128xi32, #tpu.memory_space<vmem>>
    %dma_start3A_43 = arith.constant 0 : i32
    %dma_start3A_44 = arith.constant 0 : i32
    %dma_start3A_45 = tpu.memref_slice %arg2[%dma_start3A_43, %dma_start3A_44] : memref<1204224x16xi32, #tpu.memory_space<hbm>> -> memref<1204224x16xi32, #tpu.memory_space<hbm>>
    tpu.enqueue_indirect_dma source(%dma_start3A_45 : memref<1204224x16xi32, #tpu.memory_space<hbm>>) target(%dma_start3A_39 : memref<128x16xi32, #tpu.memory_space<vmem>>) offsets(%dma_start3A_42 : memref<128xi32, #tpu.memory_space<vmem>>) semaphore(%arg11 : memref<!tpu.dma_semaphore, #tpu.memory_space<semaphore_mem>>)
    %dma_start3A_46 = arith.constant 0 : i32
    %dma_start3A_47 = arith.constant 3 : i32
    %dma_start3A_48 = arith.constant 3 : i32
    %dma_start3A_49 = arith.constant 0 : i32
    %dma_start3A_50 = arith.constant 0 : i32
    %dma_start3A_51 = tpu.memref_slice %arg9[%dma_start3A_48, %dma_start3A_49, %dma_start3A_50] : memref<12x512x16xi32, #tpu.memory_space<vmem>> -> memref<1x128x16xi32, #tpu.memory_space<vmem>>
    %dma_start3A_52 = tpu.memref_squeeze %dma_start3A_51 : memref<1x128x16xi32, #tpu.memory_space<vmem>> -> memref<128x16xi32, #tpu.memory_space<vmem>>
    %dma_start3A_53 = arith.constant 0 : i32
    %dma_start3A_54 = tpu.memref_slice %arg6[%dma_start3A_46, %dma_start3A_47, %dma_start3A_53] : memref<4x12x128xi32, #tpu.memory_space<vmem>> -> memref<1x1x128xi32, #tpu.memory_space<vmem>>
    %dma_start3A_55 = tpu.memref_squeeze %dma_start3A_54 : memref<1x1x128xi32, #tpu.memory_space<vmem>> -> memref<128xi32, #tpu.memory_space<vmem>>
    %dma_start3A_56 = arith.constant 0 : i32
    %dma_start3A_57 = arith.constant 0 : i32
    %dma_start3A_58 = tpu.memref_slice %arg2[%dma_start3A_56, %dma_start3A_57] : memref<1204224x16xi32, #tpu.memory_space<hbm>> -> memref<1204224x16xi32, #tpu.memory_space<hbm>>
    tpu.enqueue_indirect_dma source(%dma_start3A_58 : memref<1204224x16xi32, #tpu.memory_space<hbm>>) target(%dma_start3A_52 : memref<128x16xi32, #tpu.memory_space<vmem>>) offsets(%dma_start3A_55 : memref<128xi32, #tpu.memory_space<vmem>>) semaphore(%arg11 : memref<!tpu.dma_semaphore, #tpu.memory_space<semaphore_mem>>)
    %dma_start3A_59 = arith.constant 0 : i32
    %dma_start3A_60 = arith.constant 4 : i32
    %dma_start3A_61 = arith.constant 4 : i32
    %dma_start3A_62 = arith.constant 0 : i32
    %dma_start3A_63 = arith.constant 0 : i32
    %dma_start3A_64 = tpu.memref_slice %arg9[%dma_start3A_61, %dma_start3A_62, %dma_start3A_63] : memref<12x512x16xi32, #tpu.memory_space<vmem>> -> memref<1x128x16xi32, #tpu.memory_space<vmem>>
    %dma_start3A_65 = tpu.memref_squeeze %dma_start3A_64 : memref<1x128x16xi32, #tpu.memory_space<vmem>> -> memref<128x16xi32, #tpu.memory_space<vmem>>
    %dma_start3A_66 = arith.constant 0 : i32
    %dma_start3A_67 = tpu.memref_slice %arg6[%dma_start3A_59, %dma_start3A_60, %dma_start3A_66] : memref<4x12x128xi32, #tpu.memory_space<vmem>> -> memref<1x1x128xi32, #tpu.memory_space<vmem>>
    %dma_start3A_68 = tpu.memref_squeeze %dma_start3A_67 : memref<1x1x128xi32, #tpu.memory_space<vmem>> -> memref<128xi32, #tpu.memory_space<vmem>>
    %dma_start3A_69 = arith.constant 0 : i32
    %dma_start3A_70 = arith.constant 0 : i32
    %dma_start3A_71 = tpu.memref_slice %arg2[%dma_start3A_69, %dma_start3A_70] : memref<1204224x16xi32, #tpu.memory_space<hbm>> -> memref<1204224x16xi32, #tpu.memory_space<hbm>>
    tpu.enqueue_indirect_dma source(%dma_start3A_71 : memref<1204224x16xi32, #tpu.memory_space<hbm>>) target(%dma_start3A_65 : memref<128x16xi32, #tpu.memory_space<vmem>>) offsets(%dma_start3A_68 : memref<128xi32, #tpu.memory_space<vmem>>) semaphore(%arg11 : memref<!tpu.dma_semaphore, #tpu.memory_space<semaphore_mem>>)
    %dma_start3A_72 = arith.constant 0 : i32
    %dma_start3A_73 = arith.constant 5 : i32
    %dma_start3A_74 = arith.constant 5 : i32
    %dma_start3A_75 = arith.constant 0 : i32
    %dma_start3A_76 = arith.constant 0 : i32
    %dma_start3A_77 = tpu.memref_slice %arg9[%dma_start3A_74, %dma_start3A_75, %dma_start3A_76] : memref<12x512x16xi32, #tpu.memory_space<vmem>> -> memref<1x128x16xi32, #tpu.memory_space<vmem>>
    %dma_start3A_78 = tpu.memref_squeeze %dma_start3A_77 : memref<1x128x16xi32, #tpu.memory_space<vmem>> -> memref<128x16xi32, #tpu.memory_space<vmem>>
    %dma_start3A_79 = arith.constant 0 : i32
    %dma_start3A_80 = tpu.memref_slice %arg6[%dma_start3A_72, %dma_start3A_73, %dma_start3A_79] : memref<4x12x128xi32, #tpu.memory_space<vmem>> -> memref<1x1x128xi32, #tpu.memory_space<vmem>>
    %dma_start3A_81 = tpu.memref_squeeze %dma_start3A_80 : memref<1x1x128xi32, #tpu.memory_space<vmem>> -> memref<128xi32, #tpu.memory_space<vmem>>
    %dma_start3A_82 = arith.constant 0 : i32
    %dma_start3A_83 = arith.constant 0 : i32
    %dma_start3A_84 = tpu.memref_slice %arg2[%dma_start3A_82, %dma_start3A_83] : memref<1204224x16xi32, #tpu.memory_space<hbm>> -> memref<1204224x16xi32, #tpu.memory_space<hbm>>
    tpu.enqueue_indirect_dma source(%dma_start3A_84 : memref<1204224x16xi32, #tpu.memory_space<hbm>>) target(%dma_start3A_78 : memref<128x16xi32, #tpu.memory_space<vmem>>) offsets(%dma_start3A_81 : memref<128xi32, #tpu.memory_space<vmem>>) semaphore(%arg11 : memref<!tpu.dma_semaphore, #tpu.memory_space<semaphore_mem>>)
    %dma_start3A_85 = arith.constant 0 : i32
    %dma_start3A_86 = arith.constant 6 : i32
    %dma_start3A_87 = arith.constant 6 : i32
    %dma_start3A_88 = arith.constant 0 : i32
    %dma_start3A_89 = arith.constant 0 : i32
    %dma_start3A_90 = tpu.memref_slice %arg9[%dma_start3A_87, %dma_start3A_88, %dma_start3A_89] : memref<12x512x16xi32, #tpu.memory_space<vmem>> -> memref<1x128x16xi32, #tpu.memory_space<vmem>>
    %dma_start3A_91 = tpu.memref_squeeze %dma_start3A_90 : memref<1x128x16xi32, #tpu.memory_space<vmem>> -> memref<128x16xi32, #tpu.memory_space<vmem>>
    %dma_start3A_92 = arith.constant 0 : i32
    %dma_start3A_93 = tpu.memref_slice %arg6[%dma_start3A_85, %dma_start3A_86, %dma_start3A_92] : memref<4x12x128xi32, #tpu.memory_space<vmem>> -> memref<1x1x128xi32, #tpu.memory_space<vmem>>
    %dma_start3A_94 = tpu.memref_squeeze %dma_start3A_93 : memref<1x1x128xi32, #tpu.memory_space<vmem>> -> memref<128xi32, #tpu.memory_space<vmem>>
    %dma_start3A_95 = arith.constant 0 : i32
    %dma_start3A_96 = arith.constant 0 : i32
    %dma_start3A_97 = tpu.memref_slice %arg2[%dma_start3A_95, %dma_start3A_96] : memref<1204224x16xi32, #tpu.memory_space<hbm>> -> memref<1204224x16xi32, #tpu.memory_space<hbm>>
    tpu.enqueue_indirect_dma source(%dma_start3A_97 : memref<1204224x16xi32, #tpu.memory_space<hbm>>) target(%dma_start3A_91 : memref<128x16xi32, #tpu.memory_space<vmem>>) offsets(%dma_start3A_94 : memref<128xi32, #tpu.memory_space<vmem>>) semaphore(%arg11 : memref<!tpu.dma_semaphore, #tpu.memory_space<semaphore_mem>>)
    %dma_start3A_98 = arith.constant 0 : i32
    %dma_start3A_99 = arith.constant 7 : i32
    %dma_start3A_100 = arith.constant 7 : i32
    %dma_start3A_101 = arith.constant 0 : i32
    %dma_start3A_102 = arith.constant 0 : i32
    %dma_start3A_103 = tpu.memref_slice %arg9[%dma_start3A_100, %dma_start3A_101, %dma_start3A_102] : memref<12x512x16xi32, #tpu.memory_space<vmem>> -> memref<1x128x16xi32, #tpu.memory_space<vmem>>
    %dma_start3A_104 = tpu.memref_squeeze %dma_start3A_103 : memref<1x128x16xi32, #tpu.memory_space<vmem>> -> memref<128x16xi32, #tpu.memory_space<vmem>>
    %dma_start3A_105 = arith.constant 0 : i32
    %dma_start3A_106 = tpu.memref_slice %arg6[%dma_start3A_98, %dma_start3A_99, %dma_start3A_105] : memref<4x12x128xi32, #tpu.memory_space<vmem>> -> memref<1x1x128xi32, #tpu.memory_space<vmem>>
    %dma_start3A_107 = tpu.memref_squeeze %dma_start3A_106 : memref<1x1x128xi32, #tpu.memory_space<vmem>> -> memref<128xi32, #tpu.memory_space<vmem>>
    %dma_start3A_108 = arith.constant 0 : i32
    %dma_start3A_109 = arith.constant 0 : i32
    %dma_start3A_110 = tpu.memref_slice %arg2[%dma_start3A_108, %dma_start3A_109] : memref<1204224x16xi32, #tpu.memory_space<hbm>> -> memref<1204224x16xi32, #tpu.memory_space<hbm>>
    tpu.enqueue_indirect_dma source(%dma_start3A_110 : memref<1204224x16xi32, #tpu.memory_space<hbm>>) target(%dma_start3A_104 : memref<128x16xi32, #tpu.memory_space<vmem>>) offsets(%dma_start3A_107 : memref<128xi32, #tpu.memory_space<vmem>>) semaphore(%arg11 : memref<!tpu.dma_semaphore, #tpu.memory_space<semaphore_mem>>)
    %dma_start3A_111 = arith.constant 0 : i32
    %dma_start3A_112 = arith.constant 8 : i32
    %dma_start3A_113 = arith.constant 8 : i32
    %dma_start3A_114 = arith.constant 0 : i32
    %dma_start3A_115 = arith.constant 0 : i32
    %dma_start3A_116 = tpu.memref_slice %arg9[%dma_start3A_113, %dma_start3A_114, %dma_start3A_115] : memref<12x512x16xi32, #tpu.memory_space<vmem>> -> memref<1x128x16xi32, #tpu.memory_space<vmem>>
    %dma_start3A_117 = tpu.memref_squeeze %dma_start3A_116 : memref<1x128x16xi32, #tpu.memory_space<vmem>> -> memref<128x16xi32, #tpu.memory_space<vmem>>
    %dma_start3A_118 = arith.constant 0 : i32
    %dma_start3A_119 = tpu.memref_slice %arg6[%dma_start3A_111, %dma_start3A_112, %dma_start3A_118] : memref<4x12x128xi32, #tpu.memory_space<vmem>> -> memref<1x1x128xi32, #tpu.memory_space<vmem>>
    %dma_start3A_120 = tpu.memref_squeeze %dma_start3A_119 : memref<1x1x128xi32, #tpu.memory_space<vmem>> -> memref<128xi32, #tpu.memory_space<vmem>>
    %dma_start3A_121 = arith.constant 0 : i32
    %dma_start3A_122 = arith.constant 0 : i32
    %dma_start3A_123 = tpu.memref_slice %arg2[%dma_start3A_121, %dma_start3A_122] : memref<1204224x16xi32, #tpu.memory_space<hbm>> -> memref<1204224x16xi32, #tpu.memory_space<hbm>>
    tpu.enqueue_indirect_dma source(%dma_start3A_123 : memref<1204224x16xi32, #tpu.memory_space<hbm>>) target(%dma_start3A_117 : memref<128x16xi32, #tpu.memory_space<vmem>>) offsets(%dma_start3A_120 : memref<128xi32, #tpu.memory_space<vmem>>) semaphore(%arg11 : memref<!tpu.dma_semaphore, #tpu.memory_space<semaphore_mem>>)
    %dma_start3A_124 = arith.constant 0 : i32
    %dma_start3A_125 = arith.constant 9 : i32
    %dma_start3A_126 = arith.constant 9 : i32
    %dma_start3A_127 = arith.constant 0 : i32
    %dma_start3A_128 = arith.constant 0 : i32
    %dma_start3A_129 = tpu.memref_slice %arg9[%dma_start3A_126, %dma_start3A_127, %dma_start3A_128] : memref<12x512x16xi32, #tpu.memory_space<vmem>> -> memref<1x128x16xi32, #tpu.memory_space<vmem>>
    %dma_start3A_130 = tpu.memref_squeeze %dma_start3A_129 : memref<1x128x16xi32, #tpu.memory_space<vmem>> -> memref<128x16xi32, #tpu.memory_space<vmem>>
    %dma_start3A_131 = arith.constant 0 : i32
    %dma_start3A_132 = tpu.memref_slice %arg6[%dma_start3A_124, %dma_start3A_125, %dma_start3A_131] : memref<4x12x128xi32, #tpu.memory_space<vmem>> -> memref<1x1x128xi32, #tpu.memory_space<vmem>>
    %dma_start3A_133 = tpu.memref_squeeze %dma_start3A_132 : memref<1x1x128xi32, #tpu.memory_space<vmem>> -> memref<128xi32, #tpu.memory_space<vmem>>
    %dma_start3A_134 = arith.constant 0 : i32
    %dma_start3A_135 = arith.constant 0 : i32
    %dma_start3A_136 = tpu.memref_slice %arg2[%dma_start3A_134, %dma_start3A_135] : memref<1204224x16xi32, #tpu.memory_space<hbm>> -> memref<1204224x16xi32, #tpu.memory_space<hbm>>
    tpu.enqueue_indirect_dma source(%dma_start3A_136 : memref<1204224x16xi32, #tpu.memory_space<hbm>>) target(%dma_start3A_130 : memref<128x16xi32, #tpu.memory_space<vmem>>) offsets(%dma_start3A_133 : memref<128xi32, #tpu.memory_space<vmem>>) semaphore(%arg11 : memref<!tpu.dma_semaphore, #tpu.memory_space<semaphore_mem>>)
    %dma_start3A_137 = arith.constant 0 : i32
    %dma_start3A_138 = arith.constant 10 : i32
    %dma_start3A_139 = arith.constant 10 : i32
    %dma_start3A_140 = arith.constant 0 : i32
    %dma_start3A_141 = arith.constant 0 : i32
    %dma_start3A_142 = tpu.memref_slice %arg9[%dma_start3A_139, %dma_start3A_140, %dma_start3A_141] : memref<12x512x16xi32, #tpu.memory_space<vmem>> -> memref<1x128x16xi32, #tpu.memory_space<vmem>>
    %dma_start3A_143 = tpu.memref_squeeze %dma_start3A_142 : memref<1x128x16xi32, #tpu.memory_space<vmem>> -> memref<128x16xi32, #tpu.memory_space<vmem>>
    %dma_start3A_144 = arith.constant 0 : i32
    %dma_start3A_145 = tpu.memref_slice %arg6[%dma_start3A_137, %dma_start3A_138, %dma_start3A_144] : memref<4x12x128xi32, #tpu.memory_space<vmem>> -> memref<1x1x128xi32, #tpu.memory_space<vmem>>
    %dma_start3A_146 = tpu.memref_squeeze %dma_start3A_145 : memref<1x1x128xi32, #tpu.memory_space<vmem>> -> memref<128xi32, #tpu.memory_space<vmem>>
    %dma_start3A_147 = arith.constant 0 : i32
    %dma_start3A_148 = arith.constant 0 : i32
    %dma_start3A_149 = tpu.memref_slice %arg2[%dma_start3A_147, %dma_start3A_148] : memref<1204224x16xi32, #tpu.memory_space<hbm>> -> memref<1204224x16xi32, #tpu.memory_space<hbm>>
    tpu.enqueue_indirect_dma source(%dma_start3A_149 : memref<1204224x16xi32, #tpu.memory_space<hbm>>) target(%dma_start3A_143 : memref<128x16xi32, #tpu.memory_space<vmem>>) offsets(%dma_start3A_146 : memref<128xi32, #tpu.memory_space<vmem>>) semaphore(%arg11 : memref<!tpu.dma_semaphore, #tpu.memory_space<semaphore_mem>>)
    %dma_start3A_150 = arith.constant 0 : i32
    %dma_start3A_151 = arith.constant 11 : i32
    %dma_start3A_152 = arith.constant 11 : i32
    %dma_start3A_153 = arith.constant 0 : i32
    %dma_start3A_154 = arith.constant 0 : i32
    %dma_start3A_155 = tpu.memref_slice %arg9[%dma_start3A_152, %dma_start3A_153, %dma_start3A_154] : memref<12x512x16xi32, #tpu.memory_space<vmem>> -> memref<1x128x16xi32, #tpu.memory_space<vmem>>
    %dma_start3A_156 = tpu.memref_squeeze %dma_start3A_155 : memref<1x128x16xi32, #tpu.memory_space<vmem>> -> memref<128x16xi32, #tpu.memory_space<vmem>>
    %dma_start3A_157 = arith.constant 0 : i32
    %dma_start3A_158 = tpu.memref_slice %arg6[%dma_start3A_150, %dma_start3A_151, %dma_start3A_157] : memref<4x12x128xi32, #tpu.memory_space<vmem>> -> memref<1x1x128xi32, #tpu.memory_space<vmem>>
    %dma_start3A_159 = tpu.memref_squeeze %dma_start3A_158 : memref<1x1x128xi32, #tpu.memory_space<vmem>> -> memref<128xi32, #tpu.memory_space<vmem>>
    %dma_start3A_160 = arith.constant 0 : i32
    %dma_start3A_161 = arith.constant 0 : i32
    %dma_start3A_162 = tpu.memref_slice %arg2[%dma_start3A_160, %dma_start3A_161] : memref<1204224x16xi32, #tpu.memory_space<hbm>> -> memref<1204224x16xi32, #tpu.memory_space<hbm>>
    tpu.enqueue_indirect_dma source(%dma_start3A_162 : memref<1204224x16xi32, #tpu.memory_space<hbm>>) target(%dma_start3A_156 : memref<128x16xi32, #tpu.memory_space<vmem>>) offsets(%dma_start3A_159 : memref<128xi32, #tpu.memory_space<vmem>>) semaphore(%arg11 : memref<!tpu.dma_semaphore, #tpu.memory_space<semaphore_mem>>)
    %dma_start3A_163 = arith.constant 1 : i32
    %dma_start3A_164 = arith.constant 0 : i32
    %dma_start3A_165 = arith.constant 0 : i32
    %dma_start3A_166 = arith.constant 128 : i32
    %dma_start3A_167 = arith.constant 0 : i32
    %dma_start3A_168 = tpu.memref_slice %arg9[%dma_start3A_165, %dma_start3A_166, %dma_start3A_167] : memref<12x512x16xi32, #tpu.memory_space<vmem>> -> memref<1x128x16xi32, #tpu.memory_space<vmem>>
    %dma_start3A_169 = tpu.memref_squeeze %dma_start3A_168 : memref<1x128x16xi32, #tpu.memory_space<vmem>> -> memref<128x16xi32, #tpu.memory_space<vmem>>
    %dma_start3A_170 = arith.constant 0 : i32
    %dma_start3A_171 = tpu.memref_slice %arg6[%dma_start3A_163, %dma_start3A_164, %dma_start3A_170] : memref<4x12x128xi32, #tpu.memory_space<vmem>> -> memref<1x1x128xi32, #tpu.memory_space<vmem>>
    %dma_start3A_172 = tpu.memref_squeeze %dma_start3A_171 : memref<1x1x128xi32, #tpu.memory_space<vmem>> -> memref<128xi32, #tpu.memory_space<vmem>>
    %dma_start3A_173 = arith.constant 0 : i32
    %dma_start3A_174 = arith.constant 0 : i32
    %dma_start3A_175 = tpu.memref_slice %arg2[%dma_start3A_173, %dma_start3A_174] : memref<1204224x16xi32, #tpu.memory_space<hbm>> -> memref<1204224x16xi32, #tpu.memory_space<hbm>>
    tpu.enqueue_indirect_dma source(%dma_start3A_175 : memref<1204224x16xi32, #tpu.memory_space<hbm>>) target(%dma_start3A_169 : memref<128x16xi32, #tpu.memory_space<vmem>>) offsets(%dma_start3A_172 : memref<128xi32, #tpu.memory_space<vmem>>) semaphore(%arg11 : memref<!tpu.dma_semaphore, #tpu.memory_space<semaphore_mem>>)
    %dma_start3A_176 = arith.constant 1 : i32
    %dma_start3A_177 = arith.constant 1 : i32
    %dma_start3A_178 = arith.constant 1 : i32
    %dma_start3A_179 = arith.constant 128 : i32
    %dma_start3A_180 = arith.constant 0 : i32
    %dma_start3A_181 = tpu.memref_slice %arg9[%dma_start3A_178, %dma_start3A_179, %dma_start3A_180] : memref<12x512x16xi32, #tpu.memory_space<vmem>> -> memref<1x128x16xi32, #tpu.memory_space<vmem>>
    %dma_start3A_182 = tpu.memref_squeeze %dma_start3A_181 : memref<1x128x16xi32, #tpu.memory_space<vmem>> -> memref<128x16xi32, #tpu.memory_space<vmem>>
    %dma_start3A_183 = arith.constant 0 : i32
    %dma_start3A_184 = tpu.memref_slice %arg6[%dma_start3A_176, %dma_start3A_177, %dma_start3A_183] : memref<4x12x128xi32, #tpu.memory_space<vmem>> -> memref<1x1x128xi32, #tpu.memory_space<vmem>>
    %dma_start3A_185 = tpu.memref_squeeze %dma_start3A_184 : memref<1x1x128xi32, #tpu.memory_space<vmem>> -> memref<128xi32, #tpu.memory_space<vmem>>
    %dma_start3A_186 = arith.constant 0 : i32
    %dma_start3A_187 = arith.constant 0 : i32
    %dma_start3A_188 = tpu.memref_slice %arg2[%dma_start3A_186, %dma_start3A_187] : memref<1204224x16xi32, #tpu.memory_space<hbm>> -> memref<1204224x16xi32, #tpu.memory_space<hbm>>
    tpu.enqueue_indirect_dma source(%dma_start3A_188 : memref<1204224x16xi32, #tpu.memory_space<hbm>>) target(%dma_start3A_182 : memref<128x16xi32, #tpu.memory_space<vmem>>) offsets(%dma_start3A_185 : memref<128xi32, #tpu.memory_space<vmem>>) semaphore(%arg11 : memref<!tpu.dma_semaphore, #tpu.memory_space<semaphore_mem>>)
    %dma_start3A_189 = arith.constant 1 : i32
    %dma_start3A_190 = arith.constant 2 : i32
    %dma_start3A_191 = arith.constant 2 : i32
    %dma_start3A_192 = arith.constant 128 : i32
    %dma_start3A_193 = arith.constant 0 : i32
    %dma_start3A_194 = tpu.memref_slice %arg9[%dma_start3A_191, %dma_start3A_192, %dma_start3A_193] : memref<12x512x16xi32, #tpu.memory_space<vmem>> -> memref<1x128x16xi32, #tpu.memory_space<vmem>>
    %dma_start3A_195 = tpu.memref_squeeze %dma_start3A_194 : memref<1x128x16xi32, #tpu.memory_space<vmem>> -> memref<128x16xi32, #tpu.memory_space<vmem>>
    %dma_start3A_196 = arith.constant 0 : i32
    %dma_start3A_197 = tpu.memref_slice %arg6[%dma_start3A_189, %dma_start3A_190, %dma_start3A_196] : memref<4x12x128xi32, #tpu.memory_space<vmem>> -> memref<1x1x128xi32, #tpu.memory_space<vmem>>
    %dma_start3A_198 = tpu.memref_squeeze %dma_start3A_197 : memref<1x1x128xi32, #tpu.memory_space<vmem>> -> memref<128xi32, #tpu.memory_space<vmem>>
    %dma_start3A_199 = arith.constant 0 : i32
    %dma_start3A_200 = arith.constant 0 : i32
    %dma_start3A_201 = tpu.memref_slice %arg2[%dma_start3A_199, %dma_start3A_200] : memref<1204224x16xi32, #tpu.memory_space<hbm>> -> memref<1204224x16xi32, #tpu.memory_space<hbm>>
    tpu.enqueue_indirect_dma source(%dma_start3A_201 : memref<1204224x16xi32, #tpu.memory_space<hbm>>) target(%dma_start3A_195 : memref<128x16xi32, #tpu.memory_space<vmem>>) offsets(%dma_start3A_198 : memref<128xi32, #tpu.memory_space<vmem>>) semaphore(%arg11 : memref<!tpu.dma_semaphore, #tpu.memory_space<semaphore_mem>>)
    %dma_start3A_202 = arith.constant 1 : i32
    %dma_start3A_203 = arith.constant 3 : i32
    %dma_start3A_204 = arith.constant 3 : i32
    %dma_start3A_205 = arith.constant 128 : i32
    %dma_start3A_206 = arith.constant 0 : i32
    %dma_start3A_207 = tpu.memref_slice %arg9[%dma_start3A_204, %dma_start3A_205, %dma_start3A_206] : memref<12x512x16xi32, #tpu.memory_space<vmem>> -> memref<1x128x16xi32, #tpu.memory_space<vmem>>
    %dma_start3A_208 = tpu.memref_squeeze %dma_start3A_207 : memref<1x128x16xi32, #tpu.memory_space<vmem>> -> memref<128x16xi32, #tpu.memory_space<vmem>>
    %dma_start3A_209 = arith.constant 0 : i32
    %dma_start3A_210 = tpu.memref_slice %arg6[%dma_start3A_202, %dma_start3A_203, %dma_start3A_209] : memref<4x12x128xi32, #tpu.memory_space<vmem>> -> memref<1x1x128xi32, #tpu.memory_space<vmem>>
    %dma_start3A_211 = tpu.memref_squeeze %dma_start3A_210 : memref<1x1x128xi32, #tpu.memory_space<vmem>> -> memref<128xi32, #tpu.memory_space<vmem>>
    %dma_start3A_212 = arith.constant 0 : i32
    %dma_start3A_213 = arith.constant 0 : i32
    %dma_start3A_214 = tpu.memref_slice %arg2[%dma_start3A_212, %dma_start3A_213] : memref<1204224x16xi32, #tpu.memory_space<hbm>> -> memref<1204224x16xi32, #tpu.memory_space<hbm>>
    tpu.enqueue_indirect_dma source(%dma_start3A_214 : memref<1204224x16xi32, #tpu.memory_space<hbm>>) target(%dma_start3A_208 : memref<128x16xi32, #tpu.memory_space<vmem>>) offsets(%dma_start3A_211 : memref<128xi32, #tpu.memory_space<vmem>>) semaphore(%arg11 : memref<!tpu.dma_semaphore, #tpu.memory_space<semaphore_mem>>)
    %dma_start3A_215 = arith.constant 1 : i32
    %dma_start3A_216 = arith.constant 4 : i32
    %dma_start3A_217 = arith.constant 4 : i32
    %dma_start3A_218 = arith.constant 128 : i32
    %dma_start3A_219 = arith.constant 0 : i32
    %dma_start3A_220 = tpu.memref_slice %arg9[%dma_start3A_217, %dma_start3A_218, %dma_start3A_219] : memref<12x512x16xi32, #tpu.memory_space<vmem>> -> memref<1x128x16xi32, #tpu.memory_space<vmem>>
    %dma_start3A_221 = tpu.memref_squeeze %dma_start3A_220 : memref<1x128x16xi32, #tpu.memory_space<vmem>> -> memref<128x16xi32, #tpu.memory_space<vmem>>
    %dma_start3A_222 = arith.constant 0 : i32
    %dma_start3A_223 = tpu.memref_slice %arg6[%dma_start3A_215, %dma_start3A_216, %dma_start3A_222] : memref<4x12x128xi32, #tpu.memory_space<vmem>> -> memref<1x1x128xi32, #tpu.memory_space<vmem>>
    %dma_start3A_224 = tpu.memref_squeeze %dma_start3A_223 : memref<1x1x128xi32, #tpu.memory_space<vmem>> -> memref<128xi32, #tpu.memory_space<vmem>>
    %dma_start3A_225 = arith.constant 0 : i32
    %dma_start3A_226 = arith.constant 0 : i32
    %dma_start3A_227 = tpu.memref_slice %arg2[%dma_start3A_225, %dma_start3A_226] : memref<1204224x16xi32, #tpu.memory_space<hbm>> -> memref<1204224x16xi32, #tpu.memory_space<hbm>>
    tpu.enqueue_indirect_dma source(%dma_start3A_227 : memref<1204224x16xi32, #tpu.memory_space<hbm>>) target(%dma_start3A_221 : memref<128x16xi32, #tpu.memory_space<vmem>>) offsets(%dma_start3A_224 : memref<128xi32, #tpu.memory_space<vmem>>) semaphore(%arg11 : memref<!tpu.dma_semaphore, #tpu.memory_space<semaphore_mem>>)
    %dma_start3A_228 = arith.constant 1 : i32
    %dma_start3A_229 = arith.constant 5 : i32
    %dma_start3A_230 = arith.constant 5 : i32
    %dma_start3A_231 = arith.constant 128 : i32
    %dma_start3A_232 = arith.constant 0 : i32
    %dma_start3A_233 = tpu.memref_slice %arg9[%dma_start3A_230, %dma_start3A_231, %dma_start3A_232] : memref<12x512x16xi32, #tpu.memory_space<vmem>> -> memref<1x128x16xi32, #tpu.memory_space<vmem>>
    %dma_start3A_234 = tpu.memref_squeeze %dma_start3A_233 : memref<1x128x16xi32, #tpu.memory_space<vmem>> -> memref<128x16xi32, #tpu.memory_space<vmem>>
    %dma_start3A_235 = arith.constant 0 : i32
    %dma_start3A_236 = tpu.memref_slice %arg6[%dma_start3A_228, %dma_start3A_229, %dma_start3A_235] : memref<4x12x128xi32, #tpu.memory_space<vmem>> -> memref<1x1x128xi32, #tpu.memory_space<vmem>>
    %dma_start3A_237 = tpu.memref_squeeze %dma_start3A_236 : memref<1x1x128xi32, #tpu.memory_space<vmem>> -> memref<128xi32, #tpu.memory_space<vmem>>
    %dma_start3A_238 = arith.constant 0 : i32
    %dma_start3A_239 = arith.constant 0 : i32
    %dma_start3A_240 = tpu.memref_slice %arg2[%dma_start3A_238, %dma_start3A_239] : memref<1204224x16xi32, #tpu.memory_space<hbm>> -> memref<1204224x16xi32, #tpu.memory_space<hbm>>
    tpu.enqueue_indirect_dma source(%dma_start3A_240 : memref<1204224x16xi32, #tpu.memory_space<hbm>>) target(%dma_start3A_234 : memref<128x16xi32, #tpu.memory_space<vmem>>) offsets(%dma_start3A_237 : memref<128xi32, #tpu.memory_space<vmem>>) semaphore(%arg11 : memref<!tpu.dma_semaphore, #tpu.memory_space<semaphore_mem>>)
    %dma_start3A_241 = arith.constant 1 : i32
    %dma_start3A_242 = arith.constant 6 : i32
    %dma_start3A_243 = arith.constant 6 : i32
    %dma_start3A_244 = arith.constant 128 : i32
    %dma_start3A_245 = arith.constant 0 : i32
    %dma_start3A_246 = tpu.memref_slice %arg9[%dma_start3A_243, %dma_start3A_244, %dma_start3A_245] : memref<12x512x16xi32, #tpu.memory_space<vmem>> -> memref<1x128x16xi32, #tpu.memory_space<vmem>>
    %dma_start3A_247 = tpu.memref_squeeze %dma_start3A_246 : memref<1x128x16xi32, #tpu.memory_space<vmem>> -> memref<128x16xi32, #tpu.memory_space<vmem>>
    %dma_start3A_248 = arith.constant 0 : i32
    %dma_start3A_249 = tpu.memref_slice %arg6[%dma_start3A_241, %dma_start3A_242, %dma_start3A_248] : memref<4x12x128xi32, #tpu.memory_space<vmem>> -> memref<1x1x128xi32, #tpu.memory_space<vmem>>
    %dma_start3A_250 = tpu.memref_squeeze %dma_start3A_249 : memref<1x1x128xi32, #tpu.memory_space<vmem>> -> memref<128xi32, #tpu.memory_space<vmem>>
    %dma_start3A_251 = arith.constant 0 : i32
    %dma_start3A_252 = arith.constant 0 : i32
    %dma_start3A_253 = tpu.memref_slice %arg2[%dma_start3A_251, %dma_start3A_252] : memref<1204224x16xi32, #tpu.memory_space<hbm>> -> memref<1204224x16xi32, #tpu.memory_space<hbm>>
    tpu.enqueue_indirect_dma source(%dma_start3A_253 : memref<1204224x16xi32, #tpu.memory_space<hbm>>) target(%dma_start3A_247 : memref<128x16xi32, #tpu.memory_space<vmem>>) offsets(%dma_start3A_250 : memref<128xi32, #tpu.memory_space<vmem>>) semaphore(%arg11 : memref<!tpu.dma_semaphore, #tpu.memory_space<semaphore_mem>>)
    %dma_start3A_254 = arith.constant 1 : i32
    %dma_start3A_255 = arith.constant 7 : i32
    %dma_start3A_256 = arith.constant 7 : i32
    %dma_start3A_257 = arith.constant 128 : i32
    %dma_start3A_258 = arith.constant 0 : i32
    %dma_start3A_259 = tpu.memref_slice %arg9[%dma_start3A_256, %dma_start3A_257, %dma_start3A_258] : memref<12x512x16xi32, #tpu.memory_space<vmem>> -> memref<1x128x16xi32, #tpu.memory_space<vmem>>
    %dma_start3A_260 = tpu.memref_squeeze %dma_start3A_259 : memref<1x128x16xi32, #tpu.memory_space<vmem>> -> memref<128x16xi32, #tpu.memory_space<vmem>>
    %dma_start3A_261 = arith.constant 0 : i32
    %dma_start3A_262 = tpu.memref_slice %arg6[%dma_start3A_254, %dma_start3A_255, %dma_start3A_261] : memref<4x12x128xi32, #tpu.memory_space<vmem>> -> memref<1x1x128xi32, #tpu.memory_space<vmem>>
    %dma_start3A_263 = tpu.memref_squeeze %dma_start3A_262 : memref<1x1x128xi32, #tpu.memory_space<vmem>> -> memref<128xi32, #tpu.memory_space<vmem>>
    %dma_start3A_264 = arith.constant 0 : i32
    %dma_start3A_265 = arith.constant 0 : i32
    %dma_start3A_266 = tpu.memref_slice %arg2[%dma_start3A_264, %dma_start3A_265] : memref<1204224x16xi32, #tpu.memory_space<hbm>> -> memref<1204224x16xi32, #tpu.memory_space<hbm>>
    tpu.enqueue_indirect_dma source(%dma_start3A_266 : memref<1204224x16xi32, #tpu.memory_space<hbm>>) target(%dma_start3A_260 : memref<128x16xi32, #tpu.memory_space<vmem>>) offsets(%dma_start3A_263 : memref<128xi32, #tpu.memory_space<vmem>>) semaphore(%arg11 : memref<!tpu.dma_semaphore, #tpu.memory_space<semaphore_mem>>)
    %dma_start3A_267 = arith.constant 1 : i32
    %dma_start3A_268 = arith.constant 8 : i32
    %dma_start3A_269 = arith.constant 8 : i32
    %dma_start3A_270 = arith.constant 128 : i32
    %dma_start3A_271 = arith.constant 0 : i32
    %dma_start3A_272 = tpu.memref_slice %arg9[%dma_start3A_269, %dma_start3A_270, %dma_start3A_271] : memref<12x512x16xi32, #tpu.memory_space<vmem>> -> memref<1x128x16xi32, #tpu.memory_space<vmem>>
    %dma_start3A_273 = tpu.memref_squeeze %dma_start3A_272 : memref<1x128x16xi32, #tpu.memory_space<vmem>> -> memref<128x16xi32, #tpu.memory_space<vmem>>
    %dma_start3A_274 = arith.constant 0 : i32
    %dma_start3A_275 = tpu.memref_slice %arg6[%dma_start3A_267, %dma_start3A_268, %dma_start3A_274] : memref<4x12x128xi32, #tpu.memory_space<vmem>> -> memref<1x1x128xi32, #tpu.memory_space<vmem>>
    %dma_start3A_276 = tpu.memref_squeeze %dma_start3A_275 : memref<1x1x128xi32, #tpu.memory_space<vmem>> -> memref<128xi32, #tpu.memory_space<vmem>>
    %dma_start3A_277 = arith.constant 0 : i32
    %dma_start3A_278 = arith.constant 0 : i32
    %dma_start3A_279 = tpu.memref_slice %arg2[%dma_start3A_277, %dma_start3A_278] : memref<1204224x16xi32, #tpu.memory_space<hbm>> -> memref<1204224x16xi32, #tpu.memory_space<hbm>>
    tpu.enqueue_indirect_dma source(%dma_start3A_279 : memref<1204224x16xi32, #tpu.memory_space<hbm>>) target(%dma_start3A_273 : memref<128x16xi32, #tpu.memory_space<vmem>>) offsets(%dma_start3A_276 : memref<128xi32, #tpu.memory_space<vmem>>) semaphore(%arg11 : memref<!tpu.dma_semaphore, #tpu.memory_space<semaphore_mem>>)
    %dma_start3A_280 = arith.constant 1 : i32
    %dma_start3A_281 = arith.constant 9 : i32
    %dma_start3A_282 = arith.constant 9 : i32
    %dma_start3A_283 = arith.constant 128 : i32
    %dma_start3A_284 = arith.constant 0 : i32
    %dma_start3A_285 = tpu.memref_slice %arg9[%dma_start3A_282, %dma_start3A_283, %dma_start3A_284] : memref<12x512x16xi32, #tpu.memory_space<vmem>> -> memref<1x128x16xi32, #tpu.memory_space<vmem>>
    %dma_start3A_286 = tpu.memref_squeeze %dma_start3A_285 : memref<1x128x16xi32, #tpu.memory_space<vmem>> -> memref<128x16xi32, #tpu.memory_space<vmem>>
    %dma_start3A_287 = arith.constant 0 : i32
    %dma_start3A_288 = tpu.memref_slice %arg6[%dma_start3A_280, %dma_start3A_281, %dma_start3A_287] : memref<4x12x128xi32, #tpu.memory_space<vmem>> -> memref<1x1x128xi32, #tpu.memory_space<vmem>>
    %dma_start3A_289 = tpu.memref_squeeze %dma_start3A_288 : memref<1x1x128xi32, #tpu.memory_space<vmem>> -> memref<128xi32, #tpu.memory_space<vmem>>
    %dma_start3A_290 = arith.constant 0 : i32
    %dma_start3A_291 = arith.constant 0 : i32
    %dma_start3A_292 = tpu.memref_slice %arg2[%dma_start3A_290, %dma_start3A_291] : memref<1204224x16xi32, #tpu.memory_space<hbm>> -> memref<1204224x16xi32, #tpu.memory_space<hbm>>
    tpu.enqueue_indirect_dma source(%dma_start3A_292 : memref<1204224x16xi32, #tpu.memory_space<hbm>>) target(%dma_start3A_286 : memref<128x16xi32, #tpu.memory_space<vmem>>) offsets(%dma_start3A_289 : memref<128xi32, #tpu.memory_space<vmem>>) semaphore(%arg11 : memref<!tpu.dma_semaphore, #tpu.memory_space<semaphore_mem>>)
    %dma_start3A_293 = arith.constant 1 : i32
    %dma_start3A_294 = arith.constant 10 : i32
    %dma_start3A_295 = arith.constant 10 : i32
    %dma_start3A_296 = arith.constant 128 : i32
    %dma_start3A_297 = arith.constant 0 : i32
    %dma_start3A_298 = tpu.memref_slice %arg9[%dma_start3A_295, %dma_start3A_296, %dma_start3A_297] : memref<12x512x16xi32, #tpu.memory_space<vmem>> -> memref<1x128x16xi32, #tpu.memory_space<vmem>>
    %dma_start3A_299 = tpu.memref_squeeze %dma_start3A_298 : memref<1x128x16xi32, #tpu.memory_space<vmem>> -> memref<128x16xi32, #tpu.memory_space<vmem>>
    %dma_start3A_300 = arith.constant 0 : i32
    %dma_start3A_301 = tpu.memref_slice %arg6[%dma_start3A_293, %dma_start3A_294, %dma_start3A_300] : memref<4x12x128xi32, #tpu.memory_space<vmem>> -> memref<1x1x128xi32, #tpu.memory_space<vmem>>
    %dma_start3A_302 = tpu.memref_squeeze %dma_start3A_301 : memref<1x1x128xi32, #tpu.memory_space<vmem>> -> memref<128xi32, #tpu.memory_space<vmem>>
    %dma_start3A_303 = arith.constant 0 : i32
    %dma_start3A_304 = arith.constant 0 : i32
    %dma_start3A_305 = tpu.memref_slice %arg2[%dma_start3A_303, %dma_start3A_304] : memref<1204224x16xi32, #tpu.memory_space<hbm>> -> memref<1204224x16xi32, #tpu.memory_space<hbm>>
    tpu.enqueue_indirect_dma source(%dma_start3A_305 : memref<1204224x16xi32, #tpu.memory_space<hbm>>) target(%dma_start3A_299 : memref<128x16xi32, #tpu.memory_space<vmem>>) offsets(%dma_start3A_302 : memref<128xi32, #tpu.memory_space<vmem>>) semaphore(%arg11 : memref<!tpu.dma_semaphore, #tpu.memory_space<semaphore_mem>>)
    %dma_start3A_306 = arith.constant 1 : i32
    %dma_start3A_307 = arith.constant 11 : i32
    %dma_start3A_308 = arith.constant 11 : i32
    %dma_start3A_309 = arith.constant 128 : i32
    %dma_start3A_310 = arith.constant 0 : i32
    %dma_start3A_311 = tpu.memref_slice %arg9[%dma_start3A_308, %dma_start3A_309, %dma_start3A_310] : memref<12x512x16xi32, #tpu.memory_space<vmem>> -> memref<1x128x16xi32, #tpu.memory_space<vmem>>
    %dma_start3A_312 = tpu.memref_squeeze %dma_start3A_311 : memref<1x128x16xi32, #tpu.memory_space<vmem>> -> memref<128x16xi32, #tpu.memory_space<vmem>>
    %dma_start3A_313 = arith.constant 0 : i32
    %dma_start3A_314 = tpu.memref_slice %arg6[%dma_start3A_306, %dma_start3A_307, %dma_start3A_313] : memref<4x12x128xi32, #tpu.memory_space<vmem>> -> memref<1x1x128xi32, #tpu.memory_space<vmem>>
    %dma_start3A_315 = tpu.memref_squeeze %dma_start3A_314 : memref<1x1x128xi32, #tpu.memory_space<vmem>> -> memref<128xi32, #tpu.memory_space<vmem>>
    %dma_start3A_316 = arith.constant 0 : i32
    %dma_start3A_317 = arith.constant 0 : i32
    %dma_start3A_318 = tpu.memref_slice %arg2[%dma_start3A_316, %dma_start3A_317] : memref<1204224x16xi32, #tpu.memory_space<hbm>> -> memref<1204224x16xi32, #tpu.memory_space<hbm>>
    tpu.enqueue_indirect_dma source(%dma_start3A_318 : memref<1204224x16xi32, #tpu.memory_space<hbm>>) target(%dma_start3A_312 : memref<128x16xi32, #tpu.memory_space<vmem>>) offsets(%dma_start3A_315 : memref<128xi32, #tpu.memory_space<vmem>>) semaphore(%arg11 : memref<!tpu.dma_semaphore, #tpu.memory_space<semaphore_mem>>)
    %dma_start3A_319 = arith.constant 2 : i32
    %dma_start3A_320 = arith.constant 0 : i32
    %dma_start3A_321 = arith.constant 0 : i32
    %dma_start3A_322 = arith.constant 256 : i32
    %dma_start3A_323 = arith.constant 0 : i32
    %dma_start3A_324 = tpu.memref_slice %arg9[%dma_start3A_321, %dma_start3A_322, %dma_start3A_323] : memref<12x512x16xi32, #tpu.memory_space<vmem>> -> memref<1x128x16xi32, #tpu.memory_space<vmem>>
    %dma_start3A_325 = tpu.memref_squeeze %dma_start3A_324 : memref<1x128x16xi32, #tpu.memory_space<vmem>> -> memref<128x16xi32, #tpu.memory_space<vmem>>
    %dma_start3A_326 = arith.constant 0 : i32
    %dma_start3A_327 = tpu.memref_slice %arg6[%dma_start3A_319, %dma_start3A_320, %dma_start3A_326] : memref<4x12x128xi32, #tpu.memory_space<vmem>> -> memref<1x1x128xi32, #tpu.memory_space<vmem>>
    %dma_start3A_328 = tpu.memref_squeeze %dma_start3A_327 : memref<1x1x128xi32, #tpu.memory_space<vmem>> -> memref<128xi32, #tpu.memory_space<vmem>>
    %dma_start3A_329 = arith.constant 0 : i32
    %dma_start3A_330 = arith.constant 0 : i32
    %dma_start3A_331 = tpu.memref_slice %arg2[%dma_start3A_329, %dma_start3A_330] : memref<1204224x16xi32, #tpu.memory_space<hbm>> -> memref<1204224x16xi32, #tpu.memory_space<hbm>>
    tpu.enqueue_indirect_dma source(%dma_start3A_331 : memref<1204224x16xi32, #tpu.memory_space<hbm>>) target(%dma_start3A_325 : memref<128x16xi32, #tpu.memory_space<vmem>>) offsets(%dma_start3A_328 : memref<128xi32, #tpu.memory_space<vmem>>) semaphore(%arg11 : memref<!tpu.dma_semaphore, #tpu.memory_space<semaphore_mem>>)
    %dma_start3A_332 = arith.constant 2 : i32
    %dma_start3A_333 = arith.constant 1 : i32
    %dma_start3A_334 = arith.constant 1 : i32
    %dma_start3A_335 = arith.constant 256 : i32
    %dma_start3A_336 = arith.constant 0 : i32
    %dma_start3A_337 = tpu.memref_slice %arg9[%dma_start3A_334, %dma_start3A_335, %dma_start3A_336] : memref<12x512x16xi32, #tpu.memory_space<vmem>> -> memref<1x128x16xi32, #tpu.memory_space<vmem>>
    %dma_start3A_338 = tpu.memref_squeeze %dma_start3A_337 : memref<1x128x16xi32, #tpu.memory_space<vmem>> -> memref<128x16xi32, #tpu.memory_space<vmem>>
    %dma_start3A_339 = arith.constant 0 : i32
    %dma_start3A_340 = tpu.memref_slice %arg6[%dma_start3A_332, %dma_start3A_333, %dma_start3A_339] : memref<4x12x128xi32, #tpu.memory_space<vmem>> -> memref<1x1x128xi32, #tpu.memory_space<vmem>>
    %dma_start3A_341 = tpu.memref_squeeze %dma_start3A_340 : memref<1x1x128xi32, #tpu.memory_space<vmem>> -> memref<128xi32, #tpu.memory_space<vmem>>
    %dma_start3A_342 = arith.constant 0 : i32
    %dma_start3A_343 = arith.constant 0 : i32
    %dma_start3A_344 = tpu.memref_slice %arg2[%dma_start3A_342, %dma_start3A_343] : memref<1204224x16xi32, #tpu.memory_space<hbm>> -> memref<1204224x16xi32, #tpu.memory_space<hbm>>
    tpu.enqueue_indirect_dma source(%dma_start3A_344 : memref<1204224x16xi32, #tpu.memory_space<hbm>>) target(%dma_start3A_338 : memref<128x16xi32, #tpu.memory_space<vmem>>) offsets(%dma_start3A_341 : memref<128xi32, #tpu.memory_space<vmem>>) semaphore(%arg11 : memref<!tpu.dma_semaphore, #tpu.memory_space<semaphore_mem>>)
    %dma_start3A_345 = arith.constant 2 : i32
    %dma_start3A_346 = arith.constant 2 : i32
    %dma_start3A_347 = arith.constant 2 : i32
    %dma_start3A_348 = arith.constant 256 : i32
    %dma_start3A_349 = arith.constant 0 : i32
    %dma_start3A_350 = tpu.memref_slice %arg9[%dma_start3A_347, %dma_start3A_348, %dma_start3A_349] : memref<12x512x16xi32, #tpu.memory_space<vmem>> -> memref<1x128x16xi32, #tpu.memory_space<vmem>>
    %dma_start3A_351 = tpu.memref_squeeze %dma_start3A_350 : memref<1x128x16xi32, #tpu.memory_space<vmem>> -> memref<128x16xi32, #tpu.memory_space<vmem>>
    %dma_start3A_352 = arith.constant 0 : i32
    %dma_start3A_353 = tpu.memref_slice %arg6[%dma_start3A_345, %dma_start3A_346, %dma_start3A_352] : memref<4x12x128xi32, #tpu.memory_space<vmem>> -> memref<1x1x128xi32, #tpu.memory_space<vmem>>
    %dma_start3A_354 = tpu.memref_squeeze %dma_start3A_353 : memref<1x1x128xi32, #tpu.memory_space<vmem>> -> memref<128xi32, #tpu.memory_space<vmem>>
    %dma_start3A_355 = arith.constant 0 : i32
    %dma_start3A_356 = arith.constant 0 : i32
    %dma_start3A_357 = tpu.memref_slice %arg2[%dma_start3A_355, %dma_start3A_356] : memref<1204224x16xi32, #tpu.memory_space<hbm>> -> memref<1204224x16xi32, #tpu.memory_space<hbm>>
    tpu.enqueue_indirect_dma source(%dma_start3A_357 : memref<1204224x16xi32, #tpu.memory_space<hbm>>) target(%dma_start3A_351 : memref<128x16xi32, #tpu.memory_space<vmem>>) offsets(%dma_start3A_354 : memref<128xi32, #tpu.memory_space<vmem>>) semaphore(%arg11 : memref<!tpu.dma_semaphore, #tpu.memory_space<semaphore_mem>>)
    %dma_start3A_358 = arith.constant 2 : i32
    %dma_start3A_359 = arith.constant 3 : i32
    %dma_start3A_360 = arith.constant 3 : i32
    %dma_start3A_361 = arith.constant 256 : i32
    %dma_start3A_362 = arith.constant 0 : i32
    %dma_start3A_363 = tpu.memref_slice %arg9[%dma_start3A_360, %dma_start3A_361, %dma_start3A_362] : memref<12x512x16xi32, #tpu.memory_space<vmem>> -> memref<1x128x16xi32, #tpu.memory_space<vmem>>
    %dma_start3A_364 = tpu.memref_squeeze %dma_start3A_363 : memref<1x128x16xi32, #tpu.memory_space<vmem>> -> memref<128x16xi32, #tpu.memory_space<vmem>>
    %dma_start3A_365 = arith.constant 0 : i32
    %dma_start3A_366 = tpu.memref_slice %arg6[%dma_start3A_358, %dma_start3A_359, %dma_start3A_365] : memref<4x12x128xi32, #tpu.memory_space<vmem>> -> memref<1x1x128xi32, #tpu.memory_space<vmem>>
    %dma_start3A_367 = tpu.memref_squeeze %dma_start3A_366 : memref<1x1x128xi32, #tpu.memory_space<vmem>> -> memref<128xi32, #tpu.memory_space<vmem>>
    %dma_start3A_368 = arith.constant 0 : i32
    %dma_start3A_369 = arith.constant 0 : i32
    %dma_start3A_370 = tpu.memref_slice %arg2[%dma_start3A_368, %dma_start3A_369] : memref<1204224x16xi32, #tpu.memory_space<hbm>> -> memref<1204224x16xi32, #tpu.memory_space<hbm>>
    tpu.enqueue_indirect_dma source(%dma_start3A_370 : memref<1204224x16xi32, #tpu.memory_space<hbm>>) target(%dma_start3A_364 : memref<128x16xi32, #tpu.memory_space<vmem>>) offsets(%dma_start3A_367 : memref<128xi32, #tpu.memory_space<vmem>>) semaphore(%arg11 : memref<!tpu.dma_semaphore, #tpu.memory_space<semaphore_mem>>)
    %dma_start3A_371 = arith.constant 2 : i32
    %dma_start3A_372 = arith.constant 4 : i32
    %dma_start3A_373 = arith.constant 4 : i32
    %dma_start3A_374 = arith.constant 256 : i32
    %dma_start3A_375 = arith.constant 0 : i32
    %dma_start3A_376 = tpu.memref_slice %arg9[%dma_start3A_373, %dma_start3A_374, %dma_start3A_375] : memref<12x512x16xi32, #tpu.memory_space<vmem>> -> memref<1x128x16xi32, #tpu.memory_space<vmem>>
    %dma_start3A_377 = tpu.memref_squeeze %dma_start3A_376 : memref<1x128x16xi32, #tpu.memory_space<vmem>> -> memref<128x16xi32, #tpu.memory_space<vmem>>
    %dma_start3A_378 = arith.constant 0 : i32
    %dma_start3A_379 = tpu.memref_slice %arg6[%dma_start3A_371, %dma_start3A_372, %dma_start3A_378] : memref<4x12x128xi32, #tpu.memory_space<vmem>> -> memref<1x1x128xi32, #tpu.memory_space<vmem>>
    %dma_start3A_380 = tpu.memref_squeeze %dma_start3A_379 : memref<1x1x128xi32, #tpu.memory_space<vmem>> -> memref<128xi32, #tpu.memory_space<vmem>>
    %dma_start3A_381 = arith.constant 0 : i32
    %dma_start3A_382 = arith.constant 0 : i32
    %dma_start3A_383 = tpu.memref_slice %arg2[%dma_start3A_381, %dma_start3A_382] : memref<1204224x16xi32, #tpu.memory_space<hbm>> -> memref<1204224x16xi32, #tpu.memory_space<hbm>>
    tpu.enqueue_indirect_dma source(%dma_start3A_383 : memref<1204224x16xi32, #tpu.memory_space<hbm>>) target(%dma_start3A_377 : memref<128x16xi32, #tpu.memory_space<vmem>>) offsets(%dma_start3A_380 : memref<128xi32, #tpu.memory_space<vmem>>) semaphore(%arg11 : memref<!tpu.dma_semaphore, #tpu.memory_space<semaphore_mem>>)
    %dma_start3A_384 = arith.constant 2 : i32
    %dma_start3A_385 = arith.constant 5 : i32
    %dma_start3A_386 = arith.constant 5 : i32
    %dma_start3A_387 = arith.constant 256 : i32
    %dma_start3A_388 = arith.constant 0 : i32
    %dma_start3A_389 = tpu.memref_slice %arg9[%dma_start3A_386, %dma_start3A_387, %dma_start3A_388] : memref<12x512x16xi32, #tpu.memory_space<vmem>> -> memref<1x128x16xi32, #tpu.memory_space<vmem>>
    %dma_start3A_390 = tpu.memref_squeeze %dma_start3A_389 : memref<1x128x16xi32, #tpu.memory_space<vmem>> -> memref<128x16xi32, #tpu.memory_space<vmem>>
    %dma_start3A_391 = arith.constant 0 : i32
    %dma_start3A_392 = tpu.memref_slice %arg6[%dma_start3A_384, %dma_start3A_385, %dma_start3A_391] : memref<4x12x128xi32, #tpu.memory_space<vmem>> -> memref<1x1x128xi32, #tpu.memory_space<vmem>>
    %dma_start3A_393 = tpu.memref_squeeze %dma_start3A_392 : memref<1x1x128xi32, #tpu.memory_space<vmem>> -> memref<128xi32, #tpu.memory_space<vmem>>
    %dma_start3A_394 = arith.constant 0 : i32
    %dma_start3A_395 = arith.constant 0 : i32
    %dma_start3A_396 = tpu.memref_slice %arg2[%dma_start3A_394, %dma_start3A_395] : memref<1204224x16xi32, #tpu.memory_space<hbm>> -> memref<1204224x16xi32, #tpu.memory_space<hbm>>
    tpu.enqueue_indirect_dma source(%dma_start3A_396 : memref<1204224x16xi32, #tpu.memory_space<hbm>>) target(%dma_start3A_390 : memref<128x16xi32, #tpu.memory_space<vmem>>) offsets(%dma_start3A_393 : memref<128xi32, #tpu.memory_space<vmem>>) semaphore(%arg11 : memref<!tpu.dma_semaphore, #tpu.memory_space<semaphore_mem>>)
    %dma_start3A_397 = arith.constant 2 : i32
    %dma_start3A_398 = arith.constant 6 : i32
    %dma_start3A_399 = arith.constant 6 : i32
    %dma_start3A_400 = arith.constant 256 : i32
    %dma_start3A_401 = arith.constant 0 : i32
    %dma_start3A_402 = tpu.memref_slice %arg9[%dma_start3A_399, %dma_start3A_400, %dma_start3A_401] : memref<12x512x16xi32, #tpu.memory_space<vmem>> -> memref<1x128x16xi32, #tpu.memory_space<vmem>>
    %dma_start3A_403 = tpu.memref_squeeze %dma_start3A_402 : memref<1x128x16xi32, #tpu.memory_space<vmem>> -> memref<128x16xi32, #tpu.memory_space<vmem>>
    %dma_start3A_404 = arith.constant 0 : i32
    %dma_start3A_405 = tpu.memref_slice %arg6[%dma_start3A_397, %dma_start3A_398, %dma_start3A_404] : memref<4x12x128xi32, #tpu.memory_space<vmem>> -> memref<1x1x128xi32, #tpu.memory_space<vmem>>
    %dma_start3A_406 = tpu.memref_squeeze %dma_start3A_405 : memref<1x1x128xi32, #tpu.memory_space<vmem>> -> memref<128xi32, #tpu.memory_space<vmem>>
    %dma_start3A_407 = arith.constant 0 : i32
    %dma_start3A_408 = arith.constant 0 : i32
    %dma_start3A_409 = tpu.memref_slice %arg2[%dma_start3A_407, %dma_start3A_408] : memref<1204224x16xi32, #tpu.memory_space<hbm>> -> memref<1204224x16xi32, #tpu.memory_space<hbm>>
    tpu.enqueue_indirect_dma source(%dma_start3A_409 : memref<1204224x16xi32, #tpu.memory_space<hbm>>) target(%dma_start3A_403 : memref<128x16xi32, #tpu.memory_space<vmem>>) offsets(%dma_start3A_406 : memref<128xi32, #tpu.memory_space<vmem>>) semaphore(%arg11 : memref<!tpu.dma_semaphore, #tpu.memory_space<semaphore_mem>>)
    %dma_start3A_410 = arith.constant 2 : i32
    %dma_start3A_411 = arith.constant 7 : i32
    %dma_start3A_412 = arith.constant 7 : i32
    %dma_start3A_413 = arith.constant 256 : i32
    %dma_start3A_414 = arith.constant 0 : i32
    %dma_start3A_415 = tpu.memref_slice %arg9[%dma_start3A_412, %dma_start3A_413, %dma_start3A_414] : memref<12x512x16xi32, #tpu.memory_space<vmem>> -> memref<1x128x16xi32, #tpu.memory_space<vmem>>
    %dma_start3A_416 = tpu.memref_squeeze %dma_start3A_415 : memref<1x128x16xi32, #tpu.memory_space<vmem>> -> memref<128x16xi32, #tpu.memory_space<vmem>>
    %dma_start3A_417 = arith.constant 0 : i32
    %dma_start3A_418 = tpu.memref_slice %arg6[%dma_start3A_410, %dma_start3A_411, %dma_start3A_417] : memref<4x12x128xi32, #tpu.memory_space<vmem>> -> memref<1x1x128xi32, #tpu.memory_space<vmem>>
    %dma_start3A_419 = tpu.memref_squeeze %dma_start3A_418 : memref<1x1x128xi32, #tpu.memory_space<vmem>> -> memref<128xi32, #tpu.memory_space<vmem>>
    %dma_start3A_420 = arith.constant 0 : i32
    %dma_start3A_421 = arith.constant 0 : i32
    %dma_start3A_422 = tpu.memref_slice %arg2[%dma_start3A_420, %dma_start3A_421] : memref<1204224x16xi32, #tpu.memory_space<hbm>> -> memref<1204224x16xi32, #tpu.memory_space<hbm>>
    tpu.enqueue_indirect_dma source(%dma_start3A_422 : memref<1204224x16xi32, #tpu.memory_space<hbm>>) target(%dma_start3A_416 : memref<128x16xi32, #tpu.memory_space<vmem>>) offsets(%dma_start3A_419 : memref<128xi32, #tpu.memory_space<vmem>>) semaphore(%arg11 : memref<!tpu.dma_semaphore, #tpu.memory_space<semaphore_mem>>)
    %dma_start3A_423 = arith.constant 2 : i32
    %dma_start3A_424 = arith.constant 8 : i32
    %dma_start3A_425 = arith.constant 8 : i32
    %dma_start3A_426 = arith.constant 256 : i32
    %dma_start3A_427 = arith.constant 0 : i32
    %dma_start3A_428 = tpu.memref_slice %arg9[%dma_start3A_425, %dma_start3A_426, %dma_start3A_427] : memref<12x512x16xi32, #tpu.memory_space<vmem>> -> memref<1x128x16xi32, #tpu.memory_space<vmem>>
    %dma_start3A_429 = tpu.memref_squeeze %dma_start3A_428 : memref<1x128x16xi32, #tpu.memory_space<vmem>> -> memref<128x16xi32, #tpu.memory_space<vmem>>
    %dma_start3A_430 = arith.constant 0 : i32
    %dma_start3A_431 = tpu.memref_slice %arg6[%dma_start3A_423, %dma_start3A_424, %dma_start3A_430] : memref<4x12x128xi32, #tpu.memory_space<vmem>> -> memref<1x1x128xi32, #tpu.memory_space<vmem>>
    %dma_start3A_432 = tpu.memref_squeeze %dma_start3A_431 : memref<1x1x128xi32, #tpu.memory_space<vmem>> -> memref<128xi32, #tpu.memory_space<vmem>>
    %dma_start3A_433 = arith.constant 0 : i32
    %dma_start3A_434 = arith.constant 0 : i32
    %dma_start3A_435 = tpu.memref_slice %arg2[%dma_start3A_433, %dma_start3A_434] : memref<1204224x16xi32, #tpu.memory_space<hbm>> -> memref<1204224x16xi32, #tpu.memory_space<hbm>>
    tpu.enqueue_indirect_dma source(%dma_start3A_435 : memref<1204224x16xi32, #tpu.memory_space<hbm>>) target(%dma_start3A_429 : memref<128x16xi32, #tpu.memory_space<vmem>>) offsets(%dma_start3A_432 : memref<128xi32, #tpu.memory_space<vmem>>) semaphore(%arg11 : memref<!tpu.dma_semaphore, #tpu.memory_space<semaphore_mem>>)
    %dma_start3A_436 = arith.constant 2 : i32
    %dma_start3A_437 = arith.constant 9 : i32
    %dma_start3A_438 = arith.constant 9 : i32
    %dma_start3A_439 = arith.constant 256 : i32
    %dma_start3A_440 = arith.constant 0 : i32
    %dma_start3A_441 = tpu.memref_slice %arg9[%dma_start3A_438, %dma_start3A_439, %dma_start3A_440] : memref<12x512x16xi32, #tpu.memory_space<vmem>> -> memref<1x128x16xi32, #tpu.memory_space<vmem>>
    %dma_start3A_442 = tpu.memref_squeeze %dma_start3A_441 : memref<1x128x16xi32, #tpu.memory_space<vmem>> -> memref<128x16xi32, #tpu.memory_space<vmem>>
    %dma_start3A_443 = arith.constant 0 : i32
    %dma_start3A_444 = tpu.memref_slice %arg6[%dma_start3A_436, %dma_start3A_437, %dma_start3A_443] : memref<4x12x128xi32, #tpu.memory_space<vmem>> -> memref<1x1x128xi32, #tpu.memory_space<vmem>>
    %dma_start3A_445 = tpu.memref_squeeze %dma_start3A_444 : memref<1x1x128xi32, #tpu.memory_space<vmem>> -> memref<128xi32, #tpu.memory_space<vmem>>
    %dma_start3A_446 = arith.constant 0 : i32
    %dma_start3A_447 = arith.constant 0 : i32
    %dma_start3A_448 = tpu.memref_slice %arg2[%dma_start3A_446, %dma_start3A_447] : memref<1204224x16xi32, #tpu.memory_space<hbm>> -> memref<1204224x16xi32, #tpu.memory_space<hbm>>
    tpu.enqueue_indirect_dma source(%dma_start3A_448 : memref<1204224x16xi32, #tpu.memory_space<hbm>>) target(%dma_start3A_442 : memref<128x16xi32, #tpu.memory_space<vmem>>) offsets(%dma_start3A_445 : memref<128xi32, #tpu.memory_space<vmem>>) semaphore(%arg11 : memref<!tpu.dma_semaphore, #tpu.memory_space<semaphore_mem>>)
    %dma_start3A_449 = arith.constant 2 : i32
    %dma_start3A_450 = arith.constant 10 : i32
    %dma_start3A_451 = arith.constant 10 : i32
    %dma_start3A_452 = arith.constant 256 : i32
    %dma_start3A_453 = arith.constant 0 : i32
    %dma_start3A_454 = tpu.memref_slice %arg9[%dma_start3A_451, %dma_start3A_452, %dma_start3A_453] : memref<12x512x16xi32, #tpu.memory_space<vmem>> -> memref<1x128x16xi32, #tpu.memory_space<vmem>>
    %dma_start3A_455 = tpu.memref_squeeze %dma_start3A_454 : memref<1x128x16xi32, #tpu.memory_space<vmem>> -> memref<128x16xi32, #tpu.memory_space<vmem>>
    %dma_start3A_456 = arith.constant 0 : i32
    %dma_start3A_457 = tpu.memref_slice %arg6[%dma_start3A_449, %dma_start3A_450, %dma_start3A_456] : memref<4x12x128xi32, #tpu.memory_space<vmem>> -> memref<1x1x128xi32, #tpu.memory_space<vmem>>
    %dma_start3A_458 = tpu.memref_squeeze %dma_start3A_457 : memref<1x1x128xi32, #tpu.memory_space<vmem>> -> memref<128xi32, #tpu.memory_space<vmem>>
    %dma_start3A_459 = arith.constant 0 : i32
    %dma_start3A_460 = arith.constant 0 : i32
    %dma_start3A_461 = tpu.memref_slice %arg2[%dma_start3A_459, %dma_start3A_460] : memref<1204224x16xi32, #tpu.memory_space<hbm>> -> memref<1204224x16xi32, #tpu.memory_space<hbm>>
    tpu.enqueue_indirect_dma source(%dma_start3A_461 : memref<1204224x16xi32, #tpu.memory_space<hbm>>) target(%dma_start3A_455 : memref<128x16xi32, #tpu.memory_space<vmem>>) offsets(%dma_start3A_458 : memref<128xi32, #tpu.memory_space<vmem>>) semaphore(%arg11 : memref<!tpu.dma_semaphore, #tpu.memory_space<semaphore_mem>>)
    %dma_start3A_462 = arith.constant 2 : i32
    %dma_start3A_463 = arith.constant 11 : i32
    %dma_start3A_464 = arith.constant 11 : i32
    %dma_start3A_465 = arith.constant 256 : i32
    %dma_start3A_466 = arith.constant 0 : i32
    %dma_start3A_467 = tpu.memref_slice %arg9[%dma_start3A_464, %dma_start3A_465, %dma_start3A_466] : memref<12x512x16xi32, #tpu.memory_space<vmem>> -> memref<1x128x16xi32, #tpu.memory_space<vmem>>
    %dma_start3A_468 = tpu.memref_squeeze %dma_start3A_467 : memref<1x128x16xi32, #tpu.memory_space<vmem>> -> memref<128x16xi32, #tpu.memory_space<vmem>>
    %dma_start3A_469 = arith.constant 0 : i32
    %dma_start3A_470 = tpu.memref_slice %arg6[%dma_start3A_462, %dma_start3A_463, %dma_start3A_469] : memref<4x12x128xi32, #tpu.memory_space<vmem>> -> memref<1x1x128xi32, #tpu.memory_space<vmem>>
    %dma_start3A_471 = tpu.memref_squeeze %dma_start3A_470 : memref<1x1x128xi32, #tpu.memory_space<vmem>> -> memref<128xi32, #tpu.memory_space<vmem>>
    %dma_start3A_472 = arith.constant 0 : i32
    %dma_start3A_473 = arith.constant 0 : i32
    %dma_start3A_474 = tpu.memref_slice %arg2[%dma_start3A_472, %dma_start3A_473] : memref<1204224x16xi32, #tpu.memory_space<hbm>> -> memref<1204224x16xi32, #tpu.memory_space<hbm>>
    tpu.enqueue_indirect_dma source(%dma_start3A_474 : memref<1204224x16xi32, #tpu.memory_space<hbm>>) target(%dma_start3A_468 : memref<128x16xi32, #tpu.memory_space<vmem>>) offsets(%dma_start3A_471 : memref<128xi32, #tpu.memory_space<vmem>>) semaphore(%arg11 : memref<!tpu.dma_semaphore, #tpu.memory_space<semaphore_mem>>)
    %dma_start3A_475 = arith.constant 3 : i32
    %dma_start3A_476 = arith.constant 0 : i32
    %dma_start3A_477 = arith.constant 0 : i32
    %dma_start3A_478 = arith.constant 384 : i32
    %dma_start3A_479 = arith.constant 0 : i32
    %dma_start3A_480 = tpu.memref_slice %arg9[%dma_start3A_477, %dma_start3A_478, %dma_start3A_479] : memref<12x512x16xi32, #tpu.memory_space<vmem>> -> memref<1x128x16xi32, #tpu.memory_space<vmem>>
    %dma_start3A_481 = tpu.memref_squeeze %dma_start3A_480 : memref<1x128x16xi32, #tpu.memory_space<vmem>> -> memref<128x16xi32, #tpu.memory_space<vmem>>
    %dma_start3A_482 = arith.constant 0 : i32
    %dma_start3A_483 = tpu.memref_slice %arg6[%dma_start3A_475, %dma_start3A_476, %dma_start3A_482] : memref<4x12x128xi32, #tpu.memory_space<vmem>> -> memref<1x1x128xi32, #tpu.memory_space<vmem>>
    %dma_start3A_484 = tpu.memref_squeeze %dma_start3A_483 : memref<1x1x128xi32, #tpu.memory_space<vmem>> -> memref<128xi32, #tpu.memory_space<vmem>>
    %dma_start3A_485 = arith.constant 0 : i32
    %dma_start3A_486 = arith.constant 0 : i32
    %dma_start3A_487 = tpu.memref_slice %arg2[%dma_start3A_485, %dma_start3A_486] : memref<1204224x16xi32, #tpu.memory_space<hbm>> -> memref<1204224x16xi32, #tpu.memory_space<hbm>>
    tpu.enqueue_indirect_dma source(%dma_start3A_487 : memref<1204224x16xi32, #tpu.memory_space<hbm>>) target(%dma_start3A_481 : memref<128x16xi32, #tpu.memory_space<vmem>>) offsets(%dma_start3A_484 : memref<128xi32, #tpu.memory_space<vmem>>) semaphore(%arg11 : memref<!tpu.dma_semaphore, #tpu.memory_space<semaphore_mem>>)
    %dma_start3A_488 = arith.constant 3 : i32
    %dma_start3A_489 = arith.constant 1 : i32
    %dma_start3A_490 = arith.constant 1 : i32
    %dma_start3A_491 = arith.constant 384 : i32
    %dma_start3A_492 = arith.constant 0 : i32
    %dma_start3A_493 = tpu.memref_slice %arg9[%dma_start3A_490, %dma_start3A_491, %dma_start3A_492] : memref<12x512x16xi32, #tpu.memory_space<vmem>> -> memref<1x128x16xi32, #tpu.memory_space<vmem>>
    %dma_start3A_494 = tpu.memref_squeeze %dma_start3A_493 : memref<1x128x16xi32, #tpu.memory_space<vmem>> -> memref<128x16xi32, #tpu.memory_space<vmem>>
    %dma_start3A_495 = arith.constant 0 : i32
    %dma_start3A_496 = tpu.memref_slice %arg6[%dma_start3A_488, %dma_start3A_489, %dma_start3A_495] : memref<4x12x128xi32, #tpu.memory_space<vmem>> -> memref<1x1x128xi32, #tpu.memory_space<vmem>>
    %dma_start3A_497 = tpu.memref_squeeze %dma_start3A_496 : memref<1x1x128xi32, #tpu.memory_space<vmem>> -> memref<128xi32, #tpu.memory_space<vmem>>
    %dma_start3A_498 = arith.constant 0 : i32
    %dma_start3A_499 = arith.constant 0 : i32
    %dma_start3A_500 = tpu.memref_slice %arg2[%dma_start3A_498, %dma_start3A_499] : memref<1204224x16xi32, #tpu.memory_space<hbm>> -> memref<1204224x16xi32, #tpu.memory_space<hbm>>
    tpu.enqueue_indirect_dma source(%dma_start3A_500 : memref<1204224x16xi32, #tpu.memory_space<hbm>>) target(%dma_start3A_494 : memref<128x16xi32, #tpu.memory_space<vmem>>) offsets(%dma_start3A_497 : memref<128xi32, #tpu.memory_space<vmem>>) semaphore(%arg11 : memref<!tpu.dma_semaphore, #tpu.memory_space<semaphore_mem>>)
    %dma_start3A_501 = arith.constant 3 : i32
    %dma_start3A_502 = arith.constant 2 : i32
    %dma_start3A_503 = arith.constant 2 : i32
    %dma_start3A_504 = arith.constant 384 : i32
    %dma_start3A_505 = arith.constant 0 : i32
    %dma_start3A_506 = tpu.memref_slice %arg9[%dma_start3A_503, %dma_start3A_504, %dma_start3A_505] : memref<12x512x16xi32, #tpu.memory_space<vmem>> -> memref<1x128x16xi32, #tpu.memory_space<vmem>>
    %dma_start3A_507 = tpu.memref_squeeze %dma_start3A_506 : memref<1x128x16xi32, #tpu.memory_space<vmem>> -> memref<128x16xi32, #tpu.memory_space<vmem>>
    %dma_start3A_508 = arith.constant 0 : i32
    %dma_start3A_509 = tpu.memref_slice %arg6[%dma_start3A_501, %dma_start3A_502, %dma_start3A_508] : memref<4x12x128xi32, #tpu.memory_space<vmem>> -> memref<1x1x128xi32, #tpu.memory_space<vmem>>
    %dma_start3A_510 = tpu.memref_squeeze %dma_start3A_509 : memref<1x1x128xi32, #tpu.memory_space<vmem>> -> memref<128xi32, #tpu.memory_space<vmem>>
    %dma_start3A_511 = arith.constant 0 : i32
    %dma_start3A_512 = arith.constant 0 : i32
    %dma_start3A_513 = tpu.memref_slice %arg2[%dma_start3A_511, %dma_start3A_512] : memref<1204224x16xi32, #tpu.memory_space<hbm>> -> memref<1204224x16xi32, #tpu.memory_space<hbm>>
    tpu.enqueue_indirect_dma source(%dma_start3A_513 : memref<1204224x16xi32, #tpu.memory_space<hbm>>) target(%dma_start3A_507 : memref<128x16xi32, #tpu.memory_space<vmem>>) offsets(%dma_start3A_510 : memref<128xi32, #tpu.memory_space<vmem>>) semaphore(%arg11 : memref<!tpu.dma_semaphore, #tpu.memory_space<semaphore_mem>>)
    %dma_start3A_514 = arith.constant 3 : i32
    %dma_start3A_515 = arith.constant 3 : i32
    %dma_start3A_516 = arith.constant 3 : i32
    %dma_start3A_517 = arith.constant 384 : i32
    %dma_start3A_518 = arith.constant 0 : i32
    %dma_start3A_519 = tpu.memref_slice %arg9[%dma_start3A_516, %dma_start3A_517, %dma_start3A_518] : memref<12x512x16xi32, #tpu.memory_space<vmem>> -> memref<1x128x16xi32, #tpu.memory_space<vmem>>
    %dma_start3A_520 = tpu.memref_squeeze %dma_start3A_519 : memref<1x128x16xi32, #tpu.memory_space<vmem>> -> memref<128x16xi32, #tpu.memory_space<vmem>>
    %dma_start3A_521 = arith.constant 0 : i32
    %dma_start3A_522 = tpu.memref_slice %arg6[%dma_start3A_514, %dma_start3A_515, %dma_start3A_521] : memref<4x12x128xi32, #tpu.memory_space<vmem>> -> memref<1x1x128xi32, #tpu.memory_space<vmem>>
    %dma_start3A_523 = tpu.memref_squeeze %dma_start3A_522 : memref<1x1x128xi32, #tpu.memory_space<vmem>> -> memref<128xi32, #tpu.memory_space<vmem>>
    %dma_start3A_524 = arith.constant 0 : i32
    %dma_start3A_525 = arith.constant 0 : i32
    %dma_start3A_526 = tpu.memref_slice %arg2[%dma_start3A_524, %dma_start3A_525] : memref<1204224x16xi32, #tpu.memory_space<hbm>> -> memref<1204224x16xi32, #tpu.memory_space<hbm>>
    tpu.enqueue_indirect_dma source(%dma_start3A_526 : memref<1204224x16xi32, #tpu.memory_space<hbm>>) target(%dma_start3A_520 : memref<128x16xi32, #tpu.memory_space<vmem>>) offsets(%dma_start3A_523 : memref<128xi32, #tpu.memory_space<vmem>>) semaphore(%arg11 : memref<!tpu.dma_semaphore, #tpu.memory_space<semaphore_mem>>)
    %dma_start3A_527 = arith.constant 3 : i32
    %dma_start3A_528 = arith.constant 4 : i32
    %dma_start3A_529 = arith.constant 4 : i32
    %dma_start3A_530 = arith.constant 384 : i32
    %dma_start3A_531 = arith.constant 0 : i32
    %dma_start3A_532 = tpu.memref_slice %arg9[%dma_start3A_529, %dma_start3A_530, %dma_start3A_531] : memref<12x512x16xi32, #tpu.memory_space<vmem>> -> memref<1x128x16xi32, #tpu.memory_space<vmem>>
    %dma_start3A_533 = tpu.memref_squeeze %dma_start3A_532 : memref<1x128x16xi32, #tpu.memory_space<vmem>> -> memref<128x16xi32, #tpu.memory_space<vmem>>
    %dma_start3A_534 = arith.constant 0 : i32
    %dma_start3A_535 = tpu.memref_slice %arg6[%dma_start3A_527, %dma_start3A_528, %dma_start3A_534] : memref<4x12x128xi32, #tpu.memory_space<vmem>> -> memref<1x1x128xi32, #tpu.memory_space<vmem>>
    %dma_start3A_536 = tpu.memref_squeeze %dma_start3A_535 : memref<1x1x128xi32, #tpu.memory_space<vmem>> -> memref<128xi32, #tpu.memory_space<vmem>>
    %dma_start3A_537 = arith.constant 0 : i32
    %dma_start3A_538 = arith.constant 0 : i32
    %dma_start3A_539 = tpu.memref_slice %arg2[%dma_start3A_537, %dma_start3A_538] : memref<1204224x16xi32, #tpu.memory_space<hbm>> -> memref<1204224x16xi32, #tpu.memory_space<hbm>>
    tpu.enqueue_indirect_dma source(%dma_start3A_539 : memref<1204224x16xi32, #tpu.memory_space<hbm>>) target(%dma_start3A_533 : memref<128x16xi32, #tpu.memory_space<vmem>>) offsets(%dma_start3A_536 : memref<128xi32, #tpu.memory_space<vmem>>) semaphore(%arg11 : memref<!tpu.dma_semaphore, #tpu.memory_space<semaphore_mem>>)
    %dma_start3A_540 = arith.constant 3 : i32
    %dma_start3A_541 = arith.constant 5 : i32
    %dma_start3A_542 = arith.constant 5 : i32
    %dma_start3A_543 = arith.constant 384 : i32
    %dma_start3A_544 = arith.constant 0 : i32
    %dma_start3A_545 = tpu.memref_slice %arg9[%dma_start3A_542, %dma_start3A_543, %dma_start3A_544] : memref<12x512x16xi32, #tpu.memory_space<vmem>> -> memref<1x128x16xi32, #tpu.memory_space<vmem>>
    %dma_start3A_546 = tpu.memref_squeeze %dma_start3A_545 : memref<1x128x16xi32, #tpu.memory_space<vmem>> -> memref<128x16xi32, #tpu.memory_space<vmem>>
    %dma_start3A_547 = arith.constant 0 : i32
    %dma_start3A_548 = tpu.memref_slice %arg6[%dma_start3A_540, %dma_start3A_541, %dma_start3A_547] : memref<4x12x128xi32, #tpu.memory_space<vmem>> -> memref<1x1x128xi32, #tpu.memory_space<vmem>>
    %dma_start3A_549 = tpu.memref_squeeze %dma_start3A_548 : memref<1x1x128xi32, #tpu.memory_space<vmem>> -> memref<128xi32, #tpu.memory_space<vmem>>
    %dma_start3A_550 = arith.constant 0 : i32
    %dma_start3A_551 = arith.constant 0 : i32
    %dma_start3A_552 = tpu.memref_slice %arg2[%dma_start3A_550, %dma_start3A_551] : memref<1204224x16xi32, #tpu.memory_space<hbm>> -> memref<1204224x16xi32, #tpu.memory_space<hbm>>
    tpu.enqueue_indirect_dma source(%dma_start3A_552 : memref<1204224x16xi32, #tpu.memory_space<hbm>>) target(%dma_start3A_546 : memref<128x16xi32, #tpu.memory_space<vmem>>) offsets(%dma_start3A_549 : memref<128xi32, #tpu.memory_space<vmem>>) semaphore(%arg11 : memref<!tpu.dma_semaphore, #tpu.memory_space<semaphore_mem>>)
    %dma_start3A_553 = arith.constant 3 : i32
    %dma_start3A_554 = arith.constant 6 : i32
    %dma_start3A_555 = arith.constant 6 : i32
    %dma_start3A_556 = arith.constant 384 : i32
    %dma_start3A_557 = arith.constant 0 : i32
    %dma_start3A_558 = tpu.memref_slice %arg9[%dma_start3A_555, %dma_start3A_556, %dma_start3A_557] : memref<12x512x16xi32, #tpu.memory_space<vmem>> -> memref<1x128x16xi32, #tpu.memory_space<vmem>>
    %dma_start3A_559 = tpu.memref_squeeze %dma_start3A_558 : memref<1x128x16xi32, #tpu.memory_space<vmem>> -> memref<128x16xi32, #tpu.memory_space<vmem>>
    %dma_start3A_560 = arith.constant 0 : i32
    %dma_start3A_561 = tpu.memref_slice %arg6[%dma_start3A_553, %dma_start3A_554, %dma_start3A_560] : memref<4x12x128xi32, #tpu.memory_space<vmem>> -> memref<1x1x128xi32, #tpu.memory_space<vmem>>
    %dma_start3A_562 = tpu.memref_squeeze %dma_start3A_561 : memref<1x1x128xi32, #tpu.memory_space<vmem>> -> memref<128xi32, #tpu.memory_space<vmem>>
    %dma_start3A_563 = arith.constant 0 : i32
    %dma_start3A_564 = arith.constant 0 : i32
    %dma_start3A_565 = tpu.memref_slice %arg2[%dma_start3A_563, %dma_start3A_564] : memref<1204224x16xi32, #tpu.memory_space<hbm>> -> memref<1204224x16xi32, #tpu.memory_space<hbm>>
    tpu.enqueue_indirect_dma source(%dma_start3A_565 : memref<1204224x16xi32, #tpu.memory_space<hbm>>) target(%dma_start3A_559 : memref<128x16xi32, #tpu.memory_space<vmem>>) offsets(%dma_start3A_562 : memref<128xi32, #tpu.memory_space<vmem>>) semaphore(%arg11 : memref<!tpu.dma_semaphore, #tpu.memory_space<semaphore_mem>>)
    %dma_start3A_566 = arith.constant 3 : i32
    %dma_start3A_567 = arith.constant 7 : i32
    %dma_start3A_568 = arith.constant 7 : i32
    %dma_start3A_569 = arith.constant 384 : i32
    %dma_start3A_570 = arith.constant 0 : i32
    %dma_start3A_571 = tpu.memref_slice %arg9[%dma_start3A_568, %dma_start3A_569, %dma_start3A_570] : memref<12x512x16xi32, #tpu.memory_space<vmem>> -> memref<1x128x16xi32, #tpu.memory_space<vmem>>
    %dma_start3A_572 = tpu.memref_squeeze %dma_start3A_571 : memref<1x128x16xi32, #tpu.memory_space<vmem>> -> memref<128x16xi32, #tpu.memory_space<vmem>>
    %dma_start3A_573 = arith.constant 0 : i32
    %dma_start3A_574 = tpu.memref_slice %arg6[%dma_start3A_566, %dma_start3A_567, %dma_start3A_573] : memref<4x12x128xi32, #tpu.memory_space<vmem>> -> memref<1x1x128xi32, #tpu.memory_space<vmem>>
    %dma_start3A_575 = tpu.memref_squeeze %dma_start3A_574 : memref<1x1x128xi32, #tpu.memory_space<vmem>> -> memref<128xi32, #tpu.memory_space<vmem>>
    %dma_start3A_576 = arith.constant 0 : i32
    %dma_start3A_577 = arith.constant 0 : i32
    %dma_start3A_578 = tpu.memref_slice %arg2[%dma_start3A_576, %dma_start3A_577] : memref<1204224x16xi32, #tpu.memory_space<hbm>> -> memref<1204224x16xi32, #tpu.memory_space<hbm>>
    tpu.enqueue_indirect_dma source(%dma_start3A_578 : memref<1204224x16xi32, #tpu.memory_space<hbm>>) target(%dma_start3A_572 : memref<128x16xi32, #tpu.memory_space<vmem>>) offsets(%dma_start3A_575 : memref<128xi32, #tpu.memory_space<vmem>>) semaphore(%arg11 : memref<!tpu.dma_semaphore, #tpu.memory_space<semaphore_mem>>)
    %dma_start3A_579 = arith.constant 3 : i32
    %dma_start3A_580 = arith.constant 8 : i32
    %dma_start3A_581 = arith.constant 8 : i32
    %dma_start3A_582 = arith.constant 384 : i32
    %dma_start3A_583 = arith.constant 0 : i32
    %dma_start3A_584 = tpu.memref_slice %arg9[%dma_start3A_581, %dma_start3A_582, %dma_start3A_583] : memref<12x512x16xi32, #tpu.memory_space<vmem>> -> memref<1x128x16xi32, #tpu.memory_space<vmem>>
    %dma_start3A_585 = tpu.memref_squeeze %dma_start3A_584 : memref<1x128x16xi32, #tpu.memory_space<vmem>> -> memref<128x16xi32, #tpu.memory_space<vmem>>
    %dma_start3A_586 = arith.constant 0 : i32
    %dma_start3A_587 = tpu.memref_slice %arg6[%dma_start3A_579, %dma_start3A_580, %dma_start3A_586] : memref<4x12x128xi32, #tpu.memory_space<vmem>> -> memref<1x1x128xi32, #tpu.memory_space<vmem>>
    %dma_start3A_588 = tpu.memref_squeeze %dma_start3A_587 : memref<1x1x128xi32, #tpu.memory_space<vmem>> -> memref<128xi32, #tpu.memory_space<vmem>>
    %dma_start3A_589 = arith.constant 0 : i32
    %dma_start3A_590 = arith.constant 0 : i32
    %dma_start3A_591 = tpu.memref_slice %arg2[%dma_start3A_589, %dma_start3A_590] : memref<1204224x16xi32, #tpu.memory_space<hbm>> -> memref<1204224x16xi32, #tpu.memory_space<hbm>>
    tpu.enqueue_indirect_dma source(%dma_start3A_591 : memref<1204224x16xi32, #tpu.memory_space<hbm>>) target(%dma_start3A_585 : memref<128x16xi32, #tpu.memory_space<vmem>>) offsets(%dma_start3A_588 : memref<128xi32, #tpu.memory_space<vmem>>) semaphore(%arg11 : memref<!tpu.dma_semaphore, #tpu.memory_space<semaphore_mem>>)
    %dma_start3A_592 = arith.constant 3 : i32
    %dma_start3A_593 = arith.constant 9 : i32
    %dma_start3A_594 = arith.constant 9 : i32
    %dma_start3A_595 = arith.constant 384 : i32
    %dma_start3A_596 = arith.constant 0 : i32
    %dma_start3A_597 = tpu.memref_slice %arg9[%dma_start3A_594, %dma_start3A_595, %dma_start3A_596] : memref<12x512x16xi32, #tpu.memory_space<vmem>> -> memref<1x128x16xi32, #tpu.memory_space<vmem>>
    %dma_start3A_598 = tpu.memref_squeeze %dma_start3A_597 : memref<1x128x16xi32, #tpu.memory_space<vmem>> -> memref<128x16xi32, #tpu.memory_space<vmem>>
    %dma_start3A_599 = arith.constant 0 : i32
    %dma_start3A_600 = tpu.memref_slice %arg6[%dma_start3A_592, %dma_start3A_593, %dma_start3A_599] : memref<4x12x128xi32, #tpu.memory_space<vmem>> -> memref<1x1x128xi32, #tpu.memory_space<vmem>>
    %dma_start3A_601 = tpu.memref_squeeze %dma_start3A_600 : memref<1x1x128xi32, #tpu.memory_space<vmem>> -> memref<128xi32, #tpu.memory_space<vmem>>
    %dma_start3A_602 = arith.constant 0 : i32
    %dma_start3A_603 = arith.constant 0 : i32
    %dma_start3A_604 = tpu.memref_slice %arg2[%dma_start3A_602, %dma_start3A_603] : memref<1204224x16xi32, #tpu.memory_space<hbm>> -> memref<1204224x16xi32, #tpu.memory_space<hbm>>
    tpu.enqueue_indirect_dma source(%dma_start3A_604 : memref<1204224x16xi32, #tpu.memory_space<hbm>>) target(%dma_start3A_598 : memref<128x16xi32, #tpu.memory_space<vmem>>) offsets(%dma_start3A_601 : memref<128xi32, #tpu.memory_space<vmem>>) semaphore(%arg11 : memref<!tpu.dma_semaphore, #tpu.memory_space<semaphore_mem>>)
    %dma_start3A_605 = arith.constant 3 : i32
    %dma_start3A_606 = arith.constant 10 : i32
    %dma_start3A_607 = arith.constant 10 : i32
    %dma_start3A_608 = arith.constant 384 : i32
    %dma_start3A_609 = arith.constant 0 : i32
    %dma_start3A_610 = tpu.memref_slice %arg9[%dma_start3A_607, %dma_start3A_608, %dma_start3A_609] : memref<12x512x16xi32, #tpu.memory_space<vmem>> -> memref<1x128x16xi32, #tpu.memory_space<vmem>>
    %dma_start3A_611 = tpu.memref_squeeze %dma_start3A_610 : memref<1x128x16xi32, #tpu.memory_space<vmem>> -> memref<128x16xi32, #tpu.memory_space<vmem>>
    %dma_start3A_612 = arith.constant 0 : i32
    %dma_start3A_613 = tpu.memref_slice %arg6[%dma_start3A_605, %dma_start3A_606, %dma_start3A_612] : memref<4x12x128xi32, #tpu.memory_space<vmem>> -> memref<1x1x128xi32, #tpu.memory_space<vmem>>
    %dma_start3A_614 = tpu.memref_squeeze %dma_start3A_613 : memref<1x1x128xi32, #tpu.memory_space<vmem>> -> memref<128xi32, #tpu.memory_space<vmem>>
    %dma_start3A_615 = arith.constant 0 : i32
    %dma_start3A_616 = arith.constant 0 : i32
    %dma_start3A_617 = tpu.memref_slice %arg2[%dma_start3A_615, %dma_start3A_616] : memref<1204224x16xi32, #tpu.memory_space<hbm>> -> memref<1204224x16xi32, #tpu.memory_space<hbm>>
    tpu.enqueue_indirect_dma source(%dma_start3A_617 : memref<1204224x16xi32, #tpu.memory_space<hbm>>) target(%dma_start3A_611 : memref<128x16xi32, #tpu.memory_space<vmem>>) offsets(%dma_start3A_614 : memref<128xi32, #tpu.memory_space<vmem>>) semaphore(%arg11 : memref<!tpu.dma_semaphore, #tpu.memory_space<semaphore_mem>>)
    %dma_start3A_618 = arith.constant 3 : i32
    %dma_start3A_619 = arith.constant 11 : i32
    %dma_start3A_620 = arith.constant 11 : i32
    %dma_start3A_621 = arith.constant 384 : i32
    %dma_start3A_622 = arith.constant 0 : i32
    %dma_start3A_623 = tpu.memref_slice %arg9[%dma_start3A_620, %dma_start3A_621, %dma_start3A_622] : memref<12x512x16xi32, #tpu.memory_space<vmem>> -> memref<1x128x16xi32, #tpu.memory_space<vmem>>
    %dma_start3A_624 = tpu.memref_squeeze %dma_start3A_623 : memref<1x128x16xi32, #tpu.memory_space<vmem>> -> memref<128x16xi32, #tpu.memory_space<vmem>>
    %dma_start3A_625 = arith.constant 0 : i32
    %dma_start3A_626 = tpu.memref_slice %arg6[%dma_start3A_618, %dma_start3A_619, %dma_start3A_625] : memref<4x12x128xi32, #tpu.memory_space<vmem>> -> memref<1x1x128xi32, #tpu.memory_space<vmem>>
    %dma_start3A_627 = tpu.memref_squeeze %dma_start3A_626 : memref<1x1x128xi32, #tpu.memory_space<vmem>> -> memref<128xi32, #tpu.memory_space<vmem>>
    %dma_start3A_628 = arith.constant 0 : i32
    %dma_start3A_629 = arith.constant 0 : i32
    %dma_start3A_630 = tpu.memref_slice %arg2[%dma_start3A_628, %dma_start3A_629] : memref<1204224x16xi32, #tpu.memory_space<hbm>> -> memref<1204224x16xi32, #tpu.memory_space<hbm>>
    tpu.enqueue_indirect_dma source(%dma_start3A_630 : memref<1204224x16xi32, #tpu.memory_space<hbm>>) target(%dma_start3A_624 : memref<128x16xi32, #tpu.memory_space<vmem>>) offsets(%dma_start3A_627 : memref<128xi32, #tpu.memory_space<vmem>>) semaphore(%arg11 : memref<!tpu.dma_semaphore, #tpu.memory_space<semaphore_mem>>)
    %dma_wait3A = arith.constant 0 : i32
    %dma_wait3A_631 = arith.constant 0 : i32
    %dma_wait3A_632 = arith.constant 0 : i32
    %dma_wait3A_633 = arith.constant 0 : i32
    %dma_wait3A_634 = arith.constant 0 : i32
    %dma_wait3A_635 = tpu.memref_slice %arg9[%dma_wait3A_632, %dma_wait3A_633, %dma_wait3A_634] : memref<12x512x16xi32, #tpu.memory_space<vmem>> -> memref<1x128x16xi32, #tpu.memory_space<vmem>>
    %dma_wait3A_636 = tpu.memref_squeeze %dma_wait3A_635 : memref<1x128x16xi32, #tpu.memory_space<vmem>> -> memref<128x16xi32, #tpu.memory_space<vmem>>
    %dma_wait3A_637 = arith.constant 0 : i32
    %dma_wait3A_638 = tpu.memref_slice %arg6[%dma_wait3A, %dma_wait3A_631, %dma_wait3A_637] : memref<4x12x128xi32, #tpu.memory_space<vmem>> -> memref<1x1x128xi32, #tpu.memory_space<vmem>>
    %dma_wait3A_639 = tpu.memref_squeeze %dma_wait3A_638 : memref<1x1x128xi32, #tpu.memory_space<vmem>> -> memref<128xi32, #tpu.memory_space<vmem>>
    %dma_wait3A_640 = arith.constant 0 : i32
    %dma_wait3A_641 = arith.constant 0 : i32
    %dma_wait3A_642 = tpu.memref_slice %arg2[%dma_wait3A_640, %dma_wait3A_641] : memref<1204224x16xi32, #tpu.memory_space<hbm>> -> memref<1204224x16xi32, #tpu.memory_space<hbm>>
    tpu.wait_indirect_dma semaphore(%arg11 : memref<!tpu.dma_semaphore, #tpu.memory_space<semaphore_mem>>) src(%dma_wait3A_642 : memref<1204224x16xi32, #tpu.memory_space<hbm>>) dst(%dma_wait3A_636 : memref<128x16xi32, #tpu.memory_space<vmem>>)
    %dma_wait3A_643 = arith.constant 0 : i32
    %dma_wait3A_644 = arith.constant 1 : i32
    %dma_wait3A_645 = arith.constant 1 : i32
    %dma_wait3A_646 = arith.constant 0 : i32
    %dma_wait3A_647 = arith.constant 0 : i32
    %dma_wait3A_648 = tpu.memref_slice %arg9[%dma_wait3A_645, %dma_wait3A_646, %dma_wait3A_647] : memref<12x512x16xi32, #tpu.memory_space<vmem>> -> memref<1x128x16xi32, #tpu.memory_space<vmem>>
    %dma_wait3A_649 = tpu.memref_squeeze %dma_wait3A_648 : memref<1x128x16xi32, #tpu.memory_space<vmem>> -> memref<128x16xi32, #tpu.memory_space<vmem>>
    %dma_wait3A_650 = arith.constant 0 : i32
    %dma_wait3A_651 = tpu.memref_slice %arg6[%dma_wait3A_643, %dma_wait3A_644, %dma_wait3A_650] : memref<4x12x128xi32, #tpu.memory_space<vmem>> -> memref<1x1x128xi32, #tpu.memory_space<vmem>>
    %dma_wait3A_652 = tpu.memref_squeeze %dma_wait3A_651 : memref<1x1x128xi32, #tpu.memory_space<vmem>> -> memref<128xi32, #tpu.memory_space<vmem>>
    %dma_wait3A_653 = arith.constant 0 : i32
    %dma_wait3A_654 = arith.constant 0 : i32
    %dma_wait3A_655 = tpu.memref_slice %arg2[%dma_wait3A_653, %dma_wait3A_654] : memref<1204224x16xi32, #tpu.memory_space<hbm>> -> memref<1204224x16xi32, #tpu.memory_space<hbm>>
    tpu.wait_indirect_dma semaphore(%arg11 : memref<!tpu.dma_semaphore, #tpu.memory_space<semaphore_mem>>) src(%dma_wait3A_655 : memref<1204224x16xi32, #tpu.memory_space<hbm>>) dst(%dma_wait3A_649 : memref<128x16xi32, #tpu.memory_space<vmem>>)
    %dma_wait3A_656 = arith.constant 0 : i32
    %dma_wait3A_657 = arith.constant 2 : i32
    %dma_wait3A_658 = arith.constant 2 : i32
    %dma_wait3A_659 = arith.constant 0 : i32
    %dma_wait3A_660 = arith.constant 0 : i32
    %dma_wait3A_661 = tpu.memref_slice %arg9[%dma_wait3A_658, %dma_wait3A_659, %dma_wait3A_660] : memref<12x512x16xi32, #tpu.memory_space<vmem>> -> memref<1x128x16xi32, #tpu.memory_space<vmem>>
    %dma_wait3A_662 = tpu.memref_squeeze %dma_wait3A_661 : memref<1x128x16xi32, #tpu.memory_space<vmem>> -> memref<128x16xi32, #tpu.memory_space<vmem>>
    %dma_wait3A_663 = arith.constant 0 : i32
    %dma_wait3A_664 = tpu.memref_slice %arg6[%dma_wait3A_656, %dma_wait3A_657, %dma_wait3A_663] : memref<4x12x128xi32, #tpu.memory_space<vmem>> -> memref<1x1x128xi32, #tpu.memory_space<vmem>>
    %dma_wait3A_665 = tpu.memref_squeeze %dma_wait3A_664 : memref<1x1x128xi32, #tpu.memory_space<vmem>> -> memref<128xi32, #tpu.memory_space<vmem>>
    %dma_wait3A_666 = arith.constant 0 : i32
    %dma_wait3A_667 = arith.constant 0 : i32
    %dma_wait3A_668 = tpu.memref_slice %arg2[%dma_wait3A_666, %dma_wait3A_667] : memref<1204224x16xi32, #tpu.memory_space<hbm>> -> memref<1204224x16xi32, #tpu.memory_space<hbm>>
    tpu.wait_indirect_dma semaphore(%arg11 : memref<!tpu.dma_semaphore, #tpu.memory_space<semaphore_mem>>) src(%dma_wait3A_668 : memref<1204224x16xi32, #tpu.memory_space<hbm>>) dst(%dma_wait3A_662 : memref<128x16xi32, #tpu.memory_space<vmem>>)
    %dma_wait3A_669 = arith.constant 0 : i32
    %dma_wait3A_670 = arith.constant 3 : i32
    %dma_wait3A_671 = arith.constant 3 : i32
    %dma_wait3A_672 = arith.constant 0 : i32
    %dma_wait3A_673 = arith.constant 0 : i32
    %dma_wait3A_674 = tpu.memref_slice %arg9[%dma_wait3A_671, %dma_wait3A_672, %dma_wait3A_673] : memref<12x512x16xi32, #tpu.memory_space<vmem>> -> memref<1x128x16xi32, #tpu.memory_space<vmem>>
    %dma_wait3A_675 = tpu.memref_squeeze %dma_wait3A_674 : memref<1x128x16xi32, #tpu.memory_space<vmem>> -> memref<128x16xi32, #tpu.memory_space<vmem>>
    %dma_wait3A_676 = arith.constant 0 : i32
    %dma_wait3A_677 = tpu.memref_slice %arg6[%dma_wait3A_669, %dma_wait3A_670, %dma_wait3A_676] : memref<4x12x128xi32, #tpu.memory_space<vmem>> -> memref<1x1x128xi32, #tpu.memory_space<vmem>>
    %dma_wait3A_678 = tpu.memref_squeeze %dma_wait3A_677 : memref<1x1x128xi32, #tpu.memory_space<vmem>> -> memref<128xi32, #tpu.memory_space<vmem>>
    %dma_wait3A_679 = arith.constant 0 : i32
    %dma_wait3A_680 = arith.constant 0 : i32
    %dma_wait3A_681 = tpu.memref_slice %arg2[%dma_wait3A_679, %dma_wait3A_680] : memref<1204224x16xi32, #tpu.memory_space<hbm>> -> memref<1204224x16xi32, #tpu.memory_space<hbm>>
    tpu.wait_indirect_dma semaphore(%arg11 : memref<!tpu.dma_semaphore, #tpu.memory_space<semaphore_mem>>) src(%dma_wait3A_681 : memref<1204224x16xi32, #tpu.memory_space<hbm>>) dst(%dma_wait3A_675 : memref<128x16xi32, #tpu.memory_space<vmem>>)
    %dma_wait3A_682 = arith.constant 0 : i32
    %dma_wait3A_683 = arith.constant 4 : i32
    %dma_wait3A_684 = arith.constant 4 : i32
    %dma_wait3A_685 = arith.constant 0 : i32
    %dma_wait3A_686 = arith.constant 0 : i32
    %dma_wait3A_687 = tpu.memref_slice %arg9[%dma_wait3A_684, %dma_wait3A_685, %dma_wait3A_686] : memref<12x512x16xi32, #tpu.memory_space<vmem>> -> memref<1x128x16xi32, #tpu.memory_space<vmem>>
    %dma_wait3A_688 = tpu.memref_squeeze %dma_wait3A_687 : memref<1x128x16xi32, #tpu.memory_space<vmem>> -> memref<128x16xi32, #tpu.memory_space<vmem>>
    %dma_wait3A_689 = arith.constant 0 : i32
    %dma_wait3A_690 = tpu.memref_slice %arg6[%dma_wait3A_682, %dma_wait3A_683, %dma_wait3A_689] : memref<4x12x128xi32, #tpu.memory_space<vmem>> -> memref<1x1x128xi32, #tpu.memory_space<vmem>>
    %dma_wait3A_691 = tpu.memref_squeeze %dma_wait3A_690 : memref<1x1x128xi32, #tpu.memory_space<vmem>> -> memref<128xi32, #tpu.memory_space<vmem>>
    %dma_wait3A_692 = arith.constant 0 : i32
    %dma_wait3A_693 = arith.constant 0 : i32
    %dma_wait3A_694 = tpu.memref_slice %arg2[%dma_wait3A_692, %dma_wait3A_693] : memref<1204224x16xi32, #tpu.memory_space<hbm>> -> memref<1204224x16xi32, #tpu.memory_space<hbm>>
    tpu.wait_indirect_dma semaphore(%arg11 : memref<!tpu.dma_semaphore, #tpu.memory_space<semaphore_mem>>) src(%dma_wait3A_694 : memref<1204224x16xi32, #tpu.memory_space<hbm>>) dst(%dma_wait3A_688 : memref<128x16xi32, #tpu.memory_space<vmem>>)
    %dma_wait3A_695 = arith.constant 0 : i32
    %dma_wait3A_696 = arith.constant 5 : i32
    %dma_wait3A_697 = arith.constant 5 : i32
    %dma_wait3A_698 = arith.constant 0 : i32
    %dma_wait3A_699 = arith.constant 0 : i32
    %dma_wait3A_700 = tpu.memref_slice %arg9[%dma_wait3A_697, %dma_wait3A_698, %dma_wait3A_699] : memref<12x512x16xi32, #tpu.memory_space<vmem>> -> memref<1x128x16xi32, #tpu.memory_space<vmem>>
    %dma_wait3A_701 = tpu.memref_squeeze %dma_wait3A_700 : memref<1x128x16xi32, #tpu.memory_space<vmem>> -> memref<128x16xi32, #tpu.memory_space<vmem>>
    %dma_wait3A_702 = arith.constant 0 : i32
    %dma_wait3A_703 = tpu.memref_slice %arg6[%dma_wait3A_695, %dma_wait3A_696, %dma_wait3A_702] : memref<4x12x128xi32, #tpu.memory_space<vmem>> -> memref<1x1x128xi32, #tpu.memory_space<vmem>>
    %dma_wait3A_704 = tpu.memref_squeeze %dma_wait3A_703 : memref<1x1x128xi32, #tpu.memory_space<vmem>> -> memref<128xi32, #tpu.memory_space<vmem>>
    %dma_wait3A_705 = arith.constant 0 : i32
    %dma_wait3A_706 = arith.constant 0 : i32
    %dma_wait3A_707 = tpu.memref_slice %arg2[%dma_wait3A_705, %dma_wait3A_706] : memref<1204224x16xi32, #tpu.memory_space<hbm>> -> memref<1204224x16xi32, #tpu.memory_space<hbm>>
    tpu.wait_indirect_dma semaphore(%arg11 : memref<!tpu.dma_semaphore, #tpu.memory_space<semaphore_mem>>) src(%dma_wait3A_707 : memref<1204224x16xi32, #tpu.memory_space<hbm>>) dst(%dma_wait3A_701 : memref<128x16xi32, #tpu.memory_space<vmem>>)
    %dma_wait3A_708 = arith.constant 0 : i32
    %dma_wait3A_709 = arith.constant 6 : i32
    %dma_wait3A_710 = arith.constant 6 : i32
    %dma_wait3A_711 = arith.constant 0 : i32
    %dma_wait3A_712 = arith.constant 0 : i32
    %dma_wait3A_713 = tpu.memref_slice %arg9[%dma_wait3A_710, %dma_wait3A_711, %dma_wait3A_712] : memref<12x512x16xi32, #tpu.memory_space<vmem>> -> memref<1x128x16xi32, #tpu.memory_space<vmem>>
    %dma_wait3A_714 = tpu.memref_squeeze %dma_wait3A_713 : memref<1x128x16xi32, #tpu.memory_space<vmem>> -> memref<128x16xi32, #tpu.memory_space<vmem>>
    %dma_wait3A_715 = arith.constant 0 : i32
    %dma_wait3A_716 = tpu.memref_slice %arg6[%dma_wait3A_708, %dma_wait3A_709, %dma_wait3A_715] : memref<4x12x128xi32, #tpu.memory_space<vmem>> -> memref<1x1x128xi32, #tpu.memory_space<vmem>>
    %dma_wait3A_717 = tpu.memref_squeeze %dma_wait3A_716 : memref<1x1x128xi32, #tpu.memory_space<vmem>> -> memref<128xi32, #tpu.memory_space<vmem>>
    %dma_wait3A_718 = arith.constant 0 : i32
    %dma_wait3A_719 = arith.constant 0 : i32
    %dma_wait3A_720 = tpu.memref_slice %arg2[%dma_wait3A_718, %dma_wait3A_719] : memref<1204224x16xi32, #tpu.memory_space<hbm>> -> memref<1204224x16xi32, #tpu.memory_space<hbm>>
    tpu.wait_indirect_dma semaphore(%arg11 : memref<!tpu.dma_semaphore, #tpu.memory_space<semaphore_mem>>) src(%dma_wait3A_720 : memref<1204224x16xi32, #tpu.memory_space<hbm>>) dst(%dma_wait3A_714 : memref<128x16xi32, #tpu.memory_space<vmem>>)
    %dma_wait3A_721 = arith.constant 0 : i32
    %dma_wait3A_722 = arith.constant 7 : i32
    %dma_wait3A_723 = arith.constant 7 : i32
    %dma_wait3A_724 = arith.constant 0 : i32
    %dma_wait3A_725 = arith.constant 0 : i32
    %dma_wait3A_726 = tpu.memref_slice %arg9[%dma_wait3A_723, %dma_wait3A_724, %dma_wait3A_725] : memref<12x512x16xi32, #tpu.memory_space<vmem>> -> memref<1x128x16xi32, #tpu.memory_space<vmem>>
    %dma_wait3A_727 = tpu.memref_squeeze %dma_wait3A_726 : memref<1x128x16xi32, #tpu.memory_space<vmem>> -> memref<128x16xi32, #tpu.memory_space<vmem>>
    %dma_wait3A_728 = arith.constant 0 : i32
    %dma_wait3A_729 = tpu.memref_slice %arg6[%dma_wait3A_721, %dma_wait3A_722, %dma_wait3A_728] : memref<4x12x128xi32, #tpu.memory_space<vmem>> -> memref<1x1x128xi32, #tpu.memory_space<vmem>>
    %dma_wait3A_730 = tpu.memref_squeeze %dma_wait3A_729 : memref<1x1x128xi32, #tpu.memory_space<vmem>> -> memref<128xi32, #tpu.memory_space<vmem>>
    %dma_wait3A_731 = arith.constant 0 : i32
    %dma_wait3A_732 = arith.constant 0 : i32
    %dma_wait3A_733 = tpu.memref_slice %arg2[%dma_wait3A_731, %dma_wait3A_732] : memref<1204224x16xi32, #tpu.memory_space<hbm>> -> memref<1204224x16xi32, #tpu.memory_space<hbm>>
    tpu.wait_indirect_dma semaphore(%arg11 : memref<!tpu.dma_semaphore, #tpu.memory_space<semaphore_mem>>) src(%dma_wait3A_733 : memref<1204224x16xi32, #tpu.memory_space<hbm>>) dst(%dma_wait3A_727 : memref<128x16xi32, #tpu.memory_space<vmem>>)
    %dma_wait3A_734 = arith.constant 0 : i32
    %dma_wait3A_735 = arith.constant 8 : i32
    %dma_wait3A_736 = arith.constant 8 : i32
    %dma_wait3A_737 = arith.constant 0 : i32
    %dma_wait3A_738 = arith.constant 0 : i32
    %dma_wait3A_739 = tpu.memref_slice %arg9[%dma_wait3A_736, %dma_wait3A_737, %dma_wait3A_738] : memref<12x512x16xi32, #tpu.memory_space<vmem>> -> memref<1x128x16xi32, #tpu.memory_space<vmem>>
    %dma_wait3A_740 = tpu.memref_squeeze %dma_wait3A_739 : memref<1x128x16xi32, #tpu.memory_space<vmem>> -> memref<128x16xi32, #tpu.memory_space<vmem>>
    %dma_wait3A_741 = arith.constant 0 : i32
    %dma_wait3A_742 = tpu.memref_slice %arg6[%dma_wait3A_734, %dma_wait3A_735, %dma_wait3A_741] : memref<4x12x128xi32, #tpu.memory_space<vmem>> -> memref<1x1x128xi32, #tpu.memory_space<vmem>>
    %dma_wait3A_743 = tpu.memref_squeeze %dma_wait3A_742 : memref<1x1x128xi32, #tpu.memory_space<vmem>> -> memref<128xi32, #tpu.memory_space<vmem>>
    %dma_wait3A_744 = arith.constant 0 : i32
    %dma_wait3A_745 = arith.constant 0 : i32
    %dma_wait3A_746 = tpu.memref_slice %arg2[%dma_wait3A_744, %dma_wait3A_745] : memref<1204224x16xi32, #tpu.memory_space<hbm>> -> memref<1204224x16xi32, #tpu.memory_space<hbm>>
    tpu.wait_indirect_dma semaphore(%arg11 : memref<!tpu.dma_semaphore, #tpu.memory_space<semaphore_mem>>) src(%dma_wait3A_746 : memref<1204224x16xi32, #tpu.memory_space<hbm>>) dst(%dma_wait3A_740 : memref<128x16xi32, #tpu.memory_space<vmem>>)
    %dma_wait3A_747 = arith.constant 0 : i32
    %dma_wait3A_748 = arith.constant 9 : i32
    %dma_wait3A_749 = arith.constant 9 : i32
    %dma_wait3A_750 = arith.constant 0 : i32
    %dma_wait3A_751 = arith.constant 0 : i32
    %dma_wait3A_752 = tpu.memref_slice %arg9[%dma_wait3A_749, %dma_wait3A_750, %dma_wait3A_751] : memref<12x512x16xi32, #tpu.memory_space<vmem>> -> memref<1x128x16xi32, #tpu.memory_space<vmem>>
    %dma_wait3A_753 = tpu.memref_squeeze %dma_wait3A_752 : memref<1x128x16xi32, #tpu.memory_space<vmem>> -> memref<128x16xi32, #tpu.memory_space<vmem>>
    %dma_wait3A_754 = arith.constant 0 : i32
    %dma_wait3A_755 = tpu.memref_slice %arg6[%dma_wait3A_747, %dma_wait3A_748, %dma_wait3A_754] : memref<4x12x128xi32, #tpu.memory_space<vmem>> -> memref<1x1x128xi32, #tpu.memory_space<vmem>>
    %dma_wait3A_756 = tpu.memref_squeeze %dma_wait3A_755 : memref<1x1x128xi32, #tpu.memory_space<vmem>> -> memref<128xi32, #tpu.memory_space<vmem>>
    %dma_wait3A_757 = arith.constant 0 : i32
    %dma_wait3A_758 = arith.constant 0 : i32
    %dma_wait3A_759 = tpu.memref_slice %arg2[%dma_wait3A_757, %dma_wait3A_758] : memref<1204224x16xi32, #tpu.memory_space<hbm>> -> memref<1204224x16xi32, #tpu.memory_space<hbm>>
    tpu.wait_indirect_dma semaphore(%arg11 : memref<!tpu.dma_semaphore, #tpu.memory_space<semaphore_mem>>) src(%dma_wait3A_759 : memref<1204224x16xi32, #tpu.memory_space<hbm>>) dst(%dma_wait3A_753 : memref<128x16xi32, #tpu.memory_space<vmem>>)
    %dma_wait3A_760 = arith.constant 0 : i32
    %dma_wait3A_761 = arith.constant 10 : i32
    %dma_wait3A_762 = arith.constant 10 : i32
    %dma_wait3A_763 = arith.constant 0 : i32
    %dma_wait3A_764 = arith.constant 0 : i32
    %dma_wait3A_765 = tpu.memref_slice %arg9[%dma_wait3A_762, %dma_wait3A_763, %dma_wait3A_764] : memref<12x512x16xi32, #tpu.memory_space<vmem>> -> memref<1x128x16xi32, #tpu.memory_space<vmem>>
    %dma_wait3A_766 = tpu.memref_squeeze %dma_wait3A_765 : memref<1x128x16xi32, #tpu.memory_space<vmem>> -> memref<128x16xi32, #tpu.memory_space<vmem>>
    %dma_wait3A_767 = arith.constant 0 : i32
    %dma_wait3A_768 = tpu.memref_slice %arg6[%dma_wait3A_760, %dma_wait3A_761, %dma_wait3A_767] : memref<4x12x128xi32, #tpu.memory_space<vmem>> -> memref<1x1x128xi32, #tpu.memory_space<vmem>>
    %dma_wait3A_769 = tpu.memref_squeeze %dma_wait3A_768 : memref<1x1x128xi32, #tpu.memory_space<vmem>> -> memref<128xi32, #tpu.memory_space<vmem>>
    %dma_wait3A_770 = arith.constant 0 : i32
    %dma_wait3A_771 = arith.constant 0 : i32
    %dma_wait3A_772 = tpu.memref_slice %arg2[%dma_wait3A_770, %dma_wait3A_771] : memref<1204224x16xi32, #tpu.memory_space<hbm>> -> memref<1204224x16xi32, #tpu.memory_space<hbm>>
    tpu.wait_indirect_dma semaphore(%arg11 : memref<!tpu.dma_semaphore, #tpu.memory_space<semaphore_mem>>) src(%dma_wait3A_772 : memref<1204224x16xi32, #tpu.memory_space<hbm>>) dst(%dma_wait3A_766 : memref<128x16xi32, #tpu.memory_space<vmem>>)
    %dma_wait3A_773 = arith.constant 0 : i32
    %dma_wait3A_774 = arith.constant 11 : i32
    %dma_wait3A_775 = arith.constant 11 : i32
    %dma_wait3A_776 = arith.constant 0 : i32
    %dma_wait3A_777 = arith.constant 0 : i32
    %dma_wait3A_778 = tpu.memref_slice %arg9[%dma_wait3A_775, %dma_wait3A_776, %dma_wait3A_777] : memref<12x512x16xi32, #tpu.memory_space<vmem>> -> memref<1x128x16xi32, #tpu.memory_space<vmem>>
    %dma_wait3A_779 = tpu.memref_squeeze %dma_wait3A_778 : memref<1x128x16xi32, #tpu.memory_space<vmem>> -> memref<128x16xi32, #tpu.memory_space<vmem>>
    %dma_wait3A_780 = arith.constant 0 : i32
    %dma_wait3A_781 = tpu.memref_slice %arg6[%dma_wait3A_773, %dma_wait3A_774, %dma_wait3A_780] : memref<4x12x128xi32, #tpu.memory_space<vmem>> -> memref<1x1x128xi32, #tpu.memory_space<vmem>>
    %dma_wait3A_782 = tpu.memref_squeeze %dma_wait3A_781 : memref<1x1x128xi32, #tpu.memory_space<vmem>> -> memref<128xi32, #tpu.memory_space<vmem>>
    %dma_wait3A_783 = arith.constant 0 : i32
    %dma_wait3A_784 = arith.constant 0 : i32
    %dma_wait3A_785 = tpu.memref_slice %arg2[%dma_wait3A_783, %dma_wait3A_784] : memref<1204224x16xi32, #tpu.memory_space<hbm>> -> memref<1204224x16xi32, #tpu.memory_space<hbm>>
    tpu.wait_indirect_dma semaphore(%arg11 : memref<!tpu.dma_semaphore, #tpu.memory_space<semaphore_mem>>) src(%dma_wait3A_785 : memref<1204224x16xi32, #tpu.memory_space<hbm>>) dst(%dma_wait3A_779 : memref<128x16xi32, #tpu.memory_space<vmem>>)
    %dma_wait3A_786 = arith.constant 1 : i32
    %dma_wait3A_787 = arith.constant 0 : i32
    %dma_wait3A_788 = arith.constant 0 : i32
    %dma_wait3A_789 = arith.constant 128 : i32
    %dma_wait3A_790 = arith.constant 0 : i32
    %dma_wait3A_791 = tpu.memref_slice %arg9[%dma_wait3A_788, %dma_wait3A_789, %dma_wait3A_790] : memref<12x512x16xi32, #tpu.memory_space<vmem>> -> memref<1x128x16xi32, #tpu.memory_space<vmem>>
    %dma_wait3A_792 = tpu.memref_squeeze %dma_wait3A_791 : memref<1x128x16xi32, #tpu.memory_space<vmem>> -> memref<128x16xi32, #tpu.memory_space<vmem>>
    %dma_wait3A_793 = arith.constant 0 : i32
    %dma_wait3A_794 = tpu.memref_slice %arg6[%dma_wait3A_786, %dma_wait3A_787, %dma_wait3A_793] : memref<4x12x128xi32, #tpu.memory_space<vmem>> -> memref<1x1x128xi32, #tpu.memory_space<vmem>>
    %dma_wait3A_795 = tpu.memref_squeeze %dma_wait3A_794 : memref<1x1x128xi32, #tpu.memory_space<vmem>> -> memref<128xi32, #tpu.memory_space<vmem>>
    %dma_wait3A_796 = arith.constant 0 : i32
    %dma_wait3A_797 = arith.constant 0 : i32
    %dma_wait3A_798 = tpu.memref_slice %arg2[%dma_wait3A_796, %dma_wait3A_797] : memref<1204224x16xi32, #tpu.memory_space<hbm>> -> memref<1204224x16xi32, #tpu.memory_space<hbm>>
    tpu.wait_indirect_dma semaphore(%arg11 : memref<!tpu.dma_semaphore, #tpu.memory_space<semaphore_mem>>) src(%dma_wait3A_798 : memref<1204224x16xi32, #tpu.memory_space<hbm>>) dst(%dma_wait3A_792 : memref<128x16xi32, #tpu.memory_space<vmem>>)
    %dma_wait3A_799 = arith.constant 1 : i32
    %dma_wait3A_800 = arith.constant 1 : i32
    %dma_wait3A_801 = arith.constant 1 : i32
    %dma_wait3A_802 = arith.constant 128 : i32
    %dma_wait3A_803 = arith.constant 0 : i32
    %dma_wait3A_804 = tpu.memref_slice %arg9[%dma_wait3A_801, %dma_wait3A_802, %dma_wait3A_803] : memref<12x512x16xi32, #tpu.memory_space<vmem>> -> memref<1x128x16xi32, #tpu.memory_space<vmem>>
    %dma_wait3A_805 = tpu.memref_squeeze %dma_wait3A_804 : memref<1x128x16xi32, #tpu.memory_space<vmem>> -> memref<128x16xi32, #tpu.memory_space<vmem>>
    %dma_wait3A_806 = arith.constant 0 : i32
    %dma_wait3A_807 = tpu.memref_slice %arg6[%dma_wait3A_799, %dma_wait3A_800, %dma_wait3A_806] : memref<4x12x128xi32, #tpu.memory_space<vmem>> -> memref<1x1x128xi32, #tpu.memory_space<vmem>>
    %dma_wait3A_808 = tpu.memref_squeeze %dma_wait3A_807 : memref<1x1x128xi32, #tpu.memory_space<vmem>> -> memref<128xi32, #tpu.memory_space<vmem>>
    %dma_wait3A_809 = arith.constant 0 : i32
    %dma_wait3A_810 = arith.constant 0 : i32
    %dma_wait3A_811 = tpu.memref_slice %arg2[%dma_wait3A_809, %dma_wait3A_810] : memref<1204224x16xi32, #tpu.memory_space<hbm>> -> memref<1204224x16xi32, #tpu.memory_space<hbm>>
    tpu.wait_indirect_dma semaphore(%arg11 : memref<!tpu.dma_semaphore, #tpu.memory_space<semaphore_mem>>) src(%dma_wait3A_811 : memref<1204224x16xi32, #tpu.memory_space<hbm>>) dst(%dma_wait3A_805 : memref<128x16xi32, #tpu.memory_space<vmem>>)
    %dma_wait3A_812 = arith.constant 1 : i32
    %dma_wait3A_813 = arith.constant 2 : i32
    %dma_wait3A_814 = arith.constant 2 : i32
    %dma_wait3A_815 = arith.constant 128 : i32
    %dma_wait3A_816 = arith.constant 0 : i32
    %dma_wait3A_817 = tpu.memref_slice %arg9[%dma_wait3A_814, %dma_wait3A_815, %dma_wait3A_816] : memref<12x512x16xi32, #tpu.memory_space<vmem>> -> memref<1x128x16xi32, #tpu.memory_space<vmem>>
    %dma_wait3A_818 = tpu.memref_squeeze %dma_wait3A_817 : memref<1x128x16xi32, #tpu.memory_space<vmem>> -> memref<128x16xi32, #tpu.memory_space<vmem>>
    %dma_wait3A_819 = arith.constant 0 : i32
    %dma_wait3A_820 = tpu.memref_slice %arg6[%dma_wait3A_812, %dma_wait3A_813, %dma_wait3A_819] : memref<4x12x128xi32, #tpu.memory_space<vmem>> -> memref<1x1x128xi32, #tpu.memory_space<vmem>>
    %dma_wait3A_821 = tpu.memref_squeeze %dma_wait3A_820 : memref<1x1x128xi32, #tpu.memory_space<vmem>> -> memref<128xi32, #tpu.memory_space<vmem>>
    %dma_wait3A_822 = arith.constant 0 : i32
    %dma_wait3A_823 = arith.constant 0 : i32
    %dma_wait3A_824 = tpu.memref_slice %arg2[%dma_wait3A_822, %dma_wait3A_823] : memref<1204224x16xi32, #tpu.memory_space<hbm>> -> memref<1204224x16xi32, #tpu.memory_space<hbm>>
    tpu.wait_indirect_dma semaphore(%arg11 : memref<!tpu.dma_semaphore, #tpu.memory_space<semaphore_mem>>) src(%dma_wait3A_824 : memref<1204224x16xi32, #tpu.memory_space<hbm>>) dst(%dma_wait3A_818 : memref<128x16xi32, #tpu.memory_space<vmem>>)
    %dma_wait3A_825 = arith.constant 1 : i32
    %dma_wait3A_826 = arith.constant 3 : i32
    %dma_wait3A_827 = arith.constant 3 : i32
    %dma_wait3A_828 = arith.constant 128 : i32
    %dma_wait3A_829 = arith.constant 0 : i32
    %dma_wait3A_830 = tpu.memref_slice %arg9[%dma_wait3A_827, %dma_wait3A_828, %dma_wait3A_829] : memref<12x512x16xi32, #tpu.memory_space<vmem>> -> memref<1x128x16xi32, #tpu.memory_space<vmem>>
    %dma_wait3A_831 = tpu.memref_squeeze %dma_wait3A_830 : memref<1x128x16xi32, #tpu.memory_space<vmem>> -> memref<128x16xi32, #tpu.memory_space<vmem>>
    %dma_wait3A_832 = arith.constant 0 : i32
    %dma_wait3A_833 = tpu.memref_slice %arg6[%dma_wait3A_825, %dma_wait3A_826, %dma_wait3A_832] : memref<4x12x128xi32, #tpu.memory_space<vmem>> -> memref<1x1x128xi32, #tpu.memory_space<vmem>>
    %dma_wait3A_834 = tpu.memref_squeeze %dma_wait3A_833 : memref<1x1x128xi32, #tpu.memory_space<vmem>> -> memref<128xi32, #tpu.memory_space<vmem>>
    %dma_wait3A_835 = arith.constant 0 : i32
    %dma_wait3A_836 = arith.constant 0 : i32
    %dma_wait3A_837 = tpu.memref_slice %arg2[%dma_wait3A_835, %dma_wait3A_836] : memref<1204224x16xi32, #tpu.memory_space<hbm>> -> memref<1204224x16xi32, #tpu.memory_space<hbm>>
    tpu.wait_indirect_dma semaphore(%arg11 : memref<!tpu.dma_semaphore, #tpu.memory_space<semaphore_mem>>) src(%dma_wait3A_837 : memref<1204224x16xi32, #tpu.memory_space<hbm>>) dst(%dma_wait3A_831 : memref<128x16xi32, #tpu.memory_space<vmem>>)
    %dma_wait3A_838 = arith.constant 1 : i32
    %dma_wait3A_839 = arith.constant 4 : i32
    %dma_wait3A_840 = arith.constant 4 : i32
    %dma_wait3A_841 = arith.constant 128 : i32
    %dma_wait3A_842 = arith.constant 0 : i32
    %dma_wait3A_843 = tpu.memref_slice %arg9[%dma_wait3A_840, %dma_wait3A_841, %dma_wait3A_842] : memref<12x512x16xi32, #tpu.memory_space<vmem>> -> memref<1x128x16xi32, #tpu.memory_space<vmem>>
    %dma_wait3A_844 = tpu.memref_squeeze %dma_wait3A_843 : memref<1x128x16xi32, #tpu.memory_space<vmem>> -> memref<128x16xi32, #tpu.memory_space<vmem>>
    %dma_wait3A_845 = arith.constant 0 : i32
    %dma_wait3A_846 = tpu.memref_slice %arg6[%dma_wait3A_838, %dma_wait3A_839, %dma_wait3A_845] : memref<4x12x128xi32, #tpu.memory_space<vmem>> -> memref<1x1x128xi32, #tpu.memory_space<vmem>>
    %dma_wait3A_847 = tpu.memref_squeeze %dma_wait3A_846 : memref<1x1x128xi32, #tpu.memory_space<vmem>> -> memref<128xi32, #tpu.memory_space<vmem>>
    %dma_wait3A_848 = arith.constant 0 : i32
    %dma_wait3A_849 = arith.constant 0 : i32
    %dma_wait3A_850 = tpu.memref_slice %arg2[%dma_wait3A_848, %dma_wait3A_849] : memref<1204224x16xi32, #tpu.memory_space<hbm>> -> memref<1204224x16xi32, #tpu.memory_space<hbm>>
    tpu.wait_indirect_dma semaphore(%arg11 : memref<!tpu.dma_semaphore, #tpu.memory_space<semaphore_mem>>) src(%dma_wait3A_850 : memref<1204224x16xi32, #tpu.memory_space<hbm>>) dst(%dma_wait3A_844 : memref<128x16xi32, #tpu.memory_space<vmem>>)
    %dma_wait3A_851 = arith.constant 1 : i32
    %dma_wait3A_852 = arith.constant 5 : i32
    %dma_wait3A_853 = arith.constant 5 : i32
    %dma_wait3A_854 = arith.constant 128 : i32
    %dma_wait3A_855 = arith.constant 0 : i32
    %dma_wait3A_856 = tpu.memref_slice %arg9[%dma_wait3A_853, %dma_wait3A_854, %dma_wait3A_855] : memref<12x512x16xi32, #tpu.memory_space<vmem>> -> memref<1x128x16xi32, #tpu.memory_space<vmem>>
    %dma_wait3A_857 = tpu.memref_squeeze %dma_wait3A_856 : memref<1x128x16xi32, #tpu.memory_space<vmem>> -> memref<128x16xi32, #tpu.memory_space<vmem>>
    %dma_wait3A_858 = arith.constant 0 : i32
    %dma_wait3A_859 = tpu.memref_slice %arg6[%dma_wait3A_851, %dma_wait3A_852, %dma_wait3A_858] : memref<4x12x128xi32, #tpu.memory_space<vmem>> -> memref<1x1x128xi32, #tpu.memory_space<vmem>>
    %dma_wait3A_860 = tpu.memref_squeeze %dma_wait3A_859 : memref<1x1x128xi32, #tpu.memory_space<vmem>> -> memref<128xi32, #tpu.memory_space<vmem>>
    %dma_wait3A_861 = arith.constant 0 : i32
    %dma_wait3A_862 = arith.constant 0 : i32
    %dma_wait3A_863 = tpu.memref_slice %arg2[%dma_wait3A_861, %dma_wait3A_862] : memref<1204224x16xi32, #tpu.memory_space<hbm>> -> memref<1204224x16xi32, #tpu.memory_space<hbm>>
    tpu.wait_indirect_dma semaphore(%arg11 : memref<!tpu.dma_semaphore, #tpu.memory_space<semaphore_mem>>) src(%dma_wait3A_863 : memref<1204224x16xi32, #tpu.memory_space<hbm>>) dst(%dma_wait3A_857 : memref<128x16xi32, #tpu.memory_space<vmem>>)
    %dma_wait3A_864 = arith.constant 1 : i32
    %dma_wait3A_865 = arith.constant 6 : i32
    %dma_wait3A_866 = arith.constant 6 : i32
    %dma_wait3A_867 = arith.constant 128 : i32
    %dma_wait3A_868 = arith.constant 0 : i32
    %dma_wait3A_869 = tpu.memref_slice %arg9[%dma_wait3A_866, %dma_wait3A_867, %dma_wait3A_868] : memref<12x512x16xi32, #tpu.memory_space<vmem>> -> memref<1x128x16xi32, #tpu.memory_space<vmem>>
    %dma_wait3A_870 = tpu.memref_squeeze %dma_wait3A_869 : memref<1x128x16xi32, #tpu.memory_space<vmem>> -> memref<128x16xi32, #tpu.memory_space<vmem>>
    %dma_wait3A_871 = arith.constant 0 : i32
    %dma_wait3A_872 = tpu.memref_slice %arg6[%dma_wait3A_864, %dma_wait3A_865, %dma_wait3A_871] : memref<4x12x128xi32, #tpu.memory_space<vmem>> -> memref<1x1x128xi32, #tpu.memory_space<vmem>>
    %dma_wait3A_873 = tpu.memref_squeeze %dma_wait3A_872 : memref<1x1x128xi32, #tpu.memory_space<vmem>> -> memref<128xi32, #tpu.memory_space<vmem>>
    %dma_wait3A_874 = arith.constant 0 : i32
    %dma_wait3A_875 = arith.constant 0 : i32
    %dma_wait3A_876 = tpu.memref_slice %arg2[%dma_wait3A_874, %dma_wait3A_875] : memref<1204224x16xi32, #tpu.memory_space<hbm>> -> memref<1204224x16xi32, #tpu.memory_space<hbm>>
    tpu.wait_indirect_dma semaphore(%arg11 : memref<!tpu.dma_semaphore, #tpu.memory_space<semaphore_mem>>) src(%dma_wait3A_876 : memref<1204224x16xi32, #tpu.memory_space<hbm>>) dst(%dma_wait3A_870 : memref<128x16xi32, #tpu.memory_space<vmem>>)
    %dma_wait3A_877 = arith.constant 1 : i32
    %dma_wait3A_878 = arith.constant 7 : i32
    %dma_wait3A_879 = arith.constant 7 : i32
    %dma_wait3A_880 = arith.constant 128 : i32
    %dma_wait3A_881 = arith.constant 0 : i32
    %dma_wait3A_882 = tpu.memref_slice %arg9[%dma_wait3A_879, %dma_wait3A_880, %dma_wait3A_881] : memref<12x512x16xi32, #tpu.memory_space<vmem>> -> memref<1x128x16xi32, #tpu.memory_space<vmem>>
    %dma_wait3A_883 = tpu.memref_squeeze %dma_wait3A_882 : memref<1x128x16xi32, #tpu.memory_space<vmem>> -> memref<128x16xi32, #tpu.memory_space<vmem>>
    %dma_wait3A_884 = arith.constant 0 : i32
    %dma_wait3A_885 = tpu.memref_slice %arg6[%dma_wait3A_877, %dma_wait3A_878, %dma_wait3A_884] : memref<4x12x128xi32, #tpu.memory_space<vmem>> -> memref<1x1x128xi32, #tpu.memory_space<vmem>>
    %dma_wait3A_886 = tpu.memref_squeeze %dma_wait3A_885 : memref<1x1x128xi32, #tpu.memory_space<vmem>> -> memref<128xi32, #tpu.memory_space<vmem>>
    %dma_wait3A_887 = arith.constant 0 : i32
    %dma_wait3A_888 = arith.constant 0 : i32
    %dma_wait3A_889 = tpu.memref_slice %arg2[%dma_wait3A_887, %dma_wait3A_888] : memref<1204224x16xi32, #tpu.memory_space<hbm>> -> memref<1204224x16xi32, #tpu.memory_space<hbm>>
    tpu.wait_indirect_dma semaphore(%arg11 : memref<!tpu.dma_semaphore, #tpu.memory_space<semaphore_mem>>) src(%dma_wait3A_889 : memref<1204224x16xi32, #tpu.memory_space<hbm>>) dst(%dma_wait3A_883 : memref<128x16xi32, #tpu.memory_space<vmem>>)
    %dma_wait3A_890 = arith.constant 1 : i32
    %dma_wait3A_891 = arith.constant 8 : i32
    %dma_wait3A_892 = arith.constant 8 : i32
    %dma_wait3A_893 = arith.constant 128 : i32
    %dma_wait3A_894 = arith.constant 0 : i32
    %dma_wait3A_895 = tpu.memref_slice %arg9[%dma_wait3A_892, %dma_wait3A_893, %dma_wait3A_894] : memref<12x512x16xi32, #tpu.memory_space<vmem>> -> memref<1x128x16xi32, #tpu.memory_space<vmem>>
    %dma_wait3A_896 = tpu.memref_squeeze %dma_wait3A_895 : memref<1x128x16xi32, #tpu.memory_space<vmem>> -> memref<128x16xi32, #tpu.memory_space<vmem>>
    %dma_wait3A_897 = arith.constant 0 : i32
    %dma_wait3A_898 = tpu.memref_slice %arg6[%dma_wait3A_890, %dma_wait3A_891, %dma_wait3A_897] : memref<4x12x128xi32, #tpu.memory_space<vmem>> -> memref<1x1x128xi32, #tpu.memory_space<vmem>>
    %dma_wait3A_899 = tpu.memref_squeeze %dma_wait3A_898 : memref<1x1x128xi32, #tpu.memory_space<vmem>> -> memref<128xi32, #tpu.memory_space<vmem>>
    %dma_wait3A_900 = arith.constant 0 : i32
    %dma_wait3A_901 = arith.constant 0 : i32
    %dma_wait3A_902 = tpu.memref_slice %arg2[%dma_wait3A_900, %dma_wait3A_901] : memref<1204224x16xi32, #tpu.memory_space<hbm>> -> memref<1204224x16xi32, #tpu.memory_space<hbm>>
    tpu.wait_indirect_dma semaphore(%arg11 : memref<!tpu.dma_semaphore, #tpu.memory_space<semaphore_mem>>) src(%dma_wait3A_902 : memref<1204224x16xi32, #tpu.memory_space<hbm>>) dst(%dma_wait3A_896 : memref<128x16xi32, #tpu.memory_space<vmem>>)
    %dma_wait3A_903 = arith.constant 1 : i32
    %dma_wait3A_904 = arith.constant 9 : i32
    %dma_wait3A_905 = arith.constant 9 : i32
    %dma_wait3A_906 = arith.constant 128 : i32
    %dma_wait3A_907 = arith.constant 0 : i32
    %dma_wait3A_908 = tpu.memref_slice %arg9[%dma_wait3A_905, %dma_wait3A_906, %dma_wait3A_907] : memref<12x512x16xi32, #tpu.memory_space<vmem>> -> memref<1x128x16xi32, #tpu.memory_space<vmem>>
    %dma_wait3A_909 = tpu.memref_squeeze %dma_wait3A_908 : memref<1x128x16xi32, #tpu.memory_space<vmem>> -> memref<128x16xi32, #tpu.memory_space<vmem>>
    %dma_wait3A_910 = arith.constant 0 : i32
    %dma_wait3A_911 = tpu.memref_slice %arg6[%dma_wait3A_903, %dma_wait3A_904, %dma_wait3A_910] : memref<4x12x128xi32, #tpu.memory_space<vmem>> -> memref<1x1x128xi32, #tpu.memory_space<vmem>>
    %dma_wait3A_912 = tpu.memref_squeeze %dma_wait3A_911 : memref<1x1x128xi32, #tpu.memory_space<vmem>> -> memref<128xi32, #tpu.memory_space<vmem>>
    %dma_wait3A_913 = arith.constant 0 : i32
    %dma_wait3A_914 = arith.constant 0 : i32
    %dma_wait3A_915 = tpu.memref_slice %arg2[%dma_wait3A_913, %dma_wait3A_914] : memref<1204224x16xi32, #tpu.memory_space<hbm>> -> memref<1204224x16xi32, #tpu.memory_space<hbm>>
    tpu.wait_indirect_dma semaphore(%arg11 : memref<!tpu.dma_semaphore, #tpu.memory_space<semaphore_mem>>) src(%dma_wait3A_915 : memref<1204224x16xi32, #tpu.memory_space<hbm>>) dst(%dma_wait3A_909 : memref<128x16xi32, #tpu.memory_space<vmem>>)
    %dma_wait3A_916 = arith.constant 1 : i32
    %dma_wait3A_917 = arith.constant 10 : i32
    %dma_wait3A_918 = arith.constant 10 : i32
    %dma_wait3A_919 = arith.constant 128 : i32
    %dma_wait3A_920 = arith.constant 0 : i32
    %dma_wait3A_921 = tpu.memref_slice %arg9[%dma_wait3A_918, %dma_wait3A_919, %dma_wait3A_920] : memref<12x512x16xi32, #tpu.memory_space<vmem>> -> memref<1x128x16xi32, #tpu.memory_space<vmem>>
    %dma_wait3A_922 = tpu.memref_squeeze %dma_wait3A_921 : memref<1x128x16xi32, #tpu.memory_space<vmem>> -> memref<128x16xi32, #tpu.memory_space<vmem>>
    %dma_wait3A_923 = arith.constant 0 : i32
    %dma_wait3A_924 = tpu.memref_slice %arg6[%dma_wait3A_916, %dma_wait3A_917, %dma_wait3A_923] : memref<4x12x128xi32, #tpu.memory_space<vmem>> -> memref<1x1x128xi32, #tpu.memory_space<vmem>>
    %dma_wait3A_925 = tpu.memref_squeeze %dma_wait3A_924 : memref<1x1x128xi32, #tpu.memory_space<vmem>> -> memref<128xi32, #tpu.memory_space<vmem>>
    %dma_wait3A_926 = arith.constant 0 : i32
    %dma_wait3A_927 = arith.constant 0 : i32
    %dma_wait3A_928 = tpu.memref_slice %arg2[%dma_wait3A_926, %dma_wait3A_927] : memref<1204224x16xi32, #tpu.memory_space<hbm>> -> memref<1204224x16xi32, #tpu.memory_space<hbm>>
    tpu.wait_indirect_dma semaphore(%arg11 : memref<!tpu.dma_semaphore, #tpu.memory_space<semaphore_mem>>) src(%dma_wait3A_928 : memref<1204224x16xi32, #tpu.memory_space<hbm>>) dst(%dma_wait3A_922 : memref<128x16xi32, #tpu.memory_space<vmem>>)
    %dma_wait3A_929 = arith.constant 1 : i32
    %dma_wait3A_930 = arith.constant 11 : i32
    %dma_wait3A_931 = arith.constant 11 : i32
    %dma_wait3A_932 = arith.constant 128 : i32
    %dma_wait3A_933 = arith.constant 0 : i32
    %dma_wait3A_934 = tpu.memref_slice %arg9[%dma_wait3A_931, %dma_wait3A_932, %dma_wait3A_933] : memref<12x512x16xi32, #tpu.memory_space<vmem>> -> memref<1x128x16xi32, #tpu.memory_space<vmem>>
    %dma_wait3A_935 = tpu.memref_squeeze %dma_wait3A_934 : memref<1x128x16xi32, #tpu.memory_space<vmem>> -> memref<128x16xi32, #tpu.memory_space<vmem>>
    %dma_wait3A_936 = arith.constant 0 : i32
    %dma_wait3A_937 = tpu.memref_slice %arg6[%dma_wait3A_929, %dma_wait3A_930, %dma_wait3A_936] : memref<4x12x128xi32, #tpu.memory_space<vmem>> -> memref<1x1x128xi32, #tpu.memory_space<vmem>>
    %dma_wait3A_938 = tpu.memref_squeeze %dma_wait3A_937 : memref<1x1x128xi32, #tpu.memory_space<vmem>> -> memref<128xi32, #tpu.memory_space<vmem>>
    %dma_wait3A_939 = arith.constant 0 : i32
    %dma_wait3A_940 = arith.constant 0 : i32
    %dma_wait3A_941 = tpu.memref_slice %arg2[%dma_wait3A_939, %dma_wait3A_940] : memref<1204224x16xi32, #tpu.memory_space<hbm>> -> memref<1204224x16xi32, #tpu.memory_space<hbm>>
    tpu.wait_indirect_dma semaphore(%arg11 : memref<!tpu.dma_semaphore, #tpu.memory_space<semaphore_mem>>) src(%dma_wait3A_941 : memref<1204224x16xi32, #tpu.memory_space<hbm>>) dst(%dma_wait3A_935 : memref<128x16xi32, #tpu.memory_space<vmem>>)
    %dma_wait3A_942 = arith.constant 2 : i32
    %dma_wait3A_943 = arith.constant 0 : i32
    %dma_wait3A_944 = arith.constant 0 : i32
    %dma_wait3A_945 = arith.constant 256 : i32
    %dma_wait3A_946 = arith.constant 0 : i32
    %dma_wait3A_947 = tpu.memref_slice %arg9[%dma_wait3A_944, %dma_wait3A_945, %dma_wait3A_946] : memref<12x512x16xi32, #tpu.memory_space<vmem>> -> memref<1x128x16xi32, #tpu.memory_space<vmem>>
    %dma_wait3A_948 = tpu.memref_squeeze %dma_wait3A_947 : memref<1x128x16xi32, #tpu.memory_space<vmem>> -> memref<128x16xi32, #tpu.memory_space<vmem>>
    %dma_wait3A_949 = arith.constant 0 : i32
    %dma_wait3A_950 = tpu.memref_slice %arg6[%dma_wait3A_942, %dma_wait3A_943, %dma_wait3A_949] : memref<4x12x128xi32, #tpu.memory_space<vmem>> -> memref<1x1x128xi32, #tpu.memory_space<vmem>>
    %dma_wait3A_951 = tpu.memref_squeeze %dma_wait3A_950 : memref<1x1x128xi32, #tpu.memory_space<vmem>> -> memref<128xi32, #tpu.memory_space<vmem>>
    %dma_wait3A_952 = arith.constant 0 : i32
    %dma_wait3A_953 = arith.constant 0 : i32
    %dma_wait3A_954 = tpu.memref_slice %arg2[%dma_wait3A_952, %dma_wait3A_953] : memref<1204224x16xi32, #tpu.memory_space<hbm>> -> memref<1204224x16xi32, #tpu.memory_space<hbm>>
    tpu.wait_indirect_dma semaphore(%arg11 : memref<!tpu.dma_semaphore, #tpu.memory_space<semaphore_mem>>) src(%dma_wait3A_954 : memref<1204224x16xi32, #tpu.memory_space<hbm>>) dst(%dma_wait3A_948 : memref<128x16xi32, #tpu.memory_space<vmem>>)
    %dma_wait3A_955 = arith.constant 2 : i32
    %dma_wait3A_956 = arith.constant 1 : i32
    %dma_wait3A_957 = arith.constant 1 : i32
    %dma_wait3A_958 = arith.constant 256 : i32
    %dma_wait3A_959 = arith.constant 0 : i32
    %dma_wait3A_960 = tpu.memref_slice %arg9[%dma_wait3A_957, %dma_wait3A_958, %dma_wait3A_959] : memref<12x512x16xi32, #tpu.memory_space<vmem>> -> memref<1x128x16xi32, #tpu.memory_space<vmem>>
    %dma_wait3A_961 = tpu.memref_squeeze %dma_wait3A_960 : memref<1x128x16xi32, #tpu.memory_space<vmem>> -> memref<128x16xi32, #tpu.memory_space<vmem>>
    %dma_wait3A_962 = arith.constant 0 : i32
    %dma_wait3A_963 = tpu.memref_slice %arg6[%dma_wait3A_955, %dma_wait3A_956, %dma_wait3A_962] : memref<4x12x128xi32, #tpu.memory_space<vmem>> -> memref<1x1x128xi32, #tpu.memory_space<vmem>>
    %dma_wait3A_964 = tpu.memref_squeeze %dma_wait3A_963 : memref<1x1x128xi32, #tpu.memory_space<vmem>> -> memref<128xi32, #tpu.memory_space<vmem>>
    %dma_wait3A_965 = arith.constant 0 : i32
    %dma_wait3A_966 = arith.constant 0 : i32
    %dma_wait3A_967 = tpu.memref_slice %arg2[%dma_wait3A_965, %dma_wait3A_966] : memref<1204224x16xi32, #tpu.memory_space<hbm>> -> memref<1204224x16xi32, #tpu.memory_space<hbm>>
    tpu.wait_indirect_dma semaphore(%arg11 : memref<!tpu.dma_semaphore, #tpu.memory_space<semaphore_mem>>) src(%dma_wait3A_967 : memref<1204224x16xi32, #tpu.memory_space<hbm>>) dst(%dma_wait3A_961 : memref<128x16xi32, #tpu.memory_space<vmem>>)
    %dma_wait3A_968 = arith.constant 2 : i32
    %dma_wait3A_969 = arith.constant 2 : i32
    %dma_wait3A_970 = arith.constant 2 : i32
    %dma_wait3A_971 = arith.constant 256 : i32
    %dma_wait3A_972 = arith.constant 0 : i32
    %dma_wait3A_973 = tpu.memref_slice %arg9[%dma_wait3A_970, %dma_wait3A_971, %dma_wait3A_972] : memref<12x512x16xi32, #tpu.memory_space<vmem>> -> memref<1x128x16xi32, #tpu.memory_space<vmem>>
    %dma_wait3A_974 = tpu.memref_squeeze %dma_wait3A_973 : memref<1x128x16xi32, #tpu.memory_space<vmem>> -> memref<128x16xi32, #tpu.memory_space<vmem>>
    %dma_wait3A_975 = arith.constant 0 : i32
    %dma_wait3A_976 = tpu.memref_slice %arg6[%dma_wait3A_968, %dma_wait3A_969, %dma_wait3A_975] : memref<4x12x128xi32, #tpu.memory_space<vmem>> -> memref<1x1x128xi32, #tpu.memory_space<vmem>>
    %dma_wait3A_977 = tpu.memref_squeeze %dma_wait3A_976 : memref<1x1x128xi32, #tpu.memory_space<vmem>> -> memref<128xi32, #tpu.memory_space<vmem>>
    %dma_wait3A_978 = arith.constant 0 : i32
    %dma_wait3A_979 = arith.constant 0 : i32
    %dma_wait3A_980 = tpu.memref_slice %arg2[%dma_wait3A_978, %dma_wait3A_979] : memref<1204224x16xi32, #tpu.memory_space<hbm>> -> memref<1204224x16xi32, #tpu.memory_space<hbm>>
    tpu.wait_indirect_dma semaphore(%arg11 : memref<!tpu.dma_semaphore, #tpu.memory_space<semaphore_mem>>) src(%dma_wait3A_980 : memref<1204224x16xi32, #tpu.memory_space<hbm>>) dst(%dma_wait3A_974 : memref<128x16xi32, #tpu.memory_space<vmem>>)
    %dma_wait3A_981 = arith.constant 2 : i32
    %dma_wait3A_982 = arith.constant 3 : i32
    %dma_wait3A_983 = arith.constant 3 : i32
    %dma_wait3A_984 = arith.constant 256 : i32
    %dma_wait3A_985 = arith.constant 0 : i32
    %dma_wait3A_986 = tpu.memref_slice %arg9[%dma_wait3A_983, %dma_wait3A_984, %dma_wait3A_985] : memref<12x512x16xi32, #tpu.memory_space<vmem>> -> memref<1x128x16xi32, #tpu.memory_space<vmem>>
    %dma_wait3A_987 = tpu.memref_squeeze %dma_wait3A_986 : memref<1x128x16xi32, #tpu.memory_space<vmem>> -> memref<128x16xi32, #tpu.memory_space<vmem>>
    %dma_wait3A_988 = arith.constant 0 : i32
    %dma_wait3A_989 = tpu.memref_slice %arg6[%dma_wait3A_981, %dma_wait3A_982, %dma_wait3A_988] : memref<4x12x128xi32, #tpu.memory_space<vmem>> -> memref<1x1x128xi32, #tpu.memory_space<vmem>>
    %dma_wait3A_990 = tpu.memref_squeeze %dma_wait3A_989 : memref<1x1x128xi32, #tpu.memory_space<vmem>> -> memref<128xi32, #tpu.memory_space<vmem>>
    %dma_wait3A_991 = arith.constant 0 : i32
    %dma_wait3A_992 = arith.constant 0 : i32
    %dma_wait3A_993 = tpu.memref_slice %arg2[%dma_wait3A_991, %dma_wait3A_992] : memref<1204224x16xi32, #tpu.memory_space<hbm>> -> memref<1204224x16xi32, #tpu.memory_space<hbm>>
    tpu.wait_indirect_dma semaphore(%arg11 : memref<!tpu.dma_semaphore, #tpu.memory_space<semaphore_mem>>) src(%dma_wait3A_993 : memref<1204224x16xi32, #tpu.memory_space<hbm>>) dst(%dma_wait3A_987 : memref<128x16xi32, #tpu.memory_space<vmem>>)
    %dma_wait3A_994 = arith.constant 2 : i32
    %dma_wait3A_995 = arith.constant 4 : i32
    %dma_wait3A_996 = arith.constant 4 : i32
    %dma_wait3A_997 = arith.constant 256 : i32
    %dma_wait3A_998 = arith.constant 0 : i32
    %dma_wait3A_999 = tpu.memref_slice %arg9[%dma_wait3A_996, %dma_wait3A_997, %dma_wait3A_998] : memref<12x512x16xi32, #tpu.memory_space<vmem>> -> memref<1x128x16xi32, #tpu.memory_space<vmem>>
    %dma_wait3A_1000 = tpu.memref_squeeze %dma_wait3A_999 : memref<1x128x16xi32, #tpu.memory_space<vmem>> -> memref<128x16xi32, #tpu.memory_space<vmem>>
    %dma_wait3A_1001 = arith.constant 0 : i32
    %dma_wait3A_1002 = tpu.memref_slice %arg6[%dma_wait3A_994, %dma_wait3A_995, %dma_wait3A_1001] : memref<4x12x128xi32, #tpu.memory_space<vmem>> -> memref<1x1x128xi32, #tpu.memory_space<vmem>>
    %dma_wait3A_1003 = tpu.memref_squeeze %dma_wait3A_1002 : memref<1x1x128xi32, #tpu.memory_space<vmem>> -> memref<128xi32, #tpu.memory_space<vmem>>
    %dma_wait3A_1004 = arith.constant 0 : i32
    %dma_wait3A_1005 = arith.constant 0 : i32
    %dma_wait3A_1006 = tpu.memref_slice %arg2[%dma_wait3A_1004, %dma_wait3A_1005] : memref<1204224x16xi32, #tpu.memory_space<hbm>> -> memref<1204224x16xi32, #tpu.memory_space<hbm>>
    tpu.wait_indirect_dma semaphore(%arg11 : memref<!tpu.dma_semaphore, #tpu.memory_space<semaphore_mem>>) src(%dma_wait3A_1006 : memref<1204224x16xi32, #tpu.memory_space<hbm>>) dst(%dma_wait3A_1000 : memref<128x16xi32, #tpu.memory_space<vmem>>)
    %dma_wait3A_1007 = arith.constant 2 : i32
    %dma_wait3A_1008 = arith.constant 5 : i32
    %dma_wait3A_1009 = arith.constant 5 : i32
    %dma_wait3A_1010 = arith.constant 256 : i32
    %dma_wait3A_1011 = arith.constant 0 : i32
    %dma_wait3A_1012 = tpu.memref_slice %arg9[%dma_wait3A_1009, %dma_wait3A_1010, %dma_wait3A_1011] : memref<12x512x16xi32, #tpu.memory_space<vmem>> -> memref<1x128x16xi32, #tpu.memory_space<vmem>>
    %dma_wait3A_1013 = tpu.memref_squeeze %dma_wait3A_1012 : memref<1x128x16xi32, #tpu.memory_space<vmem>> -> memref<128x16xi32, #tpu.memory_space<vmem>>
    %dma_wait3A_1014 = arith.constant 0 : i32
    %dma_wait3A_1015 = tpu.memref_slice %arg6[%dma_wait3A_1007, %dma_wait3A_1008, %dma_wait3A_1014] : memref<4x12x128xi32, #tpu.memory_space<vmem>> -> memref<1x1x128xi32, #tpu.memory_space<vmem>>
    %dma_wait3A_1016 = tpu.memref_squeeze %dma_wait3A_1015 : memref<1x1x128xi32, #tpu.memory_space<vmem>> -> memref<128xi32, #tpu.memory_space<vmem>>
    %dma_wait3A_1017 = arith.constant 0 : i32
    %dma_wait3A_1018 = arith.constant 0 : i32
    %dma_wait3A_1019 = tpu.memref_slice %arg2[%dma_wait3A_1017, %dma_wait3A_1018] : memref<1204224x16xi32, #tpu.memory_space<hbm>> -> memref<1204224x16xi32, #tpu.memory_space<hbm>>
    tpu.wait_indirect_dma semaphore(%arg11 : memref<!tpu.dma_semaphore, #tpu.memory_space<semaphore_mem>>) src(%dma_wait3A_1019 : memref<1204224x16xi32, #tpu.memory_space<hbm>>) dst(%dma_wait3A_1013 : memref<128x16xi32, #tpu.memory_space<vmem>>)
    %dma_wait3A_1020 = arith.constant 2 : i32
    %dma_wait3A_1021 = arith.constant 6 : i32
    %dma_wait3A_1022 = arith.constant 6 : i32
    %dma_wait3A_1023 = arith.constant 256 : i32
    %dma_wait3A_1024 = arith.constant 0 : i32
    %dma_wait3A_1025 = tpu.memref_slice %arg9[%dma_wait3A_1022, %dma_wait3A_1023, %dma_wait3A_1024] : memref<12x512x16xi32, #tpu.memory_space<vmem>> -> memref<1x128x16xi32, #tpu.memory_space<vmem>>
    %dma_wait3A_1026 = tpu.memref_squeeze %dma_wait3A_1025 : memref<1x128x16xi32, #tpu.memory_space<vmem>> -> memref<128x16xi32, #tpu.memory_space<vmem>>
    %dma_wait3A_1027 = arith.constant 0 : i32
    %dma_wait3A_1028 = tpu.memref_slice %arg6[%dma_wait3A_1020, %dma_wait3A_1021, %dma_wait3A_1027] : memref<4x12x128xi32, #tpu.memory_space<vmem>> -> memref<1x1x128xi32, #tpu.memory_space<vmem>>
    %dma_wait3A_1029 = tpu.memref_squeeze %dma_wait3A_1028 : memref<1x1x128xi32, #tpu.memory_space<vmem>> -> memref<128xi32, #tpu.memory_space<vmem>>
    %dma_wait3A_1030 = arith.constant 0 : i32
    %dma_wait3A_1031 = arith.constant 0 : i32
    %dma_wait3A_1032 = tpu.memref_slice %arg2[%dma_wait3A_1030, %dma_wait3A_1031] : memref<1204224x16xi32, #tpu.memory_space<hbm>> -> memref<1204224x16xi32, #tpu.memory_space<hbm>>
    tpu.wait_indirect_dma semaphore(%arg11 : memref<!tpu.dma_semaphore, #tpu.memory_space<semaphore_mem>>) src(%dma_wait3A_1032 : memref<1204224x16xi32, #tpu.memory_space<hbm>>) dst(%dma_wait3A_1026 : memref<128x16xi32, #tpu.memory_space<vmem>>)
    %dma_wait3A_1033 = arith.constant 2 : i32
    %dma_wait3A_1034 = arith.constant 7 : i32
    %dma_wait3A_1035 = arith.constant 7 : i32
    %dma_wait3A_1036 = arith.constant 256 : i32
    %dma_wait3A_1037 = arith.constant 0 : i32
    %dma_wait3A_1038 = tpu.memref_slice %arg9[%dma_wait3A_1035, %dma_wait3A_1036, %dma_wait3A_1037] : memref<12x512x16xi32, #tpu.memory_space<vmem>> -> memref<1x128x16xi32, #tpu.memory_space<vmem>>
    %dma_wait3A_1039 = tpu.memref_squeeze %dma_wait3A_1038 : memref<1x128x16xi32, #tpu.memory_space<vmem>> -> memref<128x16xi32, #tpu.memory_space<vmem>>
    %dma_wait3A_1040 = arith.constant 0 : i32
    %dma_wait3A_1041 = tpu.memref_slice %arg6[%dma_wait3A_1033, %dma_wait3A_1034, %dma_wait3A_1040] : memref<4x12x128xi32, #tpu.memory_space<vmem>> -> memref<1x1x128xi32, #tpu.memory_space<vmem>>
    %dma_wait3A_1042 = tpu.memref_squeeze %dma_wait3A_1041 : memref<1x1x128xi32, #tpu.memory_space<vmem>> -> memref<128xi32, #tpu.memory_space<vmem>>
    %dma_wait3A_1043 = arith.constant 0 : i32
    %dma_wait3A_1044 = arith.constant 0 : i32
    %dma_wait3A_1045 = tpu.memref_slice %arg2[%dma_wait3A_1043, %dma_wait3A_1044] : memref<1204224x16xi32, #tpu.memory_space<hbm>> -> memref<1204224x16xi32, #tpu.memory_space<hbm>>
    tpu.wait_indirect_dma semaphore(%arg11 : memref<!tpu.dma_semaphore, #tpu.memory_space<semaphore_mem>>) src(%dma_wait3A_1045 : memref<1204224x16xi32, #tpu.memory_space<hbm>>) dst(%dma_wait3A_1039 : memref<128x16xi32, #tpu.memory_space<vmem>>)
    %dma_wait3A_1046 = arith.constant 2 : i32
    %dma_wait3A_1047 = arith.constant 8 : i32
    %dma_wait3A_1048 = arith.constant 8 : i32
    %dma_wait3A_1049 = arith.constant 256 : i32
    %dma_wait3A_1050 = arith.constant 0 : i32
    %dma_wait3A_1051 = tpu.memref_slice %arg9[%dma_wait3A_1048, %dma_wait3A_1049, %dma_wait3A_1050] : memref<12x512x16xi32, #tpu.memory_space<vmem>> -> memref<1x128x16xi32, #tpu.memory_space<vmem>>
    %dma_wait3A_1052 = tpu.memref_squeeze %dma_wait3A_1051 : memref<1x128x16xi32, #tpu.memory_space<vmem>> -> memref<128x16xi32, #tpu.memory_space<vmem>>
    %dma_wait3A_1053 = arith.constant 0 : i32
    %dma_wait3A_1054 = tpu.memref_slice %arg6[%dma_wait3A_1046, %dma_wait3A_1047, %dma_wait3A_1053] : memref<4x12x128xi32, #tpu.memory_space<vmem>> -> memref<1x1x128xi32, #tpu.memory_space<vmem>>
    %dma_wait3A_1055 = tpu.memref_squeeze %dma_wait3A_1054 : memref<1x1x128xi32, #tpu.memory_space<vmem>> -> memref<128xi32, #tpu.memory_space<vmem>>
    %dma_wait3A_1056 = arith.constant 0 : i32
    %dma_wait3A_1057 = arith.constant 0 : i32
    %dma_wait3A_1058 = tpu.memref_slice %arg2[%dma_wait3A_1056, %dma_wait3A_1057] : memref<1204224x16xi32, #tpu.memory_space<hbm>> -> memref<1204224x16xi32, #tpu.memory_space<hbm>>
    tpu.wait_indirect_dma semaphore(%arg11 : memref<!tpu.dma_semaphore, #tpu.memory_space<semaphore_mem>>) src(%dma_wait3A_1058 : memref<1204224x16xi32, #tpu.memory_space<hbm>>) dst(%dma_wait3A_1052 : memref<128x16xi32, #tpu.memory_space<vmem>>)
    %dma_wait3A_1059 = arith.constant 2 : i32
    %dma_wait3A_1060 = arith.constant 9 : i32
    %dma_wait3A_1061 = arith.constant 9 : i32
    %dma_wait3A_1062 = arith.constant 256 : i32
    %dma_wait3A_1063 = arith.constant 0 : i32
    %dma_wait3A_1064 = tpu.memref_slice %arg9[%dma_wait3A_1061, %dma_wait3A_1062, %dma_wait3A_1063] : memref<12x512x16xi32, #tpu.memory_space<vmem>> -> memref<1x128x16xi32, #tpu.memory_space<vmem>>
    %dma_wait3A_1065 = tpu.memref_squeeze %dma_wait3A_1064 : memref<1x128x16xi32, #tpu.memory_space<vmem>> -> memref<128x16xi32, #tpu.memory_space<vmem>>
    %dma_wait3A_1066 = arith.constant 0 : i32
    %dma_wait3A_1067 = tpu.memref_slice %arg6[%dma_wait3A_1059, %dma_wait3A_1060, %dma_wait3A_1066] : memref<4x12x128xi32, #tpu.memory_space<vmem>> -> memref<1x1x128xi32, #tpu.memory_space<vmem>>
    %dma_wait3A_1068 = tpu.memref_squeeze %dma_wait3A_1067 : memref<1x1x128xi32, #tpu.memory_space<vmem>> -> memref<128xi32, #tpu.memory_space<vmem>>
    %dma_wait3A_1069 = arith.constant 0 : i32
    %dma_wait3A_1070 = arith.constant 0 : i32
    %dma_wait3A_1071 = tpu.memref_slice %arg2[%dma_wait3A_1069, %dma_wait3A_1070] : memref<1204224x16xi32, #tpu.memory_space<hbm>> -> memref<1204224x16xi32, #tpu.memory_space<hbm>>
    tpu.wait_indirect_dma semaphore(%arg11 : memref<!tpu.dma_semaphore, #tpu.memory_space<semaphore_mem>>) src(%dma_wait3A_1071 : memref<1204224x16xi32, #tpu.memory_space<hbm>>) dst(%dma_wait3A_1065 : memref<128x16xi32, #tpu.memory_space<vmem>>)
    %dma_wait3A_1072 = arith.constant 2 : i32
    %dma_wait3A_1073 = arith.constant 10 : i32
    %dma_wait3A_1074 = arith.constant 10 : i32
    %dma_wait3A_1075 = arith.constant 256 : i32
    %dma_wait3A_1076 = arith.constant 0 : i32
    %dma_wait3A_1077 = tpu.memref_slice %arg9[%dma_wait3A_1074, %dma_wait3A_1075, %dma_wait3A_1076] : memref<12x512x16xi32, #tpu.memory_space<vmem>> -> memref<1x128x16xi32, #tpu.memory_space<vmem>>
    %dma_wait3A_1078 = tpu.memref_squeeze %dma_wait3A_1077 : memref<1x128x16xi32, #tpu.memory_space<vmem>> -> memref<128x16xi32, #tpu.memory_space<vmem>>
    %dma_wait3A_1079 = arith.constant 0 : i32
    %dma_wait3A_1080 = tpu.memref_slice %arg6[%dma_wait3A_1072, %dma_wait3A_1073, %dma_wait3A_1079] : memref<4x12x128xi32, #tpu.memory_space<vmem>> -> memref<1x1x128xi32, #tpu.memory_space<vmem>>
    %dma_wait3A_1081 = tpu.memref_squeeze %dma_wait3A_1080 : memref<1x1x128xi32, #tpu.memory_space<vmem>> -> memref<128xi32, #tpu.memory_space<vmem>>
    %dma_wait3A_1082 = arith.constant 0 : i32
    %dma_wait3A_1083 = arith.constant 0 : i32
    %dma_wait3A_1084 = tpu.memref_slice %arg2[%dma_wait3A_1082, %dma_wait3A_1083] : memref<1204224x16xi32, #tpu.memory_space<hbm>> -> memref<1204224x16xi32, #tpu.memory_space<hbm>>
    tpu.wait_indirect_dma semaphore(%arg11 : memref<!tpu.dma_semaphore, #tpu.memory_space<semaphore_mem>>) src(%dma_wait3A_1084 : memref<1204224x16xi32, #tpu.memory_space<hbm>>) dst(%dma_wait3A_1078 : memref<128x16xi32, #tpu.memory_space<vmem>>)
    %dma_wait3A_1085 = arith.constant 2 : i32
    %dma_wait3A_1086 = arith.constant 11 : i32
    %dma_wait3A_1087 = arith.constant 11 : i32
    %dma_wait3A_1088 = arith.constant 256 : i32
    %dma_wait3A_1089 = arith.constant 0 : i32
    %dma_wait3A_1090 = tpu.memref_slice %arg9[%dma_wait3A_1087, %dma_wait3A_1088, %dma_wait3A_1089] : memref<12x512x16xi32, #tpu.memory_space<vmem>> -> memref<1x128x16xi32, #tpu.memory_space<vmem>>
    %dma_wait3A_1091 = tpu.memref_squeeze %dma_wait3A_1090 : memref<1x128x16xi32, #tpu.memory_space<vmem>> -> memref<128x16xi32, #tpu.memory_space<vmem>>
    %dma_wait3A_1092 = arith.constant 0 : i32
    %dma_wait3A_1093 = tpu.memref_slice %arg6[%dma_wait3A_1085, %dma_wait3A_1086, %dma_wait3A_1092] : memref<4x12x128xi32, #tpu.memory_space<vmem>> -> memref<1x1x128xi32, #tpu.memory_space<vmem>>
    %dma_wait3A_1094 = tpu.memref_squeeze %dma_wait3A_1093 : memref<1x1x128xi32, #tpu.memory_space<vmem>> -> memref<128xi32, #tpu.memory_space<vmem>>
    %dma_wait3A_1095 = arith.constant 0 : i32
    %dma_wait3A_1096 = arith.constant 0 : i32
    %dma_wait3A_1097 = tpu.memref_slice %arg2[%dma_wait3A_1095, %dma_wait3A_1096] : memref<1204224x16xi32, #tpu.memory_space<hbm>> -> memref<1204224x16xi32, #tpu.memory_space<hbm>>
    tpu.wait_indirect_dma semaphore(%arg11 : memref<!tpu.dma_semaphore, #tpu.memory_space<semaphore_mem>>) src(%dma_wait3A_1097 : memref<1204224x16xi32, #tpu.memory_space<hbm>>) dst(%dma_wait3A_1091 : memref<128x16xi32, #tpu.memory_space<vmem>>)
    %dma_wait3A_1098 = arith.constant 3 : i32
    %dma_wait3A_1099 = arith.constant 0 : i32
    %dma_wait3A_1100 = arith.constant 0 : i32
    %dma_wait3A_1101 = arith.constant 384 : i32
    %dma_wait3A_1102 = arith.constant 0 : i32
    %dma_wait3A_1103 = tpu.memref_slice %arg9[%dma_wait3A_1100, %dma_wait3A_1101, %dma_wait3A_1102] : memref<12x512x16xi32, #tpu.memory_space<vmem>> -> memref<1x128x16xi32, #tpu.memory_space<vmem>>
    %dma_wait3A_1104 = tpu.memref_squeeze %dma_wait3A_1103 : memref<1x128x16xi32, #tpu.memory_space<vmem>> -> memref<128x16xi32, #tpu.memory_space<vmem>>
    %dma_wait3A_1105 = arith.constant 0 : i32
    %dma_wait3A_1106 = tpu.memref_slice %arg6[%dma_wait3A_1098, %dma_wait3A_1099, %dma_wait3A_1105] : memref<4x12x128xi32, #tpu.memory_space<vmem>> -> memref<1x1x128xi32, #tpu.memory_space<vmem>>
    %dma_wait3A_1107 = tpu.memref_squeeze %dma_wait3A_1106 : memref<1x1x128xi32, #tpu.memory_space<vmem>> -> memref<128xi32, #tpu.memory_space<vmem>>
    %dma_wait3A_1108 = arith.constant 0 : i32
    %dma_wait3A_1109 = arith.constant 0 : i32
    %dma_wait3A_1110 = tpu.memref_slice %arg2[%dma_wait3A_1108, %dma_wait3A_1109] : memref<1204224x16xi32, #tpu.memory_space<hbm>> -> memref<1204224x16xi32, #tpu.memory_space<hbm>>
    tpu.wait_indirect_dma semaphore(%arg11 : memref<!tpu.dma_semaphore, #tpu.memory_space<semaphore_mem>>) src(%dma_wait3A_1110 : memref<1204224x16xi32, #tpu.memory_space<hbm>>) dst(%dma_wait3A_1104 : memref<128x16xi32, #tpu.memory_space<vmem>>)
    %dma_wait3A_1111 = arith.constant 3 : i32
    %dma_wait3A_1112 = arith.constant 1 : i32
    %dma_wait3A_1113 = arith.constant 1 : i32
    %dma_wait3A_1114 = arith.constant 384 : i32
    %dma_wait3A_1115 = arith.constant 0 : i32
    %dma_wait3A_1116 = tpu.memref_slice %arg9[%dma_wait3A_1113, %dma_wait3A_1114, %dma_wait3A_1115] : memref<12x512x16xi32, #tpu.memory_space<vmem>> -> memref<1x128x16xi32, #tpu.memory_space<vmem>>
    %dma_wait3A_1117 = tpu.memref_squeeze %dma_wait3A_1116 : memref<1x128x16xi32, #tpu.memory_space<vmem>> -> memref<128x16xi32, #tpu.memory_space<vmem>>
    %dma_wait3A_1118 = arith.constant 0 : i32
    %dma_wait3A_1119 = tpu.memref_slice %arg6[%dma_wait3A_1111, %dma_wait3A_1112, %dma_wait3A_1118] : memref<4x12x128xi32, #tpu.memory_space<vmem>> -> memref<1x1x128xi32, #tpu.memory_space<vmem>>
    %dma_wait3A_1120 = tpu.memref_squeeze %dma_wait3A_1119 : memref<1x1x128xi32, #tpu.memory_space<vmem>> -> memref<128xi32, #tpu.memory_space<vmem>>
    %dma_wait3A_1121 = arith.constant 0 : i32
    %dma_wait3A_1122 = arith.constant 0 : i32
    %dma_wait3A_1123 = tpu.memref_slice %arg2[%dma_wait3A_1121, %dma_wait3A_1122] : memref<1204224x16xi32, #tpu.memory_space<hbm>> -> memref<1204224x16xi32, #tpu.memory_space<hbm>>
    tpu.wait_indirect_dma semaphore(%arg11 : memref<!tpu.dma_semaphore, #tpu.memory_space<semaphore_mem>>) src(%dma_wait3A_1123 : memref<1204224x16xi32, #tpu.memory_space<hbm>>) dst(%dma_wait3A_1117 : memref<128x16xi32, #tpu.memory_space<vmem>>)
    %dma_wait3A_1124 = arith.constant 3 : i32
    %dma_wait3A_1125 = arith.constant 2 : i32
    %dma_wait3A_1126 = arith.constant 2 : i32
    %dma_wait3A_1127 = arith.constant 384 : i32
    %dma_wait3A_1128 = arith.constant 0 : i32
    %dma_wait3A_1129 = tpu.memref_slice %arg9[%dma_wait3A_1126, %dma_wait3A_1127, %dma_wait3A_1128] : memref<12x512x16xi32, #tpu.memory_space<vmem>> -> memref<1x128x16xi32, #tpu.memory_space<vmem>>
    %dma_wait3A_1130 = tpu.memref_squeeze %dma_wait3A_1129 : memref<1x128x16xi32, #tpu.memory_space<vmem>> -> memref<128x16xi32, #tpu.memory_space<vmem>>
    %dma_wait3A_1131 = arith.constant 0 : i32
    %dma_wait3A_1132 = tpu.memref_slice %arg6[%dma_wait3A_1124, %dma_wait3A_1125, %dma_wait3A_1131] : memref<4x12x128xi32, #tpu.memory_space<vmem>> -> memref<1x1x128xi32, #tpu.memory_space<vmem>>
    %dma_wait3A_1133 = tpu.memref_squeeze %dma_wait3A_1132 : memref<1x1x128xi32, #tpu.memory_space<vmem>> -> memref<128xi32, #tpu.memory_space<vmem>>
    %dma_wait3A_1134 = arith.constant 0 : i32
    %dma_wait3A_1135 = arith.constant 0 : i32
    %dma_wait3A_1136 = tpu.memref_slice %arg2[%dma_wait3A_1134, %dma_wait3A_1135] : memref<1204224x16xi32, #tpu.memory_space<hbm>> -> memref<1204224x16xi32, #tpu.memory_space<hbm>>
    tpu.wait_indirect_dma semaphore(%arg11 : memref<!tpu.dma_semaphore, #tpu.memory_space<semaphore_mem>>) src(%dma_wait3A_1136 : memref<1204224x16xi32, #tpu.memory_space<hbm>>) dst(%dma_wait3A_1130 : memref<128x16xi32, #tpu.memory_space<vmem>>)
    %dma_wait3A_1137 = arith.constant 3 : i32
    %dma_wait3A_1138 = arith.constant 3 : i32
    %dma_wait3A_1139 = arith.constant 3 : i32
    %dma_wait3A_1140 = arith.constant 384 : i32
    %dma_wait3A_1141 = arith.constant 0 : i32
    %dma_wait3A_1142 = tpu.memref_slice %arg9[%dma_wait3A_1139, %dma_wait3A_1140, %dma_wait3A_1141] : memref<12x512x16xi32, #tpu.memory_space<vmem>> -> memref<1x128x16xi32, #tpu.memory_space<vmem>>
    %dma_wait3A_1143 = tpu.memref_squeeze %dma_wait3A_1142 : memref<1x128x16xi32, #tpu.memory_space<vmem>> -> memref<128x16xi32, #tpu.memory_space<vmem>>
    %dma_wait3A_1144 = arith.constant 0 : i32
    %dma_wait3A_1145 = tpu.memref_slice %arg6[%dma_wait3A_1137, %dma_wait3A_1138, %dma_wait3A_1144] : memref<4x12x128xi32, #tpu.memory_space<vmem>> -> memref<1x1x128xi32, #tpu.memory_space<vmem>>
    %dma_wait3A_1146 = tpu.memref_squeeze %dma_wait3A_1145 : memref<1x1x128xi32, #tpu.memory_space<vmem>> -> memref<128xi32, #tpu.memory_space<vmem>>
    %dma_wait3A_1147 = arith.constant 0 : i32
    %dma_wait3A_1148 = arith.constant 0 : i32
    %dma_wait3A_1149 = tpu.memref_slice %arg2[%dma_wait3A_1147, %dma_wait3A_1148] : memref<1204224x16xi32, #tpu.memory_space<hbm>> -> memref<1204224x16xi32, #tpu.memory_space<hbm>>
    tpu.wait_indirect_dma semaphore(%arg11 : memref<!tpu.dma_semaphore, #tpu.memory_space<semaphore_mem>>) src(%dma_wait3A_1149 : memref<1204224x16xi32, #tpu.memory_space<hbm>>) dst(%dma_wait3A_1143 : memref<128x16xi32, #tpu.memory_space<vmem>>)
    %dma_wait3A_1150 = arith.constant 3 : i32
    %dma_wait3A_1151 = arith.constant 4 : i32
    %dma_wait3A_1152 = arith.constant 4 : i32
    %dma_wait3A_1153 = arith.constant 384 : i32
    %dma_wait3A_1154 = arith.constant 0 : i32
    %dma_wait3A_1155 = tpu.memref_slice %arg9[%dma_wait3A_1152, %dma_wait3A_1153, %dma_wait3A_1154] : memref<12x512x16xi32, #tpu.memory_space<vmem>> -> memref<1x128x16xi32, #tpu.memory_space<vmem>>
    %dma_wait3A_1156 = tpu.memref_squeeze %dma_wait3A_1155 : memref<1x128x16xi32, #tpu.memory_space<vmem>> -> memref<128x16xi32, #tpu.memory_space<vmem>>
    %dma_wait3A_1157 = arith.constant 0 : i32
    %dma_wait3A_1158 = tpu.memref_slice %arg6[%dma_wait3A_1150, %dma_wait3A_1151, %dma_wait3A_1157] : memref<4x12x128xi32, #tpu.memory_space<vmem>> -> memref<1x1x128xi32, #tpu.memory_space<vmem>>
    %dma_wait3A_1159 = tpu.memref_squeeze %dma_wait3A_1158 : memref<1x1x128xi32, #tpu.memory_space<vmem>> -> memref<128xi32, #tpu.memory_space<vmem>>
    %dma_wait3A_1160 = arith.constant 0 : i32
    %dma_wait3A_1161 = arith.constant 0 : i32
    %dma_wait3A_1162 = tpu.memref_slice %arg2[%dma_wait3A_1160, %dma_wait3A_1161] : memref<1204224x16xi32, #tpu.memory_space<hbm>> -> memref<1204224x16xi32, #tpu.memory_space<hbm>>
    tpu.wait_indirect_dma semaphore(%arg11 : memref<!tpu.dma_semaphore, #tpu.memory_space<semaphore_mem>>) src(%dma_wait3A_1162 : memref<1204224x16xi32, #tpu.memory_space<hbm>>) dst(%dma_wait3A_1156 : memref<128x16xi32, #tpu.memory_space<vmem>>)
    %dma_wait3A_1163 = arith.constant 3 : i32
    %dma_wait3A_1164 = arith.constant 5 : i32
    %dma_wait3A_1165 = arith.constant 5 : i32
    %dma_wait3A_1166 = arith.constant 384 : i32
    %dma_wait3A_1167 = arith.constant 0 : i32
    %dma_wait3A_1168 = tpu.memref_slice %arg9[%dma_wait3A_1165, %dma_wait3A_1166, %dma_wait3A_1167] : memref<12x512x16xi32, #tpu.memory_space<vmem>> -> memref<1x128x16xi32, #tpu.memory_space<vmem>>
    %dma_wait3A_1169 = tpu.memref_squeeze %dma_wait3A_1168 : memref<1x128x16xi32, #tpu.memory_space<vmem>> -> memref<128x16xi32, #tpu.memory_space<vmem>>
    %dma_wait3A_1170 = arith.constant 0 : i32
    %dma_wait3A_1171 = tpu.memref_slice %arg6[%dma_wait3A_1163, %dma_wait3A_1164, %dma_wait3A_1170] : memref<4x12x128xi32, #tpu.memory_space<vmem>> -> memref<1x1x128xi32, #tpu.memory_space<vmem>>
    %dma_wait3A_1172 = tpu.memref_squeeze %dma_wait3A_1171 : memref<1x1x128xi32, #tpu.memory_space<vmem>> -> memref<128xi32, #tpu.memory_space<vmem>>
    %dma_wait3A_1173 = arith.constant 0 : i32
    %dma_wait3A_1174 = arith.constant 0 : i32
    %dma_wait3A_1175 = tpu.memref_slice %arg2[%dma_wait3A_1173, %dma_wait3A_1174] : memref<1204224x16xi32, #tpu.memory_space<hbm>> -> memref<1204224x16xi32, #tpu.memory_space<hbm>>
    tpu.wait_indirect_dma semaphore(%arg11 : memref<!tpu.dma_semaphore, #tpu.memory_space<semaphore_mem>>) src(%dma_wait3A_1175 : memref<1204224x16xi32, #tpu.memory_space<hbm>>) dst(%dma_wait3A_1169 : memref<128x16xi32, #tpu.memory_space<vmem>>)
    %dma_wait3A_1176 = arith.constant 3 : i32
    %dma_wait3A_1177 = arith.constant 6 : i32
    %dma_wait3A_1178 = arith.constant 6 : i32
    %dma_wait3A_1179 = arith.constant 384 : i32
    %dma_wait3A_1180 = arith.constant 0 : i32
    %dma_wait3A_1181 = tpu.memref_slice %arg9[%dma_wait3A_1178, %dma_wait3A_1179, %dma_wait3A_1180] : memref<12x512x16xi32, #tpu.memory_space<vmem>> -> memref<1x128x16xi32, #tpu.memory_space<vmem>>
    %dma_wait3A_1182 = tpu.memref_squeeze %dma_wait3A_1181 : memref<1x128x16xi32, #tpu.memory_space<vmem>> -> memref<128x16xi32, #tpu.memory_space<vmem>>
    %dma_wait3A_1183 = arith.constant 0 : i32
    %dma_wait3A_1184 = tpu.memref_slice %arg6[%dma_wait3A_1176, %dma_wait3A_1177, %dma_wait3A_1183] : memref<4x12x128xi32, #tpu.memory_space<vmem>> -> memref<1x1x128xi32, #tpu.memory_space<vmem>>
    %dma_wait3A_1185 = tpu.memref_squeeze %dma_wait3A_1184 : memref<1x1x128xi32, #tpu.memory_space<vmem>> -> memref<128xi32, #tpu.memory_space<vmem>>
    %dma_wait3A_1186 = arith.constant 0 : i32
    %dma_wait3A_1187 = arith.constant 0 : i32
    %dma_wait3A_1188 = tpu.memref_slice %arg2[%dma_wait3A_1186, %dma_wait3A_1187] : memref<1204224x16xi32, #tpu.memory_space<hbm>> -> memref<1204224x16xi32, #tpu.memory_space<hbm>>
    tpu.wait_indirect_dma semaphore(%arg11 : memref<!tpu.dma_semaphore, #tpu.memory_space<semaphore_mem>>) src(%dma_wait3A_1188 : memref<1204224x16xi32, #tpu.memory_space<hbm>>) dst(%dma_wait3A_1182 : memref<128x16xi32, #tpu.memory_space<vmem>>)
    %dma_wait3A_1189 = arith.constant 3 : i32
    %dma_wait3A_1190 = arith.constant 7 : i32
    %dma_wait3A_1191 = arith.constant 7 : i32
    %dma_wait3A_1192 = arith.constant 384 : i32
    %dma_wait3A_1193 = arith.constant 0 : i32
    %dma_wait3A_1194 = tpu.memref_slice %arg9[%dma_wait3A_1191, %dma_wait3A_1192, %dma_wait3A_1193] : memref<12x512x16xi32, #tpu.memory_space<vmem>> -> memref<1x128x16xi32, #tpu.memory_space<vmem>>
    %dma_wait3A_1195 = tpu.memref_squeeze %dma_wait3A_1194 : memref<1x128x16xi32, #tpu.memory_space<vmem>> -> memref<128x16xi32, #tpu.memory_space<vmem>>
    %dma_wait3A_1196 = arith.constant 0 : i32
    %dma_wait3A_1197 = tpu.memref_slice %arg6[%dma_wait3A_1189, %dma_wait3A_1190, %dma_wait3A_1196] : memref<4x12x128xi32, #tpu.memory_space<vmem>> -> memref<1x1x128xi32, #tpu.memory_space<vmem>>
    %dma_wait3A_1198 = tpu.memref_squeeze %dma_wait3A_1197 : memref<1x1x128xi32, #tpu.memory_space<vmem>> -> memref<128xi32, #tpu.memory_space<vmem>>
    %dma_wait3A_1199 = arith.constant 0 : i32
    %dma_wait3A_1200 = arith.constant 0 : i32
    %dma_wait3A_1201 = tpu.memref_slice %arg2[%dma_wait3A_1199, %dma_wait3A_1200] : memref<1204224x16xi32, #tpu.memory_space<hbm>> -> memref<1204224x16xi32, #tpu.memory_space<hbm>>
    tpu.wait_indirect_dma semaphore(%arg11 : memref<!tpu.dma_semaphore, #tpu.memory_space<semaphore_mem>>) src(%dma_wait3A_1201 : memref<1204224x16xi32, #tpu.memory_space<hbm>>) dst(%dma_wait3A_1195 : memref<128x16xi32, #tpu.memory_space<vmem>>)
    %dma_wait3A_1202 = arith.constant 3 : i32
    %dma_wait3A_1203 = arith.constant 8 : i32
    %dma_wait3A_1204 = arith.constant 8 : i32
    %dma_wait3A_1205 = arith.constant 384 : i32
    %dma_wait3A_1206 = arith.constant 0 : i32
    %dma_wait3A_1207 = tpu.memref_slice %arg9[%dma_wait3A_1204, %dma_wait3A_1205, %dma_wait3A_1206] : memref<12x512x16xi32, #tpu.memory_space<vmem>> -> memref<1x128x16xi32, #tpu.memory_space<vmem>>
    %dma_wait3A_1208 = tpu.memref_squeeze %dma_wait3A_1207 : memref<1x128x16xi32, #tpu.memory_space<vmem>> -> memref<128x16xi32, #tpu.memory_space<vmem>>
    %dma_wait3A_1209 = arith.constant 0 : i32
    %dma_wait3A_1210 = tpu.memref_slice %arg6[%dma_wait3A_1202, %dma_wait3A_1203, %dma_wait3A_1209] : memref<4x12x128xi32, #tpu.memory_space<vmem>> -> memref<1x1x128xi32, #tpu.memory_space<vmem>>
    %dma_wait3A_1211 = tpu.memref_squeeze %dma_wait3A_1210 : memref<1x1x128xi32, #tpu.memory_space<vmem>> -> memref<128xi32, #tpu.memory_space<vmem>>
    %dma_wait3A_1212 = arith.constant 0 : i32
    %dma_wait3A_1213 = arith.constant 0 : i32
    %dma_wait3A_1214 = tpu.memref_slice %arg2[%dma_wait3A_1212, %dma_wait3A_1213] : memref<1204224x16xi32, #tpu.memory_space<hbm>> -> memref<1204224x16xi32, #tpu.memory_space<hbm>>
    tpu.wait_indirect_dma semaphore(%arg11 : memref<!tpu.dma_semaphore, #tpu.memory_space<semaphore_mem>>) src(%dma_wait3A_1214 : memref<1204224x16xi32, #tpu.memory_space<hbm>>) dst(%dma_wait3A_1208 : memref<128x16xi32, #tpu.memory_space<vmem>>)
    %dma_wait3A_1215 = arith.constant 3 : i32
    %dma_wait3A_1216 = arith.constant 9 : i32
    %dma_wait3A_1217 = arith.constant 9 : i32
    %dma_wait3A_1218 = arith.constant 384 : i32
    %dma_wait3A_1219 = arith.constant 0 : i32
    %dma_wait3A_1220 = tpu.memref_slice %arg9[%dma_wait3A_1217, %dma_wait3A_1218, %dma_wait3A_1219] : memref<12x512x16xi32, #tpu.memory_space<vmem>> -> memref<1x128x16xi32, #tpu.memory_space<vmem>>
    %dma_wait3A_1221 = tpu.memref_squeeze %dma_wait3A_1220 : memref<1x128x16xi32, #tpu.memory_space<vmem>> -> memref<128x16xi32, #tpu.memory_space<vmem>>
    %dma_wait3A_1222 = arith.constant 0 : i32
    %dma_wait3A_1223 = tpu.memref_slice %arg6[%dma_wait3A_1215, %dma_wait3A_1216, %dma_wait3A_1222] : memref<4x12x128xi32, #tpu.memory_space<vmem>> -> memref<1x1x128xi32, #tpu.memory_space<vmem>>
    %dma_wait3A_1224 = tpu.memref_squeeze %dma_wait3A_1223 : memref<1x1x128xi32, #tpu.memory_space<vmem>> -> memref<128xi32, #tpu.memory_space<vmem>>
    %dma_wait3A_1225 = arith.constant 0 : i32
    %dma_wait3A_1226 = arith.constant 0 : i32
    %dma_wait3A_1227 = tpu.memref_slice %arg2[%dma_wait3A_1225, %dma_wait3A_1226] : memref<1204224x16xi32, #tpu.memory_space<hbm>> -> memref<1204224x16xi32, #tpu.memory_space<hbm>>
    tpu.wait_indirect_dma semaphore(%arg11 : memref<!tpu.dma_semaphore, #tpu.memory_space<semaphore_mem>>) src(%dma_wait3A_1227 : memref<1204224x16xi32, #tpu.memory_space<hbm>>) dst(%dma_wait3A_1221 : memref<128x16xi32, #tpu.memory_space<vmem>>)
    %dma_wait3A_1228 = arith.constant 3 : i32
    %dma_wait3A_1229 = arith.constant 10 : i32
    %dma_wait3A_1230 = arith.constant 10 : i32
    %dma_wait3A_1231 = arith.constant 384 : i32
    %dma_wait3A_1232 = arith.constant 0 : i32
    %dma_wait3A_1233 = tpu.memref_slice %arg9[%dma_wait3A_1230, %dma_wait3A_1231, %dma_wait3A_1232] : memref<12x512x16xi32, #tpu.memory_space<vmem>> -> memref<1x128x16xi32, #tpu.memory_space<vmem>>
    %dma_wait3A_1234 = tpu.memref_squeeze %dma_wait3A_1233 : memref<1x128x16xi32, #tpu.memory_space<vmem>> -> memref<128x16xi32, #tpu.memory_space<vmem>>
    %dma_wait3A_1235 = arith.constant 0 : i32
    %dma_wait3A_1236 = tpu.memref_slice %arg6[%dma_wait3A_1228, %dma_wait3A_1229, %dma_wait3A_1235] : memref<4x12x128xi32, #tpu.memory_space<vmem>> -> memref<1x1x128xi32, #tpu.memory_space<vmem>>
    %dma_wait3A_1237 = tpu.memref_squeeze %dma_wait3A_1236 : memref<1x1x128xi32, #tpu.memory_space<vmem>> -> memref<128xi32, #tpu.memory_space<vmem>>
    %dma_wait3A_1238 = arith.constant 0 : i32
    %dma_wait3A_1239 = arith.constant 0 : i32
    %dma_wait3A_1240 = tpu.memref_slice %arg2[%dma_wait3A_1238, %dma_wait3A_1239] : memref<1204224x16xi32, #tpu.memory_space<hbm>> -> memref<1204224x16xi32, #tpu.memory_space<hbm>>
    tpu.wait_indirect_dma semaphore(%arg11 : memref<!tpu.dma_semaphore, #tpu.memory_space<semaphore_mem>>) src(%dma_wait3A_1240 : memref<1204224x16xi32, #tpu.memory_space<hbm>>) dst(%dma_wait3A_1234 : memref<128x16xi32, #tpu.memory_space<vmem>>)
    %dma_wait3A_1241 = arith.constant 3 : i32
    %dma_wait3A_1242 = arith.constant 11 : i32
    %dma_wait3A_1243 = arith.constant 11 : i32
    %dma_wait3A_1244 = arith.constant 384 : i32
    %dma_wait3A_1245 = arith.constant 0 : i32
    %dma_wait3A_1246 = tpu.memref_slice %arg9[%dma_wait3A_1243, %dma_wait3A_1244, %dma_wait3A_1245] : memref<12x512x16xi32, #tpu.memory_space<vmem>> -> memref<1x128x16xi32, #tpu.memory_space<vmem>>
    %dma_wait3A_1247 = tpu.memref_squeeze %dma_wait3A_1246 : memref<1x128x16xi32, #tpu.memory_space<vmem>> -> memref<128x16xi32, #tpu.memory_space<vmem>>
    %dma_wait3A_1248 = arith.constant 0 : i32
    %dma_wait3A_1249 = tpu.memref_slice %arg6[%dma_wait3A_1241, %dma_wait3A_1242, %dma_wait3A_1248] : memref<4x12x128xi32, #tpu.memory_space<vmem>> -> memref<1x1x128xi32, #tpu.memory_space<vmem>>
    %dma_wait3A_1250 = tpu.memref_squeeze %dma_wait3A_1249 : memref<1x1x128xi32, #tpu.memory_space<vmem>> -> memref<128xi32, #tpu.memory_space<vmem>>
    %dma_wait3A_1251 = arith.constant 0 : i32
    %dma_wait3A_1252 = arith.constant 0 : i32
    %dma_wait3A_1253 = tpu.memref_slice %arg2[%dma_wait3A_1251, %dma_wait3A_1252] : memref<1204224x16xi32, #tpu.memory_space<hbm>> -> memref<1204224x16xi32, #tpu.memory_space<hbm>>
    tpu.wait_indirect_dma semaphore(%arg11 : memref<!tpu.dma_semaphore, #tpu.memory_space<semaphore_mem>>) src(%dma_wait3A_1253 : memref<1204224x16xi32, #tpu.memory_space<hbm>>) dst(%dma_wait3A_1247 : memref<128x16xi32, #tpu.memory_space<vmem>>)
    %broadcast_in_dim3A = arith.constant 0.000000e+00 : f32
    %broadcast_in_dim3A_1254 = vector.broadcast %broadcast_in_dim3A : f32 to vector<16xf32>
    %scan3A_1255 = arith.constant 0 : i32
    %scan3A_1256 = arith.constant 32 : i32
    %scan3A_1257 = arith.addi %scan3A_1255, %scan3A_1256 : i32
    %scan3A_1258 = arith.constant 1 : i32
    %scan3A_1259 = scf.for %scan3A_1262 = %scan3A_1255 to %scan3A_1257 step %scan3A_1258 iter_args(%scan3A_1263 = %broadcast_in_dim3A_1254) -> (vector<16xf32>)  : i32 {
      %mul3A_1264 = arith.constant 16 : i32
      %mul3A_1265 = arith.muli %scan3A_1262, %mul3A_1264 : i32
      %add3A_1266 = vector.broadcast %mul3A_1265 : i32 to vector<16xi32>
      %add3A_1267 = arith.addi %add3A_1266, %iota3A : vector<16xi32>
      %mul3A_1268 = arith.constant 16 : i32
      %mul3A_1269 = arith.muli %scan3A_1262, %mul3A_1268 : i32
      %get3A = arith.index_cast %mul3A_1269 : i32 to index
      %get3A_1270 = tpu.vector_load %arg7[%get3A] {strides = array<i32>} : memref<512xi32, #tpu.memory_space<vmem>>, vector<16xi32>,
      %mul3A_1271 = arith.constant 16 : i32
      %mul3A_1272 = arith.muli %scan3A_1262, %mul3A_1271 : i32
      %get3A_1273 = arith.index_cast %mul3A_1272 : i32 to index
      %get3A_1274 = tpu.vector_load %arg8[%get3A_1273] {strides = array<i32>} : memref<512xi32, #tpu.memory_space<vmem>>, vector<16xi32>,
      %broadcast_in_dim3A_1275 = arith.constant -65536 : i32
      %broadcast_in_dim3A_1276 = vector.broadcast %broadcast_in_dim3A_1275 : i32 to vector<16xi32>
      %broadcast_in_dim3A_1277 = arith.constant 0 : i32
      %broadcast_in_dim3A_1278 = vector.broadcast %broadcast_in_dim3A_1277 : i32 to vector<16xi32>
      %gather3A = tpu.vector_load_idx %arg5[%add3A_1267, %broadcast_in_dim3A_1278] : memref<512x8xf32, #tpu.memory_space<vmem>>[vector<16xi32>, vector<16xi32>], vector<16xf32>,
      %broadcast_in_dim3A_1279 = arith.constant 1 : i32
      %broadcast_in_dim3A_1280 = vector.broadcast %broadcast_in_dim3A_1279 : i32 to vector<16xi32>
      %gather3A_1281 = tpu.vector_load_idx %arg5[%add3A_1267, %broadcast_in_dim3A_1280] : memref<512x8xf32, #tpu.memory_space<vmem>>[vector<16xi32>, vector<16xi32>], vector<16xf32>,
      %broadcast_in_dim3A_1282 = arith.constant 2 : i32
      %broadcast_in_dim3A_1283 = vector.broadcast %broadcast_in_dim3A_1282 : i32 to vector<16xi32>
      %gather3A_1284 = tpu.vector_load_idx %arg5[%add3A_1267, %broadcast_in_dim3A_1283] : memref<512x8xf32, #tpu.memory_space<vmem>>[vector<16xi32>, vector<16xi32>], vector<16xf32>,
      %broadcast_in_dim3A_1285 = arith.constant 3 : i32
      %broadcast_in_dim3A_1286 = vector.broadcast %broadcast_in_dim3A_1285 : i32 to vector<16xi32>
      %gather3A_1287 = tpu.vector_load_idx %arg5[%add3A_1267, %broadcast_in_dim3A_1286] : memref<512x8xf32, #tpu.memory_space<vmem>>[vector<16xi32>, vector<16xi32>], vector<16xf32>,
      %mul3A_1288 = arith.constant 3.500000e+00 : f32
      %mul3A_1289 = vector.broadcast %mul3A_1288 : f32 to vector<16xf32>
      %mul3A_1290 = arith.mulf %mul3A_1289, %gather3A_1287 : vector<16xf32>
      %sub3A = arith.subf %gather3A_1281, %mul3A_1290 : vector<16xf32>
      %mul3A_1291 = arith.constant 3.500000e+00 : f32
      %mul3A_1292 = vector.broadcast %mul3A_1291 : f32 to vector<16xf32>
      %mul3A_1293 = arith.mulf %mul3A_1292, %gather3A_1287 : vector<16xf32>
      %add3A_1294 = arith.addf %gather3A_1281, %mul3A_1293 : vector<16xf32>
      %mul3A_1295 = arith.constant 3.500000e+00 : f32
      %mul3A_1296 = vector.broadcast %mul3A_1295 : f32 to vector<16xf32>
      %mul3A_1297 = arith.mulf %mul3A_1296, %gather3A_1284 : vector<16xf32>
      %sub3A_1298 = arith.subf %gather3A, %mul3A_1297 : vector<16xf32>
      %mul3A_1299 = arith.constant 3.500000e+00 : f32
      %mul3A_1300 = vector.broadcast %mul3A_1299 : f32 to vector<16xf32>
      %mul3A_1301 = arith.mulf %mul3A_1300, %gather3A_1284 : vector<16xf32>
      %add3A_1302 = arith.addf %gather3A, %mul3A_1301 : vector<16xf32>
      %mul3A_1303 = arith.mulf %gather3A_1284, %gather3A_1287 : vector<16xf32>
      %mul3A_1304 = arith.constant 4.900000e+01 : f32
      %mul3A_1305 = vector.broadcast %mul3A_1304 : f32 to vector<16xf32>
      %mul3A_1306 = arith.mulf %mul3A_1303, %mul3A_1305 : vector<16xf32>
      %broadcast_in_dim3A_1307 = arith.constant 0 : i32
      %broadcast_in_dim3A_1308 = vector.broadcast %broadcast_in_dim3A_1307 : i32 to vector<16xi32>
      %gather3A_1309 = tpu.vector_load_idx %arg9[%broadcast_in_dim3A_1308, %add3A_1267, %get3A_1270] : memref<12x512x16xi32, #tpu.memory_space<vmem>>[vector<16xi32>, vector<16xi32>, vector<16xi32>], vector<16xi32>,
      %shift_left3A = arith.constant 16 : i32
      %shift_left3A_1310 = vector.broadcast %shift_left3A : i32 to vector<16xi32>
      %shift_left3A_1311 = arith.shli %gather3A_1309, %shift_left3A_1310 : vector<16xi32>
      %bitcast3A = vector.bitcast %shift_left3A_1311 : vector<16xi32> to vector<16xf32>
      %broadcast_in_dim3A_1312 = arith.constant 1 : i32
      %broadcast_in_dim3A_1313 = vector.broadcast %broadcast_in_dim3A_1312 : i32 to vector<16xi32>
      %gather3A_1314 = tpu.vector_load_idx %arg9[%broadcast_in_dim3A_1313, %add3A_1267, %get3A_1270] : memref<12x512x16xi32, #tpu.memory_space<vmem>>[vector<16xi32>, vector<16xi32>, vector<16xi32>], vector<16xi32>,
      %shift_left3A_1315 = arith.constant 16 : i32
      %shift_left3A_1316 = vector.broadcast %shift_left3A_1315 : i32 to vector<16xi32>
      %shift_left3A_1317 = arith.shli %gather3A_1314, %shift_left3A_1316 : vector<16xi32>
      %bitcast3A_1318 = vector.bitcast %shift_left3A_1317 : vector<16xi32> to vector<16xf32>
      %broadcast_in_dim3A_1319 = arith.constant 2 : i32
      %broadcast_in_dim3A_1320 = vector.broadcast %broadcast_in_dim3A_1319 : i32 to vector<16xi32>
      %gather3A_1321 = tpu.vector_load_idx %arg9[%broadcast_in_dim3A_1320, %add3A_1267, %get3A_1270] : memref<12x512x16xi32, #tpu.memory_space<vmem>>[vector<16xi32>, vector<16xi32>, vector<16xi32>], vector<16xi32>,
      %shift_left3A_1322 = arith.constant 16 : i32
      %shift_left3A_1323 = vector.broadcast %shift_left3A_1322 : i32 to vector<16xi32>
      %shift_left3A_1324 = arith.shli %gather3A_1321, %shift_left3A_1323 : vector<16xi32>
      %bitcast3A_1325 = vector.bitcast %shift_left3A_1324 : vector<16xi32> to vector<16xf32>
      %broadcast_in_dim3A_1326 = arith.constant 3 : i32
      %broadcast_in_dim3A_1327 = vector.broadcast %broadcast_in_dim3A_1326 : i32 to vector<16xi32>
      %gather3A_1328 = tpu.vector_load_idx %arg9[%broadcast_in_dim3A_1327, %add3A_1267, %get3A_1270] : memref<12x512x16xi32, #tpu.memory_space<vmem>>[vector<16xi32>, vector<16xi32>, vector<16xi32>], vector<16xi32>,
      %shift_left3A_1329 = arith.constant 16 : i32
      %shift_left3A_1330 = vector.broadcast %shift_left3A_1329 : i32 to vector<16xi32>
      %shift_left3A_1331 = arith.shli %gather3A_1328, %shift_left3A_1330 : vector<16xi32>
      %bitcast3A_1332 = vector.bitcast %shift_left3A_1331 : vector<16xi32> to vector<16xf32>
      %broadcast_in_dim3A_1333 = arith.constant 4 : i32
      %broadcast_in_dim3A_1334 = vector.broadcast %broadcast_in_dim3A_1333 : i32 to vector<16xi32>
      %gather3A_1335 = tpu.vector_load_idx %arg9[%broadcast_in_dim3A_1334, %add3A_1267, %get3A_1270] : memref<12x512x16xi32, #tpu.memory_space<vmem>>[vector<16xi32>, vector<16xi32>, vector<16xi32>], vector<16xi32>,
      %shift_left3A_1336 = arith.constant 16 : i32
      %shift_left3A_1337 = vector.broadcast %shift_left3A_1336 : i32 to vector<16xi32>
      %shift_left3A_1338 = arith.shli %gather3A_1335, %shift_left3A_1337 : vector<16xi32>
      %bitcast3A_1339 = vector.bitcast %shift_left3A_1338 : vector<16xi32> to vector<16xf32>
      %mul3A_1340 = arith.constant 3.500000e+00 : f32
      %mul3A_1341 = vector.broadcast %mul3A_1340 : f32 to vector<16xf32>
      %mul3A_1342 = arith.mulf %mul3A_1341, %bitcast3A_1332 : vector<16xf32>
      %sub3A_1343 = arith.subf %bitcast3A_1318, %mul3A_1342 : vector<16xf32>
      %mul3A_1344 = arith.constant 3.500000e+00 : f32
      %mul3A_1345 = vector.broadcast %mul3A_1344 : f32 to vector<16xf32>
      %mul3A_1346 = arith.mulf %mul3A_1345, %bitcast3A_1332 : vector<16xf32>
      %add3A_1347 = arith.addf %bitcast3A_1318, %mul3A_1346 : vector<16xf32>
      %mul3A_1348 = arith.constant 3.500000e+00 : f32
      %mul3A_1349 = vector.broadcast %mul3A_1348 : f32 to vector<16xf32>
      %mul3A_1350 = arith.mulf %mul3A_1349, %bitcast3A_1325 : vector<16xf32>
      %sub3A_1351 = arith.subf %bitcast3A, %mul3A_1350 : vector<16xf32>
      %mul3A_1352 = arith.constant 3.500000e+00 : f32
      %mul3A_1353 = vector.broadcast %mul3A_1352 : f32 to vector<16xf32>
      %mul3A_1354 = arith.mulf %mul3A_1353, %bitcast3A_1325 : vector<16xf32>
      %add3A_1355 = arith.addf %bitcast3A, %mul3A_1354 : vector<16xf32>
      %min3A = arith.minimumf %add3A_1355, %add3A_1302 : vector<16xf32>
      %max3A = arith.maximumf %sub3A_1351, %sub3A_1298 : vector<16xf32>
      %sub3A_1356 = arith.subf %min3A, %max3A : vector<16xf32>
      %max3A_1357 = arith.constant 0.000000e+00 : f32
      %max3A_1358 = vector.broadcast %max3A_1357 : f32 to vector<16xf32>
      %max3A_1359 = arith.maximumf %sub3A_1356, %max3A_1358 : vector<16xf32>
      %min3A_1360 = arith.minimumf %add3A_1347, %add3A_1294 : vector<16xf32>
      %max3A_1361 = arith.maximumf %sub3A_1343, %sub3A : vector<16xf32>
      %sub3A_1362 = arith.subf %min3A_1360, %max3A_1361 : vector<16xf32>
      %max3A_1363 = arith.constant 0.000000e+00 : f32
      %max3A_1364 = vector.broadcast %max3A_1363 : f32 to vector<16xf32>
      %max3A_1365 = arith.maximumf %sub3A_1362, %max3A_1364 : vector<16xf32>
      %mul3A_1366 = arith.mulf %max3A_1359, %max3A_1365 : vector<16xf32>
      %mul3A_1367 = arith.mulf %bitcast3A_1325, %bitcast3A_1332 : vector<16xf32>
      %mul3A_1368 = arith.constant 4.900000e+01 : f32
      %mul3A_1369 = vector.broadcast %mul3A_1368 : f32 to vector<16xf32>
      %mul3A_1370 = arith.mulf %mul3A_1367, %mul3A_1369 : vector<16xf32>
      %add3A_1371 = arith.addf %mul3A_1306, %mul3A_1370 : vector<16xf32>
      %sub3A_1372 = arith.subf %add3A_1371, %mul3A_1366 : vector<16xf32>
      %gt3A = arith.constant 9.99999997E-7 : f32
      %gt3A_1373 = vector.broadcast %gt3A : f32 to vector<16xf32>
      %gt3A_1374 = arith.cmpf ogt, %sub3A_1372, %gt3A_1373 : vector<16xf32>
      %jit3A = arith.constant 1.000000e+00 : f32
      %broadcast_in_dim3A_1375 = vector.broadcast %jit3A : f32 to vector<16xf32>
      %select_n3A = arith.select %gt3A_1374, %sub3A_1372, %broadcast_in_dim3A_1375 : vector<16xi1>, vector<16xf32>
      %gt3A_1376 = arith.constant 9.99999997E-7 : f32
      %gt3A_1377 = vector.broadcast %gt3A_1376 : f32 to vector<16xf32>
      %gt3A_1378 = arith.cmpf ogt, %sub3A_1372, %gt3A_1377 : vector<16xf32>
      %div3A = arith.divf %mul3A_1366, %select_n3A : vector<16xf32>
      %jit3A_1379 = arith.constant 0.000000e+00 : f32
      %broadcast_in_dim3A_1380 = vector.broadcast %jit3A_1379 : f32 to vector<16xf32>
      %select_n3A_1381 = arith.select %gt3A_1378, %div3A, %broadcast_in_dim3A_1380 : vector<16xi1>, vector<16xf32>
      %broadcast_in_dim3A_1382 = arith.constant 5 : i32
      %broadcast_in_dim3A_1383 = vector.broadcast %broadcast_in_dim3A_1382 : i32 to vector<16xi32>
      %gather3A_1384 = tpu.vector_load_idx %arg9[%broadcast_in_dim3A_1383, %add3A_1267, %get3A_1270] : memref<12x512x16xi32, #tpu.memory_space<vmem>>[vector<16xi32>, vector<16xi32>, vector<16xi32>], vector<16xi32>,
      %shift_left3A_1385 = arith.constant 16 : i32
      %shift_left3A_1386 = vector.broadcast %shift_left3A_1385 : i32 to vector<16xi32>
      %shift_left3A_1387 = arith.shli %gather3A_1384, %shift_left3A_1386 : vector<16xi32>
      %bitcast3A_1388 = vector.bitcast %shift_left3A_1387 : vector<16xi32> to vector<16xf32>
      %broadcast_in_dim3A_1389 = arith.constant 6 : i32
      %broadcast_in_dim3A_1390 = vector.broadcast %broadcast_in_dim3A_1389 : i32 to vector<16xi32>
      %gather3A_1391 = tpu.vector_load_idx %arg9[%broadcast_in_dim3A_1390, %add3A_1267, %get3A_1270] : memref<12x512x16xi32, #tpu.memory_space<vmem>>[vector<16xi32>, vector<16xi32>, vector<16xi32>], vector<16xi32>,
      %shift_left3A_1392 = arith.constant 16 : i32
      %shift_left3A_1393 = vector.broadcast %shift_left3A_1392 : i32 to vector<16xi32>
      %shift_left3A_1394 = arith.shli %gather3A_1391, %shift_left3A_1393 : vector<16xi32>
      %bitcast3A_1395 = vector.bitcast %shift_left3A_1394 : vector<16xi32> to vector<16xf32>
      %broadcast_in_dim3A_1396 = arith.constant 7 : i32
      %broadcast_in_dim3A_1397 = vector.broadcast %broadcast_in_dim3A_1396 : i32 to vector<16xi32>
      %gather3A_1398 = tpu.vector_load_idx %arg9[%broadcast_in_dim3A_1397, %add3A_1267, %get3A_1270] : memref<12x512x16xi32, #tpu.memory_space<vmem>>[vector<16xi32>, vector<16xi32>, vector<16xi32>], vector<16xi32>,
      %shift_left3A_1399 = arith.constant 16 : i32
      %shift_left3A_1400 = vector.broadcast %shift_left3A_1399 : i32 to vector<16xi32>
      %shift_left3A_1401 = arith.shli %gather3A_1398, %shift_left3A_1400 : vector<16xi32>
      %bitcast3A_1402 = vector.bitcast %shift_left3A_1401 : vector<16xi32> to vector<16xf32>
      %broadcast_in_dim3A_1403 = arith.constant 8 : i32
      %broadcast_in_dim3A_1404 = vector.broadcast %broadcast_in_dim3A_1403 : i32 to vector<16xi32>
      %gather3A_1405 = tpu.vector_load_idx %arg9[%broadcast_in_dim3A_1404, %add3A_1267, %get3A_1270] : memref<12x512x16xi32, #tpu.memory_space<vmem>>[vector<16xi32>, vector<16xi32>, vector<16xi32>], vector<16xi32>,
      %shift_left3A_1406 = arith.constant 16 : i32
      %shift_left3A_1407 = vector.broadcast %shift_left3A_1406 : i32 to vector<16xi32>
      %shift_left3A_1408 = arith.shli %gather3A_1405, %shift_left3A_1407 : vector<16xi32>
      %bitcast3A_1409 = vector.bitcast %shift_left3A_1408 : vector<16xi32> to vector<16xf32>
      %broadcast_in_dim3A_1410 = arith.constant 9 : i32
      %broadcast_in_dim3A_1411 = vector.broadcast %broadcast_in_dim3A_1410 : i32 to vector<16xi32>
      %gather3A_1412 = tpu.vector_load_idx %arg9[%broadcast_in_dim3A_1411, %add3A_1267, %get3A_1270] : memref<12x512x16xi32, #tpu.memory_space<vmem>>[vector<16xi32>, vector<16xi32>, vector<16xi32>], vector<16xi32>,
      %shift_left3A_1413 = arith.constant 16 : i32
      %shift_left3A_1414 = vector.broadcast %shift_left3A_1413 : i32 to vector<16xi32>
      %shift_left3A_1415 = arith.shli %gather3A_1412, %shift_left3A_1414 : vector<16xi32>
      %bitcast3A_1416 = vector.bitcast %shift_left3A_1415 : vector<16xi32> to vector<16xf32>
      %mul3A_1417 = arith.constant 3.500000e+00 : f32
      %mul3A_1418 = vector.broadcast %mul3A_1417 : f32 to vector<16xf32>
      %mul3A_1419 = arith.mulf %mul3A_1418, %bitcast3A_1409 : vector<16xf32>
      %sub3A_1420 = arith.subf %bitcast3A_1395, %mul3A_1419 : vector<16xf32>
      %mul3A_1421 = arith.constant 3.500000e+00 : f32
      %mul3A_1422 = vector.broadcast %mul3A_1421 : f32 to vector<16xf32>
      %mul3A_1423 = arith.mulf %mul3A_1422, %bitcast3A_1409 : vector<16xf32>
      %add3A_1424 = arith.addf %bitcast3A_1395, %mul3A_1423 : vector<16xf32>
      %mul3A_1425 = arith.constant 3.500000e+00 : f32
      %mul3A_1426 = vector.broadcast %mul3A_1425 : f32 to vector<16xf32>
      %mul3A_1427 = arith.mulf %mul3A_1426, %bitcast3A_1402 : vector<16xf32>
      %sub3A_1428 = arith.subf %bitcast3A_1388, %mul3A_1427 : vector<16xf32>
      %mul3A_1429 = arith.constant 3.500000e+00 : f32
      %mul3A_1430 = vector.broadcast %mul3A_1429 : f32 to vector<16xf32>
      %mul3A_1431 = arith.mulf %mul3A_1430, %bitcast3A_1402 : vector<16xf32>
      %add3A_1432 = arith.addf %bitcast3A_1388, %mul3A_1431 : vector<16xf32>
      %min3A_1433 = arith.minimumf %add3A_1432, %add3A_1302 : vector<16xf32>
      %max3A_1434 = arith.maximumf %sub3A_1428, %sub3A_1298 : vector<16xf32>
      %sub3A_1435 = arith.subf %min3A_1433, %max3A_1434 : vector<16xf32>
      %max3A_1436 = arith.constant 0.000000e+00 : f32
      %max3A_1437 = vector.broadcast %max3A_1436 : f32 to vector<16xf32>
      %max3A_1438 = arith.maximumf %sub3A_1435, %max3A_1437 : vector<16xf32>
      %min3A_1439 = arith.minimumf %add3A_1424, %add3A_1294 : vector<16xf32>
      %max3A_1440 = arith.maximumf %sub3A_1420, %sub3A : vector<16xf32>
      %sub3A_1441 = arith.subf %min3A_1439, %max3A_1440 : vector<16xf32>
      %max3A_1442 = arith.constant 0.000000e+00 : f32
      %max3A_1443 = vector.broadcast %max3A_1442 : f32 to vector<16xf32>
      %max3A_1444 = arith.maximumf %sub3A_1441, %max3A_1443 : vector<16xf32>
      %mul3A_1445 = arith.mulf %max3A_1438, %max3A_1444 : vector<16xf32>
      %mul3A_1446 = arith.mulf %bitcast3A_1402, %bitcast3A_1409 : vector<16xf32>
      %mul3A_1447 = arith.constant 4.900000e+01 : f32
      %mul3A_1448 = vector.broadcast %mul3A_1447 : f32 to vector<16xf32>
      %mul3A_1449 = arith.mulf %mul3A_1446, %mul3A_1448 : vector<16xf32>
      %add3A_1450 = arith.addf %mul3A_1306, %mul3A_1449 : vector<16xf32>
      %sub3A_1451 = arith.subf %add3A_1450, %mul3A_1445 : vector<16xf32>
      %gt3A_1452 = arith.constant 9.99999997E-7 : f32
      %gt3A_1453 = vector.broadcast %gt3A_1452 : f32 to vector<16xf32>
      %gt3A_1454 = arith.cmpf ogt, %sub3A_1451, %gt3A_1453 : vector<16xf32>
      %jit3A_1455 = arith.constant 1.000000e+00 : f32
      %broadcast_in_dim3A_1456 = vector.broadcast %jit3A_1455 : f32 to vector<16xf32>
      %select_n3A_1457 = arith.select %gt3A_1454, %sub3A_1451, %broadcast_in_dim3A_1456 : vector<16xi1>, vector<16xf32>
      %gt3A_1458 = arith.constant 9.99999997E-7 : f32
      %gt3A_1459 = vector.broadcast %gt3A_1458 : f32 to vector<16xf32>
      %gt3A_1460 = arith.cmpf ogt, %sub3A_1451, %gt3A_1459 : vector<16xf32>
      %div3A_1461 = arith.divf %mul3A_1445, %select_n3A_1457 : vector<16xf32>
      %jit3A_1462 = arith.constant 0.000000e+00 : f32
      %broadcast_in_dim3A_1463 = vector.broadcast %jit3A_1462 : f32 to vector<16xf32>
      %select_n3A_1464 = arith.select %gt3A_1460, %div3A_1461, %broadcast_in_dim3A_1463 : vector<16xi1>, vector<16xf32>
      %gt3A_1465 = arith.cmpf ogt, %select_n3A_1464, %select_n3A_1381 : vector<16xf32>
      %select_n3A_1466 = arith.select %gt3A_1465, %bitcast3A_1388, %bitcast3A : vector<16xi1>, vector<16xf32>
      %select_n3A_1467 = arith.select %gt3A_1465, %bitcast3A_1395, %bitcast3A_1318 : vector<16xi1>, vector<16xf32>
      %select_n3A_1468 = arith.select %gt3A_1465, %bitcast3A_1402, %bitcast3A_1325 : vector<16xi1>, vector<16xf32>
      %select_n3A_1469 = arith.select %gt3A_1465, %bitcast3A_1409, %bitcast3A_1332 : vector<16xi1>, vector<16xf32>
      %select_n3A_1470 = arith.select %gt3A_1465, %bitcast3A_1416, %bitcast3A_1339 : vector<16xi1>, vector<16xf32>
      %sub3A_1471 = arith.subf %gather3A, %select_n3A_1466 : vector<16xf32>
      %sub3A_1472 = arith.subf %gather3A_1281, %select_n3A_1467 : vector<16xf32>
      %abs3A = math.absf %gather3A_1284 : vector<16xf32>
      %add3A_1473 = arith.constant 9.99999997E-7 : f32
      %add3A_1474 = vector.broadcast %add3A_1473 : f32 to vector<16xf32>
      %add3A_1475 = arith.addf %abs3A, %add3A_1474 : vector<16xf32>
      %bitcast3A_1476 = vector.bitcast %add3A_1475 : vector<16xf32> to vector<16xi32>
      %shift_right_arithmetic3A = arith.constant 1 : i32
      %shift_right_arithmetic3A_1477 = vector.broadcast %shift_right_arithmetic3A : i32 to vector<16xi32>
      %shift_right_arithmetic3A_1478 = arith.shrsi %bitcast3A_1476, %shift_right_arithmetic3A_1477 : vector<16xi32>
      %sub3A_1479 = arith.constant 1597463007 : i32
      %sub3A_1480 = vector.broadcast %sub3A_1479 : i32 to vector<16xi32>
      %sub3A_1481 = arith.subi %sub3A_1480, %shift_right_arithmetic3A_1478 : vector<16xi32>
      %bitcast3A_1482 = vector.bitcast %sub3A_1481 : vector<16xi32> to vector<16xf32>
      %mul3A_1483 = arith.constant 5.000000e-01 : f32
      %mul3A_1484 = vector.broadcast %mul3A_1483 : f32 to vector<16xf32>
      %mul3A_1485 = arith.mulf %mul3A_1484, %add3A_1475 : vector<16xf32>
      %mul3A_1486 = arith.mulf %mul3A_1485, %bitcast3A_1482 : vector<16xf32>
      %mul3A_1487 = arith.mulf %mul3A_1486, %bitcast3A_1482 : vector<16xf32>
      %sub3A_1488 = arith.constant 1.500000e+00 : f32
      %sub3A_1489 = vector.broadcast %sub3A_1488 : f32 to vector<16xf32>
      %sub3A_1490 = arith.subf %sub3A_1489, %mul3A_1487 : vector<16xf32>
      %mul3A_1491 = arith.mulf %bitcast3A_1482, %sub3A_1490 : vector<16xf32>
      %mul3A_1492 = arith.constant 5.000000e-01 : f32
      %mul3A_1493 = vector.broadcast %mul3A_1492 : f32 to vector<16xf32>
      %mul3A_1494 = arith.mulf %mul3A_1493, %add3A_1475 : vector<16xf32>
      %mul3A_1495 = arith.mulf %mul3A_1494, %mul3A_1491 : vector<16xf32>
      %mul3A_1496 = arith.mulf %mul3A_1495, %mul3A_1491 : vector<16xf32>
      %sub3A_1497 = arith.constant 1.500000e+00 : f32
      %sub3A_1498 = vector.broadcast %sub3A_1497 : f32 to vector<16xf32>
      %sub3A_1499 = arith.subf %sub3A_1498, %mul3A_1496 : vector<16xf32>
      %mul3A_1500 = arith.mulf %mul3A_1491, %sub3A_1499 : vector<16xf32>
      %mul3A_1501 = arith.constant 5.000000e-01 : f32
      %mul3A_1502 = vector.broadcast %mul3A_1501 : f32 to vector<16xf32>
      %mul3A_1503 = arith.mulf %mul3A_1502, %add3A_1475 : vector<16xf32>
      %mul3A_1504 = arith.mulf %mul3A_1503, %mul3A_1500 : vector<16xf32>
      %mul3A_1505 = arith.mulf %mul3A_1504, %mul3A_1500 : vector<16xf32>
      %sub3A_1506 = arith.constant 1.500000e+00 : f32
      %sub3A_1507 = vector.broadcast %sub3A_1506 : f32 to vector<16xf32>
      %sub3A_1508 = arith.subf %sub3A_1507, %mul3A_1505 : vector<16xf32>
      %mul3A_1509 = arith.mulf %mul3A_1500, %sub3A_1508 : vector<16xf32>
      %sign3A = tpu.bitcast %gather3A_1284 : vector<16xf32> -> vector<16xi32>
      %sign3A_1510 = arith.constant -2147483648 : i32
      %sign3A_1511 = vector.broadcast %sign3A_1510 : i32 to vector<16xi32>
      %sign3A_1512 = arith.andi %sign3A, %sign3A_1511 : vector<16xi32>
      %sign3A_1513 = arith.constant 1065353216 : i32
      %sign3A_1514 = vector.broadcast %sign3A_1513 : i32 to vector<16xi32>
      %sign3A_1515 = arith.ori %sign3A_1514, %sign3A_1512 : vector<16xi32>
      %sign3A_1516 = tpu.bitcast %sign3A_1515 : vector<16xi32> -> vector<16xf32>
      %sign3A_1517 = math.absf %gather3A_1284 : vector<16xf32>
      %sign3A_1518 = arith.constant 0.000000e+00 : f32
      %sign3A_1519 = vector.broadcast %sign3A_1518 : f32 to vector<16xf32>
      %sign3A_1520 = arith.cmpf ogt, %sign3A_1517, %sign3A_1519 : vector<16xf32>
      %sign3A_1521 = arith.select %sign3A_1520, %sign3A_1516, %gather3A_1284 : vector<16xi1>, vector<16xf32>
      %mul3A_1522 = arith.mulf %add3A_1475, %mul3A_1509 : vector<16xf32>
      %mul3A_1523 = arith.mulf %sign3A_1521, %mul3A_1522 : vector<16xf32>
      %abs3A_1524 = math.absf %select_n3A_1468 : vector<16xf32>
      %add3A_1525 = arith.constant 9.99999997E-7 : f32
      %add3A_1526 = vector.broadcast %add3A_1525 : f32 to vector<16xf32>
      %add3A_1527 = arith.addf %abs3A_1524, %add3A_1526 : vector<16xf32>
      %bitcast3A_1528 = vector.bitcast %add3A_1527 : vector<16xf32> to vector<16xi32>
      %shift_right_arithmetic3A_1529 = arith.constant 1 : i32
      %shift_right_arithmetic3A_1530 = vector.broadcast %shift_right_arithmetic3A_1529 : i32 to vector<16xi32>
      %shift_right_arithmetic3A_1531 = arith.shrsi %bitcast3A_1528, %shift_right_arithmetic3A_1530 : vector<16xi32>
      %sub3A_1532 = arith.constant 1597463007 : i32
      %sub3A_1533 = vector.broadcast %sub3A_1532 : i32 to vector<16xi32>
      %sub3A_1534 = arith.subi %sub3A_1533, %shift_right_arithmetic3A_1531 : vector<16xi32>
      %bitcast3A_1535 = vector.bitcast %sub3A_1534 : vector<16xi32> to vector<16xf32>
      %mul3A_1536 = arith.constant 5.000000e-01 : f32
      %mul3A_1537 = vector.broadcast %mul3A_1536 : f32 to vector<16xf32>
      %mul3A_1538 = arith.mulf %mul3A_1537, %add3A_1527 : vector<16xf32>
      %mul3A_1539 = arith.mulf %mul3A_1538, %bitcast3A_1535 : vector<16xf32>
      %mul3A_1540 = arith.mulf %mul3A_1539, %bitcast3A_1535 : vector<16xf32>
      %sub3A_1541 = arith.constant 1.500000e+00 : f32
      %sub3A_1542 = vector.broadcast %sub3A_1541 : f32 to vector<16xf32>
      %sub3A_1543 = arith.subf %sub3A_1542, %mul3A_1540 : vector<16xf32>
      %mul3A_1544 = arith.mulf %bitcast3A_1535, %sub3A_1543 : vector<16xf32>
      %mul3A_1545 = arith.constant 5.000000e-01 : f32
      %mul3A_1546 = vector.broadcast %mul3A_1545 : f32 to vector<16xf32>
      %mul3A_1547 = arith.mulf %mul3A_1546, %add3A_1527 : vector<16xf32>
      %mul3A_1548 = arith.mulf %mul3A_1547, %mul3A_1544 : vector<16xf32>
      %mul3A_1549 = arith.mulf %mul3A_1548, %mul3A_1544 : vector<16xf32>
      %sub3A_1550 = arith.constant 1.500000e+00 : f32
      %sub3A_1551 = vector.broadcast %sub3A_1550 : f32 to vector<16xf32>
      %sub3A_1552 = arith.subf %sub3A_1551, %mul3A_1549 : vector<16xf32>
      %mul3A_1553 = arith.mulf %mul3A_1544, %sub3A_1552 : vector<16xf32>
      %mul3A_1554 = arith.constant 5.000000e-01 : f32
      %mul3A_1555 = vector.broadcast %mul3A_1554 : f32 to vector<16xf32>
      %mul3A_1556 = arith.mulf %mul3A_1555, %add3A_1527 : vector<16xf32>
      %mul3A_1557 = arith.mulf %mul3A_1556, %mul3A_1553 : vector<16xf32>
      %mul3A_1558 = arith.mulf %mul3A_1557, %mul3A_1553 : vector<16xf32>
      %sub3A_1559 = arith.constant 1.500000e+00 : f32
      %sub3A_1560 = vector.broadcast %sub3A_1559 : f32 to vector<16xf32>
      %sub3A_1561 = arith.subf %sub3A_1560, %mul3A_1558 : vector<16xf32>
      %mul3A_1562 = arith.mulf %mul3A_1553, %sub3A_1561 : vector<16xf32>
      %sign3A_1563 = tpu.bitcast %select_n3A_1468 : vector<16xf32> -> vector<16xi32>
      %sign3A_1564 = arith.constant -2147483648 : i32
      %sign3A_1565 = vector.broadcast %sign3A_1564 : i32 to vector<16xi32>
      %sign3A_1566 = arith.andi %sign3A_1563, %sign3A_1565 : vector<16xi32>
      %sign3A_1567 = arith.constant 1065353216 : i32
      %sign3A_1568 = vector.broadcast %sign3A_1567 : i32 to vector<16xi32>
      %sign3A_1569 = arith.ori %sign3A_1568, %sign3A_1566 : vector<16xi32>
      %sign3A_1570 = tpu.bitcast %sign3A_1569 : vector<16xi32> -> vector<16xf32>
      %sign3A_1571 = math.absf %select_n3A_1468 : vector<16xf32>
      %sign3A_1572 = arith.constant 0.000000e+00 : f32
      %sign3A_1573 = vector.broadcast %sign3A_1572 : f32 to vector<16xf32>
      %sign3A_1574 = arith.cmpf ogt, %sign3A_1571, %sign3A_1573 : vector<16xf32>
      %sign3A_1575 = arith.select %sign3A_1574, %sign3A_1570, %select_n3A_1468 : vector<16xi1>, vector<16xf32>
      %mul3A_1576 = arith.mulf %add3A_1527, %mul3A_1562 : vector<16xf32>
      %mul3A_1577 = arith.mulf %sign3A_1575, %mul3A_1576 : vector<16xf32>
      %sub3A_1578 = arith.subf %mul3A_1523, %mul3A_1577 : vector<16xf32>
      %abs3A_1579 = math.absf %gather3A_1287 : vector<16xf32>
      %add3A_1580 = arith.constant 9.99999997E-7 : f32
      %add3A_1581 = vector.broadcast %add3A_1580 : f32 to vector<16xf32>
      %add3A_1582 = arith.addf %abs3A_1579, %add3A_1581 : vector<16xf32>
      %bitcast3A_1583 = vector.bitcast %add3A_1582 : vector<16xf32> to vector<16xi32>
      %shift_right_arithmetic3A_1584 = arith.constant 1 : i32
      %shift_right_arithmetic3A_1585 = vector.broadcast %shift_right_arithmetic3A_1584 : i32 to vector<16xi32>
      %shift_right_arithmetic3A_1586 = arith.shrsi %bitcast3A_1583, %shift_right_arithmetic3A_1585 : vector<16xi32>
      %sub3A_1587 = arith.constant 1597463007 : i32
      %sub3A_1588 = vector.broadcast %sub3A_1587 : i32 to vector<16xi32>
      %sub3A_1589 = arith.subi %sub3A_1588, %shift_right_arithmetic3A_1586 : vector<16xi32>
      %bitcast3A_1590 = vector.bitcast %sub3A_1589 : vector<16xi32> to vector<16xf32>
      %mul3A_1591 = arith.constant 5.000000e-01 : f32
      %mul3A_1592 = vector.broadcast %mul3A_1591 : f32 to vector<16xf32>
      %mul3A_1593 = arith.mulf %mul3A_1592, %add3A_1582 : vector<16xf32>
      %mul3A_1594 = arith.mulf %mul3A_1593, %bitcast3A_1590 : vector<16xf32>
      %mul3A_1595 = arith.mulf %mul3A_1594, %bitcast3A_1590 : vector<16xf32>
      %sub3A_1596 = arith.constant 1.500000e+00 : f32
      %sub3A_1597 = vector.broadcast %sub3A_1596 : f32 to vector<16xf32>
      %sub3A_1598 = arith.subf %sub3A_1597, %mul3A_1595 : vector<16xf32>
      %mul3A_1599 = arith.mulf %bitcast3A_1590, %sub3A_1598 : vector<16xf32>
      %mul3A_1600 = arith.constant 5.000000e-01 : f32
      %mul3A_1601 = vector.broadcast %mul3A_1600 : f32 to vector<16xf32>
      %mul3A_1602 = arith.mulf %mul3A_1601, %add3A_1582 : vector<16xf32>
      %mul3A_1603 = arith.mulf %mul3A_1602, %mul3A_1599 : vector<16xf32>
      %mul3A_1604 = arith.mulf %mul3A_1603, %mul3A_1599 : vector<16xf32>
      %sub3A_1605 = arith.constant 1.500000e+00 : f32
      %sub3A_1606 = vector.broadcast %sub3A_1605 : f32 to vector<16xf32>
      %sub3A_1607 = arith.subf %sub3A_1606, %mul3A_1604 : vector<16xf32>
      %mul3A_1608 = arith.mulf %mul3A_1599, %sub3A_1607 : vector<16xf32>
      %mul3A_1609 = arith.constant 5.000000e-01 : f32
      %mul3A_1610 = vector.broadcast %mul3A_1609 : f32 to vector<16xf32>
      %mul3A_1611 = arith.mulf %mul3A_1610, %add3A_1582 : vector<16xf32>
      %mul3A_1612 = arith.mulf %mul3A_1611, %mul3A_1608 : vector<16xf32>
      %mul3A_1613 = arith.mulf %mul3A_1612, %mul3A_1608 : vector<16xf32>
      %sub3A_1614 = arith.constant 1.500000e+00 : f32
      %sub3A_1615 = vector.broadcast %sub3A_1614 : f32 to vector<16xf32>
      %sub3A_1616 = arith.subf %sub3A_1615, %mul3A_1613 : vector<16xf32>
      %mul3A_1617 = arith.mulf %mul3A_1608, %sub3A_1616 : vector<16xf32>
      %sign3A_1618 = tpu.bitcast %gather3A_1287 : vector<16xf32> -> vector<16xi32>
      %sign3A_1619 = arith.constant -2147483648 : i32
      %sign3A_1620 = vector.broadcast %sign3A_1619 : i32 to vector<16xi32>
      %sign3A_1621 = arith.andi %sign3A_1618, %sign3A_1620 : vector<16xi32>
      %sign3A_1622 = arith.constant 1065353216 : i32
      %sign3A_1623 = vector.broadcast %sign3A_1622 : i32 to vector<16xi32>
      %sign3A_1624 = arith.ori %sign3A_1623, %sign3A_1621 : vector<16xi32>
      %sign3A_1625 = tpu.bitcast %sign3A_1624 : vector<16xi32> -> vector<16xf32>
      %sign3A_1626 = math.absf %gather3A_1287 : vector<16xf32>
      %sign3A_1627 = arith.constant 0.000000e+00 : f32
      %sign3A_1628 = vector.broadcast %sign3A_1627 : f32 to vector<16xf32>
      %sign3A_1629 = arith.cmpf ogt, %sign3A_1626, %sign3A_1628 : vector<16xf32>
      %sign3A_1630 = arith.select %sign3A_1629, %sign3A_1625, %gather3A_1287 : vector<16xi1>, vector<16xf32>
      %mul3A_1631 = arith.mulf %add3A_1582, %mul3A_1617 : vector<16xf32>
      %mul3A_1632 = arith.mulf %sign3A_1630, %mul3A_1631 : vector<16xf32>
      %abs3A_1633 = math.absf %select_n3A_1469 : vector<16xf32>
      %add3A_1634 = arith.constant 9.99999997E-7 : f32
      %add3A_1635 = vector.broadcast %add3A_1634 : f32 to vector<16xf32>
      %add3A_1636 = arith.addf %abs3A_1633, %add3A_1635 : vector<16xf32>
      %bitcast3A_1637 = vector.bitcast %add3A_1636 : vector<16xf32> to vector<16xi32>
      %shift_right_arithmetic3A_1638 = arith.constant 1 : i32
      %shift_right_arithmetic3A_1639 = vector.broadcast %shift_right_arithmetic3A_1638 : i32 to vector<16xi32>
      %shift_right_arithmetic3A_1640 = arith.shrsi %bitcast3A_1637, %shift_right_arithmetic3A_1639 : vector<16xi32>
      %sub3A_1641 = arith.constant 1597463007 : i32
      %sub3A_1642 = vector.broadcast %sub3A_1641 : i32 to vector<16xi32>
      %sub3A_1643 = arith.subi %sub3A_1642, %shift_right_arithmetic3A_1640 : vector<16xi32>
      %bitcast3A_1644 = vector.bitcast %sub3A_1643 : vector<16xi32> to vector<16xf32>
      %mul3A_1645 = arith.constant 5.000000e-01 : f32
      %mul3A_1646 = vector.broadcast %mul3A_1645 : f32 to vector<16xf32>
      %mul3A_1647 = arith.mulf %mul3A_1646, %add3A_1636 : vector<16xf32>
      %mul3A_1648 = arith.mulf %mul3A_1647, %bitcast3A_1644 : vector<16xf32>
      %mul3A_1649 = arith.mulf %mul3A_1648, %bitcast3A_1644 : vector<16xf32>
      %sub3A_1650 = arith.constant 1.500000e+00 : f32
      %sub3A_1651 = vector.broadcast %sub3A_1650 : f32 to vector<16xf32>
      %sub3A_1652 = arith.subf %sub3A_1651, %mul3A_1649 : vector<16xf32>
      %mul3A_1653 = arith.mulf %bitcast3A_1644, %sub3A_1652 : vector<16xf32>
      %mul3A_1654 = arith.constant 5.000000e-01 : f32
      %mul3A_1655 = vector.broadcast %mul3A_1654 : f32 to vector<16xf32>
      %mul3A_1656 = arith.mulf %mul3A_1655, %add3A_1636 : vector<16xf32>
      %mul3A_1657 = arith.mulf %mul3A_1656, %mul3A_1653 : vector<16xf32>
      %mul3A_1658 = arith.mulf %mul3A_1657, %mul3A_1653 : vector<16xf32>
      %sub3A_1659 = arith.constant 1.500000e+00 : f32
      %sub3A_1660 = vector.broadcast %sub3A_1659 : f32 to vector<16xf32>
      %sub3A_1661 = arith.subf %sub3A_1660, %mul3A_1658 : vector<16xf32>
      %mul3A_1662 = arith.mulf %mul3A_1653, %sub3A_1661 : vector<16xf32>
      %mul3A_1663 = arith.constant 5.000000e-01 : f32
      %mul3A_1664 = vector.broadcast %mul3A_1663 : f32 to vector<16xf32>
      %mul3A_1665 = arith.mulf %mul3A_1664, %add3A_1636 : vector<16xf32>
      %mul3A_1666 = arith.mulf %mul3A_1665, %mul3A_1662 : vector<16xf32>
      %mul3A_1667 = arith.mulf %mul3A_1666, %mul3A_1662 : vector<16xf32>
      %sub3A_1668 = arith.constant 1.500000e+00 : f32
      %sub3A_1669 = vector.broadcast %sub3A_1668 : f32 to vector<16xf32>
      %sub3A_1670 = arith.subf %sub3A_1669, %mul3A_1667 : vector<16xf32>
      %mul3A_1671 = arith.mulf %mul3A_1662, %sub3A_1670 : vector<16xf32>
      %sign3A_1672 = tpu.bitcast %select_n3A_1469 : vector<16xf32> -> vector<16xi32>
      %sign3A_1673 = arith.constant -2147483648 : i32
      %sign3A_1674 = vector.broadcast %sign3A_1673 : i32 to vector<16xi32>
      %sign3A_1675 = arith.andi %sign3A_1672, %sign3A_1674 : vector<16xi32>
      %sign3A_1676 = arith.constant 1065353216 : i32
      %sign3A_1677 = vector.broadcast %sign3A_1676 : i32 to vector<16xi32>
      %sign3A_1678 = arith.ori %sign3A_1677, %sign3A_1675 : vector<16xi32>
      %sign3A_1679 = tpu.bitcast %sign3A_1678 : vector<16xi32> -> vector<16xf32>
      %sign3A_1680 = math.absf %select_n3A_1469 : vector<16xf32>
      %sign3A_1681 = arith.constant 0.000000e+00 : f32
      %sign3A_1682 = vector.broadcast %sign3A_1681 : f32 to vector<16xf32>
      %sign3A_1683 = arith.cmpf ogt, %sign3A_1680, %sign3A_1682 : vector<16xf32>
      %sign3A_1684 = arith.select %sign3A_1683, %sign3A_1679, %select_n3A_1469 : vector<16xi1>, vector<16xf32>
      %mul3A_1685 = arith.mulf %add3A_1636, %mul3A_1671 : vector<16xf32>
      %mul3A_1686 = arith.mulf %sign3A_1684, %mul3A_1685 : vector<16xf32>
      %sub3A_1687 = arith.subf %mul3A_1632, %mul3A_1686 : vector<16xf32>
      %sub3A_1688 = arith.constant 1.000000e+00 : f32
      %sub3A_1689 = vector.broadcast %sub3A_1688 : f32 to vector<16xf32>
      %sub3A_1690 = arith.subf %select_n3A_1470, %sub3A_1689 : vector<16xf32>
      %mul3A_1691 = arith.mulf %sub3A_1471, %sub3A_1471 : vector<16xf32>
      %mul3A_1692 = arith.mulf %sub3A_1472, %sub3A_1472 : vector<16xf32>
      %add3A_1693 = arith.addf %mul3A_1691, %mul3A_1692 : vector<16xf32>
      %mul3A_1694 = arith.constant 5.000000e+00 : f32
      %mul3A_1695 = vector.broadcast %mul3A_1694 : f32 to vector<16xf32>
      %mul3A_1696 = arith.mulf %mul3A_1695, %add3A_1693 : vector<16xf32>
      %add3A_1697 = arith.addf %scan3A_1263, %mul3A_1696 : vector<16xf32>
      %mul3A_1698 = arith.mulf %sub3A_1578, %sub3A_1578 : vector<16xf32>
      %mul3A_1699 = arith.mulf %sub3A_1687, %sub3A_1687 : vector<16xf32>
      %add3A_1700 = arith.addf %mul3A_1698, %mul3A_1699 : vector<16xf32>
      %mul3A_1701 = arith.constant 5.000000e+00 : f32
      %mul3A_1702 = vector.broadcast %mul3A_1701 : f32 to vector<16xf32>
      %mul3A_1703 = arith.mulf %mul3A_1702, %add3A_1700 : vector<16xf32>
      %add3A_1704 = arith.addf %add3A_1697, %mul3A_1703 : vector<16xf32>
      %mul3A_1705 = arith.mulf %sub3A_1690, %sub3A_1690 : vector<16xf32>
      %add3A_1706 = arith.addf %add3A_1704, %mul3A_1705 : vector<16xf32>
      %mul3A_1707 = arith.constant 5.000000e-01 : f32
      %mul3A_1708 = vector.broadcast %mul3A_1707 : f32 to vector<16xf32>
      %mul3A_1709 = arith.mulf %mul3A_1708, %select_n3A_1470 : vector<16xf32>
      %mul3A_1710 = arith.mulf %mul3A_1709, %select_n3A_1470 : vector<16xf32>
      %sub3A_1711 = arith.subf %add3A_1706, %mul3A_1710 : vector<16xf32>
      %broadcast_in_dim3A_1712 = arith.constant 10 : i32
      %broadcast_in_dim3A_1713 = vector.broadcast %broadcast_in_dim3A_1712 : i32 to vector<16xi32>
      %gather3A_1714 = tpu.vector_load_idx %arg9[%broadcast_in_dim3A_1713, %add3A_1267, %get3A_1270] : memref<12x512x16xi32, #tpu.memory_space<vmem>>[vector<16xi32>, vector<16xi32>, vector<16xi32>], vector<16xi32>,
      %and3A = arith.andi %gather3A_1714, %broadcast_in_dim3A_1276 : vector<16xi32>
      %bitcast3A_1715 = vector.bitcast %and3A : vector<16xi32> to vector<16xf32>
      %add3A_1716 = arith.addf %sub3A_1711, %bitcast3A_1715 : vector<16xf32>
      %add3A_1717 = arith.constant 1.000000e+00 : f32
      %add3A_1718 = vector.broadcast %add3A_1717 : f32 to vector<16xf32>
      %add3A_1719 = arith.addf %add3A_1716, %add3A_1718 : vector<16xf32>
      %broadcast_in_dim3A_1720 = arith.constant 11 : i32
      %broadcast_in_dim3A_1721 = vector.broadcast %broadcast_in_dim3A_1720 : i32 to vector<16xi32>
      %gather3A_1722 = tpu.vector_load_idx %arg9[%broadcast_in_dim3A_1721, %add3A_1267, %get3A_1270] : memref<12x512x16xi32, #tpu.memory_space<vmem>>[vector<16xi32>, vector<16xi32>, vector<16xi32>], vector<16xi32>,
      %eq3A = arith.constant 1 : i32
      %eq3A_1723 = vector.broadcast %eq3A : i32 to vector<16xi32>
      %eq3A_1724 = arith.cmpi eq, %get3A_1274, %eq3A_1723 : vector<16xi32>
      %and3A_1725 = arith.andi %gather3A_1722, %broadcast_in_dim3A_1276 : vector<16xi32>
      %shift_left3A_1726 = arith.constant 16 : i32
      %shift_left3A_1727 = vector.broadcast %shift_left3A_1726 : i32 to vector<16xi32>
      %shift_left3A_1728 = arith.shli %gather3A_1722, %shift_left3A_1727 : vector<16xi32>
      %select_n3A_1729 = arith.select %eq3A_1724, %and3A_1725, %shift_left3A_1728 : vector<16xi1>, vector<16xi32>
      %bitcast3A_1730 = vector.bitcast %select_n3A_1729 : vector<16xi32> to vector<16xf32>
      %mul3A_1731 = arith.constant 2.000000e+00 : f32
      %mul3A_1732 = vector.broadcast %mul3A_1731 : f32 to vector<16xf32>
      %mul3A_1733 = arith.mulf %mul3A_1732, %bitcast3A_1730 : vector<16xf32>
      %sub3A_1734 = arith.subf %add3A_1719, %mul3A_1733 : vector<16xf32>
      scf.yield %sub3A_1734 : vector<16xf32>
    }
    %scan3A_1260 = arith.constant 32 : i32
    %swap3A = arith.constant 0 : index
    %swap3A_1261 = tpu.vector_load %arg10[%swap3A] {strides = array<i32>} : memref<16xf32, #tpu.memory_space<vmem>>, vector<16xf32>,
    tpu.vector_store %arg10[%swap3A], %scan3A_1259 {strides = array<i32>} : memref<16xf32, #tpu.memory_space<vmem>>, vector<16xf32>,
    "tpu.region"() ({
      %run_scoped3A = tpu.sem_alloc : memref<!tpu.dma_semaphore, #tpu.memory_space<semaphore_mem>>
      %dma_start3A_1262 = arith.constant 0 : i32
      %dma_start3A_1263 = tpu.memref_slice %arg4[%add3A, %dma_start3A_1262] : memref<32x16xf32, #tpu.memory_space<hbm>> -> memref<1x16xf32, #tpu.memory_space<hbm>>
      %dma_start3A_1264 = tpu.memref_squeeze %dma_start3A_1263 : memref<1x16xf32, #tpu.memory_space<hbm>> -> memref<16xf32, #tpu.memory_space<hbm>>
      %dma_start3A_1265 = arith.constant 0 : i32
      %dma_start3A_1266 = tpu.memref_slice %arg4[%add3A, %dma_start3A_1265] : memref<32x16xf32, #tpu.memory_space<hbm>> -> memref<1x16xf32, #tpu.memory_space<hbm>>
      %dma_start3A_1267 = tpu.memref_squeeze %dma_start3A_1266 : memref<1x16xf32, #tpu.memory_space<hbm>> -> memref<16xf32, #tpu.memory_space<hbm>>
      tpu.enqueue_dma source(%arg10 : memref<16xf32, #tpu.memory_space<vmem>>) target(%dma_start3A_1267 : memref<16xf32, #tpu.memory_space<hbm>>) target_semaphore(%run_scoped3A : memref<!tpu.dma_semaphore, #tpu.memory_space<semaphore_mem>>)
      %dma_wait3A_1268 = arith.constant 0 : i32
      %dma_wait3A_1269 = tpu.memref_slice %arg4[%add3A, %dma_wait3A_1268] : memref<32x16xf32, #tpu.memory_space<hbm>> -> memref<1x16xf32, #tpu.memory_space<hbm>>
      %dma_wait3A_1270 = tpu.memref_squeeze %dma_wait3A_1269 : memref<1x16xf32, #tpu.memory_space<hbm>> -> memref<16xf32, #tpu.memory_space<hbm>>
      %dma_wait3A_1271 = arith.constant 0 : i32
      %dma_wait3A_1272 = tpu.memref_slice %arg4[%add3A, %dma_wait3A_1271] : memref<32x16xf32, #tpu.memory_space<hbm>> -> memref<1x16xf32, #tpu.memory_space<hbm>>
      %dma_wait3A_1273 = tpu.memref_squeeze %dma_wait3A_1272 : memref<1x16xf32, #tpu.memory_space<hbm>> -> memref<16xf32, #tpu.memory_space<hbm>>
      tpu.wait_dma2 semaphore(%run_scoped3A : memref<!tpu.dma_semaphore, #tpu.memory_space<semaphore_mem>>) src(%arg10 : memref<16xf32, #tpu.memory_space<vmem>>) dst(%dma_wait3A_1273 : memref<16xf32, #tpu.memory_space<hbm>>)
      tpu.yield
    }) : () -> ()
    return
  }
}

module attributes {stable_mosaic.version = 14 : i64} {
  func.func @_tc_body(%arg0: i32, %arg1: memref<1x28x90x512xf32, #tpu.memory_space<vmem>>, %arg2: memref<1x28x4x48x128xi32, #tpu.memory_space<vmem>>, %arg3: memref<1x1xf32, #tpu.memory_space<vmem>>) attributes {dimension_semantics = [#tpu.dimension_semantics<arbitrary>], iteration_bounds = array<i64: 28>, scalar_prefetch = 0 : i64, scratch_operands = 0 : i64, tpu.core_type = #tpu.core_type<tc>, window_params = [{transform_indices = @transform_0, window_bounds = array<i64: 1, 28, 90, 512>}, {transform_indices = @transform_1, window_bounds = array<i64: 1, 28, 4, 48, 128>}, {pipeline_mode = #tpu.pipeline_mode<synchronous>, transform_indices = @transform_2, window_bounds = array<i64: 1, 1>}]} {
    %eq3A = arith.constant 0 : i32
    %eq3A_0 = arith.cmpi eq, %arg0, %eq3A : i32
    %convert_element_type3A = arith.extui %eq3A_0 : i1 to i32
    %cond3A = arith.constant 0 : i32
    %cond3A_1 = arith.cmpi ne, %convert_element_type3A, %cond3A : i32
    scf.if %cond3A_1 {
      %broadcast_in_dim3A_97 = arith.constant 0.000000e+00 : f32
      %broadcast_in_dim3A_98 = vector.broadcast %broadcast_in_dim3A_97 : f32 to vector<1x1xf32>
      %swap3A_99 = arith.constant 0 : index
      %swap3A_100 = arith.constant 0 : index
      %swap3A_101 = vector.load %arg3[%swap3A_99, %swap3A_100] : memref<1x1xf32, #tpu.memory_space<vmem>>, vector<1x1xf32>
      tpu.vector_store %arg3[%swap3A_99, %swap3A_100], %broadcast_in_dim3A_98 {strides = array<i32>} : memref<1x1xf32, #tpu.memory_space<vmem>>, vector<1x1xf32>,
    } else {
    }
    %get3A = arith.constant 0 : index
    %get3A_2 = arith.constant 0 : index
    %get3A_3 = arith.constant 0 : index
    %get3A_4 = arith.constant 0 : index
    %get3A_5 = vector.load %arg1[%get3A, %get3A_2, %get3A_3, %get3A_4] : memref<1x28x90x512xf32, #tpu.memory_space<vmem>>, vector<1x28x90x512xf32>
    %get3A_6 = vector.shape_cast %get3A_5 : vector<1x28x90x512xf32> to vector<28x90x512xf32>
    %slice3A = vector.extract_strided_slice %get3A_6 {offsets = [0, 10, 0], sizes = [28, 80, 512], strides = [1, 1, 1]} : vector<28x90x512xf32> to vector<28x80x512xf32>
    %mul3A = arith.mulf %slice3A, %slice3A : vector<28x80x512xf32>
    %reduce_sum3A = arith.constant dense<0.000000e+00> : vector<28x512xf32>
    %reduce_sum3A_7 = vector.multi_reduction <add>, %mul3A, %reduce_sum3A [1] : vector<28x80x512xf32> to vector<28x512xf32>
    %broadcast_in_dim3A = vector.shape_cast %reduce_sum3A_7 : vector<28x512xf32> to vector<28x1x512xf32>
    %slice3A_8 = vector.extract_strided_slice %get3A_6 {offsets = [0, 0, 0], sizes = [28, 48, 512], strides = [1, 1, 1]} : vector<28x90x512xf32> to vector<28x48x512xf32>
    %slice3A_9 = vector.extract_strided_slice %get3A_6 {offsets = [0, 48, 0], sizes = [28, 42, 512], strides = [1, 1, 1]} : vector<28x90x512xf32> to vector<28x42x512xf32>
    %broadcast_in_dim3A_10 = arith.constant 0.000000e+00 : f32
    %broadcast_in_dim3A_11 = vector.broadcast %broadcast_in_dim3A_10 : f32 to vector<28x5x512xf32>
    %concatenate3A = tpu.concatenate %slice3A_9, %broadcast_in_dim3A, %broadcast_in_dim3A_11 in 1 : vector<28x42x512xf32>, vector<28x1x512xf32>, vector<28x5x512xf32> -> vector<28x48x512xf32>
    %bitcast_convert_type3A = tpu.bitcast %slice3A_8 : vector<28x48x512xf32> -> vector<28x48x512xi32>
    %add3A = arith.constant 32767 : i32
    %add3A_12 = vector.broadcast %add3A : i32 to vector<28x48x512xi32>
    %add3A_13 = arith.addi %bitcast_convert_type3A, %add3A_12 : vector<28x48x512xi32>
    %shift_right_logical3A = arith.constant 16 : i32
    %shift_right_logical3A_14 = vector.broadcast %shift_right_logical3A : i32 to vector<28x48x512xi32>
    %shift_right_logical3A_15 = arith.shrui %bitcast_convert_type3A, %shift_right_logical3A_14 : vector<28x48x512xi32>
    %and3A = arith.constant 1 : i32
    %and3A_16 = vector.broadcast %and3A : i32 to vector<28x48x512xi32>
    %and3A_17 = arith.andi %shift_right_logical3A_15, %and3A_16 : vector<28x48x512xi32>
    %add3A_18 = arith.addi %add3A_13, %and3A_17 : vector<28x48x512xi32>
    %shift_right_logical3A_19 = arith.constant 16 : i32
    %shift_right_logical3A_20 = vector.broadcast %shift_right_logical3A_19 : i32 to vector<28x48x512xi32>
    %shift_right_logical3A_21 = arith.shrui %add3A_18, %shift_right_logical3A_20 : vector<28x48x512xi32>
    %bitcast_convert_type3A_22 = tpu.bitcast %concatenate3A : vector<28x48x512xf32> -> vector<28x48x512xi32>
    %add3A_23 = arith.constant 32767 : i32
    %add3A_24 = vector.broadcast %add3A_23 : i32 to vector<28x48x512xi32>
    %add3A_25 = arith.addi %bitcast_convert_type3A_22, %add3A_24 : vector<28x48x512xi32>
    %shift_right_logical3A_26 = arith.constant 16 : i32
    %shift_right_logical3A_27 = vector.broadcast %shift_right_logical3A_26 : i32 to vector<28x48x512xi32>
    %shift_right_logical3A_28 = arith.shrui %bitcast_convert_type3A_22, %shift_right_logical3A_27 : vector<28x48x512xi32>
    %and3A_29 = arith.constant 1 : i32
    %and3A_30 = vector.broadcast %and3A_29 : i32 to vector<28x48x512xi32>
    %and3A_31 = arith.andi %shift_right_logical3A_28, %and3A_30 : vector<28x48x512xi32>
    %add3A_32 = arith.addi %add3A_25, %and3A_31 : vector<28x48x512xi32>
    %shift_right_logical3A_33 = arith.constant 16 : i32
    %shift_right_logical3A_34 = vector.broadcast %shift_right_logical3A_33 : i32 to vector<28x48x512xi32>
    %shift_right_logical3A_35 = arith.shrui %add3A_32, %shift_right_logical3A_34 : vector<28x48x512xi32>
    %shift_left3A = arith.constant 16 : i32
    %shift_left3A_36 = vector.broadcast %shift_left3A : i32 to vector<28x48x512xi32>
    %shift_left3A_37 = arith.shli %shift_right_logical3A_35, %shift_left3A_36 : vector<28x48x512xi32>
    %or3A = arith.ori %shift_right_logical3A_21, %shift_left3A_37 : vector<28x48x512xi32>
    %slice3A_38 = vector.extract_strided_slice %or3A {offsets = [0, 0, 0], sizes = [28, 48, 128], strides = [1, 1, 1]} : vector<28x48x512xi32> to vector<28x48x128xi32>
    %swap3A = arith.constant 0 : index
    %swap3A_39 = arith.constant 0 : index
    %swap3A_40 = arith.constant 0 : index
    %swap3A_41 = arith.constant 0 : index
    %swap3A_42 = arith.constant 0 : index
    %swap3A_43 = vector.load %arg2[%swap3A, %swap3A_39, %swap3A_40, %swap3A_41, %swap3A_42] : memref<1x28x4x48x128xi32, #tpu.memory_space<vmem>>, vector<1x28x1x48x128xi32>
    %swap3A_44 = vector.shape_cast %swap3A_43 : vector<1x28x1x48x128xi32> to vector<28x48x128xi32>
    %swap3A_45 = vector.shape_cast %slice3A_38 : vector<28x48x128xi32> to vector<1x28x1x48x128xi32>
    tpu.vector_store %arg2[%swap3A, %swap3A_39, %swap3A_40, %swap3A_41, %swap3A_42], %swap3A_45 {strides = array<i32>} : memref<1x28x4x48x128xi32, #tpu.memory_space<vmem>>, vector<1x28x1x48x128xi32>,
    %slice3A_46 = vector.extract_strided_slice %or3A {offsets = [0, 0, 128], sizes = [28, 48, 128], strides = [1, 1, 1]} : vector<28x48x512xi32> to vector<28x48x128xi32>
    %swap3A_47 = arith.constant 0 : index
    %swap3A_48 = arith.constant 0 : index
    %swap3A_49 = arith.constant 1 : index
    %swap3A_50 = arith.constant 0 : index
    %swap3A_51 = arith.constant 0 : index
    %swap3A_52 = vector.load %arg2[%swap3A_47, %swap3A_48, %swap3A_49, %swap3A_50, %swap3A_51] : memref<1x28x4x48x128xi32, #tpu.memory_space<vmem>>, vector<1x28x1x48x128xi32>
    %swap3A_53 = vector.shape_cast %swap3A_52 : vector<1x28x1x48x128xi32> to vector<28x48x128xi32>
    %swap3A_54 = vector.shape_cast %slice3A_46 : vector<28x48x128xi32> to vector<1x28x1x48x128xi32>
    tpu.vector_store %arg2[%swap3A_47, %swap3A_48, %swap3A_49, %swap3A_50, %swap3A_51], %swap3A_54 {strides = array<i32>} : memref<1x28x4x48x128xi32, #tpu.memory_space<vmem>>, vector<1x28x1x48x128xi32>,
    %slice3A_55 = vector.extract_strided_slice %or3A {offsets = [0, 0, 256], sizes = [28, 48, 128], strides = [1, 1, 1]} : vector<28x48x512xi32> to vector<28x48x128xi32>
    %swap3A_56 = arith.constant 0 : index
    %swap3A_57 = arith.constant 0 : index
    %swap3A_58 = arith.constant 2 : index
    %swap3A_59 = arith.constant 0 : index
    %swap3A_60 = arith.constant 0 : index
    %swap3A_61 = vector.load %arg2[%swap3A_56, %swap3A_57, %swap3A_58, %swap3A_59, %swap3A_60] : memref<1x28x4x48x128xi32, #tpu.memory_space<vmem>>, vector<1x28x1x48x128xi32>
    %swap3A_62 = vector.shape_cast %swap3A_61 : vector<1x28x1x48x128xi32> to vector<28x48x128xi32>
    %swap3A_63 = vector.shape_cast %slice3A_55 : vector<28x48x128xi32> to vector<1x28x1x48x128xi32>
    tpu.vector_store %arg2[%swap3A_56, %swap3A_57, %swap3A_58, %swap3A_59, %swap3A_60], %swap3A_63 {strides = array<i32>} : memref<1x28x4x48x128xi32, #tpu.memory_space<vmem>>, vector<1x28x1x48x128xi32>,
    %slice3A_64 = vector.extract_strided_slice %or3A {offsets = [0, 0, 384], sizes = [28, 48, 128], strides = [1, 1, 1]} : vector<28x48x512xi32> to vector<28x48x128xi32>
    %swap3A_65 = arith.constant 0 : index
    %swap3A_66 = arith.constant 0 : index
    %swap3A_67 = arith.constant 3 : index
    %swap3A_68 = arith.constant 0 : index
    %swap3A_69 = arith.constant 0 : index
    %swap3A_70 = vector.load %arg2[%swap3A_65, %swap3A_66, %swap3A_67, %swap3A_68, %swap3A_69] : memref<1x28x4x48x128xi32, #tpu.memory_space<vmem>>, vector<1x28x1x48x128xi32>
    %swap3A_71 = vector.shape_cast %swap3A_70 : vector<1x28x1x48x128xi32> to vector<28x48x128xi32>
    %swap3A_72 = vector.shape_cast %slice3A_64 : vector<28x48x128xi32> to vector<1x28x1x48x128xi32>
    tpu.vector_store %arg2[%swap3A_65, %swap3A_66, %swap3A_67, %swap3A_68, %swap3A_69], %swap3A_72 {strides = array<i32>} : memref<1x28x4x48x128xi32, #tpu.memory_space<vmem>>, vector<1x28x1x48x128xi32>,
    %slice3A_73 = vector.extract_strided_slice %get3A_6 {offsets = [0, 4, 0], sizes = [28, 1, 512], strides = [1, 1, 1]} : vector<28x90x512xf32> to vector<28x1x512xf32>
    %slice3A_74 = vector.extract_strided_slice %get3A_6 {offsets = [0, 9, 0], sizes = [28, 1, 512], strides = [1, 1, 1]} : vector<28x90x512xf32> to vector<28x1x512xf32>
    %mul3A_75 = arith.mulf %slice3A_73, %slice3A_73 : vector<28x1x512xf32>
    %reduce_sum3A_76 = vector.shape_cast %mul3A_75 : vector<28x1x512xf32> to vector<1x28x1x512xf32>
    %reduce_sum3A_77 = arith.constant dense<0.000000e+00> : vector<1xf32>
    %reduce_sum3A_78 = vector.multi_reduction <add>, %reduce_sum3A_76, %reduce_sum3A_77 [1, 2, 3] : vector<1x28x1x512xf32> to vector<1xf32>
    %reduce_sum3A_79 = vector.shape_cast %reduce_sum3A_78 : vector<1xf32> to vector<1x1x1x1xf32>
    %reduce_sum3A_80 = vector.extract %reduce_sum3A_79[0, 0, 0, 0] : f32 from vector<1x1x1x1xf32>
    %mul3A_81 = arith.mulf %slice3A_74, %slice3A_74 : vector<28x1x512xf32>
    %reduce_sum3A_82 = vector.shape_cast %mul3A_81 : vector<28x1x512xf32> to vector<1x28x1x512xf32>
    %reduce_sum3A_83 = arith.constant dense<0.000000e+00> : vector<1xf32>
    %reduce_sum3A_84 = vector.multi_reduction <add>, %reduce_sum3A_82, %reduce_sum3A_83 [1, 2, 3] : vector<1x28x1x512xf32> to vector<1xf32>
    %reduce_sum3A_85 = vector.shape_cast %reduce_sum3A_84 : vector<1xf32> to vector<1x1x1x1xf32>
    %reduce_sum3A_86 = vector.extract %reduce_sum3A_85[0, 0, 0, 0] : f32 from vector<1x1x1x1xf32>
    %add3A_87 = arith.addf %reduce_sum3A_80, %reduce_sum3A_86 : f32
    %get3A_88 = arith.constant 0 : index
    %get3A_89 = arith.constant 0 : index
    %get3A_90 = vector.load %arg3[%get3A_88, %get3A_89] : memref<1x1xf32, #tpu.memory_space<vmem>>, vector<1x1xf32>
    %mul3A_91 = arith.constant 5.000000e-01 : f32
    %mul3A_92 = arith.mulf %mul3A_91, %add3A_87 : f32
    %reshape3A = vector.broadcast %mul3A_92 : f32 to vector<1x1xf32>
    %add3A_93 = arith.addf %get3A_90, %reshape3A : vector<1x1xf32>
    %swap3A_94 = arith.constant 0 : index
    %swap3A_95 = arith.constant 0 : index
    %swap3A_96 = vector.load %arg3[%swap3A_94, %swap3A_95] : memref<1x1xf32, #tpu.memory_space<vmem>>, vector<1x1xf32>
    tpu.vector_store %arg3[%swap3A_94, %swap3A_95], %add3A_93 {strides = array<i32>} : memref<1x1xf32, #tpu.memory_space<vmem>>, vector<1x1xf32>,
    return
  }
  func.func @transform_0(%arg0: i32) -> (i32, i32, i32, i32) {
    %c0_i32 = arith.constant 0 : i32
    %c0_i32_0 = arith.constant 0 : i32
    %c0_i32_1 = arith.constant 0 : i32
    %c0_i32_2 = arith.constant 0 : i32
    return %arg0, %c0_i32, %c0_i32_0, %c0_i32_1 : i32, i32, i32, i32
  }
  func.func @transform_1(%arg0: i32) -> (i32, i32, i32, i32, i32) {
    %c0_i32 = arith.constant 0 : i32
    %c0_i32_0 = arith.constant 0 : i32
    %c0_i32_1 = arith.constant 0 : i32
    %c0_i32_2 = arith.constant 0 : i32
    %c0_i32_3 = arith.constant 0 : i32
    return %arg0, %c0_i32, %c0_i32_0, %c0_i32_1, %c0_i32_2 : i32, i32, i32, i32, i32
  }
  func.func @transform_2(%arg0: i32) -> (i32, i32) {
    %c0_i32 = arith.constant 0 : i32
    %c0_i32_0 = arith.constant 0 : i32
    %c0_i32_1 = arith.constant 0 : i32
    return %c0_i32, %c0_i32_0 : i32, i32
  }
}

</mosaic_0001>

<sc_bundles>
// kernel: kernel.4.cloned.1.call-start
scs
__scs_entry_jumppad:
0x0: {  	(pc) =	sbr.rel $0x88, $3  }
0x1: {  	(tag) =	ssettag $0x0;
	lr =	simm.s32 $0x1  }
0x2: {  	[smem:$0x3F9F] =	sst lr;
	_ =	strace $0xD0000000  }
0x3: {  	_ = 	snop  }
0x4: {  	_ = 	snop  }
0x5: {  	_ = 	snop  }
0x6: {  	_ = 	snop  }
0x7: {  	_ = 	snop  }
__scs_overlays_trampoline_lowered:
0x8: {  	[smem:$0x3FAE] =	sst s0  }
0x9: {  	[smem:$0x3FAF] =	sst s1  }
0xa: {  	[smem:$0x3FB0] =	sst s2  }
0xb: {  	[smem:$0x3FB1] =	sst s3  }
0xc: {  	[smem:$0x3FB2] =	sst s4  }
0xd: {  	[smem:$0x3FB3] =	sst s5  }
0xe: {  	[smem:$0x3FB4] =	sst s6  }
0xf: {  	[smem:$0x3FB5] =	sst s7  }
0x10: {  	[smem:$0x3FB6] =	sst s8  }
0x11: {  	[smem:$0x3FB7] =	sst s9;
	s0 =	simm.s32 @!p0 $0x0  }
0x12: {  	s1 =	sld [smem:$0x3F9D];
	s0 =	simm.s32 @p0 $0x1  }
0x13: {  	[smem:$0x3FB8] =	sst s0;
	s0 =	simm.s32 @!p1 $0x0  }
0x14: {  	s2 =	sld [smem:$0x3F9C];
	s0 =	simm.s32 @p1 $0x1  }
0x15: {  	[smem:$0x3FB9] =	sst s0;
	s0 =	simm.s32 @!p2 $0x0  }
0x16: {  	s3 =	sld [smem:$0x3FDB];
	s0 =	simm.s32 @p2 $0x1  }
0x17: {  	s4 =	simm.s32 $0x1BF5;
	[smem:$0x3FBB] =	sst s0  }
0x18: {  	s0 =	sld [smem:$0x3F9E];
	_ =	swait.ge [sflag:s4], $0x0  }
0x19: {  	s7 =	sld [smem:$0x3F9F]  }
0x1a: {  	s8 =	sadd.s32 $0xFFFFE003, lr  }
0x1b: {  	s9 =	sadd.s32 $0xFFFFFEF7, lr;
	s5 =	simm.s32 $0xFFFFFFFF;
	p2 =	slt.u32 s8, $0xFFFFF086  }
0x1c: {  	p1 =	slt.u32 s9, $0xF7A;
	s5 =	simm.s32 @!p2 $0x0  }
0x1d: {  	s5 =	simm.s32 @p1 $0x1;
	p0 =	seq.s32 s7, s2  }
0x1e: {  	s7 =	smul.u32 @!p0 $0xF7A, s2;
	p2 =	seq.s32 @!p0 s5, $0x0  }
0x1f: {  	s9 =	smul.u32 $0xF7A, s1;
	s8 =	simm.s32 @!p0 $0x1BF5;
	p2 =	por !p2, p0  }
0x20: {  	[sflag:s8] =	ssyncset.s32 @!p0 $0xFFFFF086;
	s6 =	sadd.s32 @!p0 s3, s7;
	s7 =	simm.s32 @!p0 $0x108  }
0x21: {  	s3 =	sadd.s32 s3, s9;
	s6 =	sadd.s32 @!p0 $0x88, s6;
	s7 =	simm.s32 @p2 $0x1082  }
0x22: {  	[simem:s7], [sflag:s8] =	dma.local @!p0 [hbm:s6], $0xF7A  }
0x23: {  	s9 =	sor.u32 $0xD0000000, s2;
	s6 =	simm.s32 $0x108;
	_ =	swait.ge @!p0 [sflag:s8], $0x0  }
0x24: {  	s3 =	sadd.s32 $0x88, s3;
	s6 =	simm.s32 @!p1 $0x1082;
	[sflag:s4] =	ssyncset.s32 $0xFFFFF086  }
0x25: {  	[simem:s6], [sflag:s4] =	dma.local [hbm:s3], $0xF7A  }
0x26: {  	[smem:$0x3F9F] =	sst s1;
	(tag) =	ssettag s2;
	_ =	strace s9  }
0x27: {  	s1 =	sld [smem:$0x3FAF]  }
0x28: {  	s2 =	sld [smem:$0x3FB0]  }
0x29: {  	s4 =	sld [smem:$0x3FB2]  }
0x2a: {  	p0 =	seq.s32 s5, $0x0;
	s5 =	sld [smem:$0x3FB3]  }
0x2b: {  	s6 =	sld [smem:$0x3FB4]  }
0x2c: {  	s7 =	sld [smem:$0x3FB5]  }
0x2d: {  	s3 =	simm.s32 $0x108;
	s8 =	sld [smem:$0x3FB6]  }
0x2e: {  	s3 =	simm.s32 @!p0 $0x1082;
	s9 =	sld [smem:$0x3FB7]  }
0x2f: {  	lr =	sadd.s32 s0, s3;
	s0 =	sld [smem:$0x3FAE]  }
0x30: {  	s3 =	sld [smem:$0x3FB1]  }
0x31: {  	[smem:$0x3FBA] =	sst s10  }
0x32: {  	s10 =	sld [smem:$0x3FB8];
	_ =	sdelay $0x3  }
0x33: {  	p0 =	seq.s32 s10, $0x1;
	s10 =	sld [smem:$0x3FBA];
	_ =	sdelay $0x3  }
0x34: {  	[smem:$0x3FBA] =	sst s10  }
0x35: {  	s10 =	sld [smem:$0x3FB9];
	_ =	sdelay $0x3  }
0x36: {  	p1 =	seq.s32 s10, $0x1;
	s10 =	sld [smem:$0x3FBA];
	_ =	sdelay $0x3  }
0x37: {  	[smem:$0x3FBA] =	sst s10  }
0x38: {  	s10 =	sld [smem:$0x3FBB]  }
0x39: {  	_ = 	snop;
	(pc) =	sbr.ind lr, $3  }
0x3a: {  	_ = 	snop  }
0x3b: {  	_ = 	snop  }
0x3c: {  	p2 =	seq.s32 s10, $0x1;
	s10 =	sld [smem:$0x3FBA]  }
0x3d: {  	_ =	shalt  }
0x3e: {  	_ =	shalt  }
0x3f: {  	_ =	shalt  }
0x40: {  	_ =	shalt  }
0x41: {  	_ =	shalt  }
0x42: {  	_ =	shalt  }
0x43: {  	_ =	shalt  }
0x44: {  	_ =	shalt  }
0x45: {  	_ =	shalt  }
0x46: {  	_ =	shalt  }
0x47: {  	_ =	shalt  }
0x48: {  	_ =	shalt  }
0x49: {  	_ =	shalt  }
0x4a: {  	_ =	shalt  }
0x4b: {  	_ =	shalt  }
0x4c: {  	_ =	shalt  }
0x4d: {  	_ =	shalt  }
0x4e: {  	_ =	shalt  }
0x4f: {  	_ =	shalt  }
0x50: {  	_ =	shalt  }
0x51: {  	_ =	shalt  }
0x52: {  	_ =	shalt  }
0x53: {  	_ =	shalt  }
0x54: {  	_ =	shalt  }
0x55: {  	_ =	shalt  }
0x56: {  	_ =	shalt  }
0x57: {  	_ =	shalt  }
0x58: {  	_ =	shalt  }
0x59: {  	_ =	shalt  }
0x5a: {  	_ =	shalt  }
0x5b: {  	_ =	shalt  }
0x5c: {  	_ =	shalt  }
0x5d: {  	_ =	shalt  }
0x5e: {  	_ =	shalt  }
0x5f: {  	_ =	shalt  }
0x60: {  	_ =	shalt  }
0x61: {  	_ =	shalt  }
0x62: {  	_ =	shalt  }
0x63: {  	_ =	shalt  }
0x64: {  	_ =	shalt  }
0x65: {  	_ =	shalt  }
0x66: {  	_ =	shalt  }
0x67: {  	_ =	shalt  }
0x68: {  	_ =	shalt  }
0x69: {  	_ =	shalt  }
0x6a: {  	_ =	shalt  }
0x6b: {  	_ =	shalt  }
0x6c: {  	_ =	shalt  }
0x6d: {  	_ =	shalt  }
0x6e: {  	_ =	shalt  }
0x6f: {  	_ =	shalt  }
0x70: {  	_ =	shalt  }
0x71: {  	_ =	shalt  }
0x72: {  	_ =	shalt  }
0x73: {  	_ =	shalt  }
0x74: {  	_ =	shalt  }
0x75: {  	_ =	shalt  }
0x76: {  	_ =	shalt  }
0x77: {  	_ =	shalt  }
0x78: {  	_ =	shalt  }
0x79: {  	_ =	shalt  }
0x7a: {  	_ =	shalt  }
0x7b: {  	_ =	shalt  }
0x7c: {  	_ =	shalt  }
0x7d: {  	_ =	shalt  }
0x7e: {  	_ =	shalt  }
0x7f: {  	_ =	shalt  }
0x80: {  	_ =	shalt  }
0x81: {  	_ =	shalt  }
0x82: {  	_ =	shalt  }
0x83: {  	_ =	shalt  }
0x84: {  	_ =	shalt  }
0x85: {  	_ =	shalt  }
0x86: {  	_ =	shalt  }
0x87: {  	_ =	shalt  }
.Lfunc_end0:
.L_simem_size_0:
called_computation_lowered:
.L_overlay_start_0:
0x88: {  	s2 =	sld [smem:$0x3FD9]  }
0x89: {  	s3 =	sld [smem:$0x3FFE];
	_ =	sdelay $0x1  }
0x8a: {  	s1 =	srdreg.scid  }
0x8b: {  	s0 =	sand.u32 $0x1, s1  }
0x8c: {  	s16 =	sshll.u32 s0, $0xA;
	s2 =	sadd.s32 s3, s2  }
0x8d: {  	s2 =	sadd.s32 s2, s16  }
0x8e: {  	[smem:$0x3FC6] =	sst s2  }
0x8f: {  	_ = 	snop  }
0x90: {  	(tm) =	ssettm $0x1  }
0x91: {  	s17 =	sld [smem:$0x3FFB];
	_ =	sdelay $0x3  }
0x92: {  	_ =	strace s17  }
0x93: {  	s2 =	sld [smem:$0x3FFC];
	_ =	sdelay $0x3  }
0x94: {  	_ =	strace s2  }
0x95: {  	s2 =	sld [smem:$0x3FFD];
	_ =	sdelay $0x3  }
0x96: {  	_ =	strace s2  }
0x97: {  	_ =	strace $0x8FFFFFFF  }
0x98: {  	s18 =	sld [smem:$0x3FDB];
	_ =	sdelay $0x1  }
0x99: {  	s19 =	simm.s32 $_scs_section_size  }
0x9a: {  	s4 =	simm.s32 $_size__tile_overlayer_lowered;
	s5 =	simm.s32 $_tile_overlayer_lowered  }
0x9b: {  	s22 =	simm.s32 $0x1BFF;
	s21 =	sshll.u32 s5, $0x1;
	s2 =	sadd.s32 s19, s18  }
0x9c: {  	s6 =	simm.s32 $0x0;
	s20 =	sshll.u32 s4, $0x1;
	s4 =	sadd.s32 s21, s2  }
0x9d: {  	[timem:s6], [sflag:s22] =	dma.local [hbm:s4], s20  }
0x9e: {  	_ =	swait.ge [sflag:s22], s20  }
0x9f: {  	s3 =	ssub.s32 $0x0, s20;
	[sflag:s22] =	ssyncset.done $0x0  }
0xa0: {  	[sflag:s22] =	ssyncadd.s32 s3;
	_ =	sdelay $0x1  }
0xa1: {  	s23 =	simm.s32 $0x1B8B  }
0xa2: {  	_ =	swait.ge [sflag:s23], $0x1  }
0xa3: {  	[sflag:s23] =	ssyncset.done $0x0  }
0xa4: {  	s25 =	simm.s32 $0x1B8E;
	s24 =	sld [smem:$0x3FFE];
	[sflag:s23] =	ssyncadd.s32 $0xFFFFFFFF  }
0xa5: {  	s26 =	simm.s32 $execute0_lowered;
	[smem:$0x3FD2] =	sst s25  }
0xa6: {  	s4 =	sshll.u32 s26, $0x1;
	_ =	strace $0x80000046;
	[dreg:$0x1] =	wrdreg $0xFFFFFFFF  }
0xa7: {  	s28 =	simm.s32 $_size_execute0_lowered;
	s2 =	sadd.s32 s2, s4;
	[dreg:$0x0] =	wrdreg $0x0  }
0xa8: {  	s4 =	sshll.u32 s28, $0x1;
	[dreg:$0x2] =	wrdreg s2  }
0xa9: {  	[dreg:$0x3] =	wrdreg s4  }
0xaa: {  	[dreg:$0x4] =	wrdreg $0xC0  }
0xab: {  	_ =	task [dreg:s6], $0x5FFFF  }
0xac: {  	[dreg:$0x1] =	wrdreg $0xFFFFFFFF  }
0xad: {  	[dreg:$0x0] =	wrdreg $0x60  }
0xae: {  	[dreg:$0x2] =	wrdreg s24  }
0xaf: {  	[dreg:$0x3] =	wrdreg $0x9  }
0xb0: {  	_ =	task.clear_ibuf [dreg:s6], $0x4FFFF;
	_ =	strace $0x90000046  }
0xb1: {  	s29 =	simm.s32 $0x9;
	_ =	strace $0x80000048  }
0xb2: {  	_ =	swait.ge [sflag:s29], $0x1  }
0xb3: {  	[sflag:s29] =	ssyncadd.s32 $0xFFFFFFFF  }
0xb4: {  	_ =	strace $0x90000048  }
0xb5: {  	_ =	sfence  }
0xb6: {  	s30 =	sld [smem:$0x0];
	_ =	sdelay $0x2  }
0xb7: {  	s31 =	sshll.u32 s1, $0xD;
	s1 =	sshrl.u32 s1, $0x2  }
0xb8: {  	s3 =	sand.u32 $0x4000, s31;
	s1 =	sadd.s32 s1, s30  }
0xb9: {  	s0 =	sor.u32 s3, s0;
	s1 =	sshll.u32 s1, $0x11  }
0xba: {  	s0 =	sor.u32 s1, s0  }
0xbb: {  	s0 =	sadd.s32 $0x8F2B, s0  }
0xbc: {  	[sflag:s0] =	ssyncadd.remote.s32 $0x1  }
0xbd: {  	_ =	sfence.sel $0xFFFF  }
0xbe: {  	[dreg:$0x0] =	wrdreg $0xFFFFFFFF;
	(pc) =	sbr.abs _section_cstart, $3  }
0xbf: {  	[dreg:$0x1] =	wrdreg $0xFFFFFFFF  }
0xc0: {  	_ =	task.clear_ibuf [dreg:s6], $0x2FFFF;
	_ =	strace $0x9FFFFFFF  }
0xc1: {  	(tm) =	ssettm $0x7FFFFFFF  }
tec
execute0_lowered:
.L_overlay_start_1:
0x0: {  	(tag) =	ssettag $0x1  }
0x1: {  	s0 =	rddreg [dreg:$0x0]  }
0x2: {  	s2 =	simm.s32 $0x0;
	s1 =	srdreg.scid;
	s3 =	stileid.u32  }
0x3: {  	s7 =	simm.s32 $0x2;
	s8 =	simm.s32 $0x80;
	s10 =	simm.s32 $0x2C00  }
0x4: {  	s22 =	simm.s32 $0x2480;
	s23 =	simm.s32 $0xE400;
	s24 =	simm.s32 $0x2500  }
0x5: {  	s25 =	simm.s32 $0x10400;
	s28 =	simm.s32 $0x12400;
	s29 =	simm.s32 $0x2600  }
0x6: {  	s30 =	simm.s32 $0x14400;
	s31 =	simm.s32 $0x2680;
	s9 =	simm.s32 $0x18400  }
0x7: {  	s11 =	simm.s32 $0x2780;
	s12 =	simm.s32 $0x1A400;
	s13 =	simm.s32 $0x1  }
0x8: {  	s14 =	simm.s32 $0x1AC00;
	s15 =	simm.s32 $0x0;
	[smem:$0x7FF] =	sst s2  }
0x9: {  	s1 =	sand.u32 $0x1, s1;
	s4 =	sshll.u32 s3, $0x1;
	s3 =	sadd.s32 $0x4200, s0  }
0xa: {  	_ =	strace $0x80000047;
	s4 =	sor.u32 s1, s4;
	s1 =	ssub.s32 $0x2, s1  }
0xb: {  	s5 =	sshll.u32 s4, $0x9;
	s4 =	sshll.u32 s4, $0x1;
	s26 =	sshrl.u32 s1, $0x1  }
0xc: {  	s5 =	sadd.s32 s5, s0;
	s0 =	sadd.s32 s4, s0;
	s1 =	ssub.s32 s1, s26  }
0xd: {  	v0 =	vlaneseq.u32;
	v3 =	vimm.f32 $1.000000000e+00;
	s26 =	simm.s32 $0x2580;
	s4 =	sadd.s32 $0x200, s5;
	s5 =	sadd.s32 $0x250200, s0  }
0xe: {  	v2 =	vimm.s32 $0x0;
	v1 =	vmul.u32 $0x8, v0;
	v3 =	vand.u32 $0x7FFFFFFF, v3;
	s6 =	smax.u32 s1, $0x1;
	s0 =	simm.s32 $0x16400;
	s1 =	simm.s32 $0x2700  }
.LBB2_1:
0xf: {  	v4 =	vmov s2  }
0x10: {  	v4 =	vshll.u32 v4, $0x3  }
0x11: {  	v4 =	vor.u32 v1, v4  }
0x12: {  	v5 =	vor.u32 $0x4, v4  }
0x13: {  	[tilespmem:s2], [sflag:$0x2] =	stream.linear.gather [hbm4b:s4+s2], $0x1000, $0x38;
	v6 =	vor.u32 $0x7, v4;
	[tilespmem:$0x1AC10] =	vst v63  }
0x14: {  	_ =	swait.ge [sflag:s7], $0x1000;
	v7 =	vor.u32 $0x5, v4  }
0x15: {  	[sflag:s7] =	ssyncset.done $0x0;
	v4 =	vor.u32 $0x6, v4  }
0x16: {  	[sflag:s7] =	ssyncadd.s32 $0xFFFFF000  }
0x17: {  	v5 =	vld.idx.msk [tilespmem:v5+s2+$0x0], $0xffff  }
0x18: {  	v6 =	vld.idx.msk [tilespmem:v6+s2+$0x0], $0xffff  }
0x19: {  	v7 =	vld.idx.msk [tilespmem:v7+s2+$0x0], $0xffff  }
0x1a: {  	v4 =	vld.idx.msk [tilespmem:v4+s2+$0x0], $0xffff;
	_ =	sdelay $0x2  }
0x1b: {  	v5 =	vtrunc.f32 v5  }
0x1c: {  	v6 =	vtrunc.f32 v6;
	v5 =	vcvt.f32.s32 v5  }
0x1d: {  	v7 =	vtrunc.f32 v7;
	v4 =	vtrunc.f32 v4  }
0x1e: {  	v6 =	vcvt.f32.s32 v6;
	v7 =	vcvt.f32.s32 v7;
	v5 =	vmul.u32 $0x1C, v5  }
0x1f: {  	v4 =	vcvt.f32.s32 v4  }
0x20: {  	v8 =	vand.u32 $0xF, v6;
	v5 =	vadd.s32 v7, v5  }
0x21: {  	s16 =	simm.s32 $0x0;
	v4 =	vadd.s32 $0xA, v4;
	v7 =	vshrl.u32 v6, $0x7;
	v5 =	vshll.u32 v5, $0x2  }
0x22: {  	s18 =	smul.u32 $0x1800, s16;
	vm0 =	vgt.s32 v4, $0x2F;
	v6 =	vshrl.u32 v6, $0x4;
	v5 =	vadd.s32 v7, v5  }
0x23: {  	s16 =	simm.s32 $0x2800;
	v9 =	vsel vm0, $0x1FFFFFD0, v2;
	v7 =	vshll.u32 v7, $0x3;
	v5 =	vmul.u32 $0x180, v5  }
0x24: {  	s17 =	simm.s32 $0x2A00;
	s19 =	sand.u32 $0x70, s2;
	s18 =	sshra.s32 s18, $0x2;
	[tilespmem:s16+$0x0] =	vst v8;
	v8 =	vsel vm0, $0x1, v2;
	v9 =	vadd.s32 v4, v9;
	v4 =	vsub.s32 v6, v7  }
0x25: {  	s20 =	sor.u32 s19, s18;
	[tilespmem:s17+$0x0] =	vst v8;
	v7 =	vshll.u32 v9, $0x3;
	v4 =	vadd.s32 v4, v5  }
0x26: {  	s18 =	simm.s32 $0x1;
	s19 =	simm.s32 $0x0;
	[tilespmem:s20+$0x1000] =	vst v4;
	v6 =	vadd.s32 $0x8, v4;
	v5 =	vadd.s32 $0x10, v4;
	v7 =	vadd.s32 v4, v7  }
.LBB2_2:
0x27: {  	v8 =	vadd.s32 $0x18, v4;
	v9 =	vadd.s32 $0x20, v4;
	v10 =	vadd.s32 $0x48, v4;
	[tilespmem:s20+$0x1580] =	vst v7;
	s19 =	sadd.s32 $0x10, s19;
	s16 =	sadd.s32 $0x10, s16;
	s17 =	sadd.s32 $0x10, s17  }
0x28: {  	p0 =	sne.s32 s18, $0x1F;
	v7 =	vadd.s32 $0x30, v4;
	v11 =	vadd.s32 $0x40, v4;
	s21 =	smov.u32 s18;
	s18 =	sadd.s32 $0x1, s18;
	[tilespmem:s20+$0x1080] =	vst v6;
	v6 =	vadd.s32 $0x28, v4  }
0x29: {  	[tilespmem:s20+$0x1100] =	vst v5;
	v5 =	vadd.s32 $0x38, v4;
	v4 =	vadd.s32 $0x150, v4  }
0x2a: {  	[tilespmem:s20+$0x1480] =	vst v10  }
0x2b: {  	v10 =	vmov s19;
	[tilespmem:s20+$0x1500] =	vst v4  }
0x2c: {  	v4 =	vshll.u32 v10, $0x3;
	[tilespmem:s20+$0x1180] =	vst v8  }
0x2d: {  	v4 =	vor.u32 v1, v4;
	[tilespmem:s20+$0x1280] =	vst v6  }
0x2e: {  	v6 =	vor.u32 $0x7, v4;
	v8 =	vor.u32 $0x4, v4;
	v10 =	vor.u32 $0x5, v4;
	[tilespmem:s20+$0x1200] =	vst v9  }
0x2f: {  	v4 =	vor.u32 $0x6, v4;
	[tilespmem:s20+$0x1400] =	vst v11  }
0x30: {  	[tilespmem:s20+$0x1380] =	vst v5  }
0x31: {  	[tilespmem:s20+$0x1300] =	vst v7;
	_ =	sdelay $0x1  }
0x32: {  	v5 =	vld.idx.msk [tilespmem:v8+s2+$0x0], $0xffff  }
0x33: {  	v6 =	vld.idx.msk [tilespmem:v6+s2+$0x0], $0xffff  }
0x34: {  	v7 =	vld.idx.msk [tilespmem:v10+s2+$0x0], $0xffff  }
0x35: {  	v4 =	vld.idx.msk [tilespmem:v4+s2+$0x0], $0xffff;
	_ =	sdelay $0x2  }
0x36: {  	v5 =	vtrunc.f32 v5  }
0x37: {  	v6 =	vtrunc.f32 v6;
	v5 =	vcvt.f32.s32 v5  }
0x38: {  	v6 =	vcvt.f32.s32 v6;
	v7 =	vtrunc.f32 v7  }
0x39: {  	v7 =	vcvt.f32.s32 v7;
	v4 =	vtrunc.f32 v4;
	v5 =	vmul.u32 $0x1C, v5  }
0x3a: {  	v4 =	vcvt.f32.s32 v4;
	v8 =	vand.u32 $0xF, v6  }
0x3b: {  	s20 =	sshrl.u32 s21, $0x3;
	v5 =	vadd.s32 v7, v5  }
0x3c: {  	s20 =	smul.u32 $0x1800, s20;
	v7 =	vshrl.u32 v6, $0x7;
	v4 =	vadd.s32 $0xA, v4;
	v5 =	vshll.u32 v5, $0x2  }
.Ltmp0:
0x3d: {  	vm0 =	vgt.s32 v4, $0x2F;
	v5 =	vadd.s32 v7, v5;
	v7 =	vshll.u32 v7, $0x3;
	(pc) =	sbr.rel @p0 .LBB2_2-.Ltmp0, $4  }
0x3e: {  	v6 =	vshrl.u32 v6, $0x4;
	v9 =	vsel vm0, $0x1FFFFFD0, v2;
	v5 =	vmul.u32 $0x180, v5  }
0x3f: {  	s21 =	sand.u32 $0x70, s19;
	s20 =	sshra.s32 s20, $0x2;
	v9 =	vadd.s32 v4, v9;
	v4 =	vsub.s32 v6, v7;
	[tilespmem:s16+$0x0] =	vst v8;
	v8 =	vsel vm0, $0x1, v2  }
0x40: {  	s20 =	sor.u32 s21, s20;
	v4 =	vadd.s32 v4, v5;
	v7 =	vshll.u32 v9, $0x3;
	[tilespmem:s17+$0x0] =	vst v8  }
0x41: {  	v6 =	vadd.s32 $0x8, v4;
	v5 =	vadd.s32 $0x10, v4;
	v7 =	vadd.s32 v4, v7;
	[tilespmem:s20+$0x1000] =	vst v4  }
0x42: {  	[tilespmem:s20+$0x1580] =	vst v7  }
0x43: {  	[tilespmem:s20+$0x1080] =	vst v6  }
0x44: {  	v6 =	vadd.s32 $0x48, v4;
	[tilespmem:s20+$0x1100] =	vst v5  }
0x45: {  	v5 =	vadd.s32 $0x150, v4;
	[tilespmem:s20+$0x1480] =	vst v6  }
0x46: {  	v6 =	vadd.s32 $0x18, v4;
	[tilespmem:s20+$0x1500] =	vst v5  }
0x47: {  	v5 =	vadd.s32 $0x28, v4;
	[tilespmem:s20+$0x1180] =	vst v6  }
0x48: {  	v6 =	vadd.s32 $0x20, v4;
	[tilespmem:s20+$0x1280] =	vst v5  }
0x49: {  	v5 =	vadd.s32 $0x40, v4;
	[tilespmem:s20+$0x1200] =	vst v6  }
0x4a: {  	v6 =	vadd.s32 $0x38, v4;
	[tilespmem:s20+$0x1400] =	vst v5  }
0x4b: {  	v4 =	vadd.s32 $0x30, v4;
	[tilespmem:s20+$0x1380] =	vst v6  }
0x4c: {  	s16 =	simm.s32 $0x1000;
	[tilespmem:s20+$0x1300] =	vst v4  }
0x4d: {  	[tilespmem:s10], [sflag:$0x1] =	stream.indirect.gather [hbm4b:s3+s8], $0x10, s16, s8, $0xb8;
	[tilespmem:$0x1AC10] =	vst v63  }
0x4e: {  	s19 =	simm.s32 $0x1080;
	s17 =	simm.s32 $0x4C00  }
0x4f: {  	[tilespmem:s17], [sflag:$0x1] =	stream.indirect.gather [hbm4b:s3+s8], $0x10, s19, s8, $0xb8;
	[tilespmem:$0x1AC10] =	vst v63  }
0x50: {  	s21 =	simm.s32 $0x6C00;
	s20 =	simm.s32 $0x1100  }
0x51: {  	[tilespmem:s21], [sflag:$0x1] =	stream.indirect.gather [hbm4b:s3+s8], $0x10, s20, s8, $0xb8;
	[tilespmem:$0x1AC10] =	vst v63  }
0x52: {  	s18 =	simm.s32 $0x1180;
	s19 =	simm.s32 $0x8C00  }
0x53: {  	[tilespmem:s19], [sflag:$0x1] =	stream.indirect.gather [hbm4b:s3+s8], $0x10, s18, s8, $0xb8;
	[tilespmem:$0x1AC10] =	vst v63  }
0x54: {  	s20 =	simm.s32 $0x1200;
	s21 =	simm.s32 $0xAC00  }
0x55: {  	[tilespmem:s21], [sflag:$0x1] =	stream.indirect.gather [hbm4b:s3+s8], $0x10, s20, s8, $0xb8;
	[tilespmem:$0x1AC10] =	vst v63  }
0x56: {  	s18 =	simm.s32 $0x1280;
	s19 =	simm.s32 $0xCC00  }
0x57: {  	[tilespmem:s19], [sflag:$0x1] =	stream.indirect.gather [hbm4b:s3+s8], $0x10, s18, s8, $0xb8;
	[tilespmem:$0x1AC10] =	vst v63  }
0x58: {  	s20 =	simm.s32 $0x1300;
	s21 =	simm.s32 $0xEC00  }
0x59: {  	[tilespmem:s21], [sflag:$0x1] =	stream.indirect.gather [hbm4b:s3+s8], $0x10, s20, s8, $0xb8;
	[tilespmem:$0x1AC10] =	vst v63  }
0x5a: {  	s18 =	simm.s32 $0x1380;
	s19 =	simm.s32 $0x10C00  }
0x5b: {  	[tilespmem:s19], [sflag:$0x1] =	stream.indirect.gather [hbm4b:s3+s8], $0x10, s18, s8, $0xb8;
	[tilespmem:$0x1AC10] =	vst v63  }
0x5c: {  	s20 =	simm.s32 $0x1400;
	s21 =	simm.s32 $0x12C00  }
0x5d: {  	[tilespmem:s21], [sflag:$0x1] =	stream.indirect.gather [hbm4b:s3+s8], $0x10, s20, s8, $0xb8;
	[tilespmem:$0x1AC10] =	vst v63  }
0x5e: {  	s18 =	simm.s32 $0x1480;
	s19 =	simm.s32 $0x14C00  }
0x5f: {  	[tilespmem:s19], [sflag:$0x1] =	stream.indirect.gather [hbm4b:s3+s8], $0x10, s18, s8, $0xb8;
	[tilespmem:$0x1AC10] =	vst v63  }
0x60: {  	s20 =	simm.s32 $0x1500;
	s21 =	simm.s32 $0x16C00  }
0x61: {  	[tilespmem:s21], [sflag:$0x1] =	stream.indirect.gather [hbm4b:s3+s8], $0x10, s20, s8, $0xb8;
	[tilespmem:$0x1AC10] =	vst v63  }
0x62: {  	s18 =	simm.s32 $0x1580;
	s19 =	simm.s32 $0x18C00  }
0x63: {  	[tilespmem:s19], [sflag:$0x1] =	stream.indirect.gather [hbm4b:s3+s8], $0x10, s18, s8, $0xb8;
	[tilespmem:$0x1AC10] =	vst v63  }
0x64: {  	s20 =	simm.s32 $0x1600;
	s21 =	simm.s32 $0x3400  }
0x65: {  	[tilespmem:s21], [sflag:$0x1] =	stream.indirect.gather [hbm4b:s3+s8], $0x10, s20, s8, $0xb8;
	[tilespmem:$0x1AC10] =	vst v63  }
0x66: {  	s18 =	simm.s32 $0x1680;
	s19 =	simm.s32 $0x5400  }
0x67: {  	[tilespmem:s19], [sflag:$0x1] =	stream.indirect.gather [hbm4b:s3+s8], $0x10, s18, s8, $0xb8;
	[tilespmem:$0x1AC10] =	vst v63  }
0x68: {  	s20 =	simm.s32 $0x1700;
	s21 =	simm.s32 $0x7400  }
0x69: {  	[tilespmem:s21], [sflag:$0x1] =	stream.indirect.gather [hbm4b:s3+s8], $0x10, s20, s8, $0xb8;
	[tilespmem:$0x1AC10] =	vst v63  }
0x6a: {  	s18 =	simm.s32 $0x1780;
	s19 =	simm.s32 $0x9400  }
0x6b: {  	[tilespmem:s19], [sflag:$0x1] =	stream.indirect.gather [hbm4b:s3+s8], $0x10, s18, s8, $0xb8;
	[tilespmem:$0x1AC10] =	vst v63  }
0x6c: {  	s20 =	simm.s32 $0x1800;
	s21 =	simm.s32 $0xB400  }
0x6d: {  	[tilespmem:s21], [sflag:$0x1] =	stream.indirect.gather [hbm4b:s3+s8], $0x10, s20, s8, $0xb8;
	[tilespmem:$0x1AC10] =	vst v63  }
0x6e: {  	s18 =	simm.s32 $0x1880;
	s19 =	simm.s32 $0xD400  }
0x6f: {  	[tilespmem:s19], [sflag:$0x1] =	stream.indirect.gather [hbm4b:s3+s8], $0x10, s18, s8, $0xb8;
	[tilespmem:$0x1AC10] =	vst v63  }
0x70: {  	s20 =	simm.s32 $0x1900;
	s21 =	simm.s32 $0xF400  }
0x71: {  	[tilespmem:s21], [sflag:$0x1] =	stream.indirect.gather [hbm4b:s3+s8], $0x10, s20, s8, $0xb8;
	[tilespmem:$0x1AC10] =	vst v63  }
0x72: {  	s18 =	simm.s32 $0x1980;
	s19 =	simm.s32 $0x11400  }
0x73: {  	[tilespmem:s19], [sflag:$0x1] =	stream.indirect.gather [hbm4b:s3+s8], $0x10, s18, s8, $0xb8;
	[tilespmem:$0x1AC10] =	vst v63  }
0x74: {  	s20 =	simm.s32 $0x1A00;
	s21 =	simm.s32 $0x13400  }
0x75: {  	[tilespmem:s21], [sflag:$0x1] =	stream.indirect.gather [hbm4b:s3+s8], $0x10, s20, s8, $0xb8;
	[tilespmem:$0x1AC10] =	vst v63  }
0x76: {  	s18 =	simm.s32 $0x1A80;
	s19 =	simm.s32 $0x15400  }
0x77: {  	[tilespmem:s19], [sflag:$0x1] =	stream.indirect.gather [hbm4b:s3+s8], $0x10, s18, s8, $0xb8;
	[tilespmem:$0x1AC10] =	vst v63  }
0x78: {  	s20 =	simm.s32 $0x1B00;
	s21 =	simm.s32 $0x17400  }
0x79: {  	[tilespmem:s21], [sflag:$0x1] =	stream.indirect.gather [hbm4b:s3+s8], $0x10, s20, s8, $0xb8;
	[tilespmem:$0x1AC10] =	vst v63  }
0x7a: {  	s18 =	simm.s32 $0x1B80;
	s19 =	simm.s32 $0x19400  }
0x7b: {  	[tilespmem:s19], [sflag:$0x1] =	stream.indirect.gather [hbm4b:s3+s8], $0x10, s18, s8, $0xb8;
	[tilespmem:$0x1AC10] =	vst v63  }
0x7c: {  	s20 =	simm.s32 $0x1C00;
	s21 =	simm.s32 $0x3C00  }
0x7d: {  	[tilespmem:s21], [sflag:$0x1] =	stream.indirect.gather [hbm4b:s3+s8], $0x10, s20, s8, $0xb8;
	[tilespmem:$0x1AC10] =	vst v63  }
0x7e: {  	s18 =	simm.s32 $0x1C80;
	s19 =	simm.s32 $0x5C00  }
0x7f: {  	[tilespmem:s19], [sflag:$0x1] =	stream.indirect.gather [hbm4b:s3+s8], $0x10, s18, s8, $0xb8;
	[tilespmem:$0x1AC10] =	vst v63  }
0x80: {  	s20 =	simm.s32 $0x1D00;
	s21 =	simm.s32 $0x7C00  }
0x81: {  	[tilespmem:s21], [sflag:$0x1] =	stream.indirect.gather [hbm4b:s3+s8], $0x10, s20, s8, $0xb8;
	[tilespmem:$0x1AC10] =	vst v63  }
0x82: {  	s18 =	simm.s32 $0x1D80;
	s19 =	simm.s32 $0x9C00  }
0x83: {  	[tilespmem:s19], [sflag:$0x1] =	stream.indirect.gather [hbm4b:s3+s8], $0x10, s18, s8, $0xb8;
	[tilespmem:$0x1AC10] =	vst v63  }
0x84: {  	s20 =	simm.s32 $0x1E00;
	s21 =	simm.s32 $0xBC00  }
0x85: {  	[tilespmem:s21], [sflag:$0x1] =	stream.indirect.gather [hbm4b:s3+s8], $0x10, s20, s8, $0xb8;
	[tilespmem:$0x1AC10] =	vst v63  }
0x86: {  	s18 =	simm.s32 $0x1E80;
	s19 =	simm.s32 $0xDC00  }
0x87: {  	[tilespmem:s19], [sflag:$0x1] =	stream.indirect.gather [hbm4b:s3+s8], $0x10, s18, s8, $0xb8;
	[tilespmem:$0x1AC10] =	vst v63  }
0x88: {  	s20 =	simm.s32 $0x1F00;
	s21 =	simm.s32 $0xFC00  }
0x89: {  	[tilespmem:s21], [sflag:$0x1] =	stream.indirect.gather [hbm4b:s3+s8], $0x10, s20, s8, $0xb8;
	[tilespmem:$0x1AC10] =	vst v63  }
0x8a: {  	s18 =	simm.s32 $0x1F80;
	s19 =	simm.s32 $0x11C00  }
0x8b: {  	[tilespmem:s19], [sflag:$0x1] =	stream.indirect.gather [hbm4b:s3+s8], $0x10, s18, s8, $0xb8;
	[tilespmem:$0x1AC10] =	vst v63  }
0x8c: {  	s20 =	simm.s32 $0x2000;
	s21 =	simm.s32 $0x13C00  }
0x8d: {  	[tilespmem:s21], [sflag:$0x1] =	stream.indirect.gather [hbm4b:s3+s8], $0x10, s20, s8, $0xb8;
	[tilespmem:$0x1AC10] =	vst v63  }
0x8e: {  	s18 =	simm.s32 $0x2080;
	s19 =	simm.s32 $0x15C00  }
0x8f: {  	[tilespmem:s19], [sflag:$0x1] =	stream.indirect.gather [hbm4b:s3+s8], $0x10, s18, s8, $0xb8;
	[tilespmem:$0x1AC10] =	vst v63  }
0x90: {  	s20 =	simm.s32 $0x2100;
	s21 =	simm.s32 $0x17C00  }
0x91: {  	[tilespmem:s21], [sflag:$0x1] =	stream.indirect.gather [hbm4b:s3+s8], $0x10, s20, s8, $0xb8;
	[tilespmem:$0x1AC10] =	vst v63  }
0x92: {  	s18 =	simm.s32 $0x2180;
	s19 =	simm.s32 $0x19C00  }
0x93: {  	[tilespmem:s19], [sflag:$0x1] =	stream.indirect.gather [hbm4b:s3+s8], $0x10, s18, s8, $0xb8;
	[tilespmem:$0x1AC10] =	vst v63  }
0x94: {  	s20 =	simm.s32 $0x2200;
	s21 =	simm.s32 $0x4400  }
0x95: {  	[tilespmem:s21], [sflag:$0x1] =	stream.indirect.gather [hbm4b:s3+s8], $0x10, s20, s8, $0xb8;
	[tilespmem:$0x1AC10] =	vst v63  }
0x96: {  	s18 =	simm.s32 $0x2280;
	s19 =	simm.s32 $0x6400  }
0x97: {  	[tilespmem:s19], [sflag:$0x1] =	stream.indirect.gather [hbm4b:s3+s8], $0x10, s18, s8, $0xb8;
	[tilespmem:$0x1AC10] =	vst v63  }
0x98: {  	s20 =	simm.s32 $0x2300;
	s21 =	simm.s32 $0x8400  }
0x99: {  	[tilespmem:s21], [sflag:$0x1] =	stream.indirect.gather [hbm4b:s3+s8], $0x10, s20, s8, $0xb8;
	[tilespmem:$0x1AC10] =	vst v63  }
0x9a: {  	s18 =	simm.s32 $0x2380;
	s19 =	simm.s32 $0xA400  }
0x9b: {  	[tilespmem:s19], [sflag:$0x1] =	stream.indirect.gather [hbm4b:s3+s8], $0x10, s18, s8, $0xb8;
	[tilespmem:$0x1AC10] =	vst v63  }
0x9c: {  	s20 =	simm.s32 $0x2400;
	s21 =	simm.s32 $0xC400  }
0x9d: {  	[tilespmem:s21], [sflag:$0x1] =	stream.indirect.gather [hbm4b:s3+s8], $0x10, s20, s8, $0xb8;
	[tilespmem:$0x1AC10] =	vst v63  }
0x9e: {  	_ = 	snop  }
0x9f: {  	[tilespmem:s23], [sflag:$0x1] =	stream.indirect.gather [hbm4b:s3+s8], $0x10, s22, s8, $0xb8;
	[tilespmem:$0x1AC10] =	vst v63  }
0xa0: {  	_ = 	snop  }
0xa1: {  	[tilespmem:s25], [sflag:$0x1] =	stream.indirect.gather [hbm4b:s3+s8], $0x10, s24, s8, $0xb8;
	[tilespmem:$0x1AC10] =	vst v63  }
0xa2: {  	_ = 	snop  }
0xa3: {  	[tilespmem:s28], [sflag:$0x1] =	stream.indirect.gather [hbm4b:s3+s8], $0x10, s26, s8, $0xb8;
	[tilespmem:$0x1AC10] =	vst v63  }
0xa4: {  	_ = 	snop  }
0xa5: {  	[tilespmem:s30], [sflag:$0x1] =	stream.indirect.gather [hbm4b:s3+s8], $0x10, s29, s8, $0xb8;
	[tilespmem:$0x1AC10] =	vst v63  }
0xa6: {  	_ = 	snop  }
0xa7: {  	[tilespmem:s0], [sflag:$0x1] =	stream.indirect.gather [hbm4b:s3+s8], $0x10, s31, s8, $0xb8;
	[tilespmem:$0x1AC10] =	vst v63  }
0xa8: {  	_ = 	snop  }
0xa9: {  	[tilespmem:s9], [sflag:$0x1] =	stream.indirect.gather [hbm4b:s3+s8], $0x10, s1, s8, $0xb8;
	[tilespmem:$0x1AC10] =	vst v63  }
0xaa: {  	_ = 	snop  }
0xab: {  	[tilespmem:s12], [sflag:$0x1] =	stream.indirect.gather [hbm4b:s3+s8], $0x10, s11, s8, $0xb8;
	[tilespmem:$0x1AC10] =	vst v63  }
0xac: {  	_ =	swait.ge [sflag:s13], $0x800  }
0xad: {  	[sflag:s13] =	ssyncset.done $0x0  }
0xae: {  	[sflag:s13] =	ssyncadd.s32 $0xFFFFF800  }
0xaf: {  	_ =	swait.ge [sflag:s13], $0x800  }
0xb0: {  	[sflag:s13] =	ssyncset.done $0x0  }
0xb1: {  	[sflag:s13] =	ssyncadd.s32 $0xFFFFF800  }
0xb2: {  	_ =	swait.ge [sflag:s13], $0x800  }
0xb3: {  	[sflag:s13] =	ssyncset.done $0x0  }
0xb4: {  	[sflag:s13] =	ssyncadd.s32 $0xFFFFF800  }
0xb5: {  	_ =	swait.ge [sflag:s13], $0x800  }
0xb6: {  	[sflag:s13] =	ssyncset.done $0x0  }
0xb7: {  	[sflag:s13] =	ssyncadd.s32 $0xFFFFF800  }
0xb8: {  	_ =	swait.ge [sflag:s13], $0x800  }
0xb9: {  	[sflag:s13] =	ssyncset.done $0x0  }
0xba: {  	[sflag:s13] =	ssyncadd.s32 $0xFFFFF800  }
0xbb: {  	_ =	swait.ge [sflag:s13], $0x800  }
0xbc: {  	[sflag:s13] =	ssyncset.done $0x0  }
0xbd: {  	[sflag:s13] =	ssyncadd.s32 $0xFFFFF800  }
0xbe: {  	_ =	swait.ge [sflag:s13], $0x800  }
0xbf: {  	[sflag:s13] =	ssyncset.done $0x0  }
0xc0: {  	[sflag:s13] =	ssyncadd.s32 $0xFFFFF800  }
0xc1: {  	_ =	swait.ge [sflag:s13], $0x800  }
0xc2: {  	[sflag:s13] =	ssyncset.done $0x0  }
0xc3: {  	[sflag:s13] =	ssyncadd.s32 $0xFFFFF800  }
0xc4: {  	_ =	swait.ge [sflag:s13], $0x800  }
0xc5: {  	[sflag:s13] =	ssyncset.done $0x0  }
0xc6: {  	[sflag:s13] =	ssyncadd.s32 $0xFFFFF800  }
0xc7: {  	_ =	swait.ge [sflag:s13], $0x800  }
0xc8: {  	[sflag:s13] =	ssyncset.done $0x0  }
0xc9: {  	[sflag:s13] =	ssyncadd.s32 $0xFFFFF800  }
0xca: {  	_ =	swait.ge [sflag:s13], $0x800  }
0xcb: {  	[sflag:s13] =	ssyncset.done $0x0  }
0xcc: {  	[sflag:s13] =	ssyncadd.s32 $0xFFFFF800  }
0xcd: {  	_ =	swait.ge [sflag:s13], $0x800  }
0xce: {  	[sflag:s13] =	ssyncset.done $0x0  }
0xcf: {  	[sflag:s13] =	ssyncadd.s32 $0xFFFFF800  }
0xd0: {  	_ =	swait.ge [sflag:s13], $0x800  }
0xd1: {  	[sflag:s13] =	ssyncset.done $0x0  }
0xd2: {  	[sflag:s13] =	ssyncadd.s32 $0xFFFFF800  }
0xd3: {  	_ =	swait.ge [sflag:s13], $0x800  }
0xd4: {  	[sflag:s13] =	ssyncset.done $0x0  }
0xd5: {  	[sflag:s13] =	ssyncadd.s32 $0xFFFFF800  }
0xd6: {  	_ =	swait.ge [sflag:s13], $0x800  }
0xd7: {  	[sflag:s13] =	ssyncset.done $0x0  }
0xd8: {  	[sflag:s13] =	ssyncadd.s32 $0xFFFFF800  }
0xd9: {  	_ =	swait.ge [sflag:s13], $0x800  }
0xda: {  	[sflag:s13] =	ssyncset.done $0x0  }
0xdb: {  	[sflag:s13] =	ssyncadd.s32 $0xFFFFF800  }
0xdc: {  	_ =	swait.ge [sflag:s13], $0x800  }
0xdd: {  	[sflag:s13] =	ssyncset.done $0x0  }
0xde: {  	[sflag:s13] =	ssyncadd.s32 $0xFFFFF800  }
0xdf: {  	_ =	swait.ge [sflag:s13], $0x800  }
0xe0: {  	[sflag:s13] =	ssyncset.done $0x0  }
0xe1: {  	[sflag:s13] =	ssyncadd.s32 $0xFFFFF800  }
0xe2: {  	_ =	swait.ge [sflag:s13], $0x800  }
0xe3: {  	[sflag:s13] =	ssyncset.done $0x0  }
0xe4: {  	[sflag:s13] =	ssyncadd.s32 $0xFFFFF800  }
0xe5: {  	_ =	swait.ge [sflag:s13], $0x800  }
0xe6: {  	[sflag:s13] =	ssyncset.done $0x0  }
0xe7: {  	[sflag:s13] =	ssyncadd.s32 $0xFFFFF800  }
0xe8: {  	_ =	swait.ge [sflag:s13], $0x800  }
0xe9: {  	[sflag:s13] =	ssyncset.done $0x0  }
0xea: {  	[sflag:s13] =	ssyncadd.s32 $0xFFFFF800  }
0xeb: {  	_ =	swait.ge [sflag:s13], $0x800  }
0xec: {  	[sflag:s13] =	ssyncset.done $0x0  }
0xed: {  	[sflag:s13] =	ssyncadd.s32 $0xFFFFF800  }
0xee: {  	_ =	swait.ge [sflag:s13], $0x800  }
0xef: {  	[sflag:s13] =	ssyncset.done $0x0  }
0xf0: {  	[sflag:s13] =	ssyncadd.s32 $0xFFFFF800  }
0xf1: {  	_ =	swait.ge [sflag:s13], $0x800  }
0xf2: {  	[sflag:s13] =	ssyncset.done $0x0  }
0xf3: {  	[sflag:s13] =	ssyncadd.s32 $0xFFFFF800  }
0xf4: {  	_ =	swait.ge [sflag:s13], $0x800  }
0xf5: {  	[sflag:s13] =	ssyncset.done $0x0  }
0xf6: {  	[sflag:s13] =	ssyncadd.s32 $0xFFFFF800  }
0xf7: {  	_ =	swait.ge [sflag:s13], $0x800  }
0xf8: {  	[sflag:s13] =	ssyncset.done $0x0  }
0xf9: {  	[sflag:s13] =	ssyncadd.s32 $0xFFFFF800  }
0xfa: {  	_ =	swait.ge [sflag:s13], $0x800  }
0xfb: {  	[sflag:s13] =	ssyncset.done $0x0  }
0xfc: {  	[sflag:s13] =	ssyncadd.s32 $0xFFFFF800  }
0xfd: {  	_ =	swait.ge [sflag:s13], $0x800  }
0xfe: {  	[sflag:s13] =	ssyncset.done $0x0  }
0xff: {  	[sflag:s13] =	ssyncadd.s32 $0xFFFFF800  }
0x100: {  	_ =	swait.ge [sflag:s13], $0x800  }
0x101: {  	[sflag:s13] =	ssyncset.done $0x0  }
0x102: {  	[sflag:s13] =	ssyncadd.s32 $0xFFFFF800  }
0x103: {  	_ =	swait.ge [sflag:s13], $0x800  }
0x104: {  	[sflag:s13] =	ssyncset.done $0x0  }
0x105: {  	[sflag:s13] =	ssyncadd.s32 $0xFFFFF800  }
0x106: {  	_ =	swait.ge [sflag:s13], $0x800  }
0x107: {  	[sflag:s13] =	ssyncset.done $0x0  }
0x108: {  	[sflag:s13] =	ssyncadd.s32 $0xFFFFF800  }
0x109: {  	_ =	swait.ge [sflag:s13], $0x800  }
0x10a: {  	[sflag:s13] =	ssyncset.done $0x0  }
0x10b: {  	[sflag:s13] =	ssyncadd.s32 $0xFFFFF800  }
0x10c: {  	_ =	swait.ge [sflag:s13], $0x800  }
0x10d: {  	[sflag:s13] =	ssyncset.done $0x0  }
0x10e: {  	[sflag:s13] =	ssyncadd.s32 $0xFFFFF800  }
0x10f: {  	_ =	swait.ge [sflag:s13], $0x800  }
0x110: {  	[sflag:s13] =	ssyncset.done $0x0  }
0x111: {  	[sflag:s13] =	ssyncadd.s32 $0xFFFFF800  }
0x112: {  	_ =	swait.ge [sflag:s13], $0x800  }
0x113: {  	[sflag:s13] =	ssyncset.done $0x0  }
0x114: {  	[sflag:s13] =	ssyncadd.s32 $0xFFFFF800  }
0x115: {  	_ =	swait.ge [sflag:s13], $0x800  }
0x116: {  	[sflag:s13] =	ssyncset.done $0x0  }
0x117: {  	[sflag:s13] =	ssyncadd.s32 $0xFFFFF800  }
0x118: {  	_ =	swait.ge [sflag:s13], $0x800  }
0x119: {  	[sflag:s13] =	ssyncset.done $0x0  }
0x11a: {  	[sflag:s13] =	ssyncadd.s32 $0xFFFFF800  }
0x11b: {  	_ =	swait.ge [sflag:s13], $0x800  }
0x11c: {  	[sflag:s13] =	ssyncset.done $0x0  }
0x11d: {  	[sflag:s13] =	ssyncadd.s32 $0xFFFFF800  }
0x11e: {  	_ =	swait.ge [sflag:s13], $0x800  }
0x11f: {  	[sflag:s13] =	ssyncset.done $0x0  }
0x120: {  	[sflag:s13] =	ssyncadd.s32 $0xFFFFF800  }
0x121: {  	_ =	swait.ge [sflag:s13], $0x800  }
0x122: {  	[sflag:s13] =	ssyncset.done $0x0  }
0x123: {  	[sflag:s13] =	ssyncadd.s32 $0xFFFFF800  }
0x124: {  	_ =	swait.ge [sflag:s13], $0x800  }
0x125: {  	[sflag:s13] =	ssyncset.done $0x0  }
0x126: {  	[sflag:s13] =	ssyncadd.s32 $0xFFFFF800  }
0x127: {  	_ =	swait.ge [sflag:s13], $0x800  }
0x128: {  	[sflag:s13] =	ssyncset.done $0x0  }
0x129: {  	[sflag:s13] =	ssyncadd.s32 $0xFFFFF800  }
0x12a: {  	_ =	swait.ge [sflag:s13], $0x800  }
0x12b: {  	[sflag:s13] =	ssyncset.done $0x0  }
0x12c: {  	[sflag:s13] =	ssyncadd.s32 $0xFFFFF800  }
0x12d: {  	_ =	swait.ge [sflag:s13], $0x800  }
0x12e: {  	[sflag:s13] =	ssyncset.done $0x0  }
0x12f: {  	[sflag:s13] =	ssyncadd.s32 $0xFFFFF800  }
0x130: {  	_ =	swait.ge [sflag:s13], $0x800  }
0x131: {  	[sflag:s13] =	ssyncset.done $0x0  }
0x132: {  	[sflag:s13] =	ssyncadd.s32 $0xFFFFF800  }
0x133: {  	_ =	swait.ge [sflag:s13], $0x800  }
0x134: {  	[sflag:s13] =	ssyncset.done $0x0  }
0x135: {  	[sflag:s13] =	ssyncadd.s32 $0xFFFFF800  }
0x136: {  	_ =	swait.ge [sflag:s13], $0x800  }
0x137: {  	[sflag:s13] =	ssyncset.done $0x0  }
0x138: {  	[sflag:s13] =	ssyncadd.s32 $0xFFFFF800  }
0x139: {  	_ =	swait.ge [sflag:s13], $0x800  }
0x13a: {  	[sflag:s13] =	ssyncset.done $0x0  }
0x13b: {  	s17 =	simm.s32 $0x2800;
	[sflag:s13] =	ssyncadd.s32 $0xFFFFF800  }
0x13c: {  	s18 =	simm.s32 $0x0;
	v4 =	vld [tilespmem:s17+$0x0]  }
0x13d: {  	v5 =	vor.u32 s18, v0  }
0x13e: {  	v6 =	vshll.u32 v5, $0x3  }
0x13f: {  	v7 =	vor.u32 $0x3, v6  }
0x140: {  	v8 =	vor.u32 $0x1, v6  }
0x141: {  	v5 =	vshll.u32 v5, $0x4;
	v9 =	vor.u32 $0x2, v6;
	v10 =	vand.u32 $0xFFFFFFF8, v4  }
0x142: {  	v4 =	vand.u32 $0x7, v4;
	v5 =	vadd.s32 v5, v10  }
0x143: {  	v5 =	vor.u32 v4, v5  }
0x144: {  	v13 =	vld.idx.msk [tilespmem:v7+s2+$0x0], $0xffff;
	v4 =	vadd.s32 $0x4000, v5  }
0x145: {  	v7 =	vld.idx.msk [tilespmem:v8+s2+$0x0], $0xffff;
	v8 =	vadd.s32 $0xA000, v5  }
0x146: {  	v9 =	vld.idx.msk [tilespmem:v9+s2+$0x0], $0xffff;
	v11 =	vadd.s32 $0xC000, v5  }
0x147: {  	v10 =	vld.idx.msk [tilespmem:v6+s2+$0x0], $0xffff;
	v6 =	vadd.s32 $0xE000, v5  }
0x148: {  	v12 =	vadd.s32 $0x6000, v5;
	v14 =	vld.idx.msk [tilespmem:v5+s10+$0x0], $0xffff  }
0x149: {  	v15 =	vadd.s32 $0x10000, v5;
	v4 =	vld.idx.msk [tilespmem:v4+s10+$0x0], $0xffff  }
0x14a: {  	v8 =	vld.idx.msk [tilespmem:v8+s10+$0x0], $0xffff  }
0x14b: {  	v16 =	vadd.s32 $0x2000, v5;
	v17 =	vld.idx.msk [tilespmem:v11+s10+$0x0], $0xffff  }
0x14c: {  	v6 =	vld.idx.msk [tilespmem:v6+s10+$0x0], $0xffff  }
0x14d: {  	s21 =	simm.s32 $0x10;
	v19 =	vmul.f32 v13, v9;
	v11 =	vand.u32 $0x7FFFFFFF, v9;
	v18 =	vld.idx.msk [tilespmem:v12+s10+$0x0], $0xffff  }
0x14e: {  	v56 =	vor.u32 s21, v0;
	v21 =	vmul.f32 $3.500000000e+00, v9;
	v15 =	vld.idx.msk [tilespmem:v15+s10+$0x0], $0xffff;
	v22 =	vadd.f32 $9.999999970e-07, v11  }
0x14f: {  	v35 =	vshll.u32 v56, $0x3;
	v19 =	vmul.f32 $4.900000000e+01, v19  }
0x150: {  	v26 =	vsub.f32 v10, v21;
	v16 =	vld.idx.msk [tilespmem:v16+s10+$0x0], $0xffff;
	v12 =	vshra.s32 v22, $0x1;
	v11 =	vshll.u32 v14, $0x10  }
0x151: {  	v14 =	vmul.f32 $3.500000000e+00, v13;
	v23 =	vsub.s32 $0x5F3759DF, v12;
	v12 =	vshll.u32 v8, $0x10  }
0x152: {  	v25 =	vshll.u32 v4, $0x10;
	v4 =	vshll.u32 v17, $0x10;
	v27 =	vshll.u32 v18, $0x10  }
0x153: {  	v28 =	vshll.u32 v6, $0x10;
	v15 =	vshll.u32 v15, $0x10;
	v18 =	vadd.f32 v21, v10  }
0x154: {  	v24 =	vadd.f32 v14, v7;
	v6 =	vsub.f32 v7, v14;
	v14 =	vmul.f32 $3.500000000e+00, v15  }
0x155: {  	v8 =	vshll.u32 v16, $0x10;
	v17 =	vmul.f32 $3.500000000e+00, v27;
	v16 =	vmul.f32 $3.500000000e+00, v25  }
0x156: {  	v29 =	vmul.f32 $3.500000000e+00, v28;
	v21 =	vsub.f32 v4, v14;
	v14 =	vadd.f32 v4, v14  }
0x157: {  	v20 =	vmul.f32 $5.000000000e-01, v22;
	v31 =	vsub.f32 v11, v16;
	v32 =	vadd.f32 v8, v17  }
0x158: {  	v30 =	vmul.f32 v15, v28;
	v33 =	vsub.f32 v12, v29;
	v17 =	vsub.f32 v8, v17  }
0x159: {  	v34 =	vmul.f32 v27, v25;
	v16 =	vadd.f32 v11, v16;
	v29 =	vadd.f32 v12, v29  }
0x15a: {  	v30 =	vmul.f32 $4.900000000e+01, v30;
	v14 =	vmin.f32 v14, v24;
	v21 =	vmax.f32 v21, v6  }
0x15b: {  	v6 =	vmax.f32 v17, v6;
	v16 =	vmin.f32 v16, v18;
	v17 =	vmax.f32 v31, v26  }
0x15c: {  	v18 =	vmin.f32 v29, v18;
	v14 =	vsub.f32 v14, v21;
	v21 =	vmax.f32 v33, v26  }
0x15d: {  	v24 =	vmin.f32 v32, v24;
	v26 =	vadd.f32 v30, v19;
	v18 =	vsub.f32 v18, v21  }
0x15e: {  	v6 =	vsub.f32 v24, v6;
	v16 =	vsub.f32 v16, v17;
	v17 =	vmul.f32 v23, v20  }
0x15f: {  	v21 =	vmul.f32 $4.900000000e+01, v34;
	v14 =	vmax.f32 v14, $0.0e+00;
	v18 =	vmax.f32 v18, $0.0e+00  }
0x160: {  	v6 =	vmax.f32 v6, $0.0e+00;
	v18 =	vmul.f32 v14, v18;
	v14 =	vmax.f32 v16, $0.0e+00  }
0x161: {  	v37 =	vor.u32 $0x1, v35;
	v16 =	vadd.f32 v21, v19;
	v21 =	vmul.f32 v6, v14  }
0x162: {  	v57 =	vor.u32 $0x3, v35;
	v6 =	vmul.f32 v23, v17;
	v17 =	vsub.f32 v26, v18  }
0x163: {  	v38 =	vor.u32 $0x2, v35;
	vm2 =	vgt.f32 v9, $0.0e+00;
	v16 =	vsub.f32 v16, v21  }
0x164: {  	v14 =	vand.u32 $0x7FFFFFFF, v13;
	v6 =	vsub.f32 $1.500000000e+00, v6;
	vm0 =	vgt.f32 v17, $9.999999970e-07  }
0x165: {  	v14 =	vadd.f32 $9.999999970e-07, v14;
	v17 =	vnsel vm0, $0x3F800000, v17;
	vm1 =	vgt.f32 v16, $9.999999970e-07  }
0x166: {  	v23 =	vmul.f32 v23, v6;
	(erf) = vrcp.f32 v17;
	v6 =	vnsel vm1, $0x3F800000, v16  }
0x167: {  	vm4 =	vlt.f32 v13, $0.0e+00;
	vm5 =	vgt.f32 v13, $0.0e+00;
	(erf) = vrcp.f32 v6  }
0x168: {  	v34 =	vld.idx.msk [tilespmem:v57+s2+$0x0], $0xffff;
	v31 =	vmul.f32 $5.000000000e-01, v14;
	v6 =	vshra.s32 v14, $0x1;
	v16 =	vmul.f32 v23, v20  }
0x169: {  	vm3 =	vlt.f32 v9, $0.0e+00;
	vm4 =	vmor vm5, vm4;
	v17 =	vsub.s32 $0x5F3759DF, v6  }
0x16a: {  	vm2 =	vmor vm2, vm3;
	v24 =	vmul.f32 v17, v31;
	v26 =	vmul.f32 v16, v23  }
0x16b: {  	v29 =	vand.u32 $0x80000000, v13;
	v30 =	vand.u32 $0x80000000, v9;
	v33 =	vshll.u32 v56, $0x4  }
0x16c: {  	v30 =	vor.u32 v30, v3;
	v24 =	vmul.f32 v17, v24;
	v26 =	vsub.f32 $1.500000000e+00, v26  }
0x16d: {  	v19 =	vadd.s32 $0x8000, v5;
	v47 =	vand.u32 $0x80000000, v34;
	v52 =	vmul.f32 $3.500000000e+00, v34  }
0x16e: {  	vm13 =	vlt.f32 v34, $0.0e+00;
	v24 =	vsub.f32 $1.500000000e+00, v24;
	v23 =	vmul.f32 v26, v23  }
0x16f: {  	vm6 =	vgt.f32 v34, $0.0e+00;
	v47 =	vor.u32 v47, v3;
	v26 =	vor.u32 v29, v3;
	v29 =	vpop (erf)  }
0x170: {  	vm6 =	vmor vm6, vm13;
	v24 =	vmul.f32 v17, v24;
	v17 =	vmul.f32 v23, v20;
	v20 =	vpop (erf)  }
0x171: {  	s19 =	simm.s32 $0x2A00;
	v6 =	vimm.f32 $0.0e+00;
	v18 =	vmul.f32 v29, v18;
	v20 =	vmul.f32 v20, v21  }
0x172: {  	v16 =	vadd.s32 $0x12000, v5;
	v26 =	vsel vm4, v26, v13;
	v29 =	vld [tilespmem:s19+$0x0];
	v13 =	vmul.f32 v17, v23  }
0x173: {  	v17 =	vmul.f32 v24, v31;
	v21 =	vnsel vm0, $0x0, v18;
	v20 =	vnsel vm1, $0x0, v20  }
0x174: {  	v18 =	vsel vm2, v30, v9;
	v9 =	vsub.f32 $1.500000000e+00, v13;
	vm1 =	vgt.f32 v21, v20  }
0x175: {  	v13 =	vmul.f32 v17, v24;
	v17 =	vadd.s32 $0x14000, v5;
	v20 =	vsel vm1, v28, v25  }
0x176: {  	v9 =	vmul.f32 v9, v23;
	v21 =	vsel vm1, v15, v27;
	v25 =	vadd.s32 $0x16000, v5  }
0x177: {  	vm0 =	veq.s32 v29, $0x1;
	v13 =	vsub.f32 $1.500000000e+00, v13;
	v8 =	vsel vm1, v4, v8  }
0x178: {  	s20 =	simm.s32 $0x2810;
	v11 =	vsel vm1, v12, v11;
	v15 =	vand.u32 $0x7FFFFFFF, v20;
	v5 =	vand.u32 $0x7FFFFFFF, v21  }
0x179: {  	v30 =	vld [tilespmem:s20+$0x0];
	vm2 =	vlt.f32 v20, $0.0e+00;
	vm3 =	vgt.f32 v20, $0.0e+00;
	v28 =	vadd.f32 $9.999999970e-07, v15  }
0x17a: {  	v45 =	vand.u32 $0x80000000, v21;
	vm10 =	vlt.f32 v21, $0.0e+00;
	vm12 =	vgt.f32 v21, $0.0e+00  }
0x17b: {  	v23 =	vmul.f32 v9, v22;
	v9 =	vshra.s32 v28, $0x1;
	v36 =	vmul.f32 $5.000000000e-01, v28  }
0x17c: {  	v10 =	vsub.f32 v10, v11;
	v15 =	vadd.f32 $9.999999970e-07, v5;
	v9 =	vsub.s32 $0x5F3759DF, v9  }
0x17d: {  	v5 =	vand.u32 $0x80000000, v20;
	vm2 =	vmor vm3, vm2;
	v29 =	vmul.f32 v9, v36  }
0x17e: {  	v39 =	vand.u32 $0xFFFFFFF8, v30;
	v27 =	vshra.s32 v15, $0x1;
	v22 =	vmul.f32 $5.000000000e-01, v15  }
0x17f: {  	v40 =	vand.u32 $0x7, v30;
	v27 =	vsub.s32 $0x5F3759DF, v27;
	v29 =	vmul.f32 v9, v29  }
0x180: {  	v13 =	vmul.f32 v13, v24;
	v30 =	vor.u32 $0x3F800000, v5;
	v5 =	vld.idx.msk [tilespmem:v37+s2+$0x0], $0xffff;
	v55 =	vmul.f32 v27, v22  }
0x181: {  	v45 =	vor.u32 $0x3F800000, v45;
	vm4 =	vmor vm12, vm10;
	v29 =	vsub.f32 $1.500000000e+00, v29  }
0x182: {  	v45 =	vsel vm4, v45, v21;
	v10 =	vmul.f32 v10, v10;
	v32 =	vmul.f32 v27, v55  }
0x183: {  	v31 =	vmul.f32 v13, v31;
	v9 =	vmul.f32 v9, v29;
	v29 =	vadd.s32 v33, v39  }
0x184: {  	v18 =	vmul.f32 v23, v18;
	v32 =	vsub.f32 $1.500000000e+00, v32;
	v29 =	vor.u32 v40, v29  }
0x185: {  	v46 =	vmul.f32 v31, v13;
	v55 =	vadd.f32 v52, v5;
	v52 =	vsub.f32 v5, v52  }
0x186: {  	v32 =	vmul.f32 v27, v32;
	v33 =	vld.idx.msk [tilespmem:v38+s2+$0x0], $0xffff;
	v4 =	vmul.f32 v9, v36;
	v58 =	vadd.s32 $0x4000, v29  }
0x187: {  	v40 =	vadd.s32 $0x6000, v29;
	v41 =	vadd.s32 $0xA000, v29;
	v59 =	vadd.s32 $0xC000, v29  }
0x188: {  	v42 =	vadd.s32 $0x10000, v29;
	v24 =	vadd.s32 $0x8000, v29;
	v4 =	vmul.f32 v4, v9  }
0x189: {  	v60 =	vadd.s32 $0xE000, v29;
	v27 =	vadd.s32 $0x12000, v29;
	v48 =	vadd.s32 $0x2000, v29;
	v43 =	vld.idx.msk [tilespmem:v29+s10+$0x0], $0xffff  }
0x18a: {  	v44 =	vsub.f32 $1.500000000e+00, v4;
	v4 =	vld.idx.msk [tilespmem:v35+s2+$0x0], $0xffff;
	v35 =	vsub.f32 v7, v8;
	v7 =	vand.u32 $0x7FFFFFFF, v34  }
0x18b: {  	v49 =	vmul.f32 v34, v33;
	v39 =	vld.idx.msk [tilespmem:v58+s10+$0x0], $0xffff;
	v8 =	vadd.f32 $9.999999970e-07, v7;
	v7 =	vand.u32 $0x7FFFFFFF, v33  }
0x18c: {  	vm3 =	vgt.f32 v33, $0.0e+00;
	v54 =	vmul.f32 $3.500000000e+00, v33;
	v37 =	vld.idx.msk [tilespmem:v59+s10+$0x0], $0xffff;
	v31 =	vadd.f32 $9.999999970e-07, v7  }
0x18d: {  	v40 =	vld.idx.msk [tilespmem:v40+s10+$0x0], $0xffff;
	v49 =	vmul.f32 $4.900000000e+01, v49;
	v44 =	vmul.f32 v44, v9;
	v9 =	vand.u32 $0x80000000, v33  }
0x18e: {  	v38 =	vld.idx.msk [tilespmem:v60+s10+$0x0], $0xffff;
	v35 =	vmul.f32 v35, v35;
	v21 =	vmul.f32 $5.000000000e-01, v8;
	v61 =	vshra.s32 v31, $0x1  }
0x18f: {  	v42 =	vld.idx.msk [tilespmem:v42+s10+$0x0], $0xffff;
	v50 =	vmul.f32 $5.000000000e-01, v31;
	v51 =	vmul.f32 v44, v36;
	v7 =	vshll.u32 v43, $0x10  }
0x190: {  	v41 =	vld.idx.msk [tilespmem:v41+s10+$0x0], $0xffff;
	v43 =	vor.u32 v9, v3;
	v9 =	vsub.f32 $1.500000000e+00, v46;
	v46 =	vsub.s32 $0x5F3759DF, v61  }
0x191: {  	v62 =	vld.idx.msk [tilespmem:v48+s10+$0x0], $0xffff;
	v48 =	vsub.f32 v4, v54;
	v54 =	vadd.f32 v54, v4;
	v36 =	vshll.u32 v39, $0x10  }
0x192: {  	v39 =	vshll.u32 v40, $0x10;
	v51 =	vmul.f32 v51, v44;
	v53 =	vmul.f32 v9, v13  }
0x193: {  	v13 =	vshll.u32 v37, $0x10;
	v37 =	vshll.u32 v38, $0x10;
	v56 =	vmul.f32 $3.500000000e+00, v39  }
0x194: {  	v38 =	vshll.u32 v42, $0x10;
	v57 =	vmul.f32 v39, v36;
	v58 =	vmul.f32 $3.500000000e+00, v36  }
0x195: {  	v9 =	vshll.u32 v41, $0x10;
	v40 =	vmul.f32 $3.500000000e+00, v38;
	v42 =	vmul.f32 v38, v37  }
0x196: {  	v60 =	vmul.f32 $3.500000000e+00, v37;
	v51 =	vsub.f32 $1.500000000e+00, v51;
	v53 =	vmul.f32 v53, v14  }
0x197: {  	v14 =	vshll.u32 v62, $0x10;
	v61 =	vsub.f32 v7, v58;
	v58 =	vadd.f32 v7, v58  }
0x198: {  	v62 =	vmul.f32 v46, v50;
	v59 =	vsub.f32 v13, v40;
	v40 =	vadd.f32 v13, v40  }
0x199: {  	v63 =	vsub.f32 v9, v60;
	v42 =	vmul.f32 $4.900000000e+01, v42;
	v44 =	vmul.f32 v51, v44  }
0x19a: {  	v41 =	vmul.f32 v53, v26;
	v26 =	vadd.f32 v14, v56;
	v56 =	vsub.f32 v14, v56  }
0x19b: {  	v40 =	vmin.f32 v40, v55;
	v59 =	vmax.f32 v59, v52;
	v53 =	vmax.f32 v63, v48  }
0x19c: {  	v48 =	vmax.f32 v61, v48;
	v61 =	vadd.f32 v9, v60;
	v63 =	vmul.f32 v46, v62  }
0x19d: {  	v40 =	vsub.f32 v40, v59;
	v52 =	vmax.f32 v56, v52;
	v56 =	vmin.f32 v58, v54  }
0x19e: {  	v26 =	vmin.f32 v26, v55;
	v58 =	vmul.f32 $4.900000000e+01, v57;
	v12 =	vmin.f32 v61, v54  }
0x19f: {  	v59 =	vshra.s32 v8, $0x1;
	v26 =	vsub.f32 v26, v52;
	v12 =	vsub.f32 v12, v53  }
0x1a0: {  	v48 =	vsub.f32 v56, v48;
	v52 =	vsub.f32 $1.500000000e+00, v63;
	v60 =	vsub.s32 $0x5F3759DF, v59  }
0x1a1: {  	v40 =	vmax.f32 v40, $0.0e+00;
	v54 =	vmul.f32 v60, v21;
	v12 =	vmax.f32 v12, $0.0e+00  }
0x1a2: {  	v42 =	vadd.f32 v42, v49;
	v40 =	vmul.f32 v40, v12;
	v12 =	vmul.f32 v46, v52  }
0x1a3: {  	v49 =	vadd.f32 v58, v49;
	v26 =	vmax.f32 v26, $0.0e+00;
	v48 =	vmax.f32 v48, $0.0e+00  }
0x1a4: {  	v48 =	vmul.f32 v26, v48;
	v42 =	vsub.f32 v42, v40;
	v62 =	vmul.f32 v12, v50  }
0x1a5: {  	vm11 =	vlt.f32 v33, $0.0e+00;
	v61 =	vmul.f32 v32, v22;
	v26 =	vmul.f32 v60, v54  }
0x1a6: {  	v63 =	vld.idx.msk [tilespmem:v16+s10+$0x0], $0xffff;
	v16 =	vsub.f32 v49, v48;
	vm14 =	vgt.f32 v42, $9.999999970e-07;
	v51 =	vmul.f32 v62, v12  }
0x1a7: {  	v19 =	vld.idx.msk [tilespmem:v19+s10+$0x0], $0xffff;
	v55 =	vmul.f32 v61, v32;
	v26 =	vsub.f32 $1.500000000e+00, v26;
	v42 =	vnsel vm14, $0x3F800000, v42  }
0x1a8: {  	vm15 =	vgt.f32 v16, $9.999999970e-07;
	v54 =	vsub.f32 $1.500000000e+00, v51;
	(erf) = vrcp.f32 v42  }
0x1a9: {  	v26 =	vmul.f32 v60, v26;
	v11 =	vnsel vm15, $0x3F800000, v16;
	v42 =	vsub.f32 $1.500000000e+00, v55  }
0x1aa: {  	vm3 =	vmor vm3, vm11;
	(erf) = vrcp.f32 v11;
	v12 =	vmul.f32 v54, v12  }
0x1ab: {  	v28 =	vmul.f32 v44, v28;
	v16 =	vsel vm6, v47, v34;
	v58 =	vmul.f32 v42, v32  }
0x1ac: {  	v11 =	vsel vm1, v63, v19;
	v19 =	vmul.f32 v26, v21;
	v56 =	vmul.f32 v12, v50  }
0x1ad: {  	v57 =	vshll.u32 v11, $0x10;
	v11 =	vsel vm3, v43, v33;
	v22 =	vmul.f32 v58, v22  }
0x1ae: {  	v17 =	vld.idx.msk [tilespmem:v17+s10+$0x0], $0xffff;
	v32 =	vmul.f32 v19, v26;
	v19 =	vsel vm2, v30, v20;
	v34 =	vmul.f32 v56, v12  }
0x1af: {  	v59 =	vadd.f32 $-1.000000000e+00, v57;
	v19 =	vmul.f32 v19, v28;
	v22 =	vmul.f32 v22, v58  }
0x1b0: {  	v25 =	vld.idx.msk [tilespmem:v25+s10+$0x0], $0xffff;
	v20 =	vadd.f32 v35, v10;
	v10 =	vadd.s32 $0x14000, v29;
	v34 =	vsub.f32 $1.500000000e+00, v34  }
0x1b1: {  	s16 =	simm.s32 $0x2A10;
	v18 =	vsub.f32 v18, v19;
	v19 =	vmul.f32 $5.000000000e-01, v57;
	v22 =	vsub.f32 $1.500000000e+00, v22;
	v30 =	vpop (erf)  }
0x1b2: {  	v23 =	vld [tilespmem:s16+$0x0];
	v28 =	vmul.f32 v34, v12;
	v12 =	vadd.s32 $0x16000, v29;
	v29 =	vmul.f32 v30, v40  }
0x1b3: {  	v35 =	vand.u32 $0xFFFF0000, v17;
	v61 =	vpop (erf);
	v40 =	vmul.f32 v57, v19;
	v19 =	vmul.f32 v22, v58  }
0x1b4: {  	v60 =	vnsel vm14, $0x0, v29;
	v29 =	vmul.f32 v18, v18;
	v18 =	vmul.f32 v61, v48  }
0x1b5: {  	v43 =	vmul.f32 $5.000000000e+00, v20;
	v33 =	vmul.f32 v59, v59;
	v30 =	vand.u32 $0xFFFF0000, v25  }
0x1b6: {  	v25 =	vshll.u32 v25, $0x10;
	v15 =	vmul.f32 v19, v15;
	v18 =	vnsel vm15, $0x0, v18  }
0x1b7: {  	v25 =	vsel vm0, v30, v25;
	vm0 =	veq.s32 v23, $0x1;
	vm1 =	vgt.f32 v60, v18  }
0x1b8: {  	v30 =	vadd.f32 v25, v25;
	v20 =	vmul.f32 v45, v15;
	v17 =	vsel vm1, v37, v36  }
0x1b9: {  	v18 =	vmul.f32 v28, v31;
	v25 =	vsel vm1, v38, v39;
	v19 =	vand.u32 $0x7FFFFFFF, v17  }
0x1ba: {  	v20 =	vsub.f32 v41, v20;
	v22 =	vadd.f32 $9.999999970e-07, v19;
	v19 =	vand.u32 $0x7FFFFFFF, v25  }
0x1bb: {  	vm2 =	vlt.f32 v17, $0.0e+00;
	vm3 =	vgt.f32 v17, $0.0e+00;
	v15 =	vadd.f32 $9.999999970e-07, v19  }
0x1bc: {  	v62 =	vand.u32 $0x80000000, v17;
	vm2 =	vmor vm3, vm2;
	v28 =	vshra.s32 v22, $0x1  }
0x1bd: {  	v34 =	vmul.f32 $5.000000000e-01, v22;
	v63 =	vshra.s32 v15, $0x1;
	v23 =	vmul.f32 $5.000000000e-01, v15  }
0x1be: {  	v36 =	vmul.f32 v20, v20;
	v20 =	vld.idx.msk [tilespmem:v27+s10+$0x0], $0xffff;
	v31 =	vsub.s32 $0x5F3759DF, v28;
	v28 =	vsub.s32 $0x5F3759DF, v63  }
0x1bf: {  	s18 =	simm.s32 $0x2820;
	s17 =	simm.s32 $0x20;
	v19 =	vld.idx.msk [tilespmem:v24+s10+$0x0], $0xffff;
	v24 =	vor.u32 $0x3F800000, v62;
	v37 =	vmul.f32 v31, v34;
	v27 =	vmul.f32 v28, v23  }
.LBB2_4:
0x1c0: {  	v38 =	vor.u32 s17, v0;
	v39 =	vld [tilespmem:s18+$0x0];
	p0 =	sne.s32 s17, $0x1F0;
	s17 =	sadd.s32 $0x10, s17;
	v13 =	vsel vm1, v13, v14;
	v6 =	vadd.f32 v43, v6  }
0x1c1: {  	v29 =	vadd.f32 v36, v29;
	v14 =	vshll.u32 v38, $0x3;
	v37 =	vmul.f32 v31, v37  }
0x1c2: {  	v27 =	vmul.f32 v28, v27;
	v36 =	vor.u32 $0x1, v14;
	v41 =	vor.u32 $0x3, v14  }
0x1c3: {  	v38 =	vshll.u32 v38, $0x4;
	v29 =	vmul.f32 $5.000000000e+00, v29;
	v37 =	vsub.f32 $1.500000000e+00, v37  }
0x1c4: {  	v43 =	vsub.f32 $1.500000000e+00, v32;
	v42 =	vor.u32 $0x2, v14;
	v27 =	vsub.f32 $1.500000000e+00, v27  }
0x1c5: {  	v32 =	vand.u32 $0xFFFFFFF8, v39;
	v39 =	vand.u32 $0x7, v39;
	v31 =	vmul.f32 v31, v37  }
0x1c6: {  	v6 =	vadd.f32 v29, v6;
	v37 =	vadd.s32 v38, v32;
	v32 =	vmul.f32 v28, v27  }
0x1c7: {  	v29 =	vor.u32 v39, v37;
	v27 =	vmul.f32 v31, v34;
	v37 =	vmul.f32 v43, v26  }
0x1c8: {  	v6 =	vadd.f32 v6, v33;
	v26 =	vld.idx.msk [tilespmem:v41+s2+$0x0], $0xffff;
	v38 =	vadd.s32 $0x4000, v29;
	v39 =	vadd.s32 $0x6000, v29  }
0x1c9: {  	v41 =	vadd.s32 $0xA000, v29;
	v43 =	vadd.s32 $0x10000, v29;
	v36 =	vld.idx.msk [tilespmem:v36+s2+$0x0], $0xffff;
	v44 =	vmul.f32 v27, v31  }
0x1ca: {  	v6 =	vsub.f32 v6, v40;
	v27 =	vadd.s32 $0x8000, v29;
	v33 =	vld.idx.msk [tilespmem:v42+s2+$0x0], $0xffff;
	v42 =	vadd.s32 $0xC000, v29  }
0x1cb: {  	v28 =	vadd.s32 $0x12000, v29;
	v21 =	vmul.f32 v37, v21;
	v40 =	vld.idx.msk [tilespmem:v14+s2+$0x0], $0xffff;
	v14 =	vadd.s32 $0xE000, v29  }
0x1cc: {  	v46 =	vand.u32 $0x80000000, v25;
	v6 =	vadd.f32 v35, v6;
	v44 =	vsub.f32 $1.500000000e+00, v44;
	v45 =	vld.idx.msk [tilespmem:v29+s10+$0x0], $0xffff  }
0x1cd: {  	vm4 =	vlt.f32 v25, $0.0e+00;
	v35 =	vsub.f32 v5, v13;
	v13 =	vmul.f32 v21, v37;
	v38 =	vld.idx.msk [tilespmem:v38+s10+$0x0], $0xffff  }
0x1ce: {  	v6 =	vadd.f32 $1.000000000e+00, v6;
	v47 =	vand.u32 $0x80000000, v26;
	v21 =	vld.idx.msk [tilespmem:v41+s10+$0x0], $0xffff;
	v41 =	vand.u32 $0x7FFFFFFF, v26  }
0x1cf: {  	v48 =	vadd.s32 $0x2000, v29;
	v44 =	vmul.f32 v44, v31;
	v5 =	vmovc v36;
	v42 =	vld.idx.msk [tilespmem:v42+s10+$0x0], $0xffff;
	v49 =	vadd.f32 $9.999999970e-07, v41  }
0x1d0: {  	v6 =	vsub.f32 v6, v30;
	v50 =	vmul.f32 v26, v33;
	v31 =	vand.u32 $0x7FFFFFFF, v33;
	v14 =	vld.idx.msk [tilespmem:v14+s10+$0x0], $0xffff  }
0x1d1: {  	v30 =	vand.u32 $0x80000000, v33;
	vm3 =	vgt.f32 v33, $0.0e+00;
	v31 =	vadd.f32 $9.999999970e-07, v31;
	v36 =	vld.idx.msk [tilespmem:v39+s10+$0x0], $0xffff  }
0x1d2: {  	v13 =	vsub.f32 $1.500000000e+00, v13;
	v30 =	vor.u32 v30, v3;
	v45 =	vshll.u32 v45, $0x10;
	v39 =	vld.idx.msk [tilespmem:v43+s10+$0x0], $0xffff  }
0x1d3: {  	v51 =	vmul.f32 v44, v34;
	v43 =	vshra.s32 v31, $0x1;
	v41 =	vmul.f32 $5.000000000e-01, v31  }
0x1d4: {  	v52 =	vmul.f32 $3.500000000e+00, v26;
	v37 =	vmul.f32 v13, v37;
	v43 =	vsub.s32 $0x5F3759DF, v43;
	v48 =	vld.idx.msk [tilespmem:v48+s10+$0x0], $0xffff  }
0x1d5: {  	v53 =	vmul.f32 $3.500000000e+00, v33;
	vm5 =	vlt.f32 v33, $0.0e+00;
	v21 =	vshll.u32 v21, $0x10  }
0x1d6: {  	v54 =	vadd.f32 v52, v5;
	vm3 =	vmor vm3, vm5;
	v34 =	vshll.u32 v38, $0x10  }
0x1d7: {  	v55 =	vsub.f32 v40, v53;
	v13 =	vshll.u32 v42, $0x10;
	v42 =	vmul.f32 v37, v8;
	v8 =	vmovc v49  }
0x1d8: {  	v37 =	vshll.u32 v14, $0x10;
	v36 =	vshll.u32 v36, $0x10;
	v38 =	vshll.u32 v39, $0x10  }
0x1d9: {  	v49 =	vsub.f32 v5, v52;
	v39 =	vmul.f32 $3.500000000e+00, v38;
	v52 =	vmul.f32 v38, v37  }
0x1da: {  	v47 =	vor.u32 v47, v3;
	v56 =	vmul.f32 $3.500000000e+00, v36;
	v57 =	vmul.f32 v36, v34  }
0x1db: {  	v53 =	vadd.f32 v53, v40;
	v14 =	vshll.u32 v48, $0x10;
	v48 =	vmul.f32 $3.500000000e+00, v34  }
0x1dc: {  	vm5 =	vgt.f32 v25, $0.0e+00;
	v59 =	vmul.f32 $3.500000000e+00, v37;
	v58 =	vsub.f32 v13, v39  }
0x1dd: {  	v61 =	vadd.f32 v13, v39;
	v39 =	vmul.f32 v42, v16;
	v60 =	vsub.f32 v45, v48  }
0x1de: {  	v46 =	vor.u32 $0x3F800000, v46;
	v16 =	vadd.f32 v14, v56;
	v42 =	vsub.f32 v21, v59  }
0x1df: {  	v51 =	vmul.f32 v51, v44;
	v61 =	vmin.f32 v61, v54;
	v58 =	vmax.f32 v58, v49  }
0x1e0: {  	v56 =	vsub.f32 v14, v56;
	v62 =	vmax.f32 v42, v55;
	v42 =	vsub.f32 v61, v58  }
0x1e1: {  	v50 =	vmul.f32 $4.900000000e+01, v50;
	v52 =	vmul.f32 $4.900000000e+01, v52;
	v48 =	vadd.f32 v45, v48  }
0x1e2: {  	vm4 =	vmor vm5, vm4;
	v49 =	vmax.f32 v56, v49;
	v56 =	vmax.f32 v42, $0.0e+00  }
0x1e3: {  	v52 =	vadd.f32 v52, v50;
	v48 =	vmin.f32 v48, v53;
	v55 =	vmax.f32 v60, v55  }
0x1e4: {  	v16 =	vmin.f32 v16, v54;
	v54 =	vadd.f32 v21, v59;
	v58 =	vmul.f32 v43, v41  }
0x1e5: {  	v16 =	vsub.f32 v16, v49;
	v49 =	vsel vm1, v9, v7;
	v7 =	vmovc v45;
	v42 =	vsel vm4, v46, v25  }
0x1e6: {  	v9 =	vmovc v21;
	v25 =	vmin.f32 v54, v53;
	v45 =	vmul.f32 v43, v58;
	v46 =	vsub.f32 $1.500000000e+00, v51  }
0x1e7: {  	v48 =	vsub.f32 v48, v55;
	v51 =	vmul.f32 $4.900000000e+01, v57;
	v21 =	vsub.f32 v25, v62  }
0x1e8: {  	v16 =	vmax.f32 v16, $0.0e+00;
	v25 =	vsub.f32 $1.500000000e+00, v45;
	v45 =	vmul.f32 v32, v23  }
0x1e9: {  	v54 =	vshra.s32 v8, $0x1;
	v53 =	vmax.f32 v21, $0.0e+00;
	v21 =	vmul.f32 $5.000000000e-01, v8  }
0x1ea: {  	v53 =	vmul.f32 v56, v53;
	v25 =	vmul.f32 v43, v25;
	v43 =	vsub.s32 $0x5F3759DF, v54  }
0x1eb: {  	v48 =	vmax.f32 v48, $0.0e+00;
	v44 =	vmul.f32 v46, v44;
	v54 =	vmul.f32 v43, v21  }
0x1ec: {  	v46 =	vadd.f32 v51, v50;
	v50 =	vsub.f32 v52, v53;
	v51 =	vmul.f32 v25, v41  }
0x1ed: {  	vm5 =	vlt.f32 v26, $0.0e+00;
	v48 =	vmul.f32 v16, v48;
	v16 =	vmul.f32 v43, v54  }
0x1ee: {  	vm6 =	vgt.f32 v26, $0.0e+00;
	vm4 =	vgt.f32 v50, $9.999999970e-07;
	v51 =	vmul.f32 v51, v25  }
0x1ef: {  	vm5 =	vmor vm6, vm5;
	v50 =	vnsel vm4, $0x3F800000, v50;
	v52 =	vsub.f32 $1.500000000e+00, v16  }
0x1f0: {  	v46 =	vsub.f32 v46, v48;
	v16 =	vsel vm5, v47, v26;
	v51 =	vsub.f32 $1.500000000e+00, v51  }
0x1f1: {  	v26 =	vmul.f32 v43, v52;
	v43 =	vsub.f32 v4, v49;
	v4 =	vmovc v40;
	(erf) = vrcp.f32 v50  }
0x1f2: {  	v22 =	vmul.f32 v44, v22;
	vm5 =	vgt.f32 v46, $9.999999970e-07;
	v25 =	vmul.f32 v51, v25  }
0x1f3: {  	v44 =	vmul.f32 v45, v32;
	v40 =	vnsel vm5, $0x3F800000, v46;
	v43 =	vmul.f32 v43, v43  }
0x1f4: {  	v19 =	vsel vm1, v20, v19;
	v41 =	vmul.f32 v25, v41;
	(erf) = vrcp.f32 v40  }
0x1f5: {  	v35 =	vmul.f32 v35, v35;
	v20 =	vmul.f32 v26, v21;
	v40 =	vsub.f32 $1.500000000e+00, v44  }
0x1f6: {  	v19 =	vshll.u32 v19, $0x10;
	v30 =	vsel vm3, v30, v33;
	v41 =	vmul.f32 v41, v25;
	v33 =	vld.idx.msk [tilespmem:v12+s10+$0x0], $0xffff  }
0x1f7: {  	v45 =	vadd.f32 $-1.000000000e+00, v19;
	v43 =	vadd.f32 v35, v43;
	v44 =	vmul.f32 v40, v32  }
0x1f8: {  	v17 =	vsel vm2, v24, v17;
	v12 =	vsub.f32 $1.500000000e+00, v41;
	v32 =	vmul.f32 v20, v26  }
0x1f9: {  	v18 =	vmul.f32 v18, v11;
	s16 =	sadd.s32 $0x10, s16;
	v11 =	vmovc v30;
	v17 =	vmul.f32 v17, v22;
	v20 =	vld.idx.msk [tilespmem:v10+s10+$0x0], $0xffff;
	v10 =	vadd.s32 $0x14000, v29  }
0x1fa: {  	v24 =	vmul.f32 v12, v25;
	v12 =	vadd.s32 $0x16000, v29;
	v23 =	vmul.f32 v44, v23;
	v22 =	vld [tilespmem:s16+$0x0];
	v25 =	vpop (erf)  }
0x1fb: {  	v17 =	vsub.f32 v18, v17;
	v18 =	vmul.f32 $5.000000000e-01, v19;
	v25 =	vmul.f32 v25, v53  }
0x1fc: {  	v23 =	vmul.f32 v23, v44;
	v30 =	vand.u32 $0xFFFF0000, v33;
	v33 =	vshll.u32 v33, $0x10  }
0x1fd: {  	v40 =	vmul.f32 v19, v18;
	v29 =	vmul.f32 v17, v17;
	v25 =	vnsel vm4, $0x0, v25;
	v35 =	vpop (erf)  }
0x1fe: {  	v18 =	vsub.f32 $1.500000000e+00, v23;
	v19 =	vsel vm0, v30, v33;
	v17 =	vmul.f32 v35, v48  }
0x1ff: {  	v30 =	vadd.f32 v19, v19;
	vm0 =	veq.s32 v22, $0x1  }
0x200: {  	v18 =	vmul.f32 v18, v44;
	v35 =	vand.u32 $0xFFFF0000, v20;
	v17 =	vnsel vm5, $0x0, v17  }
0x201: {  	v43 =	vmul.f32 $5.000000000e+00, v43;
	v33 =	vmul.f32 v45, v45;
	v19 =	vld.idx.msk [tilespmem:v27+s10+$0x0], $0xffff;
	vm1 =	vgt.f32 v25, v17  }
0x202: {  	v15 =	vmul.f32 v18, v15;
	v20 =	vld.idx.msk [tilespmem:v28+s10+$0x0], $0xffff;
	v17 =	vsel vm1, v37, v34;
	v25 =	vsel vm1, v38, v36  }
0x203: {  	v18 =	vmul.f32 v24, v31;
	v22 =	vand.u32 $0x7FFFFFFF, v17;
	v24 =	vand.u32 $0x80000000, v17  }
0x204: {  	v27 =	vmul.f32 v42, v15;
	v23 =	vand.u32 $0x7FFFFFFF, v25;
	v22 =	vadd.f32 $9.999999970e-07, v22  }
.Ltmp1:
0x205: {  	vm2 =	vlt.f32 v17, $0.0e+00;
	vm3 =	vgt.f32 v17, $0.0e+00;
	v15 =	vadd.f32 $9.999999970e-07, v23;
	(pc) =	sbr.rel @p0 .LBB2_4-.Ltmp1, $4  }
0x206: {  	v27 =	vsub.f32 v39, v27;
	v28 =	vshra.s32 v22, $0x1;
	v34 =	vmul.f32 $5.000000000e-01, v22  }
0x207: {  	vm2 =	vmor vm3, vm2;
	v36 =	vshra.s32 v15, $0x1;
	v23 =	vmul.f32 $5.000000000e-01, v15  }
0x208: {  	v31 =	vsub.s32 $0x5F3759DF, v28;
	v28 =	vsub.s32 $0x5F3759DF, v36;
	v36 =	vmul.f32 v27, v27  }
0x209: {  	s18 =	sadd.s32 $0x10, s18;
	v24 =	vor.u32 $0x3F800000, v24;
	v37 =	vmul.f32 v31, v34;
	v27 =	vmul.f32 v28, v23  }
0x20a: {  	_ = 	snop  }
0x20b: {  	v37 =	vmul.f32 v31, v37;
	v27 =	vmul.f32 v28, v27;
	_ =	sdelay $0x1  }
0x20c: {  	v37 =	vsub.f32 $1.500000000e+00, v37;
	v27 =	vsub.f32 $1.500000000e+00, v27;
	_ =	sdelay $0x1  }
0x20d: {  	v41 =	vmul.f32 v31, v37;
	v27 =	vmul.f32 v28, v27;
	_ =	sdelay $0x1  }
0x20e: {  	v44 =	vmul.f32 v41, v34;
	v45 =	vmul.f32 v27, v23;
	_ =	sdelay $0x1  }
0x20f: {  	v46 =	vmul.f32 v44, v41;
	v47 =	vmul.f32 v45, v27  }
0x210: {  	v42 =	vsub.f32 $1.500000000e+00, v32  }
0x211: {  	v28 =	vsub.f32 $1.500000000e+00, v46;
	v32 =	vsub.f32 $1.500000000e+00, v47  }
0x212: {  	v26 =	vmul.f32 v42, v26  }
0x213: {  	v29 =	vadd.f32 v36, v29;
	v28 =	vmul.f32 v28, v41;
	v27 =	vmul.f32 v32, v27  }
0x214: {  	v6 =	vadd.f32 v43, v6;
	v13 =	vsel vm1, v13, v14;
	v21 =	vmul.f32 v26, v21  }
0x215: {  	v53 =	vand.u32 $0x80000000, v25;
	v48 =	vmul.f32 v28, v34;
	v49 =	vmul.f32 v27, v23  }
0x216: {  	vm3 =	vlt.f32 v25, $0.0e+00;
	vm4 =	vgt.f32 v25, $0.0e+00;
	v21 =	vmul.f32 v21, v26  }
0x217: {  	v7 =	vsel vm1, v9, v7;
	v50 =	vmul.f32 v48, v28;
	v23 =	vmul.f32 v49, v27  }
0x218: {  	v57 =	vsel vm2, v24, v17;
	v29 =	vmul.f32 $5.000000000e+00, v29;
	v21 =	vsub.f32 $1.500000000e+00, v21  }
0x219: {  	v11 =	vmul.f32 v18, v11;
	v51 =	vsub.f32 $1.500000000e+00, v50;
	v52 =	vsub.f32 $1.500000000e+00, v23  }
0x21a: {  	v55 =	vor.u32 $0x3F800000, v53;
	v6 =	vadd.f32 v29, v6;
	v21 =	vmul.f32 v21, v26  }
0x21b: {  	vm3 =	vmor vm4, vm3;
	v14 =	vmul.f32 v51, v28;
	v54 =	vmul.f32 v52, v27  }
0x21c: {  	v4 =	vsub.f32 v4, v7;
	v6 =	vadd.f32 v6, v33;
	v8 =	vmul.f32 v21, v8  }
0x21d: {  	v5 =	vsub.f32 v5, v13;
	v14 =	vmul.f32 v14, v22;
	v15 =	vmul.f32 v54, v15  }
0x21e: {  	v56 =	vsel vm3, v55, v25;
	v6 =	vsub.f32 v6, v40;
	v8 =	vmul.f32 v8, v16  }
0x21f: {  	v7 =	vmul.f32 v57, v14;
	v9 =	vmul.f32 v56, v15  }
0x220: {  	v4 =	vmul.f32 v4, v4;
	v5 =	vmul.f32 v5, v5;
	v6 =	vadd.f32 v35, v6  }
0x221: {  	v7 =	vsub.f32 v11, v7;
	v8 =	vsub.f32 v8, v9  }
0x222: {  	v4 =	vadd.f32 v5, v4  }
0x223: {  	v6 =	vadd.f32 $1.000000000e+00, v6;
	v5 =	vmul.f32 v7, v7;
	v58 =	vmul.f32 v8, v8  }
0x224: {  	v59 =	vsel vm1, v20, v19  }
0x225: {  	v4 =	vmul.f32 $5.000000000e+00, v4;
	v6 =	vsub.f32 v6, v30;
	v5 =	vadd.f32 v58, v5  }
0x226: {  	v60 =	vshll.u32 v59, $0x10  }
0x227: {  	v4 =	vadd.f32 v4, v6;
	v8 =	vadd.f32 $-1.000000000e+00, v60;
	v5 =	vmul.f32 $5.000000000e+00, v5;
	_ =	sdelay $0x1  }
0x228: {  	v61 =	vld.idx.msk [tilespmem:v10+s10+$0x0], $0xffff;
	v62 =	vmul.f32 $5.000000000e-01, v60;
	v8 =	vmul.f32 v8, v8;
	v4 =	vadd.f32 v5, v4  }
0x229: {  	v5 =	vld.idx.msk [tilespmem:v12+s10+$0x0], $0xffff  }
0x22a: {  	v7 =	vmul.f32 v60, v62;
	v4 =	vadd.f32 v4, v8;
	_ =	sdelay $0x1  }
0x22b: {  	v4 =	vsub.f32 v4, v7  }
0x22c: {  	v6 =	vand.u32 $0xFFFF0000, v61  }
0x22d: {  	v63 =	vand.u32 $0xFFFF0000, v5;
	v5 =	vshll.u32 v5, $0x10;
	v4 =	vadd.f32 v6, v4  }
0x22e: {  	v5 =	vsel vm0, v63, v5  }
0x22f: {  	v5 =	vadd.f32 v5, v5;
	v4 =	vadd.f32 $1.000000000e+00, v4;
	_ =	sdelay $0x1  }
0x230: {  	s15 =	sadd.s32 $0x1, s15;
	v4 =	vsub.f32 v4, v5  }
0x231: {  	p0 =	sne.s32 s15, s6  }
.Ltmp2:
0x232: {  	[tilespmem:$0x1AC00] =	vst v4;
	(pc) =	sbr.rel @p0 .LBB2_1-.Ltmp2, $4  }
0x233: {  	[hbm4b:s5+s2] =	stream.linear.scatter [tilespmem:s14], [sflag:$0x2], $0x10, $0x38;
	[tilespmem:$0x1AC10] =	vst v63  }
0x234: {  	_ =	swait.ge [sflag:s7], $0x10  }
0x235: {  	[sflag:s7] =	ssyncset.done $0x0  }
0x236: {  	[sflag:s7] =	ssyncadd.s32 $0xFFFFFFF0  }
0x237: {  	_ =	sfence.sel $0x180000  }
0x238: {  	[bflag:$0x0] =	sbarrier.arrive $0xFFFF  }
0x239: {  	_ =	strace $0x90000047  }
0x23a: {  	s0 =	stileid.u32;
	[bflag:$0x2] =	sbarrier.arrive $0xFFFF  }
0x23b: {  	p0 =	sne.s32 s0, $0x0;
	s0 =	rddreg [dreg:$0x1]  }
0x23c: {  	s0 =	sadd.s32 @!p0 $0x100000, s0  }
0x23d: {  	[sflag:s0] =	ssyncadd.tile.s32 @!p0 $0x1;
	_ =	shalt  }
.Lfunc_end2:
_tile_overlayer_lowered:
.L_overlay_start_2:
0x23e: {  	(tag) =	ssettag $0x2  }
0x23f: {  	s0 =	rddreg [dreg:$0x0];
	s2 =	stileid.u32  }
0x240: {  	s1 =	rddreg [dreg:$0x1];
	p0 =	sne.s32 s2, $0x0  }
0x241: {  	s3 =	rddreg [dreg:$0x2];
	[bflag:$0x3] =	sbarrier.arrive $0xFFFF;
	s2 =	simm.s32 @!p0 $0x1C02  }
0x242: {  	[timem:s3], [sflag:s2] =	dma.local @!p0 [hbm:s0], s1  }
0x243: {  	s0 =	simm.s32 @!p0 $0x2  }
0x244: {  	_ =	swait.ge @!p0 [sflag:s0], s1  }
0x245: {  	s1 =	ssub.s32 @!p0 $0x0, s1;
	[sflag:s0] =	ssyncset.done @!p0 $0x0  }
0x246: {  	[sflag:s0] =	ssyncadd.s32 @!p0 s1  }
0x247: {  	[bflag:$0x3] =	sbarrier.arrive $0xFFFF  }
0x248: {  	_ =	shalt  }

</sc_bundles>
